<compile_context>
chip_gen: v7x
topology: tpu7x:2x2x1
jax: 0.10.2.dev20260603
libtpu: 0.0.44.dev20260713+nightly
codegen_flags: <defaults>
</compile_context>

<pallas_src>
import functools

import jax
import jax.numpy as jnp
from jax import lax
from jax.experimental import pallas as pl
from jax.experimental.pallas import tpu as pltpu
from jax.experimental.pallas import tpu_sc as plsc

_N = 10000
_E = 320000
_H = 128
_ED = 16
_NC = 2
_NS = 16
_NW = _NC * _NS
_EPW = _E // _NW
_C = 40
_NCHUNK = _EPW // _C
_L = 16
_WT = 10
_RPT = _N // _WT
_ZR = 200
_SUP = 50
_NSUP = _NCHUNK // _SUP



def _proj2_el(x, wlT, wrT, edge_attr, weT):
    bm = 400
    be = _E // (_N // bm)

    def body(x_ref, wl_ref, wr_ref, a_ref, we_ref, xl_ref, xr_ref, el_ref):
        xb = x_ref[...]
        xl_ref[...] = jnp.dot(xb, wl_ref[...], preferred_element_type=jnp.float32)
        xr_ref[...] = jnp.dot(xb, wr_ref[...], preferred_element_type=jnp.float32)
        el_ref[...] = jnp.dot(a_ref[...], we_ref[...],
                              preferred_element_type=jnp.float32)

    return pl.pallas_call(
        body,
        grid=(_N // bm,),
        in_specs=[
            pl.BlockSpec((bm, x.shape[1]), lambda i: (i, 0)),
            pl.BlockSpec((x.shape[1], _H), lambda i: (0, 0)),
            pl.BlockSpec((x.shape[1], _H), lambda i: (0, 0)),
            pl.BlockSpec((be, _ED), lambda i: (i, 0)),
            pl.BlockSpec((_ED, _H), lambda i: (0, 0)),
        ],
        out_specs=[
            pl.BlockSpec((bm, _H), lambda i: (i, 0)),
            pl.BlockSpec((bm, _H), lambda i: (i, 0)),
            pl.BlockSpec((be, _H), lambda i: (i, 0)),
        ],
        out_shape=[
            jax.ShapeDtypeStruct((_N, _H), jnp.float32),
            jax.ShapeDtypeStruct((_N, _H), jnp.float32),
            jax.ShapeDtypeStruct((_E, _H), jnp.float32),
        ],
    )(x, wlT, wrT, edge_attr, weT)


def _combine_bn_proj(parts, dens, b, g, be, wlT, wrT):
    bm = 1000
    nb = _N // bm

    def body(p_ref, d_ref, b_ref, g_ref, be_ref, wl_ref, wr_ref,
             xl_ref, xr_ref, s_ref, h_scr):
        i = pl.program_id(0)

        @pl.when(i == 0)
        def _():
            s_ref[...] = jnp.zeros_like(s_ref)

        @pl.when(i < nb)
        def _():
            raw = p_ref[0] + p_ref[1]
            den = d_ref[0, :, 0] + d_ref[1, :, 0] + 1e-16
            h = raw / den[:, None] + b_ref[...]
            h = jnp.where(h > 0, h, jnp.exp(h) - 1.0)
            h_scr[pl.ds(i * bm, bm), :] = h
            s_ref[0:1, :] += jnp.sum(h, axis=0, keepdims=True)
            s_ref[1:2, :] += jnp.sum(h * h, axis=0, keepdims=True)

        @pl.when(i >= nb)
        def _():
            hb = h_scr[pl.ds((i - nb) * bm, bm), :]
            mu = s_ref[0:1, :] * (1.0 / _N)
            var = s_ref[1:2, :] * (1.0 / _N) - mu * mu
            inv = g_ref[...] * lax.rsqrt(var + 1e-5)
            hb = (hb - mu) * inv + be_ref[...]
            xl_ref[...] = jnp.dot(hb, wl_ref[...],
                                  preferred_element_type=jnp.float32)
            xr_ref[...] = jnp.dot(hb, wr_ref[...],
                                  preferred_element_type=jnp.float32)

    mn9 = lambda i: (0, jnp.minimum(i, nb - 1), 0)
    ph2 = lambda i: (jnp.maximum(i - nb, 0), 0)
    return pl.pallas_call(
        body,
        grid=(2 * nb,),
        in_specs=[
            pl.BlockSpec((_NC, bm, _H), mn9),
            pl.BlockSpec((_NC, bm, _L), mn9),
            pl.BlockSpec((1, _H), lambda i: (0, 0)),
            pl.BlockSpec((1, _H), lambda i: (0, 0)),
            pl.BlockSpec((1, _H), lambda i: (0, 0)),
            pl.BlockSpec((_H, _H), lambda i: (0, 0)),
            pl.BlockSpec((_H, _H), lambda i: (0, 0)),
        ],
        out_specs=[
            pl.BlockSpec((bm, _H), ph2),
            pl.BlockSpec((bm, _H), ph2),
            pl.BlockSpec((2, _H), lambda i: (0, 0)),
        ],
        out_shape=[
            jax.ShapeDtypeStruct((_N, _H), jnp.float32),
            jax.ShapeDtypeStruct((_N, _H), jnp.float32),
            jax.ShapeDtypeStruct((2, _H), jnp.float32),
        ],
        scratch_shapes=[pltpu.VMEM((_N, _H), jnp.float32)],
    )(parts, dens, b, g, be, wlT, wrT)


def _final_combine(parts, dens, b):
    bm = 1000

    def body(p_ref, d_ref, b_ref, o_ref):
        raw = p_ref[0] + p_ref[1]
        den = d_ref[0, :, 0] + d_ref[1, :, 0] + 1e-16
        o_ref[...] = raw / den[:, None] + b_ref[...]

    return pl.pallas_call(
        body,
        grid=(_N // bm,),
        in_specs=[
            pl.BlockSpec((_NC, bm, _H), lambda i: (0, i, 0)),
            pl.BlockSpec((_NC, bm, _L), lambda i: (0, i, 0)),
            pl.BlockSpec((1, _H), lambda i: (0, 0)),
        ],
        out_specs=pl.BlockSpec((bm, _H), lambda i: (i, 0)),
        out_shape=jax.ShapeDtypeStruct((_N, _H), jnp.float32),
    )(parts, dens, b)



def _make_sc_layer(with_el):
    mesh = plsc.VectorSubcoreMesh(
        core_axis_name="c", subcore_axis_name="s",
        num_cores=_NC, num_subcores=_NS)

    scratch = [
        pltpu.VMEM((_SUP, _C), jnp.int32),
        pltpu.VMEM((_SUP, _C), jnp.int32),
        pltpu.VMEM((2, _C, _H), jnp.float32),
        pltpu.VMEM((2, _C, _H), jnp.float32),
        pltpu.VMEM((2, _C, _H), jnp.float32),
        pltpu.VMEM((2, _C, _L), jnp.float32),
        pltpu.VMEM((_H,), jnp.float32),
        pltpu.VMEM_SHARED((_N, _H), jnp.float32),
        pltpu.VMEM_SHARED((_N, _L), jnp.float32),
        pltpu.SemaphoreType.DMA,
        pltpu.SemaphoreType.DMA,
        pltpu.SemaphoreType.DMA,
        pltpu.SemaphoreType.DMA,
    ]
    out_type = (
        jax.ShapeDtypeStruct((_NC, _N, _H), jnp.float32),
        jax.ShapeDtypeStruct((_NC, _N, _L), jnp.float32),
    )

    def body(*refs):
        if with_el:
            (xl_hbm, xr_hbm, el_hbm, src_hbm, dst_hbm, att_hbm,
             zo_hbm, zd_hbm,
             out_hbm, den_hbm,
             srcw_v, dstw_v, xl_v, xr_v, el_v, p_v, att_v,
             out_sh, den_sh, sg0, sg1, ss0, ss1) = refs
        else:
            (xl_hbm, xr_hbm, src_hbm, dst_hbm, att_hbm,
             zo_hbm, zd_hbm,
             out_hbm, den_hbm,
             srcw_v, dstw_v, xl_v, xr_v, el_v, p_v, att_v,
             out_sh, den_sh, sg0, sg1, ss0, ss1) = refs

        cid = lax.axis_index("c")
        sid = lax.axis_index("s")
        wid = sid * _NC + cid
        sg = (sg0, sg1)
        ss = (ss0, ss1)

        pltpu.sync_copy(att_hbm, att_v)
        atts = [att_v[pl.ds(j * _L, _L)] for j in range(_H // _L)]

        @pl.when(sid < _WT)
        def _():
            for i in range(_RPT // _ZR):
                pltpu.sync_copy(zo_hbm, out_sh.at[pl.ds(sid * _RPT + i * _ZR, _ZR)])
                pltpu.sync_copy(zd_hbm, den_sh.at[pl.ds(sid * _RPT + i * _ZR, _ZR)])

        plsc.subcore_barrier()

        def issue_g(s, c, b):
            if with_el:
                off = wid * _EPW + s * (_SUP * _C) + c * _C
                pltpu.async_copy(el_hbm.at[pl.ds(off, _C)], el_v.at[b], sg[b])
            pltpu.async_copy(xl_hbm.at[srcw_v.at[c]], xl_v.at[b], sg[b])
            pltpu.async_copy(xr_hbm.at[dstw_v.at[c]], xr_v.at[b], sg[b])

        def wait_g(b):
            if with_el:
                pltpu.make_async_copy(el_hbm.at[pl.ds(0, _C)], el_v.at[b], sg[b]).wait()
            pltpu.make_async_copy(xl_hbm.at[srcw_v.at[0]], xl_v.at[b], sg[b]).wait()
            pltpu.make_async_copy(xr_hbm.at[dstw_v.at[0]], xr_v.at[b], sg[b]).wait()

        def issue_s(c, b):
            pltpu.async_copy(xr_v.at[b], out_sh.at[dstw_v.at[c]], ss[b], add=True)
            pltpu.async_copy(p_v.at[b], den_sh.at[dstw_v.at[c]], ss[b], add=True)

        def wait_s(b):
            pltpu.make_async_copy(xr_v.at[b], out_sh.at[dstw_v.at[0]], ss[b]).wait()
            pltpu.make_async_copy(p_v.at[b], den_sh.at[dstw_v.at[0]], ss[b]).wait()

        def compute(b):
            xlb, xrb, elb, pb = xl_v.at[b], xr_v.at[b], el_v.at[b], p_v.at[b]

            @plsc.parallel_loop(0, _C, unroll=4)
            def edge_a(i):
                acc = jnp.zeros((_L,), jnp.float32)
                xls = []
                for j in range(_H // _L):
                    sl = pl.ds(j * _L, _L)
                    xlv = xlb[i, sl]
                    xls.append(xlv)
                    mv = xlv + xrb[i, sl]
                    if with_el:
                        mv = mv + elb[i, sl]
                    mv = jnp.maximum(mv, mv * 0.2)
                    acc = acc + mv * atts[j]
                pvec = jnp.exp(jnp.broadcast_to(jnp.sum(acc), (_L,)))
                pb[i, :] = pvec
                for j in range(_H // _L):
                    xrb[i, pl.ds(j * _L, _L)] = xls[j] * pvec

        def superchunk(s, _):
            pltpu.sync_copy(src_hbm.at[wid, s], srcw_v)
            pltpu.sync_copy(dst_hbm.at[wid, s], dstw_v)
            issue_g(s, 0, 0)

            def pair(t, _):
                for b in (0, 1):
                    c = 2 * t + b
                    wait_g(b)

                    @pl.when(c < _SUP - 1)
                    def _():
                        @pl.when(c >= 1)
                        def _():
                            wait_s(1 - b)
                        issue_g(s, c + 1, 1 - b)

                    compute(b)
                    issue_s(c, b)
                return 0
            lax.fori_loop(0, _SUP // 2, pair, 0)
            wait_s(0)
            wait_s(1)
            return 0
        lax.fori_loop(0, _NSUP, superchunk, 0)

        plsc.subcore_barrier()

        @pl.when(sid < _WT)
        def _():
            pltpu.sync_copy(out_sh.at[pl.ds(sid * _RPT, _RPT)],
                            out_hbm.at[cid, pl.ds(sid * _RPT, _RPT)])
            pltpu.sync_copy(den_sh.at[pl.ds(sid * _RPT, _RPT)],
                            den_hbm.at[cid, pl.ds(sid * _RPT, _RPT)])

    return pl.kernel(
        body, out_type=out_type, mesh=mesh, scratch_types=scratch,
        compiler_params=pltpu.CompilerParams(
            needs_layout_passes=False, use_tc_tiling_on_sc=False))


_sc_layer_el = _make_sc_layer(True)
_sc_layer_plain = _make_sc_layer(False)



def kernel(x, edge_index, edge_attr, Wl1, Wr1, We1, att1, b1, g0, be0,
           Wl2, Wr2, att2, b2):
    src = edge_index[0].reshape(_NW, _NSUP, _SUP, _C)
    dst = edge_index[1].reshape(_NW, _NSUP, _SUP, _C)
    zo = jnp.zeros((_ZR, _H), jnp.float32)
    zd = jnp.zeros((_ZR, _L), jnp.float32)

    xl1, xr1, el1 = _proj2_el(x, Wl1.T, Wr1.T, edge_attr, We1.T)
    parts1, dens1 = _sc_layer_el(xl1, xr1, el1, src, dst, att1, zo, zd)
    xl2, xr2, _ = _combine_bn_proj(parts1, dens1, b1.reshape(1, _H),
                                   g0.reshape(1, _H), be0.reshape(1, _H),
                                   Wl2.T, Wr2.T)
    parts2, dens2 = _sc_layer_plain(xl2, xr2, src, dst, att2, zo, zd)
    return _final_combine(parts2, dens2, b2.reshape(1, _H))

# --- scband reference (transcript-rebuilt; emitter-appended) ---
"""Pipeline reference for scband-graph-encoder-7361573945538 (READ-ONLY COPY).

The authoritative reference and input builder live on the scoring server;
editing this copy changes nothing except your own understanding.
"""

import jax, jax.numpy as jnp
import numpy as np

N = 10000
E = 320000
D = 128
H = 128
ED = 16

def setup_inputs(seed: int = 0):
    key = jax.random.key(seed)
    ks = jax.random.split(key, 14)
    s = 1.0 / np.sqrt(D)
    sh = 1.0 / np.sqrt(H)
    return {
        "x": jax.random.normal(ks[0], (N, D), dtype=jnp.float32),
        "edge_index": jax.random.randint(ks[1], (2, E), 0, N, dtype=jnp.int32),
        "edge_attr": jax.random.normal(ks[2], (E, ED), dtype=jnp.float32),
        "Wl1": jax.random.normal(ks[3], (H, D), dtype=jnp.float32) * s,
        "Wr1": jax.random.normal(ks[4], (H, D), dtype=jnp.float32) * s,
        "We1": jax.random.normal(ks[5], (H, ED), dtype=jnp.float32) * (1.0 / np.sqrt(ED)),
        "att1": jax.random.normal(ks[6], (H,), dtype=jnp.float32) * sh,
        "b1": jnp.zeros((H,), dtype=jnp.float32),
        "g0": jnp.ones((H,), dtype=jnp.float32),
        "be0": jnp.zeros((H,), dtype=jnp.float32),
        "Wl2": jax.random.normal(ks[7], (H, H), dtype=jnp.float32) * sh,
        "Wr2": jax.random.normal(ks[8], (H, H), dtype=jnp.float32) * sh,
        "att2": jax.random.normal(ks[9], (H,), dtype=jnp.float32) * sh,
        "b2": jnp.zeros((H,), dtype=jnp.float32),
    }

def _gatv2(x, src, dst, Wl, Wr, att, bias, edge_attr=None, We=None):
    # Faithful GATv2Conv (heads=1): lin_l for source, lin_r for target,
    # attention = att . leaky_relu(x_l[src] + x_r[dst] + lin_edge(edge_attr)),
    # softmax over incoming edges per dst node, message = alpha * x_l[src].
    xl = x @ Wl.T
    xr = x @ Wr.T
    m = xl[src] + xr[dst]
    if edge_attr is not None:
        m = m + edge_attr @ We.T
    e = jax.nn.leaky_relu(m, negative_slope=0.2)
    logits = (e * att).sum(-1)
    amax = jax.ops.segment_max(logits, dst, num_segments=N)
    amax = jnp.where(jnp.isfinite(amax), amax, 0.0)
    amax = jax.lax.stop_gradient(amax)
    ex = jnp.exp(logits - amax[dst])
    den = jax.ops.segment_sum(ex, dst, num_segments=N)
    alpha = ex / (den[dst] + 1e-16)
    out = jax.ops.segment_sum(xl[src] * alpha[:, None], dst, num_segments=N)
    return out + bias

def _bn(h, g, b):
    mu = h.mean(axis=0)
    var = h.var(axis=0)
    return (h - mu) / jnp.sqrt(var + 1e-5) * g + b

def reference(x, edge_index, edge_attr, Wl1, Wr1, We1, att1, b1, g0, be0, Wl2, Wr2, att2, b2):
    src = edge_index[0]
    dst = edge_index[1]
    h = _gatv2(x, src, dst, Wl1, Wr1, att1, b1, edge_attr=edge_attr, We=We1)
    h = jax.nn.elu(h)
    h = _bn(h, g0, be0)
    # second conv is called WITHOUT edge_attr in the original forward
    h = _gatv2(h, src, dst, Wl2, Wr2, att2, b2)
    return h

if __name__ == "__main__":
    import jax
    _d = setup_inputs()
    print(jax.jit(kernel)(*tuple(_d.values())))

</pallas_src>

<mosaic_0001>
#map = affine_map<(d0, d1) -> (0, 0)>
#map1 = affine_map<(d0, d1) -> (0, 0, 0, 0)>
#map2 = affine_map<(d0, d1) -> (0)>
#map3 = affine_map<(d0, d1) -> (0, 0, 0)>
module attributes {stable_mosaic.version = 14 : i64} {
  func.func @body(%arg0: i32, %arg1: i32, %arg2: memref<10000x128xf32, #tpu.memory_space<hbm>>, %arg3: memref<10000x128xf32, #tpu.memory_space<hbm>>, %arg4: memref<32x5x50x40xi32, #tpu.memory_space<hbm>>, %arg5: memref<32x5x50x40xi32, #tpu.memory_space<hbm>>, %arg6: memref<128xf32, #tpu.memory_space<hbm>>, %arg7: memref<200x128xf32, #tpu.memory_space<hbm>>, %arg8: memref<200x16xf32, #tpu.memory_space<hbm>>, %arg9: memref<2x10000x128xf32, #tpu.memory_space<hbm>>, %arg10: memref<2x10000x16xf32, #tpu.memory_space<hbm>>, %arg11: memref<50x40xi32, #tpu.memory_space<vmem>>, %arg12: memref<50x40xi32, #tpu.memory_space<vmem>>, %arg13: memref<2x40x128xf32, #tpu.memory_space<vmem>>, %arg14: memref<2x40x128xf32, #tpu.memory_space<vmem>>, %arg15: memref<2x40x128xf32, #tpu.memory_space<vmem>>, %arg16: memref<2x40x16xf32, #tpu.memory_space<vmem>>, %arg17: memref<128xf32, #tpu.memory_space<vmem>>, %arg18: memref<10000x128xf32, #tpu.memory_space<vmem_shared>>, %arg19: memref<10000x16xf32, #tpu.memory_space<vmem_shared>>, %arg20: memref<!tpu.dma_semaphore, #tpu.memory_space<semaphore_mem>>, %arg21: memref<!tpu.dma_semaphore, #tpu.memory_space<semaphore_mem>>, %arg22: memref<!tpu.dma_semaphore, #tpu.memory_space<semaphore_mem>>, %arg23: memref<!tpu.dma_semaphore, #tpu.memory_space<semaphore_mem>>) attributes {dimension_semantics = [#tpu.dimension_semantics<core_parallel>, #tpu.dimension_semantics<subcore_parallel>], iteration_bounds = array<i64: 2, 16>, scalar_prefetch = 0 : i64, scratch_operands = 13 : i64, tpu.core_type = #tpu.core_type<sc_vector_subcore>, window_params = [{transform_indices = #map}, {transform_indices = #map}, {transform_indices = #map1}, {transform_indices = #map1}, {transform_indices = #map2}, {transform_indices = #map}, {transform_indices = #map}, {transform_indices = #map3}, {transform_indices = #map3}]} {
    %mul3A = arith.constant 2 : i32
    %mul3A_0 = arith.muli %arg1, %mul3A : i32
    %add3A = arith.addi %mul3A_0, %arg0 : i32
    "tpu.region"() ({
      %run_scoped3A = tpu.sem_alloc : memref<!tpu.dma_semaphore, #tpu.memory_space<semaphore_mem>>
      tpu.enqueue_dma source(%arg6 : memref<128xf32, #tpu.memory_space<hbm>>) target(%arg17 : memref<128xf32, #tpu.memory_space<vmem>>) target_semaphore(%run_scoped3A : memref<!tpu.dma_semaphore, #tpu.memory_space<semaphore_mem>>)
      tpu.wait_dma2 semaphore(%run_scoped3A : memref<!tpu.dma_semaphore, #tpu.memory_space<semaphore_mem>>) src(%arg6 : memref<128xf32, #tpu.memory_space<hbm>>) dst(%arg17 : memref<128xf32, #tpu.memory_space<vmem>>)
      tpu.yield
    }) : () -> ()
    %get3A = arith.constant 0 : index
    %get3A_1 = tpu.vector_load %arg17[%get3A] {strides = array<i32>} : memref<128xf32, #tpu.memory_space<vmem>>, vector<16xf32>,
    %get3A_2 = arith.constant 16 : index
    %get3A_3 = tpu.vector_load %arg17[%get3A_2] {strides = array<i32>} : memref<128xf32, #tpu.memory_space<vmem>>, vector<16xf32>,
    %get3A_4 = arith.constant 32 : index
    %get3A_5 = tpu.vector_load %arg17[%get3A_4] {strides = array<i32>} : memref<128xf32, #tpu.memory_space<vmem>>, vector<16xf32>,
    %get3A_6 = arith.constant 48 : index
    %get3A_7 = tpu.vector_load %arg17[%get3A_6] {strides = array<i32>} : memref<128xf32, #tpu.memory_space<vmem>>, vector<16xf32>,
    %get3A_8 = arith.constant 64 : index
    %get3A_9 = tpu.vector_load %arg17[%get3A_8] {strides = array<i32>} : memref<128xf32, #tpu.memory_space<vmem>>, vector<16xf32>,
    %get3A_10 = arith.constant 80 : index
    %get3A_11 = tpu.vector_load %arg17[%get3A_10] {strides = array<i32>} : memref<128xf32, #tpu.memory_space<vmem>>, vector<16xf32>,
    %get3A_12 = arith.constant 96 : index
    %get3A_13 = tpu.vector_load %arg17[%get3A_12] {strides = array<i32>} : memref<128xf32, #tpu.memory_space<vmem>>, vector<16xf32>,
    %get3A_14 = arith.constant 112 : index
    %get3A_15 = tpu.vector_load %arg17[%get3A_14] {strides = array<i32>} : memref<128xf32, #tpu.memory_space<vmem>>, vector<16xf32>,
    %lt3A = arith.constant 10 : i32
    %lt3A_16 = arith.cmpi slt, %arg1, %lt3A : i32
    %convert_element_type3A = arith.extui %lt3A_16 : i1 to i32
    %cond3A = arith.constant 0 : i32
    %cond3A_17 = arith.cmpi ne, %convert_element_type3A, %cond3A : i32
    scf.if %cond3A_17 {
      %mul3A_30 = arith.constant 1000 : i32
      %mul3A_31 = arith.muli %arg1, %mul3A_30 : i32
      %add3A_32 = arith.constant 0 : i32
      %add3A_33 = arith.addi %mul3A_31, %add3A_32 : i32
      "tpu.region"() ({
        %run_scoped3A = tpu.sem_alloc : memref<!tpu.dma_semaphore, #tpu.memory_space<semaphore_mem>>
        %dma_start3A = arith.constant 0 : i32
        %dma_start3A_70 = tpu.memref_slice %arg18[%add3A_33, %dma_start3A] : memref<10000x128xf32, #tpu.memory_space<vmem_shared>> -> memref<200x128xf32, #tpu.memory_space<vmem_shared>>
        tpu.enqueue_dma source(%arg7 : memref<200x128xf32, #tpu.memory_space<hbm>>) target(%dma_start3A_70 : memref<200x128xf32, #tpu.memory_space<vmem_shared>>) target_semaphore(%run_scoped3A : memref<!tpu.dma_semaphore, #tpu.memory_space<semaphore_mem>>)
        %dma_wait3A = arith.constant 0 : i32
        %dma_wait3A_71 = tpu.memref_slice %arg18[%add3A_33, %dma_wait3A] : memref<10000x128xf32, #tpu.memory_space<vmem_shared>> -> memref<200x128xf32, #tpu.memory_space<vmem_shared>>
        tpu.wait_dma2 semaphore(%run_scoped3A : memref<!tpu.dma_semaphore, #tpu.memory_space<semaphore_mem>>) src(%arg7 : memref<200x128xf32, #tpu.memory_space<hbm>>) dst(%dma_wait3A_71 : memref<200x128xf32, #tpu.memory_space<vmem_shared>>)
        tpu.yield
      }) : () -> ()
      %mul3A_34 = arith.constant 1000 : i32
      %mul3A_35 = arith.muli %arg1, %mul3A_34 : i32
      %add3A_36 = arith.constant 0 : i32
      %add3A_37 = arith.addi %mul3A_35, %add3A_36 : i32
      "tpu.region"() ({
        %run_scoped3A = tpu.sem_alloc : memref<!tpu.dma_semaphore, #tpu.memory_space<semaphore_mem>>
        %dma_start3A = arith.constant 0 : i32
        %dma_start3A_70 = tpu.memref_slice %arg19[%add3A_37, %dma_start3A] : memref<10000x16xf32, #tpu.memory_space<vmem_shared>> -> memref<200x16xf32, #tpu.memory_space<vmem_shared>>
        tpu.enqueue_dma source(%arg8 : memref<200x16xf32, #tpu.memory_space<hbm>>) target(%dma_start3A_70 : memref<200x16xf32, #tpu.memory_space<vmem_shared>>) target_semaphore(%run_scoped3A : memref<!tpu.dma_semaphore, #tpu.memory_space<semaphore_mem>>)
        %dma_wait3A = arith.constant 0 : i32
        %dma_wait3A_71 = tpu.memref_slice %arg19[%add3A_37, %dma_wait3A] : memref<10000x16xf32, #tpu.memory_space<vmem_shared>> -> memref<200x16xf32, #tpu.memory_space<vmem_shared>>
        tpu.wait_dma2 semaphore(%run_scoped3A : memref<!tpu.dma_semaphore, #tpu.memory_space<semaphore_mem>>) src(%arg8 : memref<200x16xf32, #tpu.memory_space<hbm>>) dst(%dma_wait3A_71 : memref<200x16xf32, #tpu.memory_space<vmem_shared>>)
        tpu.yield
      }) : () -> ()
      %mul3A_38 = arith.constant 1000 : i32
      %mul3A_39 = arith.muli %arg1, %mul3A_38 : i32
      %add3A_40 = arith.constant 200 : i32
      %add3A_41 = arith.addi %mul3A_39, %add3A_40 : i32
      "tpu.region"() ({
        %run_scoped3A = tpu.sem_alloc : memref<!tpu.dma_semaphore, #tpu.memory_space<semaphore_mem>>
        %dma_start3A = arith.constant 0 : i32
        %dma_start3A_70 = tpu.memref_slice %arg18[%add3A_41, %dma_start3A] : memref<10000x128xf32, #tpu.memory_space<vmem_shared>> -> memref<200x128xf32, #tpu.memory_space<vmem_shared>>
        tpu.enqueue_dma source(%arg7 : memref<200x128xf32, #tpu.memory_space<hbm>>) target(%dma_start3A_70 : memref<200x128xf32, #tpu.memory_space<vmem_shared>>) target_semaphore(%run_scoped3A : memref<!tpu.dma_semaphore, #tpu.memory_space<semaphore_mem>>)
        %dma_wait3A = arith.constant 0 : i32
        %dma_wait3A_71 = tpu.memref_slice %arg18[%add3A_41, %dma_wait3A] : memref<10000x128xf32, #tpu.memory_space<vmem_shared>> -> memref<200x128xf32, #tpu.memory_space<vmem_shared>>
        tpu.wait_dma2 semaphore(%run_scoped3A : memref<!tpu.dma_semaphore, #tpu.memory_space<semaphore_mem>>) src(%arg7 : memref<200x128xf32, #tpu.memory_space<hbm>>) dst(%dma_wait3A_71 : memref<200x128xf32, #tpu.memory_space<vmem_shared>>)
        tpu.yield
      }) : () -> ()
      %mul3A_42 = arith.constant 1000 : i32
      %mul3A_43 = arith.muli %arg1, %mul3A_42 : i32
      %add3A_44 = arith.constant 200 : i32
      %add3A_45 = arith.addi %mul3A_43, %add3A_44 : i32
      "tpu.region"() ({
        %run_scoped3A = tpu.sem_alloc : memref<!tpu.dma_semaphore, #tpu.memory_space<semaphore_mem>>
        %dma_start3A = arith.constant 0 : i32
        %dma_start3A_70 = tpu.memref_slice %arg19[%add3A_45, %dma_start3A] : memref<10000x16xf32, #tpu.memory_space<vmem_shared>> -> memref<200x16xf32, #tpu.memory_space<vmem_shared>>
        tpu.enqueue_dma source(%arg8 : memref<200x16xf32, #tpu.memory_space<hbm>>) target(%dma_start3A_70 : memref<200x16xf32, #tpu.memory_space<vmem_shared>>) target_semaphore(%run_scoped3A : memref<!tpu.dma_semaphore, #tpu.memory_space<semaphore_mem>>)
        %dma_wait3A = arith.constant 0 : i32
        %dma_wait3A_71 = tpu.memref_slice %arg19[%add3A_45, %dma_wait3A] : memref<10000x16xf32, #tpu.memory_space<vmem_shared>> -> memref<200x16xf32, #tpu.memory_space<vmem_shared>>
        tpu.wait_dma2 semaphore(%run_scoped3A : memref<!tpu.dma_semaphore, #tpu.memory_space<semaphore_mem>>) src(%arg8 : memref<200x16xf32, #tpu.memory_space<hbm>>) dst(%dma_wait3A_71 : memref<200x16xf32, #tpu.memory_space<vmem_shared>>)
        tpu.yield
      }) : () -> ()
      %mul3A_46 = arith.constant 1000 : i32
      %mul3A_47 = arith.muli %arg1, %mul3A_46 : i32
      %add3A_48 = arith.constant 400 : i32
      %add3A_49 = arith.addi %mul3A_47, %add3A_48 : i32
      "tpu.region"() ({
        %run_scoped3A = tpu.sem_alloc : memref<!tpu.dma_semaphore, #tpu.memory_space<semaphore_mem>>
        %dma_start3A = arith.constant 0 : i32
        %dma_start3A_70 = tpu.memref_slice %arg18[%add3A_49, %dma_start3A] : memref<10000x128xf32, #tpu.memory_space<vmem_shared>> -> memref<200x128xf32, #tpu.memory_space<vmem_shared>>
        tpu.enqueue_dma source(%arg7 : memref<200x128xf32, #tpu.memory_space<hbm>>) target(%dma_start3A_70 : memref<200x128xf32, #tpu.memory_space<vmem_shared>>) target_semaphore(%run_scoped3A : memref<!tpu.dma_semaphore, #tpu.memory_space<semaphore_mem>>)
        %dma_wait3A = arith.constant 0 : i32
        %dma_wait3A_71 = tpu.memref_slice %arg18[%add3A_49, %dma_wait3A] : memref<10000x128xf32, #tpu.memory_space<vmem_shared>> -> memref<200x128xf32, #tpu.memory_space<vmem_shared>>
        tpu.wait_dma2 semaphore(%run_scoped3A : memref<!tpu.dma_semaphore, #tpu.memory_space<semaphore_mem>>) src(%arg7 : memref<200x128xf32, #tpu.memory_space<hbm>>) dst(%dma_wait3A_71 : memref<200x128xf32, #tpu.memory_space<vmem_shared>>)
        tpu.yield
      }) : () -> ()
      %mul3A_50 = arith.constant 1000 : i32
      %mul3A_51 = arith.muli %arg1, %mul3A_50 : i32
      %add3A_52 = arith.constant 400 : i32
      %add3A_53 = arith.addi %mul3A_51, %add3A_52 : i32
      "tpu.region"() ({
        %run_scoped3A = tpu.sem_alloc : memref<!tpu.dma_semaphore, #tpu.memory_space<semaphore_mem>>
        %dma_start3A = arith.constant 0 : i32
        %dma_start3A_70 = tpu.memref_slice %arg19[%add3A_53, %dma_start3A] : memref<10000x16xf32, #tpu.memory_space<vmem_shared>> -> memref<200x16xf32, #tpu.memory_space<vmem_shared>>
        tpu.enqueue_dma source(%arg8 : memref<200x16xf32, #tpu.memory_space<hbm>>) target(%dma_start3A_70 : memref<200x16xf32, #tpu.memory_space<vmem_shared>>) target_semaphore(%run_scoped3A : memref<!tpu.dma_semaphore, #tpu.memory_space<semaphore_mem>>)
        %dma_wait3A = arith.constant 0 : i32
        %dma_wait3A_71 = tpu.memref_slice %arg19[%add3A_53, %dma_wait3A] : memref<10000x16xf32, #tpu.memory_space<vmem_shared>> -> memref<200x16xf32, #tpu.memory_space<vmem_shared>>
        tpu.wait_dma2 semaphore(%run_scoped3A : memref<!tpu.dma_semaphore, #tpu.memory_space<semaphore_mem>>) src(%arg8 : memref<200x16xf32, #tpu.memory_space<hbm>>) dst(%dma_wait3A_71 : memref<200x16xf32, #tpu.memory_space<vmem_shared>>)
        tpu.yield
      }) : () -> ()
      %mul3A_54 = arith.constant 1000 : i32
      %mul3A_55 = arith.muli %arg1, %mul3A_54 : i32
      %add3A_56 = arith.constant 600 : i32
      %add3A_57 = arith.addi %mul3A_55, %add3A_56 : i32
      "tpu.region"() ({
        %run_scoped3A = tpu.sem_alloc : memref<!tpu.dma_semaphore, #tpu.memory_space<semaphore_mem>>
        %dma_start3A = arith.constant 0 : i32
        %dma_start3A_70 = tpu.memref_slice %arg18[%add3A_57, %dma_start3A] : memref<10000x128xf32, #tpu.memory_space<vmem_shared>> -> memref<200x128xf32, #tpu.memory_space<vmem_shared>>
        tpu.enqueue_dma source(%arg7 : memref<200x128xf32, #tpu.memory_space<hbm>>) target(%dma_start3A_70 : memref<200x128xf32, #tpu.memory_space<vmem_shared>>) target_semaphore(%run_scoped3A : memref<!tpu.dma_semaphore, #tpu.memory_space<semaphore_mem>>)
        %dma_wait3A = arith.constant 0 : i32
        %dma_wait3A_71 = tpu.memref_slice %arg18[%add3A_57, %dma_wait3A] : memref<10000x128xf32, #tpu.memory_space<vmem_shared>> -> memref<200x128xf32, #tpu.memory_space<vmem_shared>>
        tpu.wait_dma2 semaphore(%run_scoped3A : memref<!tpu.dma_semaphore, #tpu.memory_space<semaphore_mem>>) src(%arg7 : memref<200x128xf32, #tpu.memory_space<hbm>>) dst(%dma_wait3A_71 : memref<200x128xf32, #tpu.memory_space<vmem_shared>>)
        tpu.yield
      }) : () -> ()
      %mul3A_58 = arith.constant 1000 : i32
      %mul3A_59 = arith.muli %arg1, %mul3A_58 : i32
      %add3A_60 = arith.constant 600 : i32
      %add3A_61 = arith.addi %mul3A_59, %add3A_60 : i32
      "tpu.region"() ({
        %run_scoped3A = tpu.sem_alloc : memref<!tpu.dma_semaphore, #tpu.memory_space<semaphore_mem>>
        %dma_start3A = arith.constant 0 : i32
        %dma_start3A_70 = tpu.memref_slice %arg19[%add3A_61, %dma_start3A] : memref<10000x16xf32, #tpu.memory_space<vmem_shared>> -> memref<200x16xf32, #tpu.memory_space<vmem_shared>>
        tpu.enqueue_dma source(%arg8 : memref<200x16xf32, #tpu.memory_space<hbm>>) target(%dma_start3A_70 : memref<200x16xf32, #tpu.memory_space<vmem_shared>>) target_semaphore(%run_scoped3A : memref<!tpu.dma_semaphore, #tpu.memory_space<semaphore_mem>>)
        %dma_wait3A = arith.constant 0 : i32
        %dma_wait3A_71 = tpu.memref_slice %arg19[%add3A_61, %dma_wait3A] : memref<10000x16xf32, #tpu.memory_space<vmem_shared>> -> memref<200x16xf32, #tpu.memory_space<vmem_shared>>
        tpu.wait_dma2 semaphore(%run_scoped3A : memref<!tpu.dma_semaphore, #tpu.memory_space<semaphore_mem>>) src(%arg8 : memref<200x16xf32, #tpu.memory_space<hbm>>) dst(%dma_wait3A_71 : memref<200x16xf32, #tpu.memory_space<vmem_shared>>)
        tpu.yield
      }) : () -> ()
      %mul3A_62 = arith.constant 1000 : i32
      %mul3A_63 = arith.muli %arg1, %mul3A_62 : i32
      %add3A_64 = arith.constant 800 : i32
      %add3A_65 = arith.addi %mul3A_63, %add3A_64 : i32
      "tpu.region"() ({
        %run_scoped3A = tpu.sem_alloc : memref<!tpu.dma_semaphore, #tpu.memory_space<semaphore_mem>>
        %dma_start3A = arith.constant 0 : i32
        %dma_start3A_70 = tpu.memref_slice %arg18[%add3A_65, %dma_start3A] : memref<10000x128xf32, #tpu.memory_space<vmem_shared>> -> memref<200x128xf32, #tpu.memory_space<vmem_shared>>
        tpu.enqueue_dma source(%arg7 : memref<200x128xf32, #tpu.memory_space<hbm>>) target(%dma_start3A_70 : memref<200x128xf32, #tpu.memory_space<vmem_shared>>) target_semaphore(%run_scoped3A : memref<!tpu.dma_semaphore, #tpu.memory_space<semaphore_mem>>)
        %dma_wait3A = arith.constant 0 : i32
        %dma_wait3A_71 = tpu.memref_slice %arg18[%add3A_65, %dma_wait3A] : memref<10000x128xf32, #tpu.memory_space<vmem_shared>> -> memref<200x128xf32, #tpu.memory_space<vmem_shared>>
        tpu.wait_dma2 semaphore(%run_scoped3A : memref<!tpu.dma_semaphore, #tpu.memory_space<semaphore_mem>>) src(%arg7 : memref<200x128xf32, #tpu.memory_space<hbm>>) dst(%dma_wait3A_71 : memref<200x128xf32, #tpu.memory_space<vmem_shared>>)
        tpu.yield
      }) : () -> ()
      %mul3A_66 = arith.constant 1000 : i32
      %mul3A_67 = arith.muli %arg1, %mul3A_66 : i32
      %add3A_68 = arith.constant 800 : i32
      %add3A_69 = arith.addi %mul3A_67, %add3A_68 : i32
      "tpu.region"() ({
        %run_scoped3A = tpu.sem_alloc : memref<!tpu.dma_semaphore, #tpu.memory_space<semaphore_mem>>
        %dma_start3A = arith.constant 0 : i32
        %dma_start3A_70 = tpu.memref_slice %arg19[%add3A_69, %dma_start3A] : memref<10000x16xf32, #tpu.memory_space<vmem_shared>> -> memref<200x16xf32, #tpu.memory_space<vmem_shared>>
        tpu.enqueue_dma source(%arg8 : memref<200x16xf32, #tpu.memory_space<hbm>>) target(%dma_start3A_70 : memref<200x16xf32, #tpu.memory_space<vmem_shared>>) target_semaphore(%run_scoped3A : memref<!tpu.dma_semaphore, #tpu.memory_space<semaphore_mem>>)
        %dma_wait3A = arith.constant 0 : i32
        %dma_wait3A_71 = tpu.memref_slice %arg19[%add3A_69, %dma_wait3A] : memref<10000x16xf32, #tpu.memory_space<vmem_shared>> -> memref<200x16xf32, #tpu.memory_space<vmem_shared>>
        tpu.wait_dma2 semaphore(%run_scoped3A : memref<!tpu.dma_semaphore, #tpu.memory_space<semaphore_mem>>) src(%arg8 : memref<200x16xf32, #tpu.memory_space<hbm>>) dst(%dma_wait3A_71 : memref<200x16xf32, #tpu.memory_space<vmem_shared>>)
        tpu.yield
      }) : () -> ()
    } else {
    }
    %barrier3A = arith.constant 0 : index
    tpu.barrier barrier_id(%barrier3A)
    %scan3A = arith.constant 0 : i32
    %scan3A_18 = arith.constant 0 : i32
    %scan3A_19 = arith.constant 5 : i32
    %scan3A_20 = arith.addi %scan3A_18, %scan3A_19 : i32
    %scan3A_21 = arith.constant 1 : i32
    %scan3A_22 = scf.for %scan3A_30 = %scan3A_18 to %scan3A_20 step %scan3A_21 iter_args(%scan3A_31 = %scan3A) -> (i32)  : i32 {
      "tpu.region"() ({
        %run_scoped3A = tpu.sem_alloc : memref<!tpu.dma_semaphore, #tpu.memory_space<semaphore_mem>>
        %dma_start3A_110 = arith.constant 0 : i32
        %dma_start3A_111 = arith.constant 0 : i32
        %dma_start3A_112 = tpu.memref_slice %arg4[%add3A, %scan3A_30, %dma_start3A_110, %dma_start3A_111] : memref<32x5x50x40xi32, #tpu.memory_space<hbm>> -> memref<1x1x50x40xi32, #tpu.memory_space<hbm>>
        %dma_start3A_113 = tpu.memref_squeeze %dma_start3A_112 : memref<1x1x50x40xi32, #tpu.memory_space<hbm>> -> memref<50x40xi32, #tpu.memory_space<hbm>>
        %dma_start3A_114 = arith.constant 0 : i32
        %dma_start3A_115 = arith.constant 0 : i32
        %dma_start3A_116 = tpu.memref_slice %arg4[%add3A, %scan3A_30, %dma_start3A_114, %dma_start3A_115] : memref<32x5x50x40xi32, #tpu.memory_space<hbm>> -> memref<1x1x50x40xi32, #tpu.memory_space<hbm>>
        %dma_start3A_117 = tpu.memref_squeeze %dma_start3A_116 : memref<1x1x50x40xi32, #tpu.memory_space<hbm>> -> memref<50x40xi32, #tpu.memory_space<hbm>>
        tpu.enqueue_dma source(%dma_start3A_117 : memref<50x40xi32, #tpu.memory_space<hbm>>) target(%arg11 : memref<50x40xi32, #tpu.memory_space<vmem>>) target_semaphore(%run_scoped3A : memref<!tpu.dma_semaphore, #tpu.memory_space<semaphore_mem>>)
        %dma_wait3A_118 = arith.constant 0 : i32
        %dma_wait3A_119 = arith.constant 0 : i32
        %dma_wait3A_120 = tpu.memref_slice %arg4[%add3A, %scan3A_30, %dma_wait3A_118, %dma_wait3A_119] : memref<32x5x50x40xi32, #tpu.memory_space<hbm>> -> memref<1x1x50x40xi32, #tpu.memory_space<hbm>>
        %dma_wait3A_121 = tpu.memref_squeeze %dma_wait3A_120 : memref<1x1x50x40xi32, #tpu.memory_space<hbm>> -> memref<50x40xi32, #tpu.memory_space<hbm>>
        %dma_wait3A_122 = arith.constant 0 : i32
        %dma_wait3A_123 = arith.constant 0 : i32
        %dma_wait3A_124 = tpu.memref_slice %arg4[%add3A, %scan3A_30, %dma_wait3A_122, %dma_wait3A_123] : memref<32x5x50x40xi32, #tpu.memory_space<hbm>> -> memref<1x1x50x40xi32, #tpu.memory_space<hbm>>
        %dma_wait3A_125 = tpu.memref_squeeze %dma_wait3A_124 : memref<1x1x50x40xi32, #tpu.memory_space<hbm>> -> memref<50x40xi32, #tpu.memory_space<hbm>>
        tpu.wait_dma2 semaphore(%run_scoped3A : memref<!tpu.dma_semaphore, #tpu.memory_space<semaphore_mem>>) src(%dma_wait3A_125 : memref<50x40xi32, #tpu.memory_space<hbm>>) dst(%arg11 : memref<50x40xi32, #tpu.memory_space<vmem>>)
        tpu.yield
      }) : () -> ()
      "tpu.region"() ({
        %run_scoped3A = tpu.sem_alloc : memref<!tpu.dma_semaphore, #tpu.memory_space<semaphore_mem>>
        %dma_start3A_110 = arith.constant 0 : i32
        %dma_start3A_111 = arith.constant 0 : i32
        %dma_start3A_112 = tpu.memref_slice %arg5[%add3A, %scan3A_30, %dma_start3A_110, %dma_start3A_111] : memref<32x5x50x40xi32, #tpu.memory_space<hbm>> -> memref<1x1x50x40xi32, #tpu.memory_space<hbm>>
        %dma_start3A_113 = tpu.memref_squeeze %dma_start3A_112 : memref<1x1x50x40xi32, #tpu.memory_space<hbm>> -> memref<50x40xi32, #tpu.memory_space<hbm>>
        %dma_start3A_114 = arith.constant 0 : i32
        %dma_start3A_115 = arith.constant 0 : i32
        %dma_start3A_116 = tpu.memref_slice %arg5[%add3A, %scan3A_30, %dma_start3A_114, %dma_start3A_115] : memref<32x5x50x40xi32, #tpu.memory_space<hbm>> -> memref<1x1x50x40xi32, #tpu.memory_space<hbm>>
        %dma_start3A_117 = tpu.memref_squeeze %dma_start3A_116 : memref<1x1x50x40xi32, #tpu.memory_space<hbm>> -> memref<50x40xi32, #tpu.memory_space<hbm>>
        tpu.enqueue_dma source(%dma_start3A_117 : memref<50x40xi32, #tpu.memory_space<hbm>>) target(%arg12 : memref<50x40xi32, #tpu.memory_space<vmem>>) target_semaphore(%run_scoped3A : memref<!tpu.dma_semaphore, #tpu.memory_space<semaphore_mem>>)
        %dma_wait3A_118 = arith.constant 0 : i32
        %dma_wait3A_119 = arith.constant 0 : i32
        %dma_wait3A_120 = tpu.memref_slice %arg5[%add3A, %scan3A_30, %dma_wait3A_118, %dma_wait3A_119] : memref<32x5x50x40xi32, #tpu.memory_space<hbm>> -> memref<1x1x50x40xi32, #tpu.memory_space<hbm>>
        %dma_wait3A_121 = tpu.memref_squeeze %dma_wait3A_120 : memref<1x1x50x40xi32, #tpu.memory_space<hbm>> -> memref<50x40xi32, #tpu.memory_space<hbm>>
        %dma_wait3A_122 = arith.constant 0 : i32
        %dma_wait3A_123 = arith.constant 0 : i32
        %dma_wait3A_124 = tpu.memref_slice %arg5[%add3A, %scan3A_30, %dma_wait3A_122, %dma_wait3A_123] : memref<32x5x50x40xi32, #tpu.memory_space<hbm>> -> memref<1x1x50x40xi32, #tpu.memory_space<hbm>>
        %dma_wait3A_125 = tpu.memref_squeeze %dma_wait3A_124 : memref<1x1x50x40xi32, #tpu.memory_space<hbm>> -> memref<50x40xi32, #tpu.memory_space<hbm>>
        tpu.wait_dma2 semaphore(%run_scoped3A : memref<!tpu.dma_semaphore, #tpu.memory_space<semaphore_mem>>) src(%dma_wait3A_125 : memref<50x40xi32, #tpu.memory_space<hbm>>) dst(%arg12 : memref<50x40xi32, #tpu.memory_space<vmem>>)
        tpu.yield
      }) : () -> ()
      %dma_start3A = arith.constant 0 : i32
      %dma_start3A_32 = arith.constant 0 : i32
      %dma_start3A_33 = arith.constant 0 : i32
      %dma_start3A_34 = arith.constant 0 : i32
      %dma_start3A_35 = tpu.memref_slice %arg13[%dma_start3A_32, %dma_start3A_33, %dma_start3A_34] : memref<2x40x128xf32, #tpu.memory_space<vmem>> -> memref<1x40x128xf32, #tpu.memory_space<vmem>>
      %dma_start3A_36 = tpu.memref_squeeze %dma_start3A_35 : memref<1x40x128xf32, #tpu.memory_space<vmem>> -> memref<40x128xf32, #tpu.memory_space<vmem>>
      %dma_start3A_37 = arith.constant 0 : i32
      %dma_start3A_38 = tpu.memref_slice %arg11[%dma_start3A, %dma_start3A_37] : memref<50x40xi32, #tpu.memory_space<vmem>> -> memref<1x40xi32, #tpu.memory_space<vmem>>
      %dma_start3A_39 = tpu.memref_squeeze %dma_start3A_38 : memref<1x40xi32, #tpu.memory_space<vmem>> -> memref<40xi32, #tpu.memory_space<vmem>>
      %dma_start3A_40 = arith.constant 0 : i32
      %dma_start3A_41 = arith.constant 0 : i32
      %dma_start3A_42 = tpu.memref_slice %arg2[%dma_start3A_40, %dma_start3A_41] : memref<10000x128xf32, #tpu.memory_space<hbm>> -> memref<10000x128xf32, #tpu.memory_space<hbm>>
      tpu.enqueue_indirect_dma source(%dma_start3A_42 : memref<10000x128xf32, #tpu.memory_space<hbm>>) target(%dma_start3A_36 : memref<40x128xf32, #tpu.memory_space<vmem>>) offsets(%dma_start3A_39 : memref<40xi32, #tpu.memory_space<vmem>>) semaphore(%arg20 : memref<!tpu.dma_semaphore, #tpu.memory_space<semaphore_mem>>)
      %dma_start3A_43 = arith.constant 0 : i32
      %dma_start3A_44 = arith.constant 0 : i32
      %dma_start3A_45 = arith.constant 0 : i32
      %dma_start3A_46 = arith.constant 0 : i32
      %dma_start3A_47 = tpu.memref_slice %arg14[%dma_start3A_44, %dma_start3A_45, %dma_start3A_46] : memref<2x40x128xf32, #tpu.memory_space<vmem>> -> memref<1x40x128xf32, #tpu.memory_space<vmem>>
      %dma_start3A_48 = tpu.memref_squeeze %dma_start3A_47 : memref<1x40x128xf32, #tpu.memory_space<vmem>> -> memref<40x128xf32, #tpu.memory_space<vmem>>
      %dma_start3A_49 = arith.constant 0 : i32
      %dma_start3A_50 = tpu.memref_slice %arg12[%dma_start3A_43, %dma_start3A_49] : memref<50x40xi32, #tpu.memory_space<vmem>> -> memref<1x40xi32, #tpu.memory_space<vmem>>
      %dma_start3A_51 = tpu.memref_squeeze %dma_start3A_50 : memref<1x40xi32, #tpu.memory_space<vmem>> -> memref<40xi32, #tpu.memory_space<vmem>>
      %dma_start3A_52 = arith.constant 0 : i32
      %dma_start3A_53 = arith.constant 0 : i32
      %dma_start3A_54 = tpu.memref_slice %arg3[%dma_start3A_52, %dma_start3A_53] : memref<10000x128xf32, #tpu.memory_space<hbm>> -> memref<10000x128xf32, #tpu.memory_space<hbm>>
      tpu.enqueue_indirect_dma source(%dma_start3A_54 : memref<10000x128xf32, #tpu.memory_space<hbm>>) target(%dma_start3A_48 : memref<40x128xf32, #tpu.memory_space<vmem>>) offsets(%dma_start3A_51 : memref<40xi32, #tpu.memory_space<vmem>>) semaphore(%arg20 : memref<!tpu.dma_semaphore, #tpu.memory_space<semaphore_mem>>)
      %scan3A_55 = arith.constant 0 : i32
      %scan3A_56 = arith.constant 0 : i32
      %scan3A_57 = arith.constant 25 : i32
      %scan3A_58 = arith.addi %scan3A_56, %scan3A_57 : i32
      %scan3A_59 = arith.constant 1 : i32
      %scan3A_60 = scf.for %scan3A_110 = %scan3A_56 to %scan3A_58 step %scan3A_59 iter_args(%scan3A_111 = %scan3A_55) -> (i32)  : i32 {
        %mul3A_112 = arith.constant 2 : i32
        %mul3A_113 = arith.muli %mul3A_112, %scan3A_110 : i32
        %add3A_114 = arith.constant 0 : i32
        %add3A_115 = arith.addi %mul3A_113, %add3A_114 : i32
        %dma_wait3A_116 = arith.constant 0 : i32
        %dma_wait3A_117 = arith.constant 0 : i32
        %dma_wait3A_118 = arith.constant 0 : i32
        %dma_wait3A_119 = arith.constant 0 : i32
        %dma_wait3A_120 = tpu.memref_slice %arg13[%dma_wait3A_117, %dma_wait3A_118, %dma_wait3A_119] : memref<2x40x128xf32, #tpu.memory_space<vmem>> -> memref<1x40x128xf32, #tpu.memory_space<vmem>>
        %dma_wait3A_121 = tpu.memref_squeeze %dma_wait3A_120 : memref<1x40x128xf32, #tpu.memory_space<vmem>> -> memref<40x128xf32, #tpu.memory_space<vmem>>
        %dma_wait3A_122 = arith.constant 0 : i32
        %dma_wait3A_123 = tpu.memref_slice %arg11[%dma_wait3A_116, %dma_wait3A_122] : memref<50x40xi32, #tpu.memory_space<vmem>> -> memref<1x40xi32, #tpu.memory_space<vmem>>
        %dma_wait3A_124 = tpu.memref_squeeze %dma_wait3A_123 : memref<1x40xi32, #tpu.memory_space<vmem>> -> memref<40xi32, #tpu.memory_space<vmem>>
        %dma_wait3A_125 = arith.constant 0 : i32
        %dma_wait3A_126 = arith.constant 0 : i32
        %dma_wait3A_127 = tpu.memref_slice %arg2[%dma_wait3A_125, %dma_wait3A_126] : memref<10000x128xf32, #tpu.memory_space<hbm>> -> memref<10000x128xf32, #tpu.memory_space<hbm>>
        tpu.wait_indirect_dma semaphore(%arg20 : memref<!tpu.dma_semaphore, #tpu.memory_space<semaphore_mem>>) src(%dma_wait3A_127 : memref<10000x128xf32, #tpu.memory_space<hbm>>) dst(%dma_wait3A_121 : memref<40x128xf32, #tpu.memory_space<vmem>>)
        %dma_wait3A_128 = arith.constant 0 : i32
        %dma_wait3A_129 = arith.constant 0 : i32
        %dma_wait3A_130 = arith.constant 0 : i32
        %dma_wait3A_131 = arith.constant 0 : i32
        %dma_wait3A_132 = tpu.memref_slice %arg14[%dma_wait3A_129, %dma_wait3A_130, %dma_wait3A_131] : memref<2x40x128xf32, #tpu.memory_space<vmem>> -> memref<1x40x128xf32, #tpu.memory_space<vmem>>
        %dma_wait3A_133 = tpu.memref_squeeze %dma_wait3A_132 : memref<1x40x128xf32, #tpu.memory_space<vmem>> -> memref<40x128xf32, #tpu.memory_space<vmem>>
        %dma_wait3A_134 = arith.constant 0 : i32
        %dma_wait3A_135 = tpu.memref_slice %arg12[%dma_wait3A_128, %dma_wait3A_134] : memref<50x40xi32, #tpu.memory_space<vmem>> -> memref<1x40xi32, #tpu.memory_space<vmem>>
        %dma_wait3A_136 = tpu.memref_squeeze %dma_wait3A_135 : memref<1x40xi32, #tpu.memory_space<vmem>> -> memref<40xi32, #tpu.memory_space<vmem>>
        %dma_wait3A_137 = arith.constant 0 : i32
        %dma_wait3A_138 = arith.constant 0 : i32
        %dma_wait3A_139 = tpu.memref_slice %arg3[%dma_wait3A_137, %dma_wait3A_138] : memref<10000x128xf32, #tpu.memory_space<hbm>> -> memref<10000x128xf32, #tpu.memory_space<hbm>>
        tpu.wait_indirect_dma semaphore(%arg20 : memref<!tpu.dma_semaphore, #tpu.memory_space<semaphore_mem>>) src(%dma_wait3A_139 : memref<10000x128xf32, #tpu.memory_space<hbm>>) dst(%dma_wait3A_133 : memref<40x128xf32, #tpu.memory_space<vmem>>)
        %lt3A_140 = arith.constant 49 : i32
        %lt3A_141 = arith.cmpi slt, %add3A_115, %lt3A_140 : i32
        %convert_element_type3A_142 = arith.extui %lt3A_141 : i1 to i32
        %cond3A_143 = arith.constant 0 : i32
        %cond3A_144 = arith.cmpi ne, %convert_element_type3A_142, %cond3A_143 : i32
        scf.if %cond3A_144 {
          %ge3A = arith.constant 1 : i32
          %ge3A_234 = arith.cmpi sge, %add3A_115, %ge3A : i32
          %convert_element_type3A_235 = arith.extui %ge3A_234 : i1 to i32
          %cond3A_236 = arith.constant 0 : i32
          %cond3A_237 = arith.cmpi ne, %convert_element_type3A_235, %cond3A_236 : i32
          scf.if %cond3A_237 {
            %dma_wait3A_262 = arith.constant 1 : i32
            %dma_wait3A_263 = arith.constant 0 : i32
            %dma_wait3A_264 = arith.constant 0 : i32
            %dma_wait3A_265 = arith.constant 0 : i32
            %dma_wait3A_266 = tpu.memref_slice %arg14[%dma_wait3A_262, %dma_wait3A_264, %dma_wait3A_265] : memref<2x40x128xf32, #tpu.memory_space<vmem>> -> memref<1x40x128xf32, #tpu.memory_space<vmem>>
            %dma_wait3A_267 = tpu.memref_squeeze %dma_wait3A_266 : memref<1x40x128xf32, #tpu.memory_space<vmem>> -> memref<40x128xf32, #tpu.memory_space<vmem>>
            %dma_wait3A_268 = arith.constant 0 : i32
            %dma_wait3A_269 = tpu.memref_slice %arg12[%dma_wait3A_263, %dma_wait3A_268] : memref<50x40xi32, #tpu.memory_space<vmem>> -> memref<1x40xi32, #tpu.memory_space<vmem>>
            %dma_wait3A_270 = tpu.memref_squeeze %dma_wait3A_269 : memref<1x40xi32, #tpu.memory_space<vmem>> -> memref<40xi32, #tpu.memory_space<vmem>>
            %dma_wait3A_271 = arith.constant 0 : i32
            %dma_wait3A_272 = arith.constant 0 : i32
            %dma_wait3A_273 = tpu.memref_slice %arg18[%dma_wait3A_271, %dma_wait3A_272] : memref<10000x128xf32, #tpu.memory_space<vmem_shared>> -> memref<10000x128xf32, #tpu.memory_space<vmem_shared>>
            tpu.wait_indirect_dma semaphore(%arg23 : memref<!tpu.dma_semaphore, #tpu.memory_space<semaphore_mem>>) src(%dma_wait3A_267 : memref<40x128xf32, #tpu.memory_space<vmem>>) dst(%dma_wait3A_273 : memref<10000x128xf32, #tpu.memory_space<vmem_shared>>)
            %dma_wait3A_274 = arith.constant 1 : i32
            %dma_wait3A_275 = arith.constant 0 : i32
            %dma_wait3A_276 = arith.constant 0 : i32
            %dma_wait3A_277 = arith.constant 0 : i32
            %dma_wait3A_278 = tpu.memref_slice %arg16[%dma_wait3A_274, %dma_wait3A_276, %dma_wait3A_277] : memref<2x40x16xf32, #tpu.memory_space<vmem>> -> memref<1x40x16xf32, #tpu.memory_space<vmem>>
            %dma_wait3A_279 = tpu.memref_squeeze %dma_wait3A_278 : memref<1x40x16xf32, #tpu.memory_space<vmem>> -> memref<40x16xf32, #tpu.memory_space<vmem>>
            %dma_wait3A_280 = arith.constant 0 : i32
            %dma_wait3A_281 = tpu.memref_slice %arg12[%dma_wait3A_275, %dma_wait3A_280] : memref<50x40xi32, #tpu.memory_space<vmem>> -> memref<1x40xi32, #tpu.memory_space<vmem>>
            %dma_wait3A_282 = tpu.memref_squeeze %dma_wait3A_281 : memref<1x40xi32, #tpu.memory_space<vmem>> -> memref<40xi32, #tpu.memory_space<vmem>>
            %dma_wait3A_283 = arith.constant 0 : i32
            %dma_wait3A_284 = arith.constant 0 : i32
            %dma_wait3A_285 = tpu.memref_slice %arg19[%dma_wait3A_283, %dma_wait3A_284] : memref<10000x16xf32, #tpu.memory_space<vmem_shared>> -> memref<10000x16xf32, #tpu.memory_space<vmem_shared>>
            tpu.wait_indirect_dma semaphore(%arg23 : memref<!tpu.dma_semaphore, #tpu.memory_space<semaphore_mem>>) src(%dma_wait3A_279 : memref<40x16xf32, #tpu.memory_space<vmem>>) dst(%dma_wait3A_285 : memref<10000x16xf32, #tpu.memory_space<vmem_shared>>)
          } else {
          }
          %add3A_238 = arith.constant 1 : i32
          %add3A_239 = arith.addi %add3A_115, %add3A_238 : i32
          %dma_start3A_240 = arith.constant 1 : i32
          %dma_start3A_241 = arith.constant 0 : i32
          %dma_start3A_242 = arith.constant 0 : i32
          %dma_start3A_243 = tpu.memref_slice %arg13[%dma_start3A_240, %dma_start3A_241, %dma_start3A_242] : memref<2x40x128xf32, #tpu.memory_space<vmem>> -> memref<1x40x128xf32, #tpu.memory_space<vmem>>
          %dma_start3A_244 = tpu.memref_squeeze %dma_start3A_243 : memref<1x40x128xf32, #tpu.memory_space<vmem>> -> memref<40x128xf32, #tpu.memory_space<vmem>>
          %dma_start3A_245 = arith.constant 0 : i32
          %dma_start3A_246 = tpu.memref_slice %arg11[%add3A_239, %dma_start3A_245] : memref<50x40xi32, #tpu.memory_space<vmem>> -> memref<1x40xi32, #tpu.memory_space<vmem>>
          %dma_start3A_247 = tpu.memref_squeeze %dma_start3A_246 : memref<1x40xi32, #tpu.memory_space<vmem>> -> memref<40xi32, #tpu.memory_space<vmem>>
          %dma_start3A_248 = arith.constant 0 : i32
          %dma_start3A_249 = arith.constant 0 : i32
          %dma_start3A_250 = tpu.memref_slice %arg2[%dma_start3A_248, %dma_start3A_249] : memref<10000x128xf32, #tpu.memory_space<hbm>> -> memref<10000x128xf32, #tpu.memory_space<hbm>>
          tpu.enqueue_indirect_dma source(%dma_start3A_250 : memref<10000x128xf32, #tpu.memory_space<hbm>>) target(%dma_start3A_244 : memref<40x128xf32, #tpu.memory_space<vmem>>) offsets(%dma_start3A_247 : memref<40xi32, #tpu.memory_space<vmem>>) semaphore(%arg21 : memref<!tpu.dma_semaphore, #tpu.memory_space<semaphore_mem>>)
          %dma_start3A_251 = arith.constant 1 : i32
          %dma_start3A_252 = arith.constant 0 : i32
          %dma_start3A_253 = arith.constant 0 : i32
          %dma_start3A_254 = tpu.memref_slice %arg14[%dma_start3A_251, %dma_start3A_252, %dma_start3A_253] : memref<2x40x128xf32, #tpu.memory_space<vmem>> -> memref<1x40x128xf32, #tpu.memory_space<vmem>>
          %dma_start3A_255 = tpu.memref_squeeze %dma_start3A_254 : memref<1x40x128xf32, #tpu.memory_space<vmem>> -> memref<40x128xf32, #tpu.memory_space<vmem>>
          %dma_start3A_256 = arith.constant 0 : i32
          %dma_start3A_257 = tpu.memref_slice %arg12[%add3A_239, %dma_start3A_256] : memref<50x40xi32, #tpu.memory_space<vmem>> -> memref<1x40xi32, #tpu.memory_space<vmem>>
          %dma_start3A_258 = tpu.memref_squeeze %dma_start3A_257 : memref<1x40xi32, #tpu.memory_space<vmem>> -> memref<40xi32, #tpu.memory_space<vmem>>
          %dma_start3A_259 = arith.constant 0 : i32
          %dma_start3A_260 = arith.constant 0 : i32
          %dma_start3A_261 = tpu.memref_slice %arg3[%dma_start3A_259, %dma_start3A_260] : memref<10000x128xf32, #tpu.memory_space<hbm>> -> memref<10000x128xf32, #tpu.memory_space<hbm>>
          tpu.enqueue_indirect_dma source(%dma_start3A_261 : memref<10000x128xf32, #tpu.memory_space<hbm>>) target(%dma_start3A_255 : memref<40x128xf32, #tpu.memory_space<vmem>>) offsets(%dma_start3A_258 : memref<40xi32, #tpu.memory_space<vmem>>) semaphore(%arg21 : memref<!tpu.dma_semaphore, #tpu.memory_space<semaphore_mem>>)
        } else {
        }
        %parallel_loop3A = arith.constant 0 : i32
        %parallel_loop3A_145 = arith.constant 40 : i32
        %parallel_loop3A_146 = arith.constant 1 : i32
        %parallel_loop3A_147 = arith.constant 0 : i32
        %parallel_loop3A_148 = arith.constant 0 : i32
        %parallel_loop3A_149 = arith.constant 0 : i32
        scf.for %parallel_loop3A_234 = %parallel_loop3A to %parallel_loop3A_145 step %parallel_loop3A_146  : i32 {
          %parallel_loop3A_235 = arith.constant 0.000000e+00 : f32
          %parallel_loop3A_236 = vector.broadcast %parallel_loop3A_235 : f32 to vector<16xf32>
          %parallel_loop3A_237 = arith.constant 0 : i32
          %parallel_loop3A_238 = arith.constant 0 : i32
          %parallel_loop3A_239 = tpu.memref_slice %arg13[%parallel_loop3A_147, %parallel_loop3A_237, %parallel_loop3A_238] : memref<2x40x128xf32, #tpu.memory_space<vmem>> -> memref<1x40x128xf32, #tpu.memory_space<vmem>>
          %parallel_loop3A_240 = tpu.memref_squeeze %parallel_loop3A_239 : memref<1x40x128xf32, #tpu.memory_space<vmem>> -> memref<40x128xf32, #tpu.memory_space<vmem>>
          %parallel_loop3A_241 = arith.index_cast %parallel_loop3A_234 : i32 to index
          %parallel_loop3A_242 = arith.constant 0 : index
          %parallel_loop3A_243 = tpu.vector_load %parallel_loop3A_240[%parallel_loop3A_241, %parallel_loop3A_242] {strides = array<i32>} : memref<40x128xf32, #tpu.memory_space<vmem>>, vector<16xf32>,
          %parallel_loop3A_244 = arith.constant 0 : i32
          %parallel_loop3A_245 = arith.constant 0 : i32
          %parallel_loop3A_246 = tpu.memref_slice %arg14[%parallel_loop3A_148, %parallel_loop3A_244, %parallel_loop3A_245] : memref<2x40x128xf32, #tpu.memory_space<vmem>> -> memref<1x40x128xf32, #tpu.memory_space<vmem>>
          %parallel_loop3A_247 = tpu.memref_squeeze %parallel_loop3A_246 : memref<1x40x128xf32, #tpu.memory_space<vmem>> -> memref<40x128xf32, #tpu.memory_space<vmem>>
          %parallel_loop3A_248 = arith.index_cast %parallel_loop3A_234 : i32 to index
          %parallel_loop3A_249 = arith.constant 0 : index
          %parallel_loop3A_250 = tpu.vector_load %parallel_loop3A_247[%parallel_loop3A_248, %parallel_loop3A_249] {strides = array<i32>} : memref<40x128xf32, #tpu.memory_space<vmem>>, vector<16xf32>,
          %parallel_loop3A_251 = arith.addf %parallel_loop3A_243, %parallel_loop3A_250 : vector<16xf32>
          %parallel_loop3A_252 = arith.constant 2.000000e-01 : f32
          %parallel_loop3A_253 = vector.broadcast %parallel_loop3A_252 : f32 to vector<16xf32>
          %parallel_loop3A_254 = arith.mulf %parallel_loop3A_251, %parallel_loop3A_253 : vector<16xf32>
          %parallel_loop3A_255 = arith.maximumf %parallel_loop3A_251, %parallel_loop3A_254 : vector<16xf32>
          %parallel_loop3A_256 = arith.mulf %parallel_loop3A_255, %get3A_1 : vector<16xf32>
          %parallel_loop3A_257 = arith.addf %parallel_loop3A_236, %parallel_loop3A_256 : vector<16xf32>
          %parallel_loop3A_258 = arith.constant 0 : i32
          %parallel_loop3A_259 = arith.constant 0 : i32
          %parallel_loop3A_260 = tpu.memref_slice %arg13[%parallel_loop3A_147, %parallel_loop3A_258, %parallel_loop3A_259] : memref<2x40x128xf32, #tpu.memory_space<vmem>> -> memref<1x40x128xf32, #tpu.memory_space<vmem>>
          %parallel_loop3A_261 = tpu.memref_squeeze %parallel_loop3A_260 : memref<1x40x128xf32, #tpu.memory_space<vmem>> -> memref<40x128xf32, #tpu.memory_space<vmem>>
          %parallel_loop3A_262 = arith.index_cast %parallel_loop3A_234 : i32 to index
          %parallel_loop3A_263 = arith.constant 16 : index
          %parallel_loop3A_264 = tpu.vector_load %parallel_loop3A_261[%parallel_loop3A_262, %parallel_loop3A_263] {strides = array<i32>} : memref<40x128xf32, #tpu.memory_space<vmem>>, vector<16xf32>,
          %parallel_loop3A_265 = arith.constant 0 : i32
          %parallel_loop3A_266 = arith.constant 0 : i32
          %parallel_loop3A_267 = tpu.memref_slice %arg14[%parallel_loop3A_148, %parallel_loop3A_265, %parallel_loop3A_266] : memref<2x40x128xf32, #tpu.memory_space<vmem>> -> memref<1x40x128xf32, #tpu.memory_space<vmem>>
          %parallel_loop3A_268 = tpu.memref_squeeze %parallel_loop3A_267 : memref<1x40x128xf32, #tpu.memory_space<vmem>> -> memref<40x128xf32, #tpu.memory_space<vmem>>
          %parallel_loop3A_269 = arith.index_cast %parallel_loop3A_234 : i32 to index
          %parallel_loop3A_270 = arith.constant 16 : index
          %parallel_loop3A_271 = tpu.vector_load %parallel_loop3A_268[%parallel_loop3A_269, %parallel_loop3A_270] {strides = array<i32>} : memref<40x128xf32, #tpu.memory_space<vmem>>, vector<16xf32>,
          %parallel_loop3A_272 = arith.addf %parallel_loop3A_264, %parallel_loop3A_271 : vector<16xf32>
          %parallel_loop3A_273 = arith.constant 2.000000e-01 : f32
          %parallel_loop3A_274 = vector.broadcast %parallel_loop3A_273 : f32 to vector<16xf32>
          %parallel_loop3A_275 = arith.mulf %parallel_loop3A_272, %parallel_loop3A_274 : vector<16xf32>
          %parallel_loop3A_276 = arith.maximumf %parallel_loop3A_272, %parallel_loop3A_275 : vector<16xf32>
          %parallel_loop3A_277 = arith.mulf %parallel_loop3A_276, %get3A_3 : vector<16xf32>
          %parallel_loop3A_278 = arith.addf %parallel_loop3A_257, %parallel_loop3A_277 : vector<16xf32>
          %parallel_loop3A_279 = arith.constant 0 : i32
          %parallel_loop3A_280 = arith.constant 0 : i32
          %parallel_loop3A_281 = tpu.memref_slice %arg13[%parallel_loop3A_147, %parallel_loop3A_279, %parallel_loop3A_280] : memref<2x40x128xf32, #tpu.memory_space<vmem>> -> memref<1x40x128xf32, #tpu.memory_space<vmem>>
          %parallel_loop3A_282 = tpu.memref_squeeze %parallel_loop3A_281 : memref<1x40x128xf32, #tpu.memory_space<vmem>> -> memref<40x128xf32, #tpu.memory_space<vmem>>
          %parallel_loop3A_283 = arith.index_cast %parallel_loop3A_234 : i32 to index
          %parallel_loop3A_284 = arith.constant 32 : index
          %parallel_loop3A_285 = tpu.vector_load %parallel_loop3A_282[%parallel_loop3A_283, %parallel_loop3A_284] {strides = array<i32>} : memref<40x128xf32, #tpu.memory_space<vmem>>, vector<16xf32>,
          %parallel_loop3A_286 = arith.constant 0 : i32
          %parallel_loop3A_287 = arith.constant 0 : i32
          %parallel_loop3A_288 = tpu.memref_slice %arg14[%parallel_loop3A_148, %parallel_loop3A_286, %parallel_loop3A_287] : memref<2x40x128xf32, #tpu.memory_space<vmem>> -> memref<1x40x128xf32, #tpu.memory_space<vmem>>
          %parallel_loop3A_289 = tpu.memref_squeeze %parallel_loop3A_288 : memref<1x40x128xf32, #tpu.memory_space<vmem>> -> memref<40x128xf32, #tpu.memory_space<vmem>>
          %parallel_loop3A_290 = arith.index_cast %parallel_loop3A_234 : i32 to index
          %parallel_loop3A_291 = arith.constant 32 : index
          %parallel_loop3A_292 = tpu.vector_load %parallel_loop3A_289[%parallel_loop3A_290, %parallel_loop3A_291] {strides = array<i32>} : memref<40x128xf32, #tpu.memory_space<vmem>>, vector<16xf32>,
          %parallel_loop3A_293 = arith.addf %parallel_loop3A_285, %parallel_loop3A_292 : vector<16xf32>
          %parallel_loop3A_294 = arith.constant 2.000000e-01 : f32
          %parallel_loop3A_295 = vector.broadcast %parallel_loop3A_294 : f32 to vector<16xf32>
          %parallel_loop3A_296 = arith.mulf %parallel_loop3A_293, %parallel_loop3A_295 : vector<16xf32>
          %parallel_loop3A_297 = arith.maximumf %parallel_loop3A_293, %parallel_loop3A_296 : vector<16xf32>
          %parallel_loop3A_298 = arith.mulf %parallel_loop3A_297, %get3A_5 : vector<16xf32>
          %parallel_loop3A_299 = arith.addf %parallel_loop3A_278, %parallel_loop3A_298 : vector<16xf32>
          %parallel_loop3A_300 = arith.constant 0 : i32
          %parallel_loop3A_301 = arith.constant 0 : i32
          %parallel_loop3A_302 = tpu.memref_slice %arg13[%parallel_loop3A_147, %parallel_loop3A_300, %parallel_loop3A_301] : memref<2x40x128xf32, #tpu.memory_space<vmem>> -> memref<1x40x128xf32, #tpu.memory_space<vmem>>
          %parallel_loop3A_303 = tpu.memref_squeeze %parallel_loop3A_302 : memref<1x40x128xf32, #tpu.memory_space<vmem>> -> memref<40x128xf32, #tpu.memory_space<vmem>>
          %parallel_loop3A_304 = arith.index_cast %parallel_loop3A_234 : i32 to index
          %parallel_loop3A_305 = arith.constant 48 : index
          %parallel_loop3A_306 = tpu.vector_load %parallel_loop3A_303[%parallel_loop3A_304, %parallel_loop3A_305] {strides = array<i32>} : memref<40x128xf32, #tpu.memory_space<vmem>>, vector<16xf32>,
          %parallel_loop3A_307 = arith.constant 0 : i32
          %parallel_loop3A_308 = arith.constant 0 : i32
          %parallel_loop3A_309 = tpu.memref_slice %arg14[%parallel_loop3A_148, %parallel_loop3A_307, %parallel_loop3A_308] : memref<2x40x128xf32, #tpu.memory_space<vmem>> -> memref<1x40x128xf32, #tpu.memory_space<vmem>>
          %parallel_loop3A_310 = tpu.memref_squeeze %parallel_loop3A_309 : memref<1x40x128xf32, #tpu.memory_space<vmem>> -> memref<40x128xf32, #tpu.memory_space<vmem>>
          %parallel_loop3A_311 = arith.index_cast %parallel_loop3A_234 : i32 to index
          %parallel_loop3A_312 = arith.constant 48 : index
          %parallel_loop3A_313 = tpu.vector_load %parallel_loop3A_310[%parallel_loop3A_311, %parallel_loop3A_312] {strides = array<i32>} : memref<40x128xf32, #tpu.memory_space<vmem>>, vector<16xf32>,
          %parallel_loop3A_314 = arith.addf %parallel_loop3A_306, %parallel_loop3A_313 : vector<16xf32>
          %parallel_loop3A_315 = arith.constant 2.000000e-01 : f32
          %parallel_loop3A_316 = vector.broadcast %parallel_loop3A_315 : f32 to vector<16xf32>
          %parallel_loop3A_317 = arith.mulf %parallel_loop3A_314, %parallel_loop3A_316 : vector<16xf32>
          %parallel_loop3A_318 = arith.maximumf %parallel_loop3A_314, %parallel_loop3A_317 : vector<16xf32>
          %parallel_loop3A_319 = arith.mulf %parallel_loop3A_318, %get3A_7 : vector<16xf32>
          %parallel_loop3A_320 = arith.addf %parallel_loop3A_299, %parallel_loop3A_319 : vector<16xf32>
          %parallel_loop3A_321 = arith.constant 0 : i32
          %parallel_loop3A_322 = arith.constant 0 : i32
          %parallel_loop3A_323 = tpu.memref_slice %arg13[%parallel_loop3A_147, %parallel_loop3A_321, %parallel_loop3A_322] : memref<2x40x128xf32, #tpu.memory_space<vmem>> -> memref<1x40x128xf32, #tpu.memory_space<vmem>>
          %parallel_loop3A_324 = tpu.memref_squeeze %parallel_loop3A_323 : memref<1x40x128xf32, #tpu.memory_space<vmem>> -> memref<40x128xf32, #tpu.memory_space<vmem>>
          %parallel_loop3A_325 = arith.index_cast %parallel_loop3A_234 : i32 to index
          %parallel_loop3A_326 = arith.constant 64 : index
          %parallel_loop3A_327 = tpu.vector_load %parallel_loop3A_324[%parallel_loop3A_325, %parallel_loop3A_326] {strides = array<i32>} : memref<40x128xf32, #tpu.memory_space<vmem>>, vector<16xf32>,
          %parallel_loop3A_328 = arith.constant 0 : i32
          %parallel_loop3A_329 = arith.constant 0 : i32
          %parallel_loop3A_330 = tpu.memref_slice %arg14[%parallel_loop3A_148, %parallel_loop3A_328, %parallel_loop3A_329] : memref<2x40x128xf32, #tpu.memory_space<vmem>> -> memref<1x40x128xf32, #tpu.memory_space<vmem>>
          %parallel_loop3A_331 = tpu.memref_squeeze %parallel_loop3A_330 : memref<1x40x128xf32, #tpu.memory_space<vmem>> -> memref<40x128xf32, #tpu.memory_space<vmem>>
          %parallel_loop3A_332 = arith.index_cast %parallel_loop3A_234 : i32 to index
          %parallel_loop3A_333 = arith.constant 64 : index
          %parallel_loop3A_334 = tpu.vector_load %parallel_loop3A_331[%parallel_loop3A_332, %parallel_loop3A_333] {strides = array<i32>} : memref<40x128xf32, #tpu.memory_space<vmem>>, vector<16xf32>,
          %parallel_loop3A_335 = arith.addf %parallel_loop3A_327, %parallel_loop3A_334 : vector<16xf32>
          %parallel_loop3A_336 = arith.constant 2.000000e-01 : f32
          %parallel_loop3A_337 = vector.broadcast %parallel_loop3A_336 : f32 to vector<16xf32>
          %parallel_loop3A_338 = arith.mulf %parallel_loop3A_335, %parallel_loop3A_337 : vector<16xf32>
          %parallel_loop3A_339 = arith.maximumf %parallel_loop3A_335, %parallel_loop3A_338 : vector<16xf32>
          %parallel_loop3A_340 = arith.mulf %parallel_loop3A_339, %get3A_9 : vector<16xf32>
          %parallel_loop3A_341 = arith.addf %parallel_loop3A_320, %parallel_loop3A_340 : vector<16xf32>
          %parallel_loop3A_342 = arith.constant 0 : i32
          %parallel_loop3A_343 = arith.constant 0 : i32
          %parallel_loop3A_344 = tpu.memref_slice %arg13[%parallel_loop3A_147, %parallel_loop3A_342, %parallel_loop3A_343] : memref<2x40x128xf32, #tpu.memory_space<vmem>> -> memref<1x40x128xf32, #tpu.memory_space<vmem>>
          %parallel_loop3A_345 = tpu.memref_squeeze %parallel_loop3A_344 : memref<1x40x128xf32, #tpu.memory_space<vmem>> -> memref<40x128xf32, #tpu.memory_space<vmem>>
          %parallel_loop3A_346 = arith.index_cast %parallel_loop3A_234 : i32 to index
          %parallel_loop3A_347 = arith.constant 80 : index
          %parallel_loop3A_348 = tpu.vector_load %parallel_loop3A_345[%parallel_loop3A_346, %parallel_loop3A_347] {strides = array<i32>} : memref<40x128xf32, #tpu.memory_space<vmem>>, vector<16xf32>,
          %parallel_loop3A_349 = arith.constant 0 : i32
          %parallel_loop3A_350 = arith.constant 0 : i32
          %parallel_loop3A_351 = tpu.memref_slice %arg14[%parallel_loop3A_148, %parallel_loop3A_349, %parallel_loop3A_350] : memref<2x40x128xf32, #tpu.memory_space<vmem>> -> memref<1x40x128xf32, #tpu.memory_space<vmem>>
          %parallel_loop3A_352 = tpu.memref_squeeze %parallel_loop3A_351 : memref<1x40x128xf32, #tpu.memory_space<vmem>> -> memref<40x128xf32, #tpu.memory_space<vmem>>
          %parallel_loop3A_353 = arith.index_cast %parallel_loop3A_234 : i32 to index
          %parallel_loop3A_354 = arith.constant 80 : index
          %parallel_loop3A_355 = tpu.vector_load %parallel_loop3A_352[%parallel_loop3A_353, %parallel_loop3A_354] {strides = array<i32>} : memref<40x128xf32, #tpu.memory_space<vmem>>, vector<16xf32>,
          %parallel_loop3A_356 = arith.addf %parallel_loop3A_348, %parallel_loop3A_355 : vector<16xf32>
          %parallel_loop3A_357 = arith.constant 2.000000e-01 : f32
          %parallel_loop3A_358 = vector.broadcast %parallel_loop3A_357 : f32 to vector<16xf32>
          %parallel_loop3A_359 = arith.mulf %parallel_loop3A_356, %parallel_loop3A_358 : vector<16xf32>
          %parallel_loop3A_360 = arith.maximumf %parallel_loop3A_356, %parallel_loop3A_359 : vector<16xf32>
          %parallel_loop3A_361 = arith.mulf %parallel_loop3A_360, %get3A_11 : vector<16xf32>
          %parallel_loop3A_362 = arith.addf %parallel_loop3A_341, %parallel_loop3A_361 : vector<16xf32>
          %parallel_loop3A_363 = arith.constant 0 : i32
          %parallel_loop3A_364 = arith.constant 0 : i32
          %parallel_loop3A_365 = tpu.memref_slice %arg13[%parallel_loop3A_147, %parallel_loop3A_363, %parallel_loop3A_364] : memref<2x40x128xf32, #tpu.memory_space<vmem>> -> memref<1x40x128xf32, #tpu.memory_space<vmem>>
          %parallel_loop3A_366 = tpu.memref_squeeze %parallel_loop3A_365 : memref<1x40x128xf32, #tpu.memory_space<vmem>> -> memref<40x128xf32, #tpu.memory_space<vmem>>
          %parallel_loop3A_367 = arith.index_cast %parallel_loop3A_234 : i32 to index
          %parallel_loop3A_368 = arith.constant 96 : index
          %parallel_loop3A_369 = tpu.vector_load %parallel_loop3A_366[%parallel_loop3A_367, %parallel_loop3A_368] {strides = array<i32>} : memref<40x128xf32, #tpu.memory_space<vmem>>, vector<16xf32>,
          %parallel_loop3A_370 = arith.constant 0 : i32
          %parallel_loop3A_371 = arith.constant 0 : i32
          %parallel_loop3A_372 = tpu.memref_slice %arg14[%parallel_loop3A_148, %parallel_loop3A_370, %parallel_loop3A_371] : memref<2x40x128xf32, #tpu.memory_space<vmem>> -> memref<1x40x128xf32, #tpu.memory_space<vmem>>
          %parallel_loop3A_373 = tpu.memref_squeeze %parallel_loop3A_372 : memref<1x40x128xf32, #tpu.memory_space<vmem>> -> memref<40x128xf32, #tpu.memory_space<vmem>>
          %parallel_loop3A_374 = arith.index_cast %parallel_loop3A_234 : i32 to index
          %parallel_loop3A_375 = arith.constant 96 : index
          %parallel_loop3A_376 = tpu.vector_load %parallel_loop3A_373[%parallel_loop3A_374, %parallel_loop3A_375] {strides = array<i32>} : memref<40x128xf32, #tpu.memory_space<vmem>>, vector<16xf32>,
          %parallel_loop3A_377 = arith.addf %parallel_loop3A_369, %parallel_loop3A_376 : vector<16xf32>
          %parallel_loop3A_378 = arith.constant 2.000000e-01 : f32
          %parallel_loop3A_379 = vector.broadcast %parallel_loop3A_378 : f32 to vector<16xf32>
          %parallel_loop3A_380 = arith.mulf %parallel_loop3A_377, %parallel_loop3A_379 : vector<16xf32>
          %parallel_loop3A_381 = arith.maximumf %parallel_loop3A_377, %parallel_loop3A_380 : vector<16xf32>
          %parallel_loop3A_382 = arith.mulf %parallel_loop3A_381, %get3A_13 : vector<16xf32>
          %parallel_loop3A_383 = arith.addf %parallel_loop3A_362, %parallel_loop3A_382 : vector<16xf32>
          %parallel_loop3A_384 = arith.constant 0 : i32
          %parallel_loop3A_385 = arith.constant 0 : i32
          %parallel_loop3A_386 = tpu.memref_slice %arg13[%parallel_loop3A_147, %parallel_loop3A_384, %parallel_loop3A_385] : memref<2x40x128xf32, #tpu.memory_space<vmem>> -> memref<1x40x128xf32, #tpu.memory_space<vmem>>
          %parallel_loop3A_387 = tpu.memref_squeeze %parallel_loop3A_386 : memref<1x40x128xf32, #tpu.memory_space<vmem>> -> memref<40x128xf32, #tpu.memory_space<vmem>>
          %parallel_loop3A_388 = arith.index_cast %parallel_loop3A_234 : i32 to index
          %parallel_loop3A_389 = arith.constant 112 : index
          %parallel_loop3A_390 = tpu.vector_load %parallel_loop3A_387[%parallel_loop3A_388, %parallel_loop3A_389] {strides = array<i32>} : memref<40x128xf32, #tpu.memory_space<vmem>>, vector<16xf32>,
          %parallel_loop3A_391 = arith.constant 0 : i32
          %parallel_loop3A_392 = arith.constant 0 : i32
          %parallel_loop3A_393 = tpu.memref_slice %arg14[%parallel_loop3A_148, %parallel_loop3A_391, %parallel_loop3A_392] : memref<2x40x128xf32, #tpu.memory_space<vmem>> -> memref<1x40x128xf32, #tpu.memory_space<vmem>>
          %parallel_loop3A_394 = tpu.memref_squeeze %parallel_loop3A_393 : memref<1x40x128xf32, #tpu.memory_space<vmem>> -> memref<40x128xf32, #tpu.memory_space<vmem>>
          %parallel_loop3A_395 = arith.index_cast %parallel_loop3A_234 : i32 to index
          %parallel_loop3A_396 = arith.constant 112 : index
          %parallel_loop3A_397 = tpu.vector_load %parallel_loop3A_394[%parallel_loop3A_395, %parallel_loop3A_396] {strides = array<i32>} : memref<40x128xf32, #tpu.memory_space<vmem>>, vector<16xf32>,
          %parallel_loop3A_398 = arith.addf %parallel_loop3A_390, %parallel_loop3A_397 : vector<16xf32>
          %parallel_loop3A_399 = arith.constant 2.000000e-01 : f32
          %parallel_loop3A_400 = vector.broadcast %parallel_loop3A_399 : f32 to vector<16xf32>
          %parallel_loop3A_401 = arith.mulf %parallel_loop3A_398, %parallel_loop3A_400 : vector<16xf32>
          %parallel_loop3A_402 = arith.maximumf %parallel_loop3A_398, %parallel_loop3A_401 : vector<16xf32>
          %parallel_loop3A_403 = arith.mulf %parallel_loop3A_402, %get3A_15 : vector<16xf32>
          %parallel_loop3A_404 = arith.addf %parallel_loop3A_383, %parallel_loop3A_403 : vector<16xf32>
          %parallel_loop3A_405 = arith.constant true
          %parallel_loop3A_406 = vector.broadcast %parallel_loop3A_405 : i1 to vector<16xi1>
          %parallel_loop3A_407 = tpu.scan <sum>, %parallel_loop3A_404 masked %parallel_loop3A_406 : vector<16xf32>, vector<16xi1> -> vector<16xf32>
          %parallel_loop3A_408 = vector.extract %parallel_loop3A_407[15] : f32 from vector<16xf32>
          %parallel_loop3A_409 = vector.broadcast %parallel_loop3A_408 : f32 to vector<16xf32>
          %parallel_loop3A_410 = math.exp %parallel_loop3A_409 : vector<16xf32>
          %parallel_loop3A_411 = arith.constant 0 : i32
          %parallel_loop3A_412 = arith.constant 0 : i32
          %parallel_loop3A_413 = tpu.memref_slice %arg16[%parallel_loop3A_149, %parallel_loop3A_411, %parallel_loop3A_412] : memref<2x40x16xf32, #tpu.memory_space<vmem>> -> memref<1x40x16xf32, #tpu.memory_space<vmem>>
          %parallel_loop3A_414 = tpu.memref_squeeze %parallel_loop3A_413 : memref<1x40x16xf32, #tpu.memory_space<vmem>> -> memref<40x16xf32, #tpu.memory_space<vmem>>
          %parallel_loop3A_415 = arith.index_cast %parallel_loop3A_234 : i32 to index
          %parallel_loop3A_416 = arith.constant 0 : index
          %parallel_loop3A_417 = tpu.vector_load %parallel_loop3A_414[%parallel_loop3A_415, %parallel_loop3A_416] {strides = array<i32>} : memref<40x16xf32, #tpu.memory_space<vmem>>, vector<16xf32>,
          tpu.vector_store %parallel_loop3A_414[%parallel_loop3A_415, %parallel_loop3A_416], %parallel_loop3A_410 {strides = array<i32>} : memref<40x16xf32, #tpu.memory_space<vmem>>, vector<16xf32>,
          %parallel_loop3A_418 = arith.mulf %parallel_loop3A_243, %parallel_loop3A_410 : vector<16xf32>
          %parallel_loop3A_419 = arith.constant 0 : i32
          %parallel_loop3A_420 = arith.constant 0 : i32
          %parallel_loop3A_421 = tpu.memref_slice %arg14[%parallel_loop3A_148, %parallel_loop3A_419, %parallel_loop3A_420] : memref<2x40x128xf32, #tpu.memory_space<vmem>> -> memref<1x40x128xf32, #tpu.memory_space<vmem>>
          %parallel_loop3A_422 = tpu.memref_squeeze %parallel_loop3A_421 : memref<1x40x128xf32, #tpu.memory_space<vmem>> -> memref<40x128xf32, #tpu.memory_space<vmem>>
          %parallel_loop3A_423 = arith.index_cast %parallel_loop3A_234 : i32 to index
          %parallel_loop3A_424 = arith.constant 0 : index
          %parallel_loop3A_425 = tpu.vector_load %parallel_loop3A_422[%parallel_loop3A_423, %parallel_loop3A_424] {strides = array<i32>} : memref<40x128xf32, #tpu.memory_space<vmem>>, vector<16xf32>,
          tpu.vector_store %parallel_loop3A_422[%parallel_loop3A_423, %parallel_loop3A_424], %parallel_loop3A_418 {strides = array<i32>} : memref<40x128xf32, #tpu.memory_space<vmem>>, vector<16xf32>,
          %parallel_loop3A_426 = arith.mulf %parallel_loop3A_264, %parallel_loop3A_410 : vector<16xf32>
          %parallel_loop3A_427 = arith.constant 0 : i32
          %parallel_loop3A_428 = arith.constant 0 : i32
          %parallel_loop3A_429 = tpu.memref_slice %arg14[%parallel_loop3A_148, %parallel_loop3A_427, %parallel_loop3A_428] : memref<2x40x128xf32, #tpu.memory_space<vmem>> -> memref<1x40x128xf32, #tpu.memory_space<vmem>>
          %parallel_loop3A_430 = tpu.memref_squeeze %parallel_loop3A_429 : memref<1x40x128xf32, #tpu.memory_space<vmem>> -> memref<40x128xf32, #tpu.memory_space<vmem>>
          %parallel_loop3A_431 = arith.index_cast %parallel_loop3A_234 : i32 to index
          %parallel_loop3A_432 = arith.constant 16 : index
          %parallel_loop3A_433 = tpu.vector_load %parallel_loop3A_430[%parallel_loop3A_431, %parallel_loop3A_432] {strides = array<i32>} : memref<40x128xf32, #tpu.memory_space<vmem>>, vector<16xf32>,
          tpu.vector_store %parallel_loop3A_430[%parallel_loop3A_431, %parallel_loop3A_432], %parallel_loop3A_426 {strides = array<i32>} : memref<40x128xf32, #tpu.memory_space<vmem>>, vector<16xf32>,
          %parallel_loop3A_434 = arith.mulf %parallel_loop3A_285, %parallel_loop3A_410 : vector<16xf32>
          %parallel_loop3A_435 = arith.constant 0 : i32
          %parallel_loop3A_436 = arith.constant 0 : i32
          %parallel_loop3A_437 = tpu.memref_slice %arg14[%parallel_loop3A_148, %parallel_loop3A_435, %parallel_loop3A_436] : memref<2x40x128xf32, #tpu.memory_space<vmem>> -> memref<1x40x128xf32, #tpu.memory_space<vmem>>
          %parallel_loop3A_438 = tpu.memref_squeeze %parallel_loop3A_437 : memref<1x40x128xf32, #tpu.memory_space<vmem>> -> memref<40x128xf32, #tpu.memory_space<vmem>>
          %parallel_loop3A_439 = arith.index_cast %parallel_loop3A_234 : i32 to index
          %parallel_loop3A_440 = arith.constant 32 : index
          %parallel_loop3A_441 = tpu.vector_load %parallel_loop3A_438[%parallel_loop3A_439, %parallel_loop3A_440] {strides = array<i32>} : memref<40x128xf32, #tpu.memory_space<vmem>>, vector<16xf32>,
          tpu.vector_store %parallel_loop3A_438[%parallel_loop3A_439, %parallel_loop3A_440], %parallel_loop3A_434 {strides = array<i32>} : memref<40x128xf32, #tpu.memory_space<vmem>>, vector<16xf32>,
          %parallel_loop3A_442 = arith.mulf %parallel_loop3A_306, %parallel_loop3A_410 : vector<16xf32>
          %parallel_loop3A_443 = arith.constant 0 : i32
          %parallel_loop3A_444 = arith.constant 0 : i32
          %parallel_loop3A_445 = tpu.memref_slice %arg14[%parallel_loop3A_148, %parallel_loop3A_443, %parallel_loop3A_444] : memref<2x40x128xf32, #tpu.memory_space<vmem>> -> memref<1x40x128xf32, #tpu.memory_space<vmem>>
          %parallel_loop3A_446 = tpu.memref_squeeze %parallel_loop3A_445 : memref<1x40x128xf32, #tpu.memory_space<vmem>> -> memref<40x128xf32, #tpu.memory_space<vmem>>
          %parallel_loop3A_447 = arith.index_cast %parallel_loop3A_234 : i32 to index
          %parallel_loop3A_448 = arith.constant 48 : index
          %parallel_loop3A_449 = tpu.vector_load %parallel_loop3A_446[%parallel_loop3A_447, %parallel_loop3A_448] {strides = array<i32>} : memref<40x128xf32, #tpu.memory_space<vmem>>, vector<16xf32>,
          tpu.vector_store %parallel_loop3A_446[%parallel_loop3A_447, %parallel_loop3A_448], %parallel_loop3A_442 {strides = array<i32>} : memref<40x128xf32, #tpu.memory_space<vmem>>, vector<16xf32>,
          %parallel_loop3A_450 = arith.mulf %parallel_loop3A_327, %parallel_loop3A_410 : vector<16xf32>
          %parallel_loop3A_451 = arith.constant 0 : i32
          %parallel_loop3A_452 = arith.constant 0 : i32
          %parallel_loop3A_453 = tpu.memref_slice %arg14[%parallel_loop3A_148, %parallel_loop3A_451, %parallel_loop3A_452] : memref<2x40x128xf32, #tpu.memory_space<vmem>> -> memref<1x40x128xf32, #tpu.memory_space<vmem>>
          %parallel_loop3A_454 = tpu.memref_squeeze %parallel_loop3A_453 : memref<1x40x128xf32, #tpu.memory_space<vmem>> -> memref<40x128xf32, #tpu.memory_space<vmem>>
          %parallel_loop3A_455 = arith.index_cast %parallel_loop3A_234 : i32 to index
          %parallel_loop3A_456 = arith.constant 64 : index
          %parallel_loop3A_457 = tpu.vector_load %parallel_loop3A_454[%parallel_loop3A_455, %parallel_loop3A_456] {strides = array<i32>} : memref<40x128xf32, #tpu.memory_space<vmem>>, vector<16xf32>,
          tpu.vector_store %parallel_loop3A_454[%parallel_loop3A_455, %parallel_loop3A_456], %parallel_loop3A_450 {strides = array<i32>} : memref<40x128xf32, #tpu.memory_space<vmem>>, vector<16xf32>,
          %parallel_loop3A_458 = arith.mulf %parallel_loop3A_348, %parallel_loop3A_410 : vector<16xf32>
          %parallel_loop3A_459 = arith.constant 0 : i32
          %parallel_loop3A_460 = arith.constant 0 : i32
          %parallel_loop3A_461 = tpu.memref_slice %arg14[%parallel_loop3A_148, %parallel_loop3A_459, %parallel_loop3A_460] : memref<2x40x128xf32, #tpu.memory_space<vmem>> -> memref<1x40x128xf32, #tpu.memory_space<vmem>>
          %parallel_loop3A_462 = tpu.memref_squeeze %parallel_loop3A_461 : memref<1x40x128xf32, #tpu.memory_space<vmem>> -> memref<40x128xf32, #tpu.memory_space<vmem>>
          %parallel_loop3A_463 = arith.index_cast %parallel_loop3A_234 : i32 to index
          %parallel_loop3A_464 = arith.constant 80 : index
          %parallel_loop3A_465 = tpu.vector_load %parallel_loop3A_462[%parallel_loop3A_463, %parallel_loop3A_464] {strides = array<i32>} : memref<40x128xf32, #tpu.memory_space<vmem>>, vector<16xf32>,
          tpu.vector_store %parallel_loop3A_462[%parallel_loop3A_463, %parallel_loop3A_464], %parallel_loop3A_458 {strides = array<i32>} : memref<40x128xf32, #tpu.memory_space<vmem>>, vector<16xf32>,
          %parallel_loop3A_466 = arith.mulf %parallel_loop3A_369, %parallel_loop3A_410 : vector<16xf32>
          %parallel_loop3A_467 = arith.constant 0 : i32
          %parallel_loop3A_468 = arith.constant 0 : i32
          %parallel_loop3A_469 = tpu.memref_slice %arg14[%parallel_loop3A_148, %parallel_loop3A_467, %parallel_loop3A_468] : memref<2x40x128xf32, #tpu.memory_space<vmem>> -> memref<1x40x128xf32, #tpu.memory_space<vmem>>
          %parallel_loop3A_470 = tpu.memref_squeeze %parallel_loop3A_469 : memref<1x40x128xf32, #tpu.memory_space<vmem>> -> memref<40x128xf32, #tpu.memory_space<vmem>>
          %parallel_loop3A_471 = arith.index_cast %parallel_loop3A_234 : i32 to index
          %parallel_loop3A_472 = arith.constant 96 : index
          %parallel_loop3A_473 = tpu.vector_load %parallel_loop3A_470[%parallel_loop3A_471, %parallel_loop3A_472] {strides = array<i32>} : memref<40x128xf32, #tpu.memory_space<vmem>>, vector<16xf32>,
          tpu.vector_store %parallel_loop3A_470[%parallel_loop3A_471, %parallel_loop3A_472], %parallel_loop3A_466 {strides = array<i32>} : memref<40x128xf32, #tpu.memory_space<vmem>>, vector<16xf32>,
          %parallel_loop3A_474 = arith.mulf %parallel_loop3A_390, %parallel_loop3A_410 : vector<16xf32>
          %parallel_loop3A_475 = arith.constant 0 : i32
          %parallel_loop3A_476 = arith.constant 0 : i32
          %parallel_loop3A_477 = tpu.memref_slice %arg14[%parallel_loop3A_148, %parallel_loop3A_475, %parallel_loop3A_476] : memref<2x40x128xf32, #tpu.memory_space<vmem>> -> memref<1x40x128xf32, #tpu.memory_space<vmem>>
          %parallel_loop3A_478 = tpu.memref_squeeze %parallel_loop3A_477 : memref<1x40x128xf32, #tpu.memory_space<vmem>> -> memref<40x128xf32, #tpu.memory_space<vmem>>
          %parallel_loop3A_479 = arith.index_cast %parallel_loop3A_234 : i32 to index
          %parallel_loop3A_480 = arith.constant 112 : index
          %parallel_loop3A_481 = tpu.vector_load %parallel_loop3A_478[%parallel_loop3A_479, %parallel_loop3A_480] {strides = array<i32>} : memref<40x128xf32, #tpu.memory_space<vmem>>, vector<16xf32>,
          tpu.vector_store %parallel_loop3A_478[%parallel_loop3A_479, %parallel_loop3A_480], %parallel_loop3A_474 {strides = array<i32>} : memref<40x128xf32, #tpu.memory_space<vmem>>, vector<16xf32>,
        } {sc.loop_unroll_factor = 4 : i64, sc.parallel_access}
        %dma_start3A_150 = arith.constant 0 : i32
        %dma_start3A_151 = arith.constant 0 : i32
        %dma_start3A_152 = arith.constant 0 : i32
        %dma_start3A_153 = tpu.memref_slice %arg14[%dma_start3A_150, %dma_start3A_151, %dma_start3A_152] : memref<2x40x128xf32, #tpu.memory_space<vmem>> -> memref<1x40x128xf32, #tpu.memory_space<vmem>>
        %dma_start3A_154 = tpu.memref_squeeze %dma_start3A_153 : memref<1x40x128xf32, #tpu.memory_space<vmem>> -> memref<40x128xf32, #tpu.memory_space<vmem>>
        %dma_start3A_155 = arith.constant 0 : i32
        %dma_start3A_156 = tpu.memref_slice %arg12[%add3A_115, %dma_start3A_155] : memref<50x40xi32, #tpu.memory_space<vmem>> -> memref<1x40xi32, #tpu.memory_space<vmem>>
        %dma_start3A_157 = tpu.memref_squeeze %dma_start3A_156 : memref<1x40xi32, #tpu.memory_space<vmem>> -> memref<40xi32, #tpu.memory_space<vmem>>
        %dma_start3A_158 = arith.constant 0 : i32
        %dma_start3A_159 = arith.constant 0 : i32
        %dma_start3A_160 = tpu.memref_slice %arg18[%dma_start3A_158, %dma_start3A_159] : memref<10000x128xf32, #tpu.memory_space<vmem_shared>> -> memref<10000x128xf32, #tpu.memory_space<vmem_shared>>
        tpu.enqueue_indirect_dma source(%dma_start3A_154 : memref<40x128xf32, #tpu.memory_space<vmem>>) target(%dma_start3A_160 : memref<10000x128xf32, #tpu.memory_space<vmem_shared>>) offsets(%dma_start3A_157 : memref<40xi32, #tpu.memory_space<vmem>>) semaphore(%arg22 : memref<!tpu.dma_semaphore, #tpu.memory_space<semaphore_mem>>) {add = true}
        %dma_start3A_161 = arith.constant 0 : i32
        %dma_start3A_162 = arith.constant 0 : i32
        %dma_start3A_163 = arith.constant 0 : i32
        %dma_start3A_164 = tpu.memref_slice %arg16[%dma_start3A_161, %dma_start3A_162, %dma_start3A_163] : memref<2x40x16xf32, #tpu.memory_space<vmem>> -> memref<1x40x16xf32, #tpu.memory_space<vmem>>
        %dma_start3A_165 = tpu.memref_squeeze %dma_start3A_164 : memref<1x40x16xf32, #tpu.memory_space<vmem>> -> memref<40x16xf32, #tpu.memory_space<vmem>>
        %dma_start3A_166 = arith.constant 0 : i32
        %dma_start3A_167 = tpu.memref_slice %arg12[%add3A_115, %dma_start3A_166] : memref<50x40xi32, #tpu.memory_space<vmem>> -> memref<1x40xi32, #tpu.memory_space<vmem>>
        %dma_start3A_168 = tpu.memref_squeeze %dma_start3A_167 : memref<1x40xi32, #tpu.memory_space<vmem>> -> memref<40xi32, #tpu.memory_space<vmem>>
        %dma_start3A_169 = arith.constant 0 : i32
        %dma_start3A_170 = arith.constant 0 : i32
        %dma_start3A_171 = tpu.memref_slice %arg19[%dma_start3A_169, %dma_start3A_170] : memref<10000x16xf32, #tpu.memory_space<vmem_shared>> -> memref<10000x16xf32, #tpu.memory_space<vmem_shared>>
        tpu.enqueue_indirect_dma source(%dma_start3A_165 : memref<40x16xf32, #tpu.memory_space<vmem>>) target(%dma_start3A_171 : memref<10000x16xf32, #tpu.memory_space<vmem_shared>>) offsets(%dma_start3A_168 : memref<40xi32, #tpu.memory_space<vmem>>) semaphore(%arg22 : memref<!tpu.dma_semaphore, #tpu.memory_space<semaphore_mem>>) {add = true}
        %mul3A_172 = arith.constant 2 : i32
        %mul3A_173 = arith.muli %mul3A_172, %scan3A_110 : i32
        %add3A_174 = arith.constant 1 : i32
        %add3A_175 = arith.addi %mul3A_173, %add3A_174 : i32
        %dma_wait3A_176 = arith.constant 0 : i32
        %dma_wait3A_177 = arith.constant 1 : i32
        %dma_wait3A_178 = arith.constant 0 : i32
        %dma_wait3A_179 = arith.constant 0 : i32
        %dma_wait3A_180 = tpu.memref_slice %arg13[%dma_wait3A_177, %dma_wait3A_178, %dma_wait3A_179] : memref<2x40x128xf32, #tpu.memory_space<vmem>> -> memref<1x40x128xf32, #tpu.memory_space<vmem>>
        %dma_wait3A_181 = tpu.memref_squeeze %dma_wait3A_180 : memref<1x40x128xf32, #tpu.memory_space<vmem>> -> memref<40x128xf32, #tpu.memory_space<vmem>>
        %dma_wait3A_182 = arith.constant 0 : i32
        %dma_wait3A_183 = tpu.memref_slice %arg11[%dma_wait3A_176, %dma_wait3A_182] : memref<50x40xi32, #tpu.memory_space<vmem>> -> memref<1x40xi32, #tpu.memory_space<vmem>>
        %dma_wait3A_184 = tpu.memref_squeeze %dma_wait3A_183 : memref<1x40xi32, #tpu.memory_space<vmem>> -> memref<40xi32, #tpu.memory_space<vmem>>
        %dma_wait3A_185 = arith.constant 0 : i32
        %dma_wait3A_186 = arith.constant 0 : i32
        %dma_wait3A_187 = tpu.memref_slice %arg2[%dma_wait3A_185, %dma_wait3A_186] : memref<10000x128xf32, #tpu.memory_space<hbm>> -> memref<10000x128xf32, #tpu.memory_space<hbm>>
        tpu.wait_indirect_dma semaphore(%arg21 : memref<!tpu.dma_semaphore, #tpu.memory_space<semaphore_mem>>) src(%dma_wait3A_187 : memref<10000x128xf32, #tpu.memory_space<hbm>>) dst(%dma_wait3A_181 : memref<40x128xf32, #tpu.memory_space<vmem>>)
        %dma_wait3A_188 = arith.constant 0 : i32
        %dma_wait3A_189 = arith.constant 1 : i32
        %dma_wait3A_190 = arith.constant 0 : i32
        %dma_wait3A_191 = arith.constant 0 : i32
        %dma_wait3A_192 = tpu.memref_slice %arg14[%dma_wait3A_189, %dma_wait3A_190, %dma_wait3A_191] : memref<2x40x128xf32, #tpu.memory_space<vmem>> -> memref<1x40x128xf32, #tpu.memory_space<vmem>>
        %dma_wait3A_193 = tpu.memref_squeeze %dma_wait3A_192 : memref<1x40x128xf32, #tpu.memory_space<vmem>> -> memref<40x128xf32, #tpu.memory_space<vmem>>
        %dma_wait3A_194 = arith.constant 0 : i32
        %dma_wait3A_195 = tpu.memref_slice %arg12[%dma_wait3A_188, %dma_wait3A_194] : memref<50x40xi32, #tpu.memory_space<vmem>> -> memref<1x40xi32, #tpu.memory_space<vmem>>
        %dma_wait3A_196 = tpu.memref_squeeze %dma_wait3A_195 : memref<1x40xi32, #tpu.memory_space<vmem>> -> memref<40xi32, #tpu.memory_space<vmem>>
        %dma_wait3A_197 = arith.constant 0 : i32
        %dma_wait3A_198 = arith.constant 0 : i32
        %dma_wait3A_199 = tpu.memref_slice %arg3[%dma_wait3A_197, %dma_wait3A_198] : memref<10000x128xf32, #tpu.memory_space<hbm>> -> memref<10000x128xf32, #tpu.memory_space<hbm>>
        tpu.wait_indirect_dma semaphore(%arg21 : memref<!tpu.dma_semaphore, #tpu.memory_space<semaphore_mem>>) src(%dma_wait3A_199 : memref<10000x128xf32, #tpu.memory_space<hbm>>) dst(%dma_wait3A_193 : memref<40x128xf32, #tpu.memory_space<vmem>>)
        %lt3A_200 = arith.constant 49 : i32
        %lt3A_201 = arith.cmpi slt, %add3A_175, %lt3A_200 : i32
        %convert_element_type3A_202 = arith.extui %lt3A_201 : i1 to i32
        %cond3A_203 = arith.constant 0 : i32
        %cond3A_204 = arith.cmpi ne, %convert_element_type3A_202, %cond3A_203 : i32
        scf.if %cond3A_204 {
          %ge3A = arith.constant 1 : i32
          %ge3A_234 = arith.cmpi sge, %add3A_175, %ge3A : i32
          %convert_element_type3A_235 = arith.extui %ge3A_234 : i1 to i32
          %cond3A_236 = arith.constant 0 : i32
          %cond3A_237 = arith.cmpi ne, %convert_element_type3A_235, %cond3A_236 : i32
          scf.if %cond3A_237 {
            %dma_wait3A_262 = arith.constant 0 : i32
            %dma_wait3A_263 = arith.constant 0 : i32
            %dma_wait3A_264 = arith.constant 0 : i32
            %dma_wait3A_265 = arith.constant 0 : i32
            %dma_wait3A_266 = tpu.memref_slice %arg14[%dma_wait3A_262, %dma_wait3A_264, %dma_wait3A_265] : memref<2x40x128xf32, #tpu.memory_space<vmem>> -> memref<1x40x128xf32, #tpu.memory_space<vmem>>
            %dma_wait3A_267 = tpu.memref_squeeze %dma_wait3A_266 : memref<1x40x128xf32, #tpu.memory_space<vmem>> -> memref<40x128xf32, #tpu.memory_space<vmem>>
            %dma_wait3A_268 = arith.constant 0 : i32
            %dma_wait3A_269 = tpu.memref_slice %arg12[%dma_wait3A_263, %dma_wait3A_268] : memref<50x40xi32, #tpu.memory_space<vmem>> -> memref<1x40xi32, #tpu.memory_space<vmem>>
            %dma_wait3A_270 = tpu.memref_squeeze %dma_wait3A_269 : memref<1x40xi32, #tpu.memory_space<vmem>> -> memref<40xi32, #tpu.memory_space<vmem>>
            %dma_wait3A_271 = arith.constant 0 : i32
            %dma_wait3A_272 = arith.constant 0 : i32
            %dma_wait3A_273 = tpu.memref_slice %arg18[%dma_wait3A_271, %dma_wait3A_272] : memref<10000x128xf32, #tpu.memory_space<vmem_shared>> -> memref<10000x128xf32, #tpu.memory_space<vmem_shared>>
            tpu.wait_indirect_dma semaphore(%arg22 : memref<!tpu.dma_semaphore, #tpu.memory_space<semaphore_mem>>) src(%dma_wait3A_267 : memref<40x128xf32, #tpu.memory_space<vmem>>) dst(%dma_wait3A_273 : memref<10000x128xf32, #tpu.memory_space<vmem_shared>>)
            %dma_wait3A_274 = arith.constant 0 : i32
            %dma_wait3A_275 = arith.constant 0 : i32
            %dma_wait3A_276 = arith.constant 0 : i32
            %dma_wait3A_277 = arith.constant 0 : i32
            %dma_wait3A_278 = tpu.memref_slice %arg16[%dma_wait3A_274, %dma_wait3A_276, %dma_wait3A_277] : memref<2x40x16xf32, #tpu.memory_space<vmem>> -> memref<1x40x16xf32, #tpu.memory_space<vmem>>
            %dma_wait3A_279 = tpu.memref_squeeze %dma_wait3A_278 : memref<1x40x16xf32, #tpu.memory_space<vmem>> -> memref<40x16xf32, #tpu.memory_space<vmem>>
            %dma_wait3A_280 = arith.constant 0 : i32
            %dma_wait3A_281 = tpu.memref_slice %arg12[%dma_wait3A_275, %dma_wait3A_280] : memref<50x40xi32, #tpu.memory_space<vmem>> -> memref<1x40xi32, #tpu.memory_space<vmem>>
            %dma_wait3A_282 = tpu.memref_squeeze %dma_wait3A_281 : memref<1x40xi32, #tpu.memory_space<vmem>> -> memref<40xi32, #tpu.memory_space<vmem>>
            %dma_wait3A_283 = arith.constant 0 : i32
            %dma_wait3A_284 = arith.constant 0 : i32
            %dma_wait3A_285 = tpu.memref_slice %arg19[%dma_wait3A_283, %dma_wait3A_284] : memref<10000x16xf32, #tpu.memory_space<vmem_shared>> -> memref<10000x16xf32, #tpu.memory_space<vmem_shared>>
            tpu.wait_indirect_dma semaphore(%arg22 : memref<!tpu.dma_semaphore, #tpu.memory_space<semaphore_mem>>) src(%dma_wait3A_279 : memref<40x16xf32, #tpu.memory_space<vmem>>) dst(%dma_wait3A_285 : memref<10000x16xf32, #tpu.memory_space<vmem_shared>>)
          } else {
          }
          %add3A_238 = arith.constant 1 : i32
          %add3A_239 = arith.addi %add3A_175, %add3A_238 : i32
          %dma_start3A_240 = arith.constant 0 : i32
          %dma_start3A_241 = arith.constant 0 : i32
          %dma_start3A_242 = arith.constant 0 : i32
          %dma_start3A_243 = tpu.memref_slice %arg13[%dma_start3A_240, %dma_start3A_241, %dma_start3A_242] : memref<2x40x128xf32, #tpu.memory_space<vmem>> -> memref<1x40x128xf32, #tpu.memory_space<vmem>>
          %dma_start3A_244 = tpu.memref_squeeze %dma_start3A_243 : memref<1x40x128xf32, #tpu.memory_space<vmem>> -> memref<40x128xf32, #tpu.memory_space<vmem>>
          %dma_start3A_245 = arith.constant 0 : i32
          %dma_start3A_246 = tpu.memref_slice %arg11[%add3A_239, %dma_start3A_245] : memref<50x40xi32, #tpu.memory_space<vmem>> -> memref<1x40xi32, #tpu.memory_space<vmem>>
          %dma_start3A_247 = tpu.memref_squeeze %dma_start3A_246 : memref<1x40xi32, #tpu.memory_space<vmem>> -> memref<40xi32, #tpu.memory_space<vmem>>
          %dma_start3A_248 = arith.constant 0 : i32
          %dma_start3A_249 = arith.constant 0 : i32
          %dma_start3A_250 = tpu.memref_slice %arg2[%dma_start3A_248, %dma_start3A_249] : memref<10000x128xf32, #tpu.memory_space<hbm>> -> memref<10000x128xf32, #tpu.memory_space<hbm>>
          tpu.enqueue_indirect_dma source(%dma_start3A_250 : memref<10000x128xf32, #tpu.memory_space<hbm>>) target(%dma_start3A_244 : memref<40x128xf32, #tpu.memory_space<vmem>>) offsets(%dma_start3A_247 : memref<40xi32, #tpu.memory_space<vmem>>) semaphore(%arg20 : memref<!tpu.dma_semaphore, #tpu.memory_space<semaphore_mem>>)
          %dma_start3A_251 = arith.constant 0 : i32
          %dma_start3A_252 = arith.constant 0 : i32
          %dma_start3A_253 = arith.constant 0 : i32
          %dma_start3A_254 = tpu.memref_slice %arg14[%dma_start3A_251, %dma_start3A_252, %dma_start3A_253] : memref<2x40x128xf32, #tpu.memory_space<vmem>> -> memref<1x40x128xf32, #tpu.memory_space<vmem>>
          %dma_start3A_255 = tpu.memref_squeeze %dma_start3A_254 : memref<1x40x128xf32, #tpu.memory_space<vmem>> -> memref<40x128xf32, #tpu.memory_space<vmem>>
          %dma_start3A_256 = arith.constant 0 : i32
          %dma_start3A_257 = tpu.memref_slice %arg12[%add3A_239, %dma_start3A_256] : memref<50x40xi32, #tpu.memory_space<vmem>> -> memref<1x40xi32, #tpu.memory_space<vmem>>
          %dma_start3A_258 = tpu.memref_squeeze %dma_start3A_257 : memref<1x40xi32, #tpu.memory_space<vmem>> -> memref<40xi32, #tpu.memory_space<vmem>>
          %dma_start3A_259 = arith.constant 0 : i32
          %dma_start3A_260 = arith.constant 0 : i32
          %dma_start3A_261 = tpu.memref_slice %arg3[%dma_start3A_259, %dma_start3A_260] : memref<10000x128xf32, #tpu.memory_space<hbm>> -> memref<10000x128xf32, #tpu.memory_space<hbm>>
          tpu.enqueue_indirect_dma source(%dma_start3A_261 : memref<10000x128xf32, #tpu.memory_space<hbm>>) target(%dma_start3A_255 : memref<40x128xf32, #tpu.memory_space<vmem>>) offsets(%dma_start3A_258 : memref<40xi32, #tpu.memory_space<vmem>>) semaphore(%arg20 : memref<!tpu.dma_semaphore, #tpu.memory_space<semaphore_mem>>)
        } else {
        }
        %parallel_loop3A_205 = arith.constant 0 : i32
        %parallel_loop3A_206 = arith.constant 40 : i32
        %parallel_loop3A_207 = arith.constant 1 : i32
        %parallel_loop3A_208 = arith.constant 1 : i32
        %parallel_loop3A_209 = arith.constant 1 : i32
        %parallel_loop3A_210 = arith.constant 1 : i32
        scf.for %parallel_loop3A_234 = %parallel_loop3A_205 to %parallel_loop3A_206 step %parallel_loop3A_207  : i32 {
          %parallel_loop3A_235 = arith.constant 0.000000e+00 : f32
          %parallel_loop3A_236 = vector.broadcast %parallel_loop3A_235 : f32 to vector<16xf32>
          %parallel_loop3A_237 = arith.constant 0 : i32
          %parallel_loop3A_238 = arith.constant 0 : i32
          %parallel_loop3A_239 = tpu.memref_slice %arg13[%parallel_loop3A_208, %parallel_loop3A_237, %parallel_loop3A_238] : memref<2x40x128xf32, #tpu.memory_space<vmem>> -> memref<1x40x128xf32, #tpu.memory_space<vmem>>
          %parallel_loop3A_240 = tpu.memref_squeeze %parallel_loop3A_239 : memref<1x40x128xf32, #tpu.memory_space<vmem>> -> memref<40x128xf32, #tpu.memory_space<vmem>>
          %parallel_loop3A_241 = arith.index_cast %parallel_loop3A_234 : i32 to index
          %parallel_loop3A_242 = arith.constant 0 : index
          %parallel_loop3A_243 = tpu.vector_load %parallel_loop3A_240[%parallel_loop3A_241, %parallel_loop3A_242] {strides = array<i32>} : memref<40x128xf32, #tpu.memory_space<vmem>>, vector<16xf32>,
          %parallel_loop3A_244 = arith.constant 0 : i32
          %parallel_loop3A_245 = arith.constant 0 : i32
          %parallel_loop3A_246 = tpu.memref_slice %arg14[%parallel_loop3A_209, %parallel_loop3A_244, %parallel_loop3A_245] : memref<2x40x128xf32, #tpu.memory_space<vmem>> -> memref<1x40x128xf32, #tpu.memory_space<vmem>>
          %parallel_loop3A_247 = tpu.memref_squeeze %parallel_loop3A_246 : memref<1x40x128xf32, #tpu.memory_space<vmem>> -> memref<40x128xf32, #tpu.memory_space<vmem>>
          %parallel_loop3A_248 = arith.index_cast %parallel_loop3A_234 : i32 to index
          %parallel_loop3A_249 = arith.constant 0 : index
          %parallel_loop3A_250 = tpu.vector_load %parallel_loop3A_247[%parallel_loop3A_248, %parallel_loop3A_249] {strides = array<i32>} : memref<40x128xf32, #tpu.memory_space<vmem>>, vector<16xf32>,
          %parallel_loop3A_251 = arith.addf %parallel_loop3A_243, %parallel_loop3A_250 : vector<16xf32>
          %parallel_loop3A_252 = arith.constant 2.000000e-01 : f32
          %parallel_loop3A_253 = vector.broadcast %parallel_loop3A_252 : f32 to vector<16xf32>
          %parallel_loop3A_254 = arith.mulf %parallel_loop3A_251, %parallel_loop3A_253 : vector<16xf32>
          %parallel_loop3A_255 = arith.maximumf %parallel_loop3A_251, %parallel_loop3A_254 : vector<16xf32>
          %parallel_loop3A_256 = arith.mulf %parallel_loop3A_255, %get3A_1 : vector<16xf32>
          %parallel_loop3A_257 = arith.addf %parallel_loop3A_236, %parallel_loop3A_256 : vector<16xf32>
          %parallel_loop3A_258 = arith.constant 0 : i32
          %parallel_loop3A_259 = arith.constant 0 : i32
          %parallel_loop3A_260 = tpu.memref_slice %arg13[%parallel_loop3A_208, %parallel_loop3A_258, %parallel_loop3A_259] : memref<2x40x128xf32, #tpu.memory_space<vmem>> -> memref<1x40x128xf32, #tpu.memory_space<vmem>>
          %parallel_loop3A_261 = tpu.memref_squeeze %parallel_loop3A_260 : memref<1x40x128xf32, #tpu.memory_space<vmem>> -> memref<40x128xf32, #tpu.memory_space<vmem>>
          %parallel_loop3A_262 = arith.index_cast %parallel_loop3A_234 : i32 to index
          %parallel_loop3A_263 = arith.constant 16 : index
          %parallel_loop3A_264 = tpu.vector_load %parallel_loop3A_261[%parallel_loop3A_262, %parallel_loop3A_263] {strides = array<i32>} : memref<40x128xf32, #tpu.memory_space<vmem>>, vector<16xf32>,
          %parallel_loop3A_265 = arith.constant 0 : i32
          %parallel_loop3A_266 = arith.constant 0 : i32
          %parallel_loop3A_267 = tpu.memref_slice %arg14[%parallel_loop3A_209, %parallel_loop3A_265, %parallel_loop3A_266] : memref<2x40x128xf32, #tpu.memory_space<vmem>> -> memref<1x40x128xf32, #tpu.memory_space<vmem>>
          %parallel_loop3A_268 = tpu.memref_squeeze %parallel_loop3A_267 : memref<1x40x128xf32, #tpu.memory_space<vmem>> -> memref<40x128xf32, #tpu.memory_space<vmem>>
          %parallel_loop3A_269 = arith.index_cast %parallel_loop3A_234 : i32 to index
          %parallel_loop3A_270 = arith.constant 16 : index
          %parallel_loop3A_271 = tpu.vector_load %parallel_loop3A_268[%parallel_loop3A_269, %parallel_loop3A_270] {strides = array<i32>} : memref<40x128xf32, #tpu.memory_space<vmem>>, vector<16xf32>,
          %parallel_loop3A_272 = arith.addf %parallel_loop3A_264, %parallel_loop3A_271 : vector<16xf32>
          %parallel_loop3A_273 = arith.constant 2.000000e-01 : f32
          %parallel_loop3A_274 = vector.broadcast %parallel_loop3A_273 : f32 to vector<16xf32>
          %parallel_loop3A_275 = arith.mulf %parallel_loop3A_272, %parallel_loop3A_274 : vector<16xf32>
          %parallel_loop3A_276 = arith.maximumf %parallel_loop3A_272, %parallel_loop3A_275 : vector<16xf32>
          %parallel_loop3A_277 = arith.mulf %parallel_loop3A_276, %get3A_3 : vector<16xf32>
          %parallel_loop3A_278 = arith.addf %parallel_loop3A_257, %parallel_loop3A_277 : vector<16xf32>
          %parallel_loop3A_279 = arith.constant 0 : i32
          %parallel_loop3A_280 = arith.constant 0 : i32
          %parallel_loop3A_281 = tpu.memref_slice %arg13[%parallel_loop3A_208, %parallel_loop3A_279, %parallel_loop3A_280] : memref<2x40x128xf32, #tpu.memory_space<vmem>> -> memref<1x40x128xf32, #tpu.memory_space<vmem>>
          %parallel_loop3A_282 = tpu.memref_squeeze %parallel_loop3A_281 : memref<1x40x128xf32, #tpu.memory_space<vmem>> -> memref<40x128xf32, #tpu.memory_space<vmem>>
          %parallel_loop3A_283 = arith.index_cast %parallel_loop3A_234 : i32 to index
          %parallel_loop3A_284 = arith.constant 32 : index
          %parallel_loop3A_285 = tpu.vector_load %parallel_loop3A_282[%parallel_loop3A_283, %parallel_loop3A_284] {strides = array<i32>} : memref<40x128xf32, #tpu.memory_space<vmem>>, vector<16xf32>,
          %parallel_loop3A_286 = arith.constant 0 : i32
          %parallel_loop3A_287 = arith.constant 0 : i32
          %parallel_loop3A_288 = tpu.memref_slice %arg14[%parallel_loop3A_209, %parallel_loop3A_286, %parallel_loop3A_287] : memref<2x40x128xf32, #tpu.memory_space<vmem>> -> memref<1x40x128xf32, #tpu.memory_space<vmem>>
          %parallel_loop3A_289 = tpu.memref_squeeze %parallel_loop3A_288 : memref<1x40x128xf32, #tpu.memory_space<vmem>> -> memref<40x128xf32, #tpu.memory_space<vmem>>
          %parallel_loop3A_290 = arith.index_cast %parallel_loop3A_234 : i32 to index
          %parallel_loop3A_291 = arith.constant 32 : index
          %parallel_loop3A_292 = tpu.vector_load %parallel_loop3A_289[%parallel_loop3A_290, %parallel_loop3A_291] {strides = array<i32>} : memref<40x128xf32, #tpu.memory_space<vmem>>, vector<16xf32>,
          %parallel_loop3A_293 = arith.addf %parallel_loop3A_285, %parallel_loop3A_292 : vector<16xf32>
          %parallel_loop3A_294 = arith.constant 2.000000e-01 : f32
          %parallel_loop3A_295 = vector.broadcast %parallel_loop3A_294 : f32 to vector<16xf32>
          %parallel_loop3A_296 = arith.mulf %parallel_loop3A_293, %parallel_loop3A_295 : vector<16xf32>
          %parallel_loop3A_297 = arith.maximumf %parallel_loop3A_293, %parallel_loop3A_296 : vector<16xf32>
          %parallel_loop3A_298 = arith.mulf %parallel_loop3A_297, %get3A_5 : vector<16xf32>
          %parallel_loop3A_299 = arith.addf %parallel_loop3A_278, %parallel_loop3A_298 : vector<16xf32>
          %parallel_loop3A_300 = arith.constant 0 : i32
          %parallel_loop3A_301 = arith.constant 0 : i32
          %parallel_loop3A_302 = tpu.memref_slice %arg13[%parallel_loop3A_208, %parallel_loop3A_300, %parallel_loop3A_301] : memref<2x40x128xf32, #tpu.memory_space<vmem>> -> memref<1x40x128xf32, #tpu.memory_space<vmem>>
          %parallel_loop3A_303 = tpu.memref_squeeze %parallel_loop3A_302 : memref<1x40x128xf32, #tpu.memory_space<vmem>> -> memref<40x128xf32, #tpu.memory_space<vmem>>
          %parallel_loop3A_304 = arith.index_cast %parallel_loop3A_234 : i32 to index
          %parallel_loop3A_305 = arith.constant 48 : index
          %parallel_loop3A_306 = tpu.vector_load %parallel_loop3A_303[%parallel_loop3A_304, %parallel_loop3A_305] {strides = array<i32>} : memref<40x128xf32, #tpu.memory_space<vmem>>, vector<16xf32>,
          %parallel_loop3A_307 = arith.constant 0 : i32
          %parallel_loop3A_308 = arith.constant 0 : i32
          %parallel_loop3A_309 = tpu.memref_slice %arg14[%parallel_loop3A_209, %parallel_loop3A_307, %parallel_loop3A_308] : memref<2x40x128xf32, #tpu.memory_space<vmem>> -> memref<1x40x128xf32, #tpu.memory_space<vmem>>
          %parallel_loop3A_310 = tpu.memref_squeeze %parallel_loop3A_309 : memref<1x40x128xf32, #tpu.memory_space<vmem>> -> memref<40x128xf32, #tpu.memory_space<vmem>>
          %parallel_loop3A_311 = arith.index_cast %parallel_loop3A_234 : i32 to index
          %parallel_loop3A_312 = arith.constant 48 : index
          %parallel_loop3A_313 = tpu.vector_load %parallel_loop3A_310[%parallel_loop3A_311, %parallel_loop3A_312] {strides = array<i32>} : memref<40x128xf32, #tpu.memory_space<vmem>>, vector<16xf32>,
          %parallel_loop3A_314 = arith.addf %parallel_loop3A_306, %parallel_loop3A_313 : vector<16xf32>
          %parallel_loop3A_315 = arith.constant 2.000000e-01 : f32
          %parallel_loop3A_316 = vector.broadcast %parallel_loop3A_315 : f32 to vector<16xf32>
          %parallel_loop3A_317 = arith.mulf %parallel_loop3A_314, %parallel_loop3A_316 : vector<16xf32>
          %parallel_loop3A_318 = arith.maximumf %parallel_loop3A_314, %parallel_loop3A_317 : vector<16xf32>
          %parallel_loop3A_319 = arith.mulf %parallel_loop3A_318, %get3A_7 : vector<16xf32>
          %parallel_loop3A_320 = arith.addf %parallel_loop3A_299, %parallel_loop3A_319 : vector<16xf32>
          %parallel_loop3A_321 = arith.constant 0 : i32
          %parallel_loop3A_322 = arith.constant 0 : i32
          %parallel_loop3A_323 = tpu.memref_slice %arg13[%parallel_loop3A_208, %parallel_loop3A_321, %parallel_loop3A_322] : memref<2x40x128xf32, #tpu.memory_space<vmem>> -> memref<1x40x128xf32, #tpu.memory_space<vmem>>
          %parallel_loop3A_324 = tpu.memref_squeeze %parallel_loop3A_323 : memref<1x40x128xf32, #tpu.memory_space<vmem>> -> memref<40x128xf32, #tpu.memory_space<vmem>>
          %parallel_loop3A_325 = arith.index_cast %parallel_loop3A_234 : i32 to index
          %parallel_loop3A_326 = arith.constant 64 : index
          %parallel_loop3A_327 = tpu.vector_load %parallel_loop3A_324[%parallel_loop3A_325, %parallel_loop3A_326] {strides = array<i32>} : memref<40x128xf32, #tpu.memory_space<vmem>>, vector<16xf32>,
          %parallel_loop3A_328 = arith.constant 0 : i32
          %parallel_loop3A_329 = arith.constant 0 : i32
          %parallel_loop3A_330 = tpu.memref_slice %arg14[%parallel_loop3A_209, %parallel_loop3A_328, %parallel_loop3A_329] : memref<2x40x128xf32, #tpu.memory_space<vmem>> -> memref<1x40x128xf32, #tpu.memory_space<vmem>>
          %parallel_loop3A_331 = tpu.memref_squeeze %parallel_loop3A_330 : memref<1x40x128xf32, #tpu.memory_space<vmem>> -> memref<40x128xf32, #tpu.memory_space<vmem>>
          %parallel_loop3A_332 = arith.index_cast %parallel_loop3A_234 : i32 to index
          %parallel_loop3A_333 = arith.constant 64 : index
          %parallel_loop3A_334 = tpu.vector_load %parallel_loop3A_331[%parallel_loop3A_332, %parallel_loop3A_333] {strides = array<i32>} : memref<40x128xf32, #tpu.memory_space<vmem>>, vector<16xf32>,
          %parallel_loop3A_335 = arith.addf %parallel_loop3A_327, %parallel_loop3A_334 : vector<16xf32>
          %parallel_loop3A_336 = arith.constant 2.000000e-01 : f32
          %parallel_loop3A_337 = vector.broadcast %parallel_loop3A_336 : f32 to vector<16xf32>
          %parallel_loop3A_338 = arith.mulf %parallel_loop3A_335, %parallel_loop3A_337 : vector<16xf32>
          %parallel_loop3A_339 = arith.maximumf %parallel_loop3A_335, %parallel_loop3A_338 : vector<16xf32>
          %parallel_loop3A_340 = arith.mulf %parallel_loop3A_339, %get3A_9 : vector<16xf32>
          %parallel_loop3A_341 = arith.addf %parallel_loop3A_320, %parallel_loop3A_340 : vector<16xf32>
          %parallel_loop3A_342 = arith.constant 0 : i32
          %parallel_loop3A_343 = arith.constant 0 : i32
          %parallel_loop3A_344 = tpu.memref_slice %arg13[%parallel_loop3A_208, %parallel_loop3A_342, %parallel_loop3A_343] : memref<2x40x128xf32, #tpu.memory_space<vmem>> -> memref<1x40x128xf32, #tpu.memory_space<vmem>>
          %parallel_loop3A_345 = tpu.memref_squeeze %parallel_loop3A_344 : memref<1x40x128xf32, #tpu.memory_space<vmem>> -> memref<40x128xf32, #tpu.memory_space<vmem>>
          %parallel_loop3A_346 = arith.index_cast %parallel_loop3A_234 : i32 to index
          %parallel_loop3A_347 = arith.constant 80 : index
          %parallel_loop3A_348 = tpu.vector_load %parallel_loop3A_345[%parallel_loop3A_346, %parallel_loop3A_347] {strides = array<i32>} : memref<40x128xf32, #tpu.memory_space<vmem>>, vector<16xf32>,
          %parallel_loop3A_349 = arith.constant 0 : i32
          %parallel_loop3A_350 = arith.constant 0 : i32
          %parallel_loop3A_351 = tpu.memref_slice %arg14[%parallel_loop3A_209, %parallel_loop3A_349, %parallel_loop3A_350] : memref<2x40x128xf32, #tpu.memory_space<vmem>> -> memref<1x40x128xf32, #tpu.memory_space<vmem>>
          %parallel_loop3A_352 = tpu.memref_squeeze %parallel_loop3A_351 : memref<1x40x128xf32, #tpu.memory_space<vmem>> -> memref<40x128xf32, #tpu.memory_space<vmem>>
          %parallel_loop3A_353 = arith.index_cast %parallel_loop3A_234 : i32 to index
          %parallel_loop3A_354 = arith.constant 80 : index
          %parallel_loop3A_355 = tpu.vector_load %parallel_loop3A_352[%parallel_loop3A_353, %parallel_loop3A_354] {strides = array<i32>} : memref<40x128xf32, #tpu.memory_space<vmem>>, vector<16xf32>,
          %parallel_loop3A_356 = arith.addf %parallel_loop3A_348, %parallel_loop3A_355 : vector<16xf32>
          %parallel_loop3A_357 = arith.constant 2.000000e-01 : f32
          %parallel_loop3A_358 = vector.broadcast %parallel_loop3A_357 : f32 to vector<16xf32>
          %parallel_loop3A_359 = arith.mulf %parallel_loop3A_356, %parallel_loop3A_358 : vector<16xf32>
          %parallel_loop3A_360 = arith.maximumf %parallel_loop3A_356, %parallel_loop3A_359 : vector<16xf32>
          %parallel_loop3A_361 = arith.mulf %parallel_loop3A_360, %get3A_11 : vector<16xf32>
          %parallel_loop3A_362 = arith.addf %parallel_loop3A_341, %parallel_loop3A_361 : vector<16xf32>
          %parallel_loop3A_363 = arith.constant 0 : i32
          %parallel_loop3A_364 = arith.constant 0 : i32
          %parallel_loop3A_365 = tpu.memref_slice %arg13[%parallel_loop3A_208, %parallel_loop3A_363, %parallel_loop3A_364] : memref<2x40x128xf32, #tpu.memory_space<vmem>> -> memref<1x40x128xf32, #tpu.memory_space<vmem>>
          %parallel_loop3A_366 = tpu.memref_squeeze %parallel_loop3A_365 : memref<1x40x128xf32, #tpu.memory_space<vmem>> -> memref<40x128xf32, #tpu.memory_space<vmem>>
          %parallel_loop3A_367 = arith.index_cast %parallel_loop3A_234 : i32 to index
          %parallel_loop3A_368 = arith.constant 96 : index
          %parallel_loop3A_369 = tpu.vector_load %parallel_loop3A_366[%parallel_loop3A_367, %parallel_loop3A_368] {strides = array<i32>} : memref<40x128xf32, #tpu.memory_space<vmem>>, vector<16xf32>,
          %parallel_loop3A_370 = arith.constant 0 : i32
          %parallel_loop3A_371 = arith.constant 0 : i32
          %parallel_loop3A_372 = tpu.memref_slice %arg14[%parallel_loop3A_209, %parallel_loop3A_370, %parallel_loop3A_371] : memref<2x40x128xf32, #tpu.memory_space<vmem>> -> memref<1x40x128xf32, #tpu.memory_space<vmem>>
          %parallel_loop3A_373 = tpu.memref_squeeze %parallel_loop3A_372 : memref<1x40x128xf32, #tpu.memory_space<vmem>> -> memref<40x128xf32, #tpu.memory_space<vmem>>
          %parallel_loop3A_374 = arith.index_cast %parallel_loop3A_234 : i32 to index
          %parallel_loop3A_375 = arith.constant 96 : index
          %parallel_loop3A_376 = tpu.vector_load %parallel_loop3A_373[%parallel_loop3A_374, %parallel_loop3A_375] {strides = array<i32>} : memref<40x128xf32, #tpu.memory_space<vmem>>, vector<16xf32>,
          %parallel_loop3A_377 = arith.addf %parallel_loop3A_369, %parallel_loop3A_376 : vector<16xf32>
          %parallel_loop3A_378 = arith.constant 2.000000e-01 : f32
          %parallel_loop3A_379 = vector.broadcast %parallel_loop3A_378 : f32 to vector<16xf32>
          %parallel_loop3A_380 = arith.mulf %parallel_loop3A_377, %parallel_loop3A_379 : vector<16xf32>
          %parallel_loop3A_381 = arith.maximumf %parallel_loop3A_377, %parallel_loop3A_380 : vector<16xf32>
          %parallel_loop3A_382 = arith.mulf %parallel_loop3A_381, %get3A_13 : vector<16xf32>
          %parallel_loop3A_383 = arith.addf %parallel_loop3A_362, %parallel_loop3A_382 : vector<16xf32>
          %parallel_loop3A_384 = arith.constant 0 : i32
          %parallel_loop3A_385 = arith.constant 0 : i32
          %parallel_loop3A_386 = tpu.memref_slice %arg13[%parallel_loop3A_208, %parallel_loop3A_384, %parallel_loop3A_385] : memref<2x40x128xf32, #tpu.memory_space<vmem>> -> memref<1x40x128xf32, #tpu.memory_space<vmem>>
          %parallel_loop3A_387 = tpu.memref_squeeze %parallel_loop3A_386 : memref<1x40x128xf32, #tpu.memory_space<vmem>> -> memref<40x128xf32, #tpu.memory_space<vmem>>
          %parallel_loop3A_388 = arith.index_cast %parallel_loop3A_234 : i32 to index
          %parallel_loop3A_389 = arith.constant 112 : index
          %parallel_loop3A_390 = tpu.vector_load %parallel_loop3A_387[%parallel_loop3A_388, %parallel_loop3A_389] {strides = array<i32>} : memref<40x128xf32, #tpu.memory_space<vmem>>, vector<16xf32>,
          %parallel_loop3A_391 = arith.constant 0 : i32
          %parallel_loop3A_392 = arith.constant 0 : i32
          %parallel_loop3A_393 = tpu.memref_slice %arg14[%parallel_loop3A_209, %parallel_loop3A_391, %parallel_loop3A_392] : memref<2x40x128xf32, #tpu.memory_space<vmem>> -> memref<1x40x128xf32, #tpu.memory_space<vmem>>
          %parallel_loop3A_394 = tpu.memref_squeeze %parallel_loop3A_393 : memref<1x40x128xf32, #tpu.memory_space<vmem>> -> memref<40x128xf32, #tpu.memory_space<vmem>>
          %parallel_loop3A_395 = arith.index_cast %parallel_loop3A_234 : i32 to index
          %parallel_loop3A_396 = arith.constant 112 : index
          %parallel_loop3A_397 = tpu.vector_load %parallel_loop3A_394[%parallel_loop3A_395, %parallel_loop3A_396] {strides = array<i32>} : memref<40x128xf32, #tpu.memory_space<vmem>>, vector<16xf32>,
          %parallel_loop3A_398 = arith.addf %parallel_loop3A_390, %parallel_loop3A_397 : vector<16xf32>
          %parallel_loop3A_399 = arith.constant 2.000000e-01 : f32
          %parallel_loop3A_400 = vector.broadcast %parallel_loop3A_399 : f32 to vector<16xf32>
          %parallel_loop3A_401 = arith.mulf %parallel_loop3A_398, %parallel_loop3A_400 : vector<16xf32>
          %parallel_loop3A_402 = arith.maximumf %parallel_loop3A_398, %parallel_loop3A_401 : vector<16xf32>
          %parallel_loop3A_403 = arith.mulf %parallel_loop3A_402, %get3A_15 : vector<16xf32>
          %parallel_loop3A_404 = arith.addf %parallel_loop3A_383, %parallel_loop3A_403 : vector<16xf32>
          %parallel_loop3A_405 = arith.constant true
          %parallel_loop3A_406 = vector.broadcast %parallel_loop3A_405 : i1 to vector<16xi1>
          %parallel_loop3A_407 = tpu.scan <sum>, %parallel_loop3A_404 masked %parallel_loop3A_406 : vector<16xf32>, vector<16xi1> -> vector<16xf32>
          %parallel_loop3A_408 = vector.extract %parallel_loop3A_407[15] : f32 from vector<16xf32>
          %parallel_loop3A_409 = vector.broadcast %parallel_loop3A_408 : f32 to vector<16xf32>
          %parallel_loop3A_410 = math.exp %parallel_loop3A_409 : vector<16xf32>
          %parallel_loop3A_411 = arith.constant 0 : i32
          %parallel_loop3A_412 = arith.constant 0 : i32
          %parallel_loop3A_413 = tpu.memref_slice %arg16[%parallel_loop3A_210, %parallel_loop3A_411, %parallel_loop3A_412] : memref<2x40x16xf32, #tpu.memory_space<vmem>> -> memref<1x40x16xf32, #tpu.memory_space<vmem>>
          %parallel_loop3A_414 = tpu.memref_squeeze %parallel_loop3A_413 : memref<1x40x16xf32, #tpu.memory_space<vmem>> -> memref<40x16xf32, #tpu.memory_space<vmem>>
          %parallel_loop3A_415 = arith.index_cast %parallel_loop3A_234 : i32 to index
          %parallel_loop3A_416 = arith.constant 0 : index
          %parallel_loop3A_417 = tpu.vector_load %parallel_loop3A_414[%parallel_loop3A_415, %parallel_loop3A_416] {strides = array<i32>} : memref<40x16xf32, #tpu.memory_space<vmem>>, vector<16xf32>,
          tpu.vector_store %parallel_loop3A_414[%parallel_loop3A_415, %parallel_loop3A_416], %parallel_loop3A_410 {strides = array<i32>} : memref<40x16xf32, #tpu.memory_space<vmem>>, vector<16xf32>,
          %parallel_loop3A_418 = arith.mulf %parallel_loop3A_243, %parallel_loop3A_410 : vector<16xf32>
          %parallel_loop3A_419 = arith.constant 0 : i32
          %parallel_loop3A_420 = arith.constant 0 : i32
          %parallel_loop3A_421 = tpu.memref_slice %arg14[%parallel_loop3A_209, %parallel_loop3A_419, %parallel_loop3A_420] : memref<2x40x128xf32, #tpu.memory_space<vmem>> -> memref<1x40x128xf32, #tpu.memory_space<vmem>>
          %parallel_loop3A_422 = tpu.memref_squeeze %parallel_loop3A_421 : memref<1x40x128xf32, #tpu.memory_space<vmem>> -> memref<40x128xf32, #tpu.memory_space<vmem>>
          %parallel_loop3A_423 = arith.index_cast %parallel_loop3A_234 : i32 to index
          %parallel_loop3A_424 = arith.constant 0 : index
          %parallel_loop3A_425 = tpu.vector_load %parallel_loop3A_422[%parallel_loop3A_423, %parallel_loop3A_424] {strides = array<i32>} : memref<40x128xf32, #tpu.memory_space<vmem>>, vector<16xf32>,
          tpu.vector_store %parallel_loop3A_422[%parallel_loop3A_423, %parallel_loop3A_424], %parallel_loop3A_418 {strides = array<i32>} : memref<40x128xf32, #tpu.memory_space<vmem>>, vector<16xf32>,
          %parallel_loop3A_426 = arith.mulf %parallel_loop3A_264, %parallel_loop3A_410 : vector<16xf32>
          %parallel_loop3A_427 = arith.constant 0 : i32
          %parallel_loop3A_428 = arith.constant 0 : i32
          %parallel_loop3A_429 = tpu.memref_slice %arg14[%parallel_loop3A_209, %parallel_loop3A_427, %parallel_loop3A_428] : memref<2x40x128xf32, #tpu.memory_space<vmem>> -> memref<1x40x128xf32, #tpu.memory_space<vmem>>
          %parallel_loop3A_430 = tpu.memref_squeeze %parallel_loop3A_429 : memref<1x40x128xf32, #tpu.memory_space<vmem>> -> memref<40x128xf32, #tpu.memory_space<vmem>>
          %parallel_loop3A_431 = arith.index_cast %parallel_loop3A_234 : i32 to index
          %parallel_loop3A_432 = arith.constant 16 : index
          %parallel_loop3A_433 = tpu.vector_load %parallel_loop3A_430[%parallel_loop3A_431, %parallel_loop3A_432] {strides = array<i32>} : memref<40x128xf32, #tpu.memory_space<vmem>>, vector<16xf32>,
          tpu.vector_store %parallel_loop3A_430[%parallel_loop3A_431, %parallel_loop3A_432], %parallel_loop3A_426 {strides = array<i32>} : memref<40x128xf32, #tpu.memory_space<vmem>>, vector<16xf32>,
          %parallel_loop3A_434 = arith.mulf %parallel_loop3A_285, %parallel_loop3A_410 : vector<16xf32>
          %parallel_loop3A_435 = arith.constant 0 : i32
          %parallel_loop3A_436 = arith.constant 0 : i32
          %parallel_loop3A_437 = tpu.memref_slice %arg14[%parallel_loop3A_209, %parallel_loop3A_435, %parallel_loop3A_436] : memref<2x40x128xf32, #tpu.memory_space<vmem>> -> memref<1x40x128xf32, #tpu.memory_space<vmem>>
          %parallel_loop3A_438 = tpu.memref_squeeze %parallel_loop3A_437 : memref<1x40x128xf32, #tpu.memory_space<vmem>> -> memref<40x128xf32, #tpu.memory_space<vmem>>
          %parallel_loop3A_439 = arith.index_cast %parallel_loop3A_234 : i32 to index
          %parallel_loop3A_440 = arith.constant 32 : index
          %parallel_loop3A_441 = tpu.vector_load %parallel_loop3A_438[%parallel_loop3A_439, %parallel_loop3A_440] {strides = array<i32>} : memref<40x128xf32, #tpu.memory_space<vmem>>, vector<16xf32>,
          tpu.vector_store %parallel_loop3A_438[%parallel_loop3A_439, %parallel_loop3A_440], %parallel_loop3A_434 {strides = array<i32>} : memref<40x128xf32, #tpu.memory_space<vmem>>, vector<16xf32>,
          %parallel_loop3A_442 = arith.mulf %parallel_loop3A_306, %parallel_loop3A_410 : vector<16xf32>
          %parallel_loop3A_443 = arith.constant 0 : i32
          %parallel_loop3A_444 = arith.constant 0 : i32
          %parallel_loop3A_445 = tpu.memref_slice %arg14[%parallel_loop3A_209, %parallel_loop3A_443, %parallel_loop3A_444] : memref<2x40x128xf32, #tpu.memory_space<vmem>> -> memref<1x40x128xf32, #tpu.memory_space<vmem>>
          %parallel_loop3A_446 = tpu.memref_squeeze %parallel_loop3A_445 : memref<1x40x128xf32, #tpu.memory_space<vmem>> -> memref<40x128xf32, #tpu.memory_space<vmem>>
          %parallel_loop3A_447 = arith.index_cast %parallel_loop3A_234 : i32 to index
          %parallel_loop3A_448 = arith.constant 48 : index
          %parallel_loop3A_449 = tpu.vector_load %parallel_loop3A_446[%parallel_loop3A_447, %parallel_loop3A_448] {strides = array<i32>} : memref<40x128xf32, #tpu.memory_space<vmem>>, vector<16xf32>,
          tpu.vector_store %parallel_loop3A_446[%parallel_loop3A_447, %parallel_loop3A_448], %parallel_loop3A_442 {strides = array<i32>} : memref<40x128xf32, #tpu.memory_space<vmem>>, vector<16xf32>,
          %parallel_loop3A_450 = arith.mulf %parallel_loop3A_327, %parallel_loop3A_410 : vector<16xf32>
          %parallel_loop3A_451 = arith.constant 0 : i32
          %parallel_loop3A_452 = arith.constant 0 : i32
          %parallel_loop3A_453 = tpu.memref_slice %arg14[%parallel_loop3A_209, %parallel_loop3A_451, %parallel_loop3A_452] : memref<2x40x128xf32, #tpu.memory_space<vmem>> -> memref<1x40x128xf32, #tpu.memory_space<vmem>>
          %parallel_loop3A_454 = tpu.memref_squeeze %parallel_loop3A_453 : memref<1x40x128xf32, #tpu.memory_space<vmem>> -> memref<40x128xf32, #tpu.memory_space<vmem>>
          %parallel_loop3A_455 = arith.index_cast %parallel_loop3A_234 : i32 to index
          %parallel_loop3A_456 = arith.constant 64 : index
          %parallel_loop3A_457 = tpu.vector_load %parallel_loop3A_454[%parallel_loop3A_455, %parallel_loop3A_456] {strides = array<i32>} : memref<40x128xf32, #tpu.memory_space<vmem>>, vector<16xf32>,
          tpu.vector_store %parallel_loop3A_454[%parallel_loop3A_455, %parallel_loop3A_456], %parallel_loop3A_450 {strides = array<i32>} : memref<40x128xf32, #tpu.memory_space<vmem>>, vector<16xf32>,
          %parallel_loop3A_458 = arith.mulf %parallel_loop3A_348, %parallel_loop3A_410 : vector<16xf32>
          %parallel_loop3A_459 = arith.constant 0 : i32
          %parallel_loop3A_460 = arith.constant 0 : i32
          %parallel_loop3A_461 = tpu.memref_slice %arg14[%parallel_loop3A_209, %parallel_loop3A_459, %parallel_loop3A_460] : memref<2x40x128xf32, #tpu.memory_space<vmem>> -> memref<1x40x128xf32, #tpu.memory_space<vmem>>
          %parallel_loop3A_462 = tpu.memref_squeeze %parallel_loop3A_461 : memref<1x40x128xf32, #tpu.memory_space<vmem>> -> memref<40x128xf32, #tpu.memory_space<vmem>>
          %parallel_loop3A_463 = arith.index_cast %parallel_loop3A_234 : i32 to index
          %parallel_loop3A_464 = arith.constant 80 : index
          %parallel_loop3A_465 = tpu.vector_load %parallel_loop3A_462[%parallel_loop3A_463, %parallel_loop3A_464] {strides = array<i32>} : memref<40x128xf32, #tpu.memory_space<vmem>>, vector<16xf32>,
          tpu.vector_store %parallel_loop3A_462[%parallel_loop3A_463, %parallel_loop3A_464], %parallel_loop3A_458 {strides = array<i32>} : memref<40x128xf32, #tpu.memory_space<vmem>>, vector<16xf32>,
          %parallel_loop3A_466 = arith.mulf %parallel_loop3A_369, %parallel_loop3A_410 : vector<16xf32>
          %parallel_loop3A_467 = arith.constant 0 : i32
          %parallel_loop3A_468 = arith.constant 0 : i32
          %parallel_loop3A_469 = tpu.memref_slice %arg14[%parallel_loop3A_209, %parallel_loop3A_467, %parallel_loop3A_468] : memref<2x40x128xf32, #tpu.memory_space<vmem>> -> memref<1x40x128xf32, #tpu.memory_space<vmem>>
          %parallel_loop3A_470 = tpu.memref_squeeze %parallel_loop3A_469 : memref<1x40x128xf32, #tpu.memory_space<vmem>> -> memref<40x128xf32, #tpu.memory_space<vmem>>
          %parallel_loop3A_471 = arith.index_cast %parallel_loop3A_234 : i32 to index
          %parallel_loop3A_472 = arith.constant 96 : index
          %parallel_loop3A_473 = tpu.vector_load %parallel_loop3A_470[%parallel_loop3A_471, %parallel_loop3A_472] {strides = array<i32>} : memref<40x128xf32, #tpu.memory_space<vmem>>, vector<16xf32>,
          tpu.vector_store %parallel_loop3A_470[%parallel_loop3A_471, %parallel_loop3A_472], %parallel_loop3A_466 {strides = array<i32>} : memref<40x128xf32, #tpu.memory_space<vmem>>, vector<16xf32>,
          %parallel_loop3A_474 = arith.mulf %parallel_loop3A_390, %parallel_loop3A_410 : vector<16xf32>
          %parallel_loop3A_475 = arith.constant 0 : i32
          %parallel_loop3A_476 = arith.constant 0 : i32
          %parallel_loop3A_477 = tpu.memref_slice %arg14[%parallel_loop3A_209, %parallel_loop3A_475, %parallel_loop3A_476] : memref<2x40x128xf32, #tpu.memory_space<vmem>> -> memref<1x40x128xf32, #tpu.memory_space<vmem>>
          %parallel_loop3A_478 = tpu.memref_squeeze %parallel_loop3A_477 : memref<1x40x128xf32, #tpu.memory_space<vmem>> -> memref<40x128xf32, #tpu.memory_space<vmem>>
          %parallel_loop3A_479 = arith.index_cast %parallel_loop3A_234 : i32 to index
          %parallel_loop3A_480 = arith.constant 112 : index
          %parallel_loop3A_481 = tpu.vector_load %parallel_loop3A_478[%parallel_loop3A_479, %parallel_loop3A_480] {strides = array<i32>} : memref<40x128xf32, #tpu.memory_space<vmem>>, vector<16xf32>,
          tpu.vector_store %parallel_loop3A_478[%parallel_loop3A_479, %parallel_loop3A_480], %parallel_loop3A_474 {strides = array<i32>} : memref<40x128xf32, #tpu.memory_space<vmem>>, vector<16xf32>,
        } {sc.loop_unroll_factor = 4 : i64, sc.parallel_access}
        %dma_start3A_211 = arith.constant 1 : i32
        %dma_start3A_212 = arith.constant 0 : i32
        %dma_start3A_213 = arith.constant 0 : i32
        %dma_start3A_214 = tpu.memref_slice %arg14[%dma_start3A_211, %dma_start3A_212, %dma_start3A_213] : memref<2x40x128xf32, #tpu.memory_space<vmem>> -> memref<1x40x128xf32, #tpu.memory_space<vmem>>
        %dma_start3A_215 = tpu.memref_squeeze %dma_start3A_214 : memref<1x40x128xf32, #tpu.memory_space<vmem>> -> memref<40x128xf32, #tpu.memory_space<vmem>>
        %dma_start3A_216 = arith.constant 0 : i32
        %dma_start3A_217 = tpu.memref_slice %arg12[%add3A_175, %dma_start3A_216] : memref<50x40xi32, #tpu.memory_space<vmem>> -> memref<1x40xi32, #tpu.memory_space<vmem>>
        %dma_start3A_218 = tpu.memref_squeeze %dma_start3A_217 : memref<1x40xi32, #tpu.memory_space<vmem>> -> memref<40xi32, #tpu.memory_space<vmem>>
        %dma_start3A_219 = arith.constant 0 : i32
        %dma_start3A_220 = arith.constant 0 : i32
        %dma_start3A_221 = tpu.memref_slice %arg18[%dma_start3A_219, %dma_start3A_220] : memref<10000x128xf32, #tpu.memory_space<vmem_shared>> -> memref<10000x128xf32, #tpu.memory_space<vmem_shared>>
        tpu.enqueue_indirect_dma source(%dma_start3A_215 : memref<40x128xf32, #tpu.memory_space<vmem>>) target(%dma_start3A_221 : memref<10000x128xf32, #tpu.memory_space<vmem_shared>>) offsets(%dma_start3A_218 : memref<40xi32, #tpu.memory_space<vmem>>) semaphore(%arg23 : memref<!tpu.dma_semaphore, #tpu.memory_space<semaphore_mem>>) {add = true}
        %dma_start3A_222 = arith.constant 1 : i32
        %dma_start3A_223 = arith.constant 0 : i32
        %dma_start3A_224 = arith.constant 0 : i32
        %dma_start3A_225 = tpu.memref_slice %arg16[%dma_start3A_222, %dma_start3A_223, %dma_start3A_224] : memref<2x40x16xf32, #tpu.memory_space<vmem>> -> memref<1x40x16xf32, #tpu.memory_space<vmem>>
        %dma_start3A_226 = tpu.memref_squeeze %dma_start3A_225 : memref<1x40x16xf32, #tpu.memory_space<vmem>> -> memref<40x16xf32, #tpu.memory_space<vmem>>
        %dma_start3A_227 = arith.constant 0 : i32
        %dma_start3A_228 = tpu.memref_slice %arg12[%add3A_175, %dma_start3A_227] : memref<50x40xi32, #tpu.memory_space<vmem>> -> memref<1x40xi32, #tpu.memory_space<vmem>>
        %dma_start3A_229 = tpu.memref_squeeze %dma_start3A_228 : memref<1x40xi32, #tpu.memory_space<vmem>> -> memref<40xi32, #tpu.memory_space<vmem>>
        %dma_start3A_230 = arith.constant 0 : i32
        %dma_start3A_231 = arith.constant 0 : i32
        %dma_start3A_232 = tpu.memref_slice %arg19[%dma_start3A_230, %dma_start3A_231] : memref<10000x16xf32, #tpu.memory_space<vmem_shared>> -> memref<10000x16xf32, #tpu.memory_space<vmem_shared>>
        tpu.enqueue_indirect_dma source(%dma_start3A_226 : memref<40x16xf32, #tpu.memory_space<vmem>>) target(%dma_start3A_232 : memref<10000x16xf32, #tpu.memory_space<vmem_shared>>) offsets(%dma_start3A_229 : memref<40xi32, #tpu.memory_space<vmem>>) semaphore(%arg23 : memref<!tpu.dma_semaphore, #tpu.memory_space<semaphore_mem>>) {add = true}
        %scan3A_233 = arith.constant 0 : i32
        scf.yield %scan3A_233 : i32
      }
      %scan3A_61 = arith.constant 25 : i32
      %dma_wait3A = arith.constant 0 : i32
      %dma_wait3A_62 = arith.constant 0 : i32
      %dma_wait3A_63 = arith.constant 0 : i32
      %dma_wait3A_64 = arith.constant 0 : i32
      %dma_wait3A_65 = tpu.memref_slice %arg14[%dma_wait3A, %dma_wait3A_63, %dma_wait3A_64] : memref<2x40x128xf32, #tpu.memory_space<vmem>> -> memref<1x40x128xf32, #tpu.memory_space<vmem>>
      %dma_wait3A_66 = tpu.memref_squeeze %dma_wait3A_65 : memref<1x40x128xf32, #tpu.memory_space<vmem>> -> memref<40x128xf32, #tpu.memory_space<vmem>>
      %dma_wait3A_67 = arith.constant 0 : i32
      %dma_wait3A_68 = tpu.memref_slice %arg12[%dma_wait3A_62, %dma_wait3A_67] : memref<50x40xi32, #tpu.memory_space<vmem>> -> memref<1x40xi32, #tpu.memory_space<vmem>>
      %dma_wait3A_69 = tpu.memref_squeeze %dma_wait3A_68 : memref<1x40xi32, #tpu.memory_space<vmem>> -> memref<40xi32, #tpu.memory_space<vmem>>
      %dma_wait3A_70 = arith.constant 0 : i32
      %dma_wait3A_71 = arith.constant 0 : i32
      %dma_wait3A_72 = tpu.memref_slice %arg18[%dma_wait3A_70, %dma_wait3A_71] : memref<10000x128xf32, #tpu.memory_space<vmem_shared>> -> memref<10000x128xf32, #tpu.memory_space<vmem_shared>>
      tpu.wait_indirect_dma semaphore(%arg22 : memref<!tpu.dma_semaphore, #tpu.memory_space<semaphore_mem>>) src(%dma_wait3A_66 : memref<40x128xf32, #tpu.memory_space<vmem>>) dst(%dma_wait3A_72 : memref<10000x128xf32, #tpu.memory_space<vmem_shared>>)
      %dma_wait3A_73 = arith.constant 0 : i32
      %dma_wait3A_74 = arith.constant 0 : i32
      %dma_wait3A_75 = arith.constant 0 : i32
      %dma_wait3A_76 = arith.constant 0 : i32
      %dma_wait3A_77 = tpu.memref_slice %arg16[%dma_wait3A_73, %dma_wait3A_75, %dma_wait3A_76] : memref<2x40x16xf32, #tpu.memory_space<vmem>> -> memref<1x40x16xf32, #tpu.memory_space<vmem>>
      %dma_wait3A_78 = tpu.memref_squeeze %dma_wait3A_77 : memref<1x40x16xf32, #tpu.memory_space<vmem>> -> memref<40x16xf32, #tpu.memory_space<vmem>>
      %dma_wait3A_79 = arith.constant 0 : i32
      %dma_wait3A_80 = tpu.memref_slice %arg12[%dma_wait3A_74, %dma_wait3A_79] : memref<50x40xi32, #tpu.memory_space<vmem>> -> memref<1x40xi32, #tpu.memory_space<vmem>>
      %dma_wait3A_81 = tpu.memref_squeeze %dma_wait3A_80 : memref<1x40xi32, #tpu.memory_space<vmem>> -> memref<40xi32, #tpu.memory_space<vmem>>
      %dma_wait3A_82 = arith.constant 0 : i32
      %dma_wait3A_83 = arith.constant 0 : i32
      %dma_wait3A_84 = tpu.memref_slice %arg19[%dma_wait3A_82, %dma_wait3A_83] : memref<10000x16xf32, #tpu.memory_space<vmem_shared>> -> memref<10000x16xf32, #tpu.memory_space<vmem_shared>>
      tpu.wait_indirect_dma semaphore(%arg22 : memref<!tpu.dma_semaphore, #tpu.memory_space<semaphore_mem>>) src(%dma_wait3A_78 : memref<40x16xf32, #tpu.memory_space<vmem>>) dst(%dma_wait3A_84 : memref<10000x16xf32, #tpu.memory_space<vmem_shared>>)
      %dma_wait3A_85 = arith.constant 1 : i32
      %dma_wait3A_86 = arith.constant 0 : i32
      %dma_wait3A_87 = arith.constant 0 : i32
      %dma_wait3A_88 = arith.constant 0 : i32
      %dma_wait3A_89 = tpu.memref_slice %arg14[%dma_wait3A_85, %dma_wait3A_87, %dma_wait3A_88] : memref<2x40x128xf32, #tpu.memory_space<vmem>> -> memref<1x40x128xf32, #tpu.memory_space<vmem>>
      %dma_wait3A_90 = tpu.memref_squeeze %dma_wait3A_89 : memref<1x40x128xf32, #tpu.memory_space<vmem>> -> memref<40x128xf32, #tpu.memory_space<vmem>>
      %dma_wait3A_91 = arith.constant 0 : i32
      %dma_wait3A_92 = tpu.memref_slice %arg12[%dma_wait3A_86, %dma_wait3A_91] : memref<50x40xi32, #tpu.memory_space<vmem>> -> memref<1x40xi32, #tpu.memory_space<vmem>>
      %dma_wait3A_93 = tpu.memref_squeeze %dma_wait3A_92 : memref<1x40xi32, #tpu.memory_space<vmem>> -> memref<40xi32, #tpu.memory_space<vmem>>
      %dma_wait3A_94 = arith.constant 0 : i32
      %dma_wait3A_95 = arith.constant 0 : i32
      %dma_wait3A_96 = tpu.memref_slice %arg18[%dma_wait3A_94, %dma_wait3A_95] : memref<10000x128xf32, #tpu.memory_space<vmem_shared>> -> memref<10000x128xf32, #tpu.memory_space<vmem_shared>>
      tpu.wait_indirect_dma semaphore(%arg23 : memref<!tpu.dma_semaphore, #tpu.memory_space<semaphore_mem>>) src(%dma_wait3A_90 : memref<40x128xf32, #tpu.memory_space<vmem>>) dst(%dma_wait3A_96 : memref<10000x128xf32, #tpu.memory_space<vmem_shared>>)
      %dma_wait3A_97 = arith.constant 1 : i32
      %dma_wait3A_98 = arith.constant 0 : i32
      %dma_wait3A_99 = arith.constant 0 : i32
      %dma_wait3A_100 = arith.constant 0 : i32
      %dma_wait3A_101 = tpu.memref_slice %arg16[%dma_wait3A_97, %dma_wait3A_99, %dma_wait3A_100] : memref<2x40x16xf32, #tpu.memory_space<vmem>> -> memref<1x40x16xf32, #tpu.memory_space<vmem>>
      %dma_wait3A_102 = tpu.memref_squeeze %dma_wait3A_101 : memref<1x40x16xf32, #tpu.memory_space<vmem>> -> memref<40x16xf32, #tpu.memory_space<vmem>>
      %dma_wait3A_103 = arith.constant 0 : i32
      %dma_wait3A_104 = tpu.memref_slice %arg12[%dma_wait3A_98, %dma_wait3A_103] : memref<50x40xi32, #tpu.memory_space<vmem>> -> memref<1x40xi32, #tpu.memory_space<vmem>>
      %dma_wait3A_105 = tpu.memref_squeeze %dma_wait3A_104 : memref<1x40xi32, #tpu.memory_space<vmem>> -> memref<40xi32, #tpu.memory_space<vmem>>
      %dma_wait3A_106 = arith.constant 0 : i32
      %dma_wait3A_107 = arith.constant 0 : i32
      %dma_wait3A_108 = tpu.memref_slice %arg19[%dma_wait3A_106, %dma_wait3A_107] : memref<10000x16xf32, #tpu.memory_space<vmem_shared>> -> memref<10000x16xf32, #tpu.memory_space<vmem_shared>>
      tpu.wait_indirect_dma semaphore(%arg23 : memref<!tpu.dma_semaphore, #tpu.memory_space<semaphore_mem>>) src(%dma_wait3A_102 : memref<40x16xf32, #tpu.memory_space<vmem>>) dst(%dma_wait3A_108 : memref<10000x16xf32, #tpu.memory_space<vmem_shared>>)
      %scan3A_109 = arith.constant 0 : i32
      scf.yield %scan3A_109 : i32
    }
    %scan3A_23 = arith.constant 5 : i32
    %barrier3A_24 = arith.constant 0 : index
    tpu.barrier barrier_id(%barrier3A_24)
    %lt3A_25 = arith.constant 10 : i32
    %lt3A_26 = arith.cmpi slt, %arg1, %lt3A_25 : i32
    %convert_element_type3A_27 = arith.extui %lt3A_26 : i1 to i32
    %cond3A_28 = arith.constant 0 : i32
    %cond3A_29 = arith.cmpi ne, %convert_element_type3A_27, %cond3A_28 : i32
    scf.if %cond3A_29 {
      %mul3A_30 = arith.constant 1000 : i32
      %mul3A_31 = arith.muli %arg1, %mul3A_30 : i32
      %mul3A_32 = arith.constant 1000 : i32
      %mul3A_33 = arith.muli %arg1, %mul3A_32 : i32
      "tpu.region"() ({
        %run_scoped3A = tpu.sem_alloc : memref<!tpu.dma_semaphore, #tpu.memory_space<semaphore_mem>>
        %dma_start3A = arith.constant 0 : i32
        %dma_start3A_38 = tpu.memref_slice %arg9[%arg0, %mul3A_33, %dma_start3A] : memref<2x10000x128xf32, #tpu.memory_space<hbm>> -> memref<1x1000x128xf32, #tpu.memory_space<hbm>>
        %dma_start3A_39 = tpu.memref_squeeze %dma_start3A_38 : memref<1x1000x128xf32, #tpu.memory_space<hbm>> -> memref<1000x128xf32, #tpu.memory_space<hbm>>
        %dma_start3A_40 = arith.constant 0 : i32
        %dma_start3A_41 = tpu.memref_slice %arg18[%mul3A_31, %dma_start3A_40] : memref<10000x128xf32, #tpu.memory_space<vmem_shared>> -> memref<1000x128xf32, #tpu.memory_space<vmem_shared>>
        tpu.enqueue_dma source(%dma_start3A_41 : memref<1000x128xf32, #tpu.memory_space<vmem_shared>>) target(%dma_start3A_39 : memref<1000x128xf32, #tpu.memory_space<hbm>>) target_semaphore(%run_scoped3A : memref<!tpu.dma_semaphore, #tpu.memory_space<semaphore_mem>>)
        %dma_wait3A = arith.constant 0 : i32
        %dma_wait3A_42 = tpu.memref_slice %arg9[%arg0, %mul3A_33, %dma_wait3A] : memref<2x10000x128xf32, #tpu.memory_space<hbm>> -> memref<1x1000x128xf32, #tpu.memory_space<hbm>>
        %dma_wait3A_43 = tpu.memref_squeeze %dma_wait3A_42 : memref<1x1000x128xf32, #tpu.memory_space<hbm>> -> memref<1000x128xf32, #tpu.memory_space<hbm>>
        %dma_wait3A_44 = arith.constant 0 : i32
        %dma_wait3A_45 = tpu.memref_slice %arg18[%mul3A_31, %dma_wait3A_44] : memref<10000x128xf32, #tpu.memory_space<vmem_shared>> -> memref<1000x128xf32, #tpu.memory_space<vmem_shared>>
        tpu.wait_dma2 semaphore(%run_scoped3A : memref<!tpu.dma_semaphore, #tpu.memory_space<semaphore_mem>>) src(%dma_wait3A_45 : memref<1000x128xf32, #tpu.memory_space<vmem_shared>>) dst(%dma_wait3A_43 : memref<1000x128xf32, #tpu.memory_space<hbm>>)
        tpu.yield
      }) : () -> ()
      %mul3A_34 = arith.constant 1000 : i32
      %mul3A_35 = arith.muli %arg1, %mul3A_34 : i32
      %mul3A_36 = arith.constant 1000 : i32
      %mul3A_37 = arith.muli %arg1, %mul3A_36 : i32
      "tpu.region"() ({
        %run_scoped3A = tpu.sem_alloc : memref<!tpu.dma_semaphore, #tpu.memory_space<semaphore_mem>>
        %dma_start3A = arith.constant 0 : i32
        %dma_start3A_38 = tpu.memref_slice %arg10[%arg0, %mul3A_37, %dma_start3A] : memref<2x10000x16xf32, #tpu.memory_space<hbm>> -> memref<1x1000x16xf32, #tpu.memory_space<hbm>>
        %dma_start3A_39 = tpu.memref_squeeze %dma_start3A_38 : memref<1x1000x16xf32, #tpu.memory_space<hbm>> -> memref<1000x16xf32, #tpu.memory_space<hbm>>
        %dma_start3A_40 = arith.constant 0 : i32
        %dma_start3A_41 = tpu.memref_slice %arg19[%mul3A_35, %dma_start3A_40] : memref<10000x16xf32, #tpu.memory_space<vmem_shared>> -> memref<1000x16xf32, #tpu.memory_space<vmem_shared>>
        tpu.enqueue_dma source(%dma_start3A_41 : memref<1000x16xf32, #tpu.memory_space<vmem_shared>>) target(%dma_start3A_39 : memref<1000x16xf32, #tpu.memory_space<hbm>>) target_semaphore(%run_scoped3A : memref<!tpu.dma_semaphore, #tpu.memory_space<semaphore_mem>>)
        %dma_wait3A = arith.constant 0 : i32
        %dma_wait3A_42 = tpu.memref_slice %arg10[%arg0, %mul3A_37, %dma_wait3A] : memref<2x10000x16xf32, #tpu.memory_space<hbm>> -> memref<1x1000x16xf32, #tpu.memory_space<hbm>>
        %dma_wait3A_43 = tpu.memref_squeeze %dma_wait3A_42 : memref<1x1000x16xf32, #tpu.memory_space<hbm>> -> memref<1000x16xf32, #tpu.memory_space<hbm>>
        %dma_wait3A_44 = arith.constant 0 : i32
        %dma_wait3A_45 = tpu.memref_slice %arg19[%mul3A_35, %dma_wait3A_44] : memref<10000x16xf32, #tpu.memory_space<vmem_shared>> -> memref<1000x16xf32, #tpu.memory_space<vmem_shared>>
        tpu.wait_dma2 semaphore(%run_scoped3A : memref<!tpu.dma_semaphore, #tpu.memory_space<semaphore_mem>>) src(%dma_wait3A_45 : memref<1000x16xf32, #tpu.memory_space<vmem_shared>>) dst(%dma_wait3A_43 : memref<1000x16xf32, #tpu.memory_space<hbm>>)
        tpu.yield
      }) : () -> ()
    } else {
    }
    return
  }
}

#map = affine_map<(d0, d1) -> (0, 0)>
#map1 = affine_map<(d0, d1) -> (0, 0, 0, 0)>
#map2 = affine_map<(d0, d1) -> (0)>
#map3 = affine_map<(d0, d1) -> (0, 0, 0)>
module attributes {stable_mosaic.version = 14 : i64} {
  func.func @body(%arg0: i32, %arg1: i32, %arg2: memref<10000x128xf32, #tpu.memory_space<hbm>>, %arg3: memref<10000x128xf32, #tpu.memory_space<hbm>>, %arg4: memref<320000x128xf32, #tpu.memory_space<hbm>>, %arg5: memref<32x5x50x40xi32, #tpu.memory_space<hbm>>, %arg6: memref<32x5x50x40xi32, #tpu.memory_space<hbm>>, %arg7: memref<128xf32, #tpu.memory_space<hbm>>, %arg8: memref<200x128xf32, #tpu.memory_space<hbm>>, %arg9: memref<200x16xf32, #tpu.memory_space<hbm>>, %arg10: memref<2x10000x128xf32, #tpu.memory_space<hbm>>, %arg11: memref<2x10000x16xf32, #tpu.memory_space<hbm>>, %arg12: memref<50x40xi32, #tpu.memory_space<vmem>>, %arg13: memref<50x40xi32, #tpu.memory_space<vmem>>, %arg14: memref<2x40x128xf32, #tpu.memory_space<vmem>>, %arg15: memref<2x40x128xf32, #tpu.memory_space<vmem>>, %arg16: memref<2x40x128xf32, #tpu.memory_space<vmem>>, %arg17: memref<2x40x16xf32, #tpu.memory_space<vmem>>, %arg18: memref<128xf32, #tpu.memory_space<vmem>>, %arg19: memref<10000x128xf32, #tpu.memory_space<vmem_shared>>, %arg20: memref<10000x16xf32, #tpu.memory_space<vmem_shared>>, %arg21: memref<!tpu.dma_semaphore, #tpu.memory_space<semaphore_mem>>, %arg22: memref<!tpu.dma_semaphore, #tpu.memory_space<semaphore_mem>>, %arg23: memref<!tpu.dma_semaphore, #tpu.memory_space<semaphore_mem>>, %arg24: memref<!tpu.dma_semaphore, #tpu.memory_space<semaphore_mem>>) attributes {dimension_semantics = [#tpu.dimension_semantics<core_parallel>, #tpu.dimension_semantics<subcore_parallel>], iteration_bounds = array<i64: 2, 16>, scalar_prefetch = 0 : i64, scratch_operands = 13 : i64, tpu.core_type = #tpu.core_type<sc_vector_subcore>, window_params = [{transform_indices = #map}, {transform_indices = #map}, {transform_indices = #map}, {transform_indices = #map1}, {transform_indices = #map1}, {transform_indices = #map2}, {transform_indices = #map}, {transform_indices = #map}, {transform_indices = #map3}, {transform_indices = #map3}]} {
    %mul3A = arith.constant 2 : i32
    %mul3A_0 = arith.muli %arg1, %mul3A : i32
    %add3A = arith.addi %mul3A_0, %arg0 : i32
    "tpu.region"() ({
      %run_scoped3A = tpu.sem_alloc : memref<!tpu.dma_semaphore, #tpu.memory_space<semaphore_mem>>
      tpu.enqueue_dma source(%arg7 : memref<128xf32, #tpu.memory_space<hbm>>) target(%arg18 : memref<128xf32, #tpu.memory_space<vmem>>) target_semaphore(%run_scoped3A : memref<!tpu.dma_semaphore, #tpu.memory_space<semaphore_mem>>)
      tpu.wait_dma2 semaphore(%run_scoped3A : memref<!tpu.dma_semaphore, #tpu.memory_space<semaphore_mem>>) src(%arg7 : memref<128xf32, #tpu.memory_space<hbm>>) dst(%arg18 : memref<128xf32, #tpu.memory_space<vmem>>)
      tpu.yield
    }) : () -> ()
    %get3A = arith.constant 0 : index
    %get3A_1 = tpu.vector_load %arg18[%get3A] {strides = array<i32>} : memref<128xf32, #tpu.memory_space<vmem>>, vector<16xf32>,
    %get3A_2 = arith.constant 16 : index
    %get3A_3 = tpu.vector_load %arg18[%get3A_2] {strides = array<i32>} : memref<128xf32, #tpu.memory_space<vmem>>, vector<16xf32>,
    %get3A_4 = arith.constant 32 : index
    %get3A_5 = tpu.vector_load %arg18[%get3A_4] {strides = array<i32>} : memref<128xf32, #tpu.memory_space<vmem>>, vector<16xf32>,
    %get3A_6 = arith.constant 48 : index
    %get3A_7 = tpu.vector_load %arg18[%get3A_6] {strides = array<i32>} : memref<128xf32, #tpu.memory_space<vmem>>, vector<16xf32>,
    %get3A_8 = arith.constant 64 : index
    %get3A_9 = tpu.vector_load %arg18[%get3A_8] {strides = array<i32>} : memref<128xf32, #tpu.memory_space<vmem>>, vector<16xf32>,
    %get3A_10 = arith.constant 80 : index
    %get3A_11 = tpu.vector_load %arg18[%get3A_10] {strides = array<i32>} : memref<128xf32, #tpu.memory_space<vmem>>, vector<16xf32>,
    %get3A_12 = arith.constant 96 : index
    %get3A_13 = tpu.vector_load %arg18[%get3A_12] {strides = array<i32>} : memref<128xf32, #tpu.memory_space<vmem>>, vector<16xf32>,
    %get3A_14 = arith.constant 112 : index
    %get3A_15 = tpu.vector_load %arg18[%get3A_14] {strides = array<i32>} : memref<128xf32, #tpu.memory_space<vmem>>, vector<16xf32>,
    %lt3A = arith.constant 10 : i32
    %lt3A_16 = arith.cmpi slt, %arg1, %lt3A : i32
    %convert_element_type3A = arith.extui %lt3A_16 : i1 to i32
    %cond3A = arith.constant 0 : i32
    %cond3A_17 = arith.cmpi ne, %convert_element_type3A, %cond3A : i32
    scf.if %cond3A_17 {
      %mul3A_30 = arith.constant 1000 : i32
      %mul3A_31 = arith.muli %arg1, %mul3A_30 : i32
      %add3A_32 = arith.constant 0 : i32
      %add3A_33 = arith.addi %mul3A_31, %add3A_32 : i32
      "tpu.region"() ({
        %run_scoped3A = tpu.sem_alloc : memref<!tpu.dma_semaphore, #tpu.memory_space<semaphore_mem>>
        %dma_start3A = arith.constant 0 : i32
        %dma_start3A_70 = tpu.memref_slice %arg19[%add3A_33, %dma_start3A] : memref<10000x128xf32, #tpu.memory_space<vmem_shared>> -> memref<200x128xf32, #tpu.memory_space<vmem_shared>>
        tpu.enqueue_dma source(%arg8 : memref<200x128xf32, #tpu.memory_space<hbm>>) target(%dma_start3A_70 : memref<200x128xf32, #tpu.memory_space<vmem_shared>>) target_semaphore(%run_scoped3A : memref<!tpu.dma_semaphore, #tpu.memory_space<semaphore_mem>>)
        %dma_wait3A = arith.constant 0 : i32
        %dma_wait3A_71 = tpu.memref_slice %arg19[%add3A_33, %dma_wait3A] : memref<10000x128xf32, #tpu.memory_space<vmem_shared>> -> memref<200x128xf32, #tpu.memory_space<vmem_shared>>
        tpu.wait_dma2 semaphore(%run_scoped3A : memref<!tpu.dma_semaphore, #tpu.memory_space<semaphore_mem>>) src(%arg8 : memref<200x128xf32, #tpu.memory_space<hbm>>) dst(%dma_wait3A_71 : memref<200x128xf32, #tpu.memory_space<vmem_shared>>)
        tpu.yield
      }) : () -> ()
      %mul3A_34 = arith.constant 1000 : i32
      %mul3A_35 = arith.muli %arg1, %mul3A_34 : i32
      %add3A_36 = arith.constant 0 : i32
      %add3A_37 = arith.addi %mul3A_35, %add3A_36 : i32
      "tpu.region"() ({
        %run_scoped3A = tpu.sem_alloc : memref<!tpu.dma_semaphore, #tpu.memory_space<semaphore_mem>>
        %dma_start3A = arith.constant 0 : i32
        %dma_start3A_70 = tpu.memref_slice %arg20[%add3A_37, %dma_start3A] : memref<10000x16xf32, #tpu.memory_space<vmem_shared>> -> memref<200x16xf32, #tpu.memory_space<vmem_shared>>
        tpu.enqueue_dma source(%arg9 : memref<200x16xf32, #tpu.memory_space<hbm>>) target(%dma_start3A_70 : memref<200x16xf32, #tpu.memory_space<vmem_shared>>) target_semaphore(%run_scoped3A : memref<!tpu.dma_semaphore, #tpu.memory_space<semaphore_mem>>)
        %dma_wait3A = arith.constant 0 : i32
        %dma_wait3A_71 = tpu.memref_slice %arg20[%add3A_37, %dma_wait3A] : memref<10000x16xf32, #tpu.memory_space<vmem_shared>> -> memref<200x16xf32, #tpu.memory_space<vmem_shared>>
        tpu.wait_dma2 semaphore(%run_scoped3A : memref<!tpu.dma_semaphore, #tpu.memory_space<semaphore_mem>>) src(%arg9 : memref<200x16xf32, #tpu.memory_space<hbm>>) dst(%dma_wait3A_71 : memref<200x16xf32, #tpu.memory_space<vmem_shared>>)
        tpu.yield
      }) : () -> ()
      %mul3A_38 = arith.constant 1000 : i32
      %mul3A_39 = arith.muli %arg1, %mul3A_38 : i32
      %add3A_40 = arith.constant 200 : i32
      %add3A_41 = arith.addi %mul3A_39, %add3A_40 : i32
      "tpu.region"() ({
        %run_scoped3A = tpu.sem_alloc : memref<!tpu.dma_semaphore, #tpu.memory_space<semaphore_mem>>
        %dma_start3A = arith.constant 0 : i32
        %dma_start3A_70 = tpu.memref_slice %arg19[%add3A_41, %dma_start3A] : memref<10000x128xf32, #tpu.memory_space<vmem_shared>> -> memref<200x128xf32, #tpu.memory_space<vmem_shared>>
        tpu.enqueue_dma source(%arg8 : memref<200x128xf32, #tpu.memory_space<hbm>>) target(%dma_start3A_70 : memref<200x128xf32, #tpu.memory_space<vmem_shared>>) target_semaphore(%run_scoped3A : memref<!tpu.dma_semaphore, #tpu.memory_space<semaphore_mem>>)
        %dma_wait3A = arith.constant 0 : i32
        %dma_wait3A_71 = tpu.memref_slice %arg19[%add3A_41, %dma_wait3A] : memref<10000x128xf32, #tpu.memory_space<vmem_shared>> -> memref<200x128xf32, #tpu.memory_space<vmem_shared>>
        tpu.wait_dma2 semaphore(%run_scoped3A : memref<!tpu.dma_semaphore, #tpu.memory_space<semaphore_mem>>) src(%arg8 : memref<200x128xf32, #tpu.memory_space<hbm>>) dst(%dma_wait3A_71 : memref<200x128xf32, #tpu.memory_space<vmem_shared>>)
        tpu.yield
      }) : () -> ()
      %mul3A_42 = arith.constant 1000 : i32
      %mul3A_43 = arith.muli %arg1, %mul3A_42 : i32
      %add3A_44 = arith.constant 200 : i32
      %add3A_45 = arith.addi %mul3A_43, %add3A_44 : i32
      "tpu.region"() ({
        %run_scoped3A = tpu.sem_alloc : memref<!tpu.dma_semaphore, #tpu.memory_space<semaphore_mem>>
        %dma_start3A = arith.constant 0 : i32
        %dma_start3A_70 = tpu.memref_slice %arg20[%add3A_45, %dma_start3A] : memref<10000x16xf32, #tpu.memory_space<vmem_shared>> -> memref<200x16xf32, #tpu.memory_space<vmem_shared>>
        tpu.enqueue_dma source(%arg9 : memref<200x16xf32, #tpu.memory_space<hbm>>) target(%dma_start3A_70 : memref<200x16xf32, #tpu.memory_space<vmem_shared>>) target_semaphore(%run_scoped3A : memref<!tpu.dma_semaphore, #tpu.memory_space<semaphore_mem>>)
        %dma_wait3A = arith.constant 0 : i32
        %dma_wait3A_71 = tpu.memref_slice %arg20[%add3A_45, %dma_wait3A] : memref<10000x16xf32, #tpu.memory_space<vmem_shared>> -> memref<200x16xf32, #tpu.memory_space<vmem_shared>>
        tpu.wait_dma2 semaphore(%run_scoped3A : memref<!tpu.dma_semaphore, #tpu.memory_space<semaphore_mem>>) src(%arg9 : memref<200x16xf32, #tpu.memory_space<hbm>>) dst(%dma_wait3A_71 : memref<200x16xf32, #tpu.memory_space<vmem_shared>>)
        tpu.yield
      }) : () -> ()
      %mul3A_46 = arith.constant 1000 : i32
      %mul3A_47 = arith.muli %arg1, %mul3A_46 : i32
      %add3A_48 = arith.constant 400 : i32
      %add3A_49 = arith.addi %mul3A_47, %add3A_48 : i32
      "tpu.region"() ({
        %run_scoped3A = tpu.sem_alloc : memref<!tpu.dma_semaphore, #tpu.memory_space<semaphore_mem>>
        %dma_start3A = arith.constant 0 : i32
        %dma_start3A_70 = tpu.memref_slice %arg19[%add3A_49, %dma_start3A] : memref<10000x128xf32, #tpu.memory_space<vmem_shared>> -> memref<200x128xf32, #tpu.memory_space<vmem_shared>>
        tpu.enqueue_dma source(%arg8 : memref<200x128xf32, #tpu.memory_space<hbm>>) target(%dma_start3A_70 : memref<200x128xf32, #tpu.memory_space<vmem_shared>>) target_semaphore(%run_scoped3A : memref<!tpu.dma_semaphore, #tpu.memory_space<semaphore_mem>>)
        %dma_wait3A = arith.constant 0 : i32
        %dma_wait3A_71 = tpu.memref_slice %arg19[%add3A_49, %dma_wait3A] : memref<10000x128xf32, #tpu.memory_space<vmem_shared>> -> memref<200x128xf32, #tpu.memory_space<vmem_shared>>
        tpu.wait_dma2 semaphore(%run_scoped3A : memref<!tpu.dma_semaphore, #tpu.memory_space<semaphore_mem>>) src(%arg8 : memref<200x128xf32, #tpu.memory_space<hbm>>) dst(%dma_wait3A_71 : memref<200x128xf32, #tpu.memory_space<vmem_shared>>)
        tpu.yield
      }) : () -> ()
      %mul3A_50 = arith.constant 1000 : i32
      %mul3A_51 = arith.muli %arg1, %mul3A_50 : i32
      %add3A_52 = arith.constant 400 : i32
      %add3A_53 = arith.addi %mul3A_51, %add3A_52 : i32
      "tpu.region"() ({
        %run_scoped3A = tpu.sem_alloc : memref<!tpu.dma_semaphore, #tpu.memory_space<semaphore_mem>>
        %dma_start3A = arith.constant 0 : i32
        %dma_start3A_70 = tpu.memref_slice %arg20[%add3A_53, %dma_start3A] : memref<10000x16xf32, #tpu.memory_space<vmem_shared>> -> memref<200x16xf32, #tpu.memory_space<vmem_shared>>
        tpu.enqueue_dma source(%arg9 : memref<200x16xf32, #tpu.memory_space<hbm>>) target(%dma_start3A_70 : memref<200x16xf32, #tpu.memory_space<vmem_shared>>) target_semaphore(%run_scoped3A : memref<!tpu.dma_semaphore, #tpu.memory_space<semaphore_mem>>)
        %dma_wait3A = arith.constant 0 : i32
        %dma_wait3A_71 = tpu.memref_slice %arg20[%add3A_53, %dma_wait3A] : memref<10000x16xf32, #tpu.memory_space<vmem_shared>> -> memref<200x16xf32, #tpu.memory_space<vmem_shared>>
        tpu.wait_dma2 semaphore(%run_scoped3A : memref<!tpu.dma_semaphore, #tpu.memory_space<semaphore_mem>>) src(%arg9 : memref<200x16xf32, #tpu.memory_space<hbm>>) dst(%dma_wait3A_71 : memref<200x16xf32, #tpu.memory_space<vmem_shared>>)
        tpu.yield
      }) : () -> ()
      %mul3A_54 = arith.constant 1000 : i32
      %mul3A_55 = arith.muli %arg1, %mul3A_54 : i32
      %add3A_56 = arith.constant 600 : i32
      %add3A_57 = arith.addi %mul3A_55, %add3A_56 : i32
      "tpu.region"() ({
        %run_scoped3A = tpu.sem_alloc : memref<!tpu.dma_semaphore, #tpu.memory_space<semaphore_mem>>
        %dma_start3A = arith.constant 0 : i32
        %dma_start3A_70 = tpu.memref_slice %arg19[%add3A_57, %dma_start3A] : memref<10000x128xf32, #tpu.memory_space<vmem_shared>> -> memref<200x128xf32, #tpu.memory_space<vmem_shared>>
        tpu.enqueue_dma source(%arg8 : memref<200x128xf32, #tpu.memory_space<hbm>>) target(%dma_start3A_70 : memref<200x128xf32, #tpu.memory_space<vmem_shared>>) target_semaphore(%run_scoped3A : memref<!tpu.dma_semaphore, #tpu.memory_space<semaphore_mem>>)
        %dma_wait3A = arith.constant 0 : i32
        %dma_wait3A_71 = tpu.memref_slice %arg19[%add3A_57, %dma_wait3A] : memref<10000x128xf32, #tpu.memory_space<vmem_shared>> -> memref<200x128xf32, #tpu.memory_space<vmem_shared>>
        tpu.wait_dma2 semaphore(%run_scoped3A : memref<!tpu.dma_semaphore, #tpu.memory_space<semaphore_mem>>) src(%arg8 : memref<200x128xf32, #tpu.memory_space<hbm>>) dst(%dma_wait3A_71 : memref<200x128xf32, #tpu.memory_space<vmem_shared>>)
        tpu.yield
      }) : () -> ()
      %mul3A_58 = arith.constant 1000 : i32
      %mul3A_59 = arith.muli %arg1, %mul3A_58 : i32
      %add3A_60 = arith.constant 600 : i32
      %add3A_61 = arith.addi %mul3A_59, %add3A_60 : i32
      "tpu.region"() ({
        %run_scoped3A = tpu.sem_alloc : memref<!tpu.dma_semaphore, #tpu.memory_space<semaphore_mem>>
        %dma_start3A = arith.constant 0 : i32
        %dma_start3A_70 = tpu.memref_slice %arg20[%add3A_61, %dma_start3A] : memref<10000x16xf32, #tpu.memory_space<vmem_shared>> -> memref<200x16xf32, #tpu.memory_space<vmem_shared>>
        tpu.enqueue_dma source(%arg9 : memref<200x16xf32, #tpu.memory_space<hbm>>) target(%dma_start3A_70 : memref<200x16xf32, #tpu.memory_space<vmem_shared>>) target_semaphore(%run_scoped3A : memref<!tpu.dma_semaphore, #tpu.memory_space<semaphore_mem>>)
        %dma_wait3A = arith.constant 0 : i32
        %dma_wait3A_71 = tpu.memref_slice %arg20[%add3A_61, %dma_wait3A] : memref<10000x16xf32, #tpu.memory_space<vmem_shared>> -> memref<200x16xf32, #tpu.memory_space<vmem_shared>>
        tpu.wait_dma2 semaphore(%run_scoped3A : memref<!tpu.dma_semaphore, #tpu.memory_space<semaphore_mem>>) src(%arg9 : memref<200x16xf32, #tpu.memory_space<hbm>>) dst(%dma_wait3A_71 : memref<200x16xf32, #tpu.memory_space<vmem_shared>>)
        tpu.yield
      }) : () -> ()
      %mul3A_62 = arith.constant 1000 : i32
      %mul3A_63 = arith.muli %arg1, %mul3A_62 : i32
      %add3A_64 = arith.constant 800 : i32
      %add3A_65 = arith.addi %mul3A_63, %add3A_64 : i32
      "tpu.region"() ({
        %run_scoped3A = tpu.sem_alloc : memref<!tpu.dma_semaphore, #tpu.memory_space<semaphore_mem>>
        %dma_start3A = arith.constant 0 : i32
        %dma_start3A_70 = tpu.memref_slice %arg19[%add3A_65, %dma_start3A] : memref<10000x128xf32, #tpu.memory_space<vmem_shared>> -> memref<200x128xf32, #tpu.memory_space<vmem_shared>>
        tpu.enqueue_dma source(%arg8 : memref<200x128xf32, #tpu.memory_space<hbm>>) target(%dma_start3A_70 : memref<200x128xf32, #tpu.memory_space<vmem_shared>>) target_semaphore(%run_scoped3A : memref<!tpu.dma_semaphore, #tpu.memory_space<semaphore_mem>>)
        %dma_wait3A = arith.constant 0 : i32
        %dma_wait3A_71 = tpu.memref_slice %arg19[%add3A_65, %dma_wait3A] : memref<10000x128xf32, #tpu.memory_space<vmem_shared>> -> memref<200x128xf32, #tpu.memory_space<vmem_shared>>
        tpu.wait_dma2 semaphore(%run_scoped3A : memref<!tpu.dma_semaphore, #tpu.memory_space<semaphore_mem>>) src(%arg8 : memref<200x128xf32, #tpu.memory_space<hbm>>) dst(%dma_wait3A_71 : memref<200x128xf32, #tpu.memory_space<vmem_shared>>)
        tpu.yield
      }) : () -> ()
      %mul3A_66 = arith.constant 1000 : i32
      %mul3A_67 = arith.muli %arg1, %mul3A_66 : i32
      %add3A_68 = arith.constant 800 : i32
      %add3A_69 = arith.addi %mul3A_67, %add3A_68 : i32
      "tpu.region"() ({
        %run_scoped3A = tpu.sem_alloc : memref<!tpu.dma_semaphore, #tpu.memory_space<semaphore_mem>>
        %dma_start3A = arith.constant 0 : i32
        %dma_start3A_70 = tpu.memref_slice %arg20[%add3A_69, %dma_start3A] : memref<10000x16xf32, #tpu.memory_space<vmem_shared>> -> memref<200x16xf32, #tpu.memory_space<vmem_shared>>
        tpu.enqueue_dma source(%arg9 : memref<200x16xf32, #tpu.memory_space<hbm>>) target(%dma_start3A_70 : memref<200x16xf32, #tpu.memory_space<vmem_shared>>) target_semaphore(%run_scoped3A : memref<!tpu.dma_semaphore, #tpu.memory_space<semaphore_mem>>)
        %dma_wait3A = arith.constant 0 : i32
        %dma_wait3A_71 = tpu.memref_slice %arg20[%add3A_69, %dma_wait3A] : memref<10000x16xf32, #tpu.memory_space<vmem_shared>> -> memref<200x16xf32, #tpu.memory_space<vmem_shared>>
        tpu.wait_dma2 semaphore(%run_scoped3A : memref<!tpu.dma_semaphore, #tpu.memory_space<semaphore_mem>>) src(%arg9 : memref<200x16xf32, #tpu.memory_space<hbm>>) dst(%dma_wait3A_71 : memref<200x16xf32, #tpu.memory_space<vmem_shared>>)
        tpu.yield
      }) : () -> ()
    } else {
    }
    %barrier3A = arith.constant 0 : index
    tpu.barrier barrier_id(%barrier3A)
    %scan3A = arith.constant 0 : i32
    %scan3A_18 = arith.constant 0 : i32
    %scan3A_19 = arith.constant 5 : i32
    %scan3A_20 = arith.addi %scan3A_18, %scan3A_19 : i32
    %scan3A_21 = arith.constant 1 : i32
    %scan3A_22 = scf.for %scan3A_30 = %scan3A_18 to %scan3A_20 step %scan3A_21 iter_args(%scan3A_31 = %scan3A) -> (i32)  : i32 {
      "tpu.region"() ({
        %run_scoped3A = tpu.sem_alloc : memref<!tpu.dma_semaphore, #tpu.memory_space<semaphore_mem>>
        %dma_start3A_130 = arith.constant 0 : i32
        %dma_start3A_131 = arith.constant 0 : i32
        %dma_start3A_132 = tpu.memref_slice %arg5[%add3A, %scan3A_30, %dma_start3A_130, %dma_start3A_131] : memref<32x5x50x40xi32, #tpu.memory_space<hbm>> -> memref<1x1x50x40xi32, #tpu.memory_space<hbm>>
        %dma_start3A_133 = tpu.memref_squeeze %dma_start3A_132 : memref<1x1x50x40xi32, #tpu.memory_space<hbm>> -> memref<50x40xi32, #tpu.memory_space<hbm>>
        %dma_start3A_134 = arith.constant 0 : i32
        %dma_start3A_135 = arith.constant 0 : i32
        %dma_start3A_136 = tpu.memref_slice %arg5[%add3A, %scan3A_30, %dma_start3A_134, %dma_start3A_135] : memref<32x5x50x40xi32, #tpu.memory_space<hbm>> -> memref<1x1x50x40xi32, #tpu.memory_space<hbm>>
        %dma_start3A_137 = tpu.memref_squeeze %dma_start3A_136 : memref<1x1x50x40xi32, #tpu.memory_space<hbm>> -> memref<50x40xi32, #tpu.memory_space<hbm>>
        tpu.enqueue_dma source(%dma_start3A_137 : memref<50x40xi32, #tpu.memory_space<hbm>>) target(%arg12 : memref<50x40xi32, #tpu.memory_space<vmem>>) target_semaphore(%run_scoped3A : memref<!tpu.dma_semaphore, #tpu.memory_space<semaphore_mem>>)
        %dma_wait3A_138 = arith.constant 0 : i32
        %dma_wait3A_139 = arith.constant 0 : i32
        %dma_wait3A_140 = tpu.memref_slice %arg5[%add3A, %scan3A_30, %dma_wait3A_138, %dma_wait3A_139] : memref<32x5x50x40xi32, #tpu.memory_space<hbm>> -> memref<1x1x50x40xi32, #tpu.memory_space<hbm>>
        %dma_wait3A_141 = tpu.memref_squeeze %dma_wait3A_140 : memref<1x1x50x40xi32, #tpu.memory_space<hbm>> -> memref<50x40xi32, #tpu.memory_space<hbm>>
        %dma_wait3A_142 = arith.constant 0 : i32
        %dma_wait3A_143 = arith.constant 0 : i32
        %dma_wait3A_144 = tpu.memref_slice %arg5[%add3A, %scan3A_30, %dma_wait3A_142, %dma_wait3A_143] : memref<32x5x50x40xi32, #tpu.memory_space<hbm>> -> memref<1x1x50x40xi32, #tpu.memory_space<hbm>>
        %dma_wait3A_145 = tpu.memref_squeeze %dma_wait3A_144 : memref<1x1x50x40xi32, #tpu.memory_space<hbm>> -> memref<50x40xi32, #tpu.memory_space<hbm>>
        tpu.wait_dma2 semaphore(%run_scoped3A : memref<!tpu.dma_semaphore, #tpu.memory_space<semaphore_mem>>) src(%dma_wait3A_145 : memref<50x40xi32, #tpu.memory_space<hbm>>) dst(%arg12 : memref<50x40xi32, #tpu.memory_space<vmem>>)
        tpu.yield
      }) : () -> ()
      "tpu.region"() ({
        %run_scoped3A = tpu.sem_alloc : memref<!tpu.dma_semaphore, #tpu.memory_space<semaphore_mem>>
        %dma_start3A_130 = arith.constant 0 : i32
        %dma_start3A_131 = arith.constant 0 : i32
        %dma_start3A_132 = tpu.memref_slice %arg6[%add3A, %scan3A_30, %dma_start3A_130, %dma_start3A_131] : memref<32x5x50x40xi32, #tpu.memory_space<hbm>> -> memref<1x1x50x40xi32, #tpu.memory_space<hbm>>
        %dma_start3A_133 = tpu.memref_squeeze %dma_start3A_132 : memref<1x1x50x40xi32, #tpu.memory_space<hbm>> -> memref<50x40xi32, #tpu.memory_space<hbm>>
        %dma_start3A_134 = arith.constant 0 : i32
        %dma_start3A_135 = arith.constant 0 : i32
        %dma_start3A_136 = tpu.memref_slice %arg6[%add3A, %scan3A_30, %dma_start3A_134, %dma_start3A_135] : memref<32x5x50x40xi32, #tpu.memory_space<hbm>> -> memref<1x1x50x40xi32, #tpu.memory_space<hbm>>
        %dma_start3A_137 = tpu.memref_squeeze %dma_start3A_136 : memref<1x1x50x40xi32, #tpu.memory_space<hbm>> -> memref<50x40xi32, #tpu.memory_space<hbm>>
        tpu.enqueue_dma source(%dma_start3A_137 : memref<50x40xi32, #tpu.memory_space<hbm>>) target(%arg13 : memref<50x40xi32, #tpu.memory_space<vmem>>) target_semaphore(%run_scoped3A : memref<!tpu.dma_semaphore, #tpu.memory_space<semaphore_mem>>)
        %dma_wait3A_138 = arith.constant 0 : i32
        %dma_wait3A_139 = arith.constant 0 : i32
        %dma_wait3A_140 = tpu.memref_slice %arg6[%add3A, %scan3A_30, %dma_wait3A_138, %dma_wait3A_139] : memref<32x5x50x40xi32, #tpu.memory_space<hbm>> -> memref<1x1x50x40xi32, #tpu.memory_space<hbm>>
        %dma_wait3A_141 = tpu.memref_squeeze %dma_wait3A_140 : memref<1x1x50x40xi32, #tpu.memory_space<hbm>> -> memref<50x40xi32, #tpu.memory_space<hbm>>
        %dma_wait3A_142 = arith.constant 0 : i32
        %dma_wait3A_143 = arith.constant 0 : i32
        %dma_wait3A_144 = tpu.memref_slice %arg6[%add3A, %scan3A_30, %dma_wait3A_142, %dma_wait3A_143] : memref<32x5x50x40xi32, #tpu.memory_space<hbm>> -> memref<1x1x50x40xi32, #tpu.memory_space<hbm>>
        %dma_wait3A_145 = tpu.memref_squeeze %dma_wait3A_144 : memref<1x1x50x40xi32, #tpu.memory_space<hbm>> -> memref<50x40xi32, #tpu.memory_space<hbm>>
        tpu.wait_dma2 semaphore(%run_scoped3A : memref<!tpu.dma_semaphore, #tpu.memory_space<semaphore_mem>>) src(%dma_wait3A_145 : memref<50x40xi32, #tpu.memory_space<hbm>>) dst(%arg13 : memref<50x40xi32, #tpu.memory_space<vmem>>)
        tpu.yield
      }) : () -> ()
      %mul3A_32 = arith.constant 10000 : i32
      %mul3A_33 = arith.muli %add3A, %mul3A_32 : i32
      %mul3A_34 = arith.constant 2000 : i32
      %mul3A_35 = arith.muli %scan3A_30, %mul3A_34 : i32
      %add3A_36 = arith.addi %mul3A_33, %mul3A_35 : i32
      %add3A_37 = arith.constant 0 : i32
      %add3A_38 = arith.addi %add3A_36, %add3A_37 : i32
      %dma_start3A = arith.constant 0 : i32
      %dma_start3A_39 = arith.constant 0 : i32
      %dma_start3A_40 = arith.constant 0 : i32
      %dma_start3A_41 = tpu.memref_slice %arg16[%dma_start3A, %dma_start3A_39, %dma_start3A_40] : memref<2x40x128xf32, #tpu.memory_space<vmem>> -> memref<1x40x128xf32, #tpu.memory_space<vmem>>
      %dma_start3A_42 = tpu.memref_squeeze %dma_start3A_41 : memref<1x40x128xf32, #tpu.memory_space<vmem>> -> memref<40x128xf32, #tpu.memory_space<vmem>>
      %dma_start3A_43 = arith.constant 0 : i32
      %dma_start3A_44 = tpu.memref_slice %arg4[%add3A_38, %dma_start3A_43] : memref<320000x128xf32, #tpu.memory_space<hbm>> -> memref<40x128xf32, #tpu.memory_space<hbm>>
      %dma_start3A_45 = arith.constant 0 : i32
      %dma_start3A_46 = arith.constant 0 : i32
      %dma_start3A_47 = tpu.memref_slice %arg16[%dma_start3A, %dma_start3A_45, %dma_start3A_46] : memref<2x40x128xf32, #tpu.memory_space<vmem>> -> memref<1x40x128xf32, #tpu.memory_space<vmem>>
      %dma_start3A_48 = tpu.memref_squeeze %dma_start3A_47 : memref<1x40x128xf32, #tpu.memory_space<vmem>> -> memref<40x128xf32, #tpu.memory_space<vmem>>
      %dma_start3A_49 = arith.constant 0 : i32
      %dma_start3A_50 = tpu.memref_slice %arg4[%add3A_38, %dma_start3A_49] : memref<320000x128xf32, #tpu.memory_space<hbm>> -> memref<40x128xf32, #tpu.memory_space<hbm>>
      tpu.enqueue_dma source(%dma_start3A_50 : memref<40x128xf32, #tpu.memory_space<hbm>>) target(%dma_start3A_48 : memref<40x128xf32, #tpu.memory_space<vmem>>) target_semaphore(%arg21 : memref<!tpu.dma_semaphore, #tpu.memory_space<semaphore_mem>>)
      %dma_start3A_51 = arith.constant 0 : i32
      %dma_start3A_52 = arith.constant 0 : i32
      %dma_start3A_53 = arith.constant 0 : i32
      %dma_start3A_54 = arith.constant 0 : i32
      %dma_start3A_55 = tpu.memref_slice %arg14[%dma_start3A_52, %dma_start3A_53, %dma_start3A_54] : memref<2x40x128xf32, #tpu.memory_space<vmem>> -> memref<1x40x128xf32, #tpu.memory_space<vmem>>
      %dma_start3A_56 = tpu.memref_squeeze %dma_start3A_55 : memref<1x40x128xf32, #tpu.memory_space<vmem>> -> memref<40x128xf32, #tpu.memory_space<vmem>>
      %dma_start3A_57 = arith.constant 0 : i32
      %dma_start3A_58 = tpu.memref_slice %arg12[%dma_start3A_51, %dma_start3A_57] : memref<50x40xi32, #tpu.memory_space<vmem>> -> memref<1x40xi32, #tpu.memory_space<vmem>>
      %dma_start3A_59 = tpu.memref_squeeze %dma_start3A_58 : memref<1x40xi32, #tpu.memory_space<vmem>> -> memref<40xi32, #tpu.memory_space<vmem>>
      %dma_start3A_60 = arith.constant 0 : i32
      %dma_start3A_61 = arith.constant 0 : i32
      %dma_start3A_62 = tpu.memref_slice %arg2[%dma_start3A_60, %dma_start3A_61] : memref<10000x128xf32, #tpu.memory_space<hbm>> -> memref<10000x128xf32, #tpu.memory_space<hbm>>
      tpu.enqueue_indirect_dma source(%dma_start3A_62 : memref<10000x128xf32, #tpu.memory_space<hbm>>) target(%dma_start3A_56 : memref<40x128xf32, #tpu.memory_space<vmem>>) offsets(%dma_start3A_59 : memref<40xi32, #tpu.memory_space<vmem>>) semaphore(%arg21 : memref<!tpu.dma_semaphore, #tpu.memory_space<semaphore_mem>>)
      %dma_start3A_63 = arith.constant 0 : i32
      %dma_start3A_64 = arith.constant 0 : i32
      %dma_start3A_65 = arith.constant 0 : i32
      %dma_start3A_66 = arith.constant 0 : i32
      %dma_start3A_67 = tpu.memref_slice %arg15[%dma_start3A_64, %dma_start3A_65, %dma_start3A_66] : memref<2x40x128xf32, #tpu.memory_space<vmem>> -> memref<1x40x128xf32, #tpu.memory_space<vmem>>
      %dma_start3A_68 = tpu.memref_squeeze %dma_start3A_67 : memref<1x40x128xf32, #tpu.memory_space<vmem>> -> memref<40x128xf32, #tpu.memory_space<vmem>>
      %dma_start3A_69 = arith.constant 0 : i32
      %dma_start3A_70 = tpu.memref_slice %arg13[%dma_start3A_63, %dma_start3A_69] : memref<50x40xi32, #tpu.memory_space<vmem>> -> memref<1x40xi32, #tpu.memory_space<vmem>>
      %dma_start3A_71 = tpu.memref_squeeze %dma_start3A_70 : memref<1x40xi32, #tpu.memory_space<vmem>> -> memref<40xi32, #tpu.memory_space<vmem>>
      %dma_start3A_72 = arith.constant 0 : i32
      %dma_start3A_73 = arith.constant 0 : i32
      %dma_start3A_74 = tpu.memref_slice %arg3[%dma_start3A_72, %dma_start3A_73] : memref<10000x128xf32, #tpu.memory_space<hbm>> -> memref<10000x128xf32, #tpu.memory_space<hbm>>
      tpu.enqueue_indirect_dma source(%dma_start3A_74 : memref<10000x128xf32, #tpu.memory_space<hbm>>) target(%dma_start3A_68 : memref<40x128xf32, #tpu.memory_space<vmem>>) offsets(%dma_start3A_71 : memref<40xi32, #tpu.memory_space<vmem>>) semaphore(%arg21 : memref<!tpu.dma_semaphore, #tpu.memory_space<semaphore_mem>>)
      %scan3A_75 = arith.constant 0 : i32
      %scan3A_76 = arith.constant 0 : i32
      %scan3A_77 = arith.constant 25 : i32
      %scan3A_78 = arith.addi %scan3A_76, %scan3A_77 : i32
      %scan3A_79 = arith.constant 1 : i32
      %scan3A_80 = scf.for %scan3A_130 = %scan3A_76 to %scan3A_78 step %scan3A_79 iter_args(%scan3A_131 = %scan3A_75) -> (i32)  : i32 {
        %mul3A_132 = arith.constant 2 : i32
        %mul3A_133 = arith.muli %mul3A_132, %scan3A_130 : i32
        %add3A_134 = arith.constant 0 : i32
        %add3A_135 = arith.addi %mul3A_133, %add3A_134 : i32
        %dma_wait3A_136 = arith.constant 0 : i32
        %dma_wait3A_137 = arith.constant 0 : i32
        %dma_wait3A_138 = arith.constant 0 : i32
        %dma_wait3A_139 = tpu.memref_slice %arg16[%dma_wait3A_136, %dma_wait3A_137, %dma_wait3A_138] : memref<2x40x128xf32, #tpu.memory_space<vmem>> -> memref<1x40x128xf32, #tpu.memory_space<vmem>>
        %dma_wait3A_140 = tpu.memref_squeeze %dma_wait3A_139 : memref<1x40x128xf32, #tpu.memory_space<vmem>> -> memref<40x128xf32, #tpu.memory_space<vmem>>
        %dma_wait3A_141 = arith.constant 0 : i32
        %dma_wait3A_142 = arith.constant 0 : i32
        %dma_wait3A_143 = tpu.memref_slice %arg4[%dma_wait3A_141, %dma_wait3A_142] : memref<320000x128xf32, #tpu.memory_space<hbm>> -> memref<40x128xf32, #tpu.memory_space<hbm>>
        %dma_wait3A_144 = arith.constant 0 : i32
        %dma_wait3A_145 = arith.constant 0 : i32
        %dma_wait3A_146 = tpu.memref_slice %arg16[%dma_wait3A_136, %dma_wait3A_144, %dma_wait3A_145] : memref<2x40x128xf32, #tpu.memory_space<vmem>> -> memref<1x40x128xf32, #tpu.memory_space<vmem>>
        %dma_wait3A_147 = tpu.memref_squeeze %dma_wait3A_146 : memref<1x40x128xf32, #tpu.memory_space<vmem>> -> memref<40x128xf32, #tpu.memory_space<vmem>>
        %dma_wait3A_148 = arith.constant 0 : i32
        %dma_wait3A_149 = arith.constant 0 : i32
        %dma_wait3A_150 = tpu.memref_slice %arg4[%dma_wait3A_148, %dma_wait3A_149] : memref<320000x128xf32, #tpu.memory_space<hbm>> -> memref<40x128xf32, #tpu.memory_space<hbm>>
        tpu.wait_dma2 semaphore(%arg21 : memref<!tpu.dma_semaphore, #tpu.memory_space<semaphore_mem>>) src(%dma_wait3A_150 : memref<40x128xf32, #tpu.memory_space<hbm>>) dst(%dma_wait3A_147 : memref<40x128xf32, #tpu.memory_space<vmem>>)
        %dma_wait3A_151 = arith.constant 0 : i32
        %dma_wait3A_152 = arith.constant 0 : i32
        %dma_wait3A_153 = arith.constant 0 : i32
        %dma_wait3A_154 = arith.constant 0 : i32
        %dma_wait3A_155 = tpu.memref_slice %arg14[%dma_wait3A_152, %dma_wait3A_153, %dma_wait3A_154] : memref<2x40x128xf32, #tpu.memory_space<vmem>> -> memref<1x40x128xf32, #tpu.memory_space<vmem>>
        %dma_wait3A_156 = tpu.memref_squeeze %dma_wait3A_155 : memref<1x40x128xf32, #tpu.memory_space<vmem>> -> memref<40x128xf32, #tpu.memory_space<vmem>>
        %dma_wait3A_157 = arith.constant 0 : i32
        %dma_wait3A_158 = tpu.memref_slice %arg12[%dma_wait3A_151, %dma_wait3A_157] : memref<50x40xi32, #tpu.memory_space<vmem>> -> memref<1x40xi32, #tpu.memory_space<vmem>>
        %dma_wait3A_159 = tpu.memref_squeeze %dma_wait3A_158 : memref<1x40xi32, #tpu.memory_space<vmem>> -> memref<40xi32, #tpu.memory_space<vmem>>
        %dma_wait3A_160 = arith.constant 0 : i32
        %dma_wait3A_161 = arith.constant 0 : i32
        %dma_wait3A_162 = tpu.memref_slice %arg2[%dma_wait3A_160, %dma_wait3A_161] : memref<10000x128xf32, #tpu.memory_space<hbm>> -> memref<10000x128xf32, #tpu.memory_space<hbm>>
        tpu.wait_indirect_dma semaphore(%arg21 : memref<!tpu.dma_semaphore, #tpu.memory_space<semaphore_mem>>) src(%dma_wait3A_162 : memref<10000x128xf32, #tpu.memory_space<hbm>>) dst(%dma_wait3A_156 : memref<40x128xf32, #tpu.memory_space<vmem>>)
        %dma_wait3A_163 = arith.constant 0 : i32
        %dma_wait3A_164 = arith.constant 0 : i32
        %dma_wait3A_165 = arith.constant 0 : i32
        %dma_wait3A_166 = arith.constant 0 : i32
        %dma_wait3A_167 = tpu.memref_slice %arg15[%dma_wait3A_164, %dma_wait3A_165, %dma_wait3A_166] : memref<2x40x128xf32, #tpu.memory_space<vmem>> -> memref<1x40x128xf32, #tpu.memory_space<vmem>>
        %dma_wait3A_168 = tpu.memref_squeeze %dma_wait3A_167 : memref<1x40x128xf32, #tpu.memory_space<vmem>> -> memref<40x128xf32, #tpu.memory_space<vmem>>
        %dma_wait3A_169 = arith.constant 0 : i32
        %dma_wait3A_170 = tpu.memref_slice %arg13[%dma_wait3A_163, %dma_wait3A_169] : memref<50x40xi32, #tpu.memory_space<vmem>> -> memref<1x40xi32, #tpu.memory_space<vmem>>
        %dma_wait3A_171 = tpu.memref_squeeze %dma_wait3A_170 : memref<1x40xi32, #tpu.memory_space<vmem>> -> memref<40xi32, #tpu.memory_space<vmem>>
        %dma_wait3A_172 = arith.constant 0 : i32
        %dma_wait3A_173 = arith.constant 0 : i32
        %dma_wait3A_174 = tpu.memref_slice %arg3[%dma_wait3A_172, %dma_wait3A_173] : memref<10000x128xf32, #tpu.memory_space<hbm>> -> memref<10000x128xf32, #tpu.memory_space<hbm>>
        tpu.wait_indirect_dma semaphore(%arg21 : memref<!tpu.dma_semaphore, #tpu.memory_space<semaphore_mem>>) src(%dma_wait3A_174 : memref<10000x128xf32, #tpu.memory_space<hbm>>) dst(%dma_wait3A_168 : memref<40x128xf32, #tpu.memory_space<vmem>>)
        %lt3A_175 = arith.constant 49 : i32
        %lt3A_176 = arith.cmpi slt, %add3A_135, %lt3A_175 : i32
        %convert_element_type3A_177 = arith.extui %lt3A_176 : i1 to i32
        %cond3A_178 = arith.constant 0 : i32
        %cond3A_179 = arith.cmpi ne, %convert_element_type3A_177, %cond3A_178 : i32
        scf.if %cond3A_179 {
          %ge3A = arith.constant 1 : i32
          %ge3A_286 = arith.cmpi sge, %add3A_135, %ge3A : i32
          %convert_element_type3A_287 = arith.extui %ge3A_286 : i1 to i32
          %cond3A_288 = arith.constant 0 : i32
          %cond3A_289 = arith.cmpi ne, %convert_element_type3A_287, %cond3A_288 : i32
          scf.if %cond3A_289 {
            %dma_wait3A_335 = arith.constant 1 : i32
            %dma_wait3A_336 = arith.constant 0 : i32
            %dma_wait3A_337 = arith.constant 0 : i32
            %dma_wait3A_338 = arith.constant 0 : i32
            %dma_wait3A_339 = tpu.memref_slice %arg15[%dma_wait3A_335, %dma_wait3A_337, %dma_wait3A_338] : memref<2x40x128xf32, #tpu.memory_space<vmem>> -> memref<1x40x128xf32, #tpu.memory_space<vmem>>
            %dma_wait3A_340 = tpu.memref_squeeze %dma_wait3A_339 : memref<1x40x128xf32, #tpu.memory_space<vmem>> -> memref<40x128xf32, #tpu.memory_space<vmem>>
            %dma_wait3A_341 = arith.constant 0 : i32
            %dma_wait3A_342 = tpu.memref_slice %arg13[%dma_wait3A_336, %dma_wait3A_341] : memref<50x40xi32, #tpu.memory_space<vmem>> -> memref<1x40xi32, #tpu.memory_space<vmem>>
            %dma_wait3A_343 = tpu.memref_squeeze %dma_wait3A_342 : memref<1x40xi32, #tpu.memory_space<vmem>> -> memref<40xi32, #tpu.memory_space<vmem>>
            %dma_wait3A_344 = arith.constant 0 : i32
            %dma_wait3A_345 = arith.constant 0 : i32
            %dma_wait3A_346 = tpu.memref_slice %arg19[%dma_wait3A_344, %dma_wait3A_345] : memref<10000x128xf32, #tpu.memory_space<vmem_shared>> -> memref<10000x128xf32, #tpu.memory_space<vmem_shared>>
            tpu.wait_indirect_dma semaphore(%arg24 : memref<!tpu.dma_semaphore, #tpu.memory_space<semaphore_mem>>) src(%dma_wait3A_340 : memref<40x128xf32, #tpu.memory_space<vmem>>) dst(%dma_wait3A_346 : memref<10000x128xf32, #tpu.memory_space<vmem_shared>>)
            %dma_wait3A_347 = arith.constant 1 : i32
            %dma_wait3A_348 = arith.constant 0 : i32
            %dma_wait3A_349 = arith.constant 0 : i32
            %dma_wait3A_350 = arith.constant 0 : i32
            %dma_wait3A_351 = tpu.memref_slice %arg17[%dma_wait3A_347, %dma_wait3A_349, %dma_wait3A_350] : memref<2x40x16xf32, #tpu.memory_space<vmem>> -> memref<1x40x16xf32, #tpu.memory_space<vmem>>
            %dma_wait3A_352 = tpu.memref_squeeze %dma_wait3A_351 : memref<1x40x16xf32, #tpu.memory_space<vmem>> -> memref<40x16xf32, #tpu.memory_space<vmem>>
            %dma_wait3A_353 = arith.constant 0 : i32
            %dma_wait3A_354 = tpu.memref_slice %arg13[%dma_wait3A_348, %dma_wait3A_353] : memref<50x40xi32, #tpu.memory_space<vmem>> -> memref<1x40xi32, #tpu.memory_space<vmem>>
            %dma_wait3A_355 = tpu.memref_squeeze %dma_wait3A_354 : memref<1x40xi32, #tpu.memory_space<vmem>> -> memref<40xi32, #tpu.memory_space<vmem>>
            %dma_wait3A_356 = arith.constant 0 : i32
            %dma_wait3A_357 = arith.constant 0 : i32
            %dma_wait3A_358 = tpu.memref_slice %arg20[%dma_wait3A_356, %dma_wait3A_357] : memref<10000x16xf32, #tpu.memory_space<vmem_shared>> -> memref<10000x16xf32, #tpu.memory_space<vmem_shared>>
            tpu.wait_indirect_dma semaphore(%arg24 : memref<!tpu.dma_semaphore, #tpu.memory_space<semaphore_mem>>) src(%dma_wait3A_352 : memref<40x16xf32, #tpu.memory_space<vmem>>) dst(%dma_wait3A_358 : memref<10000x16xf32, #tpu.memory_space<vmem_shared>>)
          } else {
          }
          %add3A_290 = arith.constant 1 : i32
          %add3A_291 = arith.addi %add3A_135, %add3A_290 : i32
          %mul3A_292 = arith.constant 10000 : i32
          %mul3A_293 = arith.muli %add3A, %mul3A_292 : i32
          %mul3A_294 = arith.constant 2000 : i32
          %mul3A_295 = arith.muli %scan3A_30, %mul3A_294 : i32
          %add3A_296 = arith.addi %mul3A_293, %mul3A_295 : i32
          %mul3A_297 = arith.constant 40 : i32
          %mul3A_298 = arith.muli %add3A_291, %mul3A_297 : i32
          %add3A_299 = arith.addi %add3A_296, %mul3A_298 : i32
          %dma_start3A_300 = arith.constant 1 : i32
          %dma_start3A_301 = arith.constant 0 : i32
          %dma_start3A_302 = arith.constant 0 : i32
          %dma_start3A_303 = tpu.memref_slice %arg16[%dma_start3A_300, %dma_start3A_301, %dma_start3A_302] : memref<2x40x128xf32, #tpu.memory_space<vmem>> -> memref<1x40x128xf32, #tpu.memory_space<vmem>>
          %dma_start3A_304 = tpu.memref_squeeze %dma_start3A_303 : memref<1x40x128xf32, #tpu.memory_space<vmem>> -> memref<40x128xf32, #tpu.memory_space<vmem>>
          %dma_start3A_305 = arith.constant 0 : i32
          %dma_start3A_306 = tpu.memref_slice %arg4[%add3A_299, %dma_start3A_305] : memref<320000x128xf32, #tpu.memory_space<hbm>> -> memref<40x128xf32, #tpu.memory_space<hbm>>
          %dma_start3A_307 = arith.constant 0 : i32
          %dma_start3A_308 = arith.constant 0 : i32
          %dma_start3A_309 = tpu.memref_slice %arg16[%dma_start3A_300, %dma_start3A_307, %dma_start3A_308] : memref<2x40x128xf32, #tpu.memory_space<vmem>> -> memref<1x40x128xf32, #tpu.memory_space<vmem>>
          %dma_start3A_310 = tpu.memref_squeeze %dma_start3A_309 : memref<1x40x128xf32, #tpu.memory_space<vmem>> -> memref<40x128xf32, #tpu.memory_space<vmem>>
          %dma_start3A_311 = arith.constant 0 : i32
          %dma_start3A_312 = tpu.memref_slice %arg4[%add3A_299, %dma_start3A_311] : memref<320000x128xf32, #tpu.memory_space<hbm>> -> memref<40x128xf32, #tpu.memory_space<hbm>>
          tpu.enqueue_dma source(%dma_start3A_312 : memref<40x128xf32, #tpu.memory_space<hbm>>) target(%dma_start3A_310 : memref<40x128xf32, #tpu.memory_space<vmem>>) target_semaphore(%arg22 : memref<!tpu.dma_semaphore, #tpu.memory_space<semaphore_mem>>)
          %dma_start3A_313 = arith.constant 1 : i32
          %dma_start3A_314 = arith.constant 0 : i32
          %dma_start3A_315 = arith.constant 0 : i32
          %dma_start3A_316 = tpu.memref_slice %arg14[%dma_start3A_313, %dma_start3A_314, %dma_start3A_315] : memref<2x40x128xf32, #tpu.memory_space<vmem>> -> memref<1x40x128xf32, #tpu.memory_space<vmem>>
          %dma_start3A_317 = tpu.memref_squeeze %dma_start3A_316 : memref<1x40x128xf32, #tpu.memory_space<vmem>> -> memref<40x128xf32, #tpu.memory_space<vmem>>
          %dma_start3A_318 = arith.constant 0 : i32
          %dma_start3A_319 = tpu.memref_slice %arg12[%add3A_291, %dma_start3A_318] : memref<50x40xi32, #tpu.memory_space<vmem>> -> memref<1x40xi32, #tpu.memory_space<vmem>>
          %dma_start3A_320 = tpu.memref_squeeze %dma_start3A_319 : memref<1x40xi32, #tpu.memory_space<vmem>> -> memref<40xi32, #tpu.memory_space<vmem>>
          %dma_start3A_321 = arith.constant 0 : i32
          %dma_start3A_322 = arith.constant 0 : i32
          %dma_start3A_323 = tpu.memref_slice %arg2[%dma_start3A_321, %dma_start3A_322] : memref<10000x128xf32, #tpu.memory_space<hbm>> -> memref<10000x128xf32, #tpu.memory_space<hbm>>
          tpu.enqueue_indirect_dma source(%dma_start3A_323 : memref<10000x128xf32, #tpu.memory_space<hbm>>) target(%dma_start3A_317 : memref<40x128xf32, #tpu.memory_space<vmem>>) offsets(%dma_start3A_320 : memref<40xi32, #tpu.memory_space<vmem>>) semaphore(%arg22 : memref<!tpu.dma_semaphore, #tpu.memory_space<semaphore_mem>>)
          %dma_start3A_324 = arith.constant 1 : i32
          %dma_start3A_325 = arith.constant 0 : i32
          %dma_start3A_326 = arith.constant 0 : i32
          %dma_start3A_327 = tpu.memref_slice %arg15[%dma_start3A_324, %dma_start3A_325, %dma_start3A_326] : memref<2x40x128xf32, #tpu.memory_space<vmem>> -> memref<1x40x128xf32, #tpu.memory_space<vmem>>
          %dma_start3A_328 = tpu.memref_squeeze %dma_start3A_327 : memref<1x40x128xf32, #tpu.memory_space<vmem>> -> memref<40x128xf32, #tpu.memory_space<vmem>>
          %dma_start3A_329 = arith.constant 0 : i32
          %dma_start3A_330 = tpu.memref_slice %arg13[%add3A_291, %dma_start3A_329] : memref<50x40xi32, #tpu.memory_space<vmem>> -> memref<1x40xi32, #tpu.memory_space<vmem>>
          %dma_start3A_331 = tpu.memref_squeeze %dma_start3A_330 : memref<1x40xi32, #tpu.memory_space<vmem>> -> memref<40xi32, #tpu.memory_space<vmem>>
          %dma_start3A_332 = arith.constant 0 : i32
          %dma_start3A_333 = arith.constant 0 : i32
          %dma_start3A_334 = tpu.memref_slice %arg3[%dma_start3A_332, %dma_start3A_333] : memref<10000x128xf32, #tpu.memory_space<hbm>> -> memref<10000x128xf32, #tpu.memory_space<hbm>>
          tpu.enqueue_indirect_dma source(%dma_start3A_334 : memref<10000x128xf32, #tpu.memory_space<hbm>>) target(%dma_start3A_328 : memref<40x128xf32, #tpu.memory_space<vmem>>) offsets(%dma_start3A_331 : memref<40xi32, #tpu.memory_space<vmem>>) semaphore(%arg22 : memref<!tpu.dma_semaphore, #tpu.memory_space<semaphore_mem>>)
        } else {
        }
        %parallel_loop3A = arith.constant 0 : i32
        %parallel_loop3A_180 = arith.constant 40 : i32
        %parallel_loop3A_181 = arith.constant 1 : i32
        %parallel_loop3A_182 = arith.constant 0 : i32
        %parallel_loop3A_183 = arith.constant 0 : i32
        %parallel_loop3A_184 = arith.constant 0 : i32
        %parallel_loop3A_185 = arith.constant 0 : i32
        scf.for %parallel_loop3A_286 = %parallel_loop3A to %parallel_loop3A_180 step %parallel_loop3A_181  : i32 {
          %parallel_loop3A_287 = arith.constant 0.000000e+00 : f32
          %parallel_loop3A_288 = vector.broadcast %parallel_loop3A_287 : f32 to vector<16xf32>
          %parallel_loop3A_289 = arith.constant 0 : i32
          %parallel_loop3A_290 = arith.constant 0 : i32
          %parallel_loop3A_291 = tpu.memref_slice %arg14[%parallel_loop3A_182, %parallel_loop3A_289, %parallel_loop3A_290] : memref<2x40x128xf32, #tpu.memory_space<vmem>> -> memref<1x40x128xf32, #tpu.memory_space<vmem>>
          %parallel_loop3A_292 = tpu.memref_squeeze %parallel_loop3A_291 : memref<1x40x128xf32, #tpu.memory_space<vmem>> -> memref<40x128xf32, #tpu.memory_space<vmem>>
          %parallel_loop3A_293 = arith.index_cast %parallel_loop3A_286 : i32 to index
          %parallel_loop3A_294 = arith.constant 0 : index
          %parallel_loop3A_295 = tpu.vector_load %parallel_loop3A_292[%parallel_loop3A_293, %parallel_loop3A_294] {strides = array<i32>} : memref<40x128xf32, #tpu.memory_space<vmem>>, vector<16xf32>,
          %parallel_loop3A_296 = arith.constant 0 : i32
          %parallel_loop3A_297 = arith.constant 0 : i32
          %parallel_loop3A_298 = tpu.memref_slice %arg15[%parallel_loop3A_183, %parallel_loop3A_296, %parallel_loop3A_297] : memref<2x40x128xf32, #tpu.memory_space<vmem>> -> memref<1x40x128xf32, #tpu.memory_space<vmem>>
          %parallel_loop3A_299 = tpu.memref_squeeze %parallel_loop3A_298 : memref<1x40x128xf32, #tpu.memory_space<vmem>> -> memref<40x128xf32, #tpu.memory_space<vmem>>
          %parallel_loop3A_300 = arith.index_cast %parallel_loop3A_286 : i32 to index
          %parallel_loop3A_301 = arith.constant 0 : index
          %parallel_loop3A_302 = tpu.vector_load %parallel_loop3A_299[%parallel_loop3A_300, %parallel_loop3A_301] {strides = array<i32>} : memref<40x128xf32, #tpu.memory_space<vmem>>, vector<16xf32>,
          %parallel_loop3A_303 = arith.addf %parallel_loop3A_295, %parallel_loop3A_302 : vector<16xf32>
          %parallel_loop3A_304 = arith.constant 0 : i32
          %parallel_loop3A_305 = arith.constant 0 : i32
          %parallel_loop3A_306 = tpu.memref_slice %arg16[%parallel_loop3A_184, %parallel_loop3A_304, %parallel_loop3A_305] : memref<2x40x128xf32, #tpu.memory_space<vmem>> -> memref<1x40x128xf32, #tpu.memory_space<vmem>>
          %parallel_loop3A_307 = tpu.memref_squeeze %parallel_loop3A_306 : memref<1x40x128xf32, #tpu.memory_space<vmem>> -> memref<40x128xf32, #tpu.memory_space<vmem>>
          %parallel_loop3A_308 = arith.index_cast %parallel_loop3A_286 : i32 to index
          %parallel_loop3A_309 = arith.constant 0 : index
          %parallel_loop3A_310 = tpu.vector_load %parallel_loop3A_307[%parallel_loop3A_308, %parallel_loop3A_309] {strides = array<i32>} : memref<40x128xf32, #tpu.memory_space<vmem>>, vector<16xf32>,
          %parallel_loop3A_311 = arith.addf %parallel_loop3A_303, %parallel_loop3A_310 : vector<16xf32>
          %parallel_loop3A_312 = arith.constant 2.000000e-01 : f32
          %parallel_loop3A_313 = vector.broadcast %parallel_loop3A_312 : f32 to vector<16xf32>
          %parallel_loop3A_314 = arith.mulf %parallel_loop3A_311, %parallel_loop3A_313 : vector<16xf32>
          %parallel_loop3A_315 = arith.maximumf %parallel_loop3A_311, %parallel_loop3A_314 : vector<16xf32>
          %parallel_loop3A_316 = arith.mulf %parallel_loop3A_315, %get3A_1 : vector<16xf32>
          %parallel_loop3A_317 = arith.addf %parallel_loop3A_288, %parallel_loop3A_316 : vector<16xf32>
          %parallel_loop3A_318 = arith.constant 0 : i32
          %parallel_loop3A_319 = arith.constant 0 : i32
          %parallel_loop3A_320 = tpu.memref_slice %arg14[%parallel_loop3A_182, %parallel_loop3A_318, %parallel_loop3A_319] : memref<2x40x128xf32, #tpu.memory_space<vmem>> -> memref<1x40x128xf32, #tpu.memory_space<vmem>>
          %parallel_loop3A_321 = tpu.memref_squeeze %parallel_loop3A_320 : memref<1x40x128xf32, #tpu.memory_space<vmem>> -> memref<40x128xf32, #tpu.memory_space<vmem>>
          %parallel_loop3A_322 = arith.index_cast %parallel_loop3A_286 : i32 to index
          %parallel_loop3A_323 = arith.constant 16 : index
          %parallel_loop3A_324 = tpu.vector_load %parallel_loop3A_321[%parallel_loop3A_322, %parallel_loop3A_323] {strides = array<i32>} : memref<40x128xf32, #tpu.memory_space<vmem>>, vector<16xf32>,
          %parallel_loop3A_325 = arith.constant 0 : i32
          %parallel_loop3A_326 = arith.constant 0 : i32
          %parallel_loop3A_327 = tpu.memref_slice %arg15[%parallel_loop3A_183, %parallel_loop3A_325, %parallel_loop3A_326] : memref<2x40x128xf32, #tpu.memory_space<vmem>> -> memref<1x40x128xf32, #tpu.memory_space<vmem>>
          %parallel_loop3A_328 = tpu.memref_squeeze %parallel_loop3A_327 : memref<1x40x128xf32, #tpu.memory_space<vmem>> -> memref<40x128xf32, #tpu.memory_space<vmem>>
          %parallel_loop3A_329 = arith.index_cast %parallel_loop3A_286 : i32 to index
          %parallel_loop3A_330 = arith.constant 16 : index
          %parallel_loop3A_331 = tpu.vector_load %parallel_loop3A_328[%parallel_loop3A_329, %parallel_loop3A_330] {strides = array<i32>} : memref<40x128xf32, #tpu.memory_space<vmem>>, vector<16xf32>,
          %parallel_loop3A_332 = arith.addf %parallel_loop3A_324, %parallel_loop3A_331 : vector<16xf32>
          %parallel_loop3A_333 = arith.constant 0 : i32
          %parallel_loop3A_334 = arith.constant 0 : i32
          %parallel_loop3A_335 = tpu.memref_slice %arg16[%parallel_loop3A_184, %parallel_loop3A_333, %parallel_loop3A_334] : memref<2x40x128xf32, #tpu.memory_space<vmem>> -> memref<1x40x128xf32, #tpu.memory_space<vmem>>
          %parallel_loop3A_336 = tpu.memref_squeeze %parallel_loop3A_335 : memref<1x40x128xf32, #tpu.memory_space<vmem>> -> memref<40x128xf32, #tpu.memory_space<vmem>>
          %parallel_loop3A_337 = arith.index_cast %parallel_loop3A_286 : i32 to index
          %parallel_loop3A_338 = arith.constant 16 : index
          %parallel_loop3A_339 = tpu.vector_load %parallel_loop3A_336[%parallel_loop3A_337, %parallel_loop3A_338] {strides = array<i32>} : memref<40x128xf32, #tpu.memory_space<vmem>>, vector<16xf32>,
          %parallel_loop3A_340 = arith.addf %parallel_loop3A_332, %parallel_loop3A_339 : vector<16xf32>
          %parallel_loop3A_341 = arith.constant 2.000000e-01 : f32
          %parallel_loop3A_342 = vector.broadcast %parallel_loop3A_341 : f32 to vector<16xf32>
          %parallel_loop3A_343 = arith.mulf %parallel_loop3A_340, %parallel_loop3A_342 : vector<16xf32>
          %parallel_loop3A_344 = arith.maximumf %parallel_loop3A_340, %parallel_loop3A_343 : vector<16xf32>
          %parallel_loop3A_345 = arith.mulf %parallel_loop3A_344, %get3A_3 : vector<16xf32>
          %parallel_loop3A_346 = arith.addf %parallel_loop3A_317, %parallel_loop3A_345 : vector<16xf32>
          %parallel_loop3A_347 = arith.constant 0 : i32
          %parallel_loop3A_348 = arith.constant 0 : i32
          %parallel_loop3A_349 = tpu.memref_slice %arg14[%parallel_loop3A_182, %parallel_loop3A_347, %parallel_loop3A_348] : memref<2x40x128xf32, #tpu.memory_space<vmem>> -> memref<1x40x128xf32, #tpu.memory_space<vmem>>
          %parallel_loop3A_350 = tpu.memref_squeeze %parallel_loop3A_349 : memref<1x40x128xf32, #tpu.memory_space<vmem>> -> memref<40x128xf32, #tpu.memory_space<vmem>>
          %parallel_loop3A_351 = arith.index_cast %parallel_loop3A_286 : i32 to index
          %parallel_loop3A_352 = arith.constant 32 : index
          %parallel_loop3A_353 = tpu.vector_load %parallel_loop3A_350[%parallel_loop3A_351, %parallel_loop3A_352] {strides = array<i32>} : memref<40x128xf32, #tpu.memory_space<vmem>>, vector<16xf32>,
          %parallel_loop3A_354 = arith.constant 0 : i32
          %parallel_loop3A_355 = arith.constant 0 : i32
          %parallel_loop3A_356 = tpu.memref_slice %arg15[%parallel_loop3A_183, %parallel_loop3A_354, %parallel_loop3A_355] : memref<2x40x128xf32, #tpu.memory_space<vmem>> -> memref<1x40x128xf32, #tpu.memory_space<vmem>>
          %parallel_loop3A_357 = tpu.memref_squeeze %parallel_loop3A_356 : memref<1x40x128xf32, #tpu.memory_space<vmem>> -> memref<40x128xf32, #tpu.memory_space<vmem>>
          %parallel_loop3A_358 = arith.index_cast %parallel_loop3A_286 : i32 to index
          %parallel_loop3A_359 = arith.constant 32 : index
          %parallel_loop3A_360 = tpu.vector_load %parallel_loop3A_357[%parallel_loop3A_358, %parallel_loop3A_359] {strides = array<i32>} : memref<40x128xf32, #tpu.memory_space<vmem>>, vector<16xf32>,
          %parallel_loop3A_361 = arith.addf %parallel_loop3A_353, %parallel_loop3A_360 : vector<16xf32>
          %parallel_loop3A_362 = arith.constant 0 : i32
          %parallel_loop3A_363 = arith.constant 0 : i32
          %parallel_loop3A_364 = tpu.memref_slice %arg16[%parallel_loop3A_184, %parallel_loop3A_362, %parallel_loop3A_363] : memref<2x40x128xf32, #tpu.memory_space<vmem>> -> memref<1x40x128xf32, #tpu.memory_space<vmem>>
          %parallel_loop3A_365 = tpu.memref_squeeze %parallel_loop3A_364 : memref<1x40x128xf32, #tpu.memory_space<vmem>> -> memref<40x128xf32, #tpu.memory_space<vmem>>
          %parallel_loop3A_366 = arith.index_cast %parallel_loop3A_286 : i32 to index
          %parallel_loop3A_367 = arith.constant 32 : index
          %parallel_loop3A_368 = tpu.vector_load %parallel_loop3A_365[%parallel_loop3A_366, %parallel_loop3A_367] {strides = array<i32>} : memref<40x128xf32, #tpu.memory_space<vmem>>, vector<16xf32>,
          %parallel_loop3A_369 = arith.addf %parallel_loop3A_361, %parallel_loop3A_368 : vector<16xf32>
          %parallel_loop3A_370 = arith.constant 2.000000e-01 : f32
          %parallel_loop3A_371 = vector.broadcast %parallel_loop3A_370 : f32 to vector<16xf32>
          %parallel_loop3A_372 = arith.mulf %parallel_loop3A_369, %parallel_loop3A_371 : vector<16xf32>
          %parallel_loop3A_373 = arith.maximumf %parallel_loop3A_369, %parallel_loop3A_372 : vector<16xf32>
          %parallel_loop3A_374 = arith.mulf %parallel_loop3A_373, %get3A_5 : vector<16xf32>
          %parallel_loop3A_375 = arith.addf %parallel_loop3A_346, %parallel_loop3A_374 : vector<16xf32>
          %parallel_loop3A_376 = arith.constant 0 : i32
          %parallel_loop3A_377 = arith.constant 0 : i32
          %parallel_loop3A_378 = tpu.memref_slice %arg14[%parallel_loop3A_182, %parallel_loop3A_376, %parallel_loop3A_377] : memref<2x40x128xf32, #tpu.memory_space<vmem>> -> memref<1x40x128xf32, #tpu.memory_space<vmem>>
          %parallel_loop3A_379 = tpu.memref_squeeze %parallel_loop3A_378 : memref<1x40x128xf32, #tpu.memory_space<vmem>> -> memref<40x128xf32, #tpu.memory_space<vmem>>
          %parallel_loop3A_380 = arith.index_cast %parallel_loop3A_286 : i32 to index
          %parallel_loop3A_381 = arith.constant 48 : index
          %parallel_loop3A_382 = tpu.vector_load %parallel_loop3A_379[%parallel_loop3A_380, %parallel_loop3A_381] {strides = array<i32>} : memref<40x128xf32, #tpu.memory_space<vmem>>, vector<16xf32>,
          %parallel_loop3A_383 = arith.constant 0 : i32
          %parallel_loop3A_384 = arith.constant 0 : i32
          %parallel_loop3A_385 = tpu.memref_slice %arg15[%parallel_loop3A_183, %parallel_loop3A_383, %parallel_loop3A_384] : memref<2x40x128xf32, #tpu.memory_space<vmem>> -> memref<1x40x128xf32, #tpu.memory_space<vmem>>
          %parallel_loop3A_386 = tpu.memref_squeeze %parallel_loop3A_385 : memref<1x40x128xf32, #tpu.memory_space<vmem>> -> memref<40x128xf32, #tpu.memory_space<vmem>>
          %parallel_loop3A_387 = arith.index_cast %parallel_loop3A_286 : i32 to index
          %parallel_loop3A_388 = arith.constant 48 : index
          %parallel_loop3A_389 = tpu.vector_load %parallel_loop3A_386[%parallel_loop3A_387, %parallel_loop3A_388] {strides = array<i32>} : memref<40x128xf32, #tpu.memory_space<vmem>>, vector<16xf32>,
          %parallel_loop3A_390 = arith.addf %parallel_loop3A_382, %parallel_loop3A_389 : vector<16xf32>
          %parallel_loop3A_391 = arith.constant 0 : i32
          %parallel_loop3A_392 = arith.constant 0 : i32
          %parallel_loop3A_393 = tpu.memref_slice %arg16[%parallel_loop3A_184, %parallel_loop3A_391, %parallel_loop3A_392] : memref<2x40x128xf32, #tpu.memory_space<vmem>> -> memref<1x40x128xf32, #tpu.memory_space<vmem>>
          %parallel_loop3A_394 = tpu.memref_squeeze %parallel_loop3A_393 : memref<1x40x128xf32, #tpu.memory_space<vmem>> -> memref<40x128xf32, #tpu.memory_space<vmem>>
          %parallel_loop3A_395 = arith.index_cast %parallel_loop3A_286 : i32 to index
          %parallel_loop3A_396 = arith.constant 48 : index
          %parallel_loop3A_397 = tpu.vector_load %parallel_loop3A_394[%parallel_loop3A_395, %parallel_loop3A_396] {strides = array<i32>} : memref<40x128xf32, #tpu.memory_space<vmem>>, vector<16xf32>,
          %parallel_loop3A_398 = arith.addf %parallel_loop3A_390, %parallel_loop3A_397 : vector<16xf32>
          %parallel_loop3A_399 = arith.constant 2.000000e-01 : f32
          %parallel_loop3A_400 = vector.broadcast %parallel_loop3A_399 : f32 to vector<16xf32>
          %parallel_loop3A_401 = arith.mulf %parallel_loop3A_398, %parallel_loop3A_400 : vector<16xf32>
          %parallel_loop3A_402 = arith.maximumf %parallel_loop3A_398, %parallel_loop3A_401 : vector<16xf32>
          %parallel_loop3A_403 = arith.mulf %parallel_loop3A_402, %get3A_7 : vector<16xf32>
          %parallel_loop3A_404 = arith.addf %parallel_loop3A_375, %parallel_loop3A_403 : vector<16xf32>
          %parallel_loop3A_405 = arith.constant 0 : i32
          %parallel_loop3A_406 = arith.constant 0 : i32
          %parallel_loop3A_407 = tpu.memref_slice %arg14[%parallel_loop3A_182, %parallel_loop3A_405, %parallel_loop3A_406] : memref<2x40x128xf32, #tpu.memory_space<vmem>> -> memref<1x40x128xf32, #tpu.memory_space<vmem>>
          %parallel_loop3A_408 = tpu.memref_squeeze %parallel_loop3A_407 : memref<1x40x128xf32, #tpu.memory_space<vmem>> -> memref<40x128xf32, #tpu.memory_space<vmem>>
          %parallel_loop3A_409 = arith.index_cast %parallel_loop3A_286 : i32 to index
          %parallel_loop3A_410 = arith.constant 64 : index
          %parallel_loop3A_411 = tpu.vector_load %parallel_loop3A_408[%parallel_loop3A_409, %parallel_loop3A_410] {strides = array<i32>} : memref<40x128xf32, #tpu.memory_space<vmem>>, vector<16xf32>,
          %parallel_loop3A_412 = arith.constant 0 : i32
          %parallel_loop3A_413 = arith.constant 0 : i32
          %parallel_loop3A_414 = tpu.memref_slice %arg15[%parallel_loop3A_183, %parallel_loop3A_412, %parallel_loop3A_413] : memref<2x40x128xf32, #tpu.memory_space<vmem>> -> memref<1x40x128xf32, #tpu.memory_space<vmem>>
          %parallel_loop3A_415 = tpu.memref_squeeze %parallel_loop3A_414 : memref<1x40x128xf32, #tpu.memory_space<vmem>> -> memref<40x128xf32, #tpu.memory_space<vmem>>
          %parallel_loop3A_416 = arith.index_cast %parallel_loop3A_286 : i32 to index
          %parallel_loop3A_417 = arith.constant 64 : index
          %parallel_loop3A_418 = tpu.vector_load %parallel_loop3A_415[%parallel_loop3A_416, %parallel_loop3A_417] {strides = array<i32>} : memref<40x128xf32, #tpu.memory_space<vmem>>, vector<16xf32>,
          %parallel_loop3A_419 = arith.addf %parallel_loop3A_411, %parallel_loop3A_418 : vector<16xf32>
          %parallel_loop3A_420 = arith.constant 0 : i32
          %parallel_loop3A_421 = arith.constant 0 : i32
          %parallel_loop3A_422 = tpu.memref_slice %arg16[%parallel_loop3A_184, %parallel_loop3A_420, %parallel_loop3A_421] : memref<2x40x128xf32, #tpu.memory_space<vmem>> -> memref<1x40x128xf32, #tpu.memory_space<vmem>>
          %parallel_loop3A_423 = tpu.memref_squeeze %parallel_loop3A_422 : memref<1x40x128xf32, #tpu.memory_space<vmem>> -> memref<40x128xf32, #tpu.memory_space<vmem>>
          %parallel_loop3A_424 = arith.index_cast %parallel_loop3A_286 : i32 to index
          %parallel_loop3A_425 = arith.constant 64 : index
          %parallel_loop3A_426 = tpu.vector_load %parallel_loop3A_423[%parallel_loop3A_424, %parallel_loop3A_425] {strides = array<i32>} : memref<40x128xf32, #tpu.memory_space<vmem>>, vector<16xf32>,
          %parallel_loop3A_427 = arith.addf %parallel_loop3A_419, %parallel_loop3A_426 : vector<16xf32>
          %parallel_loop3A_428 = arith.constant 2.000000e-01 : f32
          %parallel_loop3A_429 = vector.broadcast %parallel_loop3A_428 : f32 to vector<16xf32>
          %parallel_loop3A_430 = arith.mulf %parallel_loop3A_427, %parallel_loop3A_429 : vector<16xf32>
          %parallel_loop3A_431 = arith.maximumf %parallel_loop3A_427, %parallel_loop3A_430 : vector<16xf32>
          %parallel_loop3A_432 = arith.mulf %parallel_loop3A_431, %get3A_9 : vector<16xf32>
          %parallel_loop3A_433 = arith.addf %parallel_loop3A_404, %parallel_loop3A_432 : vector<16xf32>
          %parallel_loop3A_434 = arith.constant 0 : i32
          %parallel_loop3A_435 = arith.constant 0 : i32
          %parallel_loop3A_436 = tpu.memref_slice %arg14[%parallel_loop3A_182, %parallel_loop3A_434, %parallel_loop3A_435] : memref<2x40x128xf32, #tpu.memory_space<vmem>> -> memref<1x40x128xf32, #tpu.memory_space<vmem>>
          %parallel_loop3A_437 = tpu.memref_squeeze %parallel_loop3A_436 : memref<1x40x128xf32, #tpu.memory_space<vmem>> -> memref<40x128xf32, #tpu.memory_space<vmem>>
          %parallel_loop3A_438 = arith.index_cast %parallel_loop3A_286 : i32 to index
          %parallel_loop3A_439 = arith.constant 80 : index
          %parallel_loop3A_440 = tpu.vector_load %parallel_loop3A_437[%parallel_loop3A_438, %parallel_loop3A_439] {strides = array<i32>} : memref<40x128xf32, #tpu.memory_space<vmem>>, vector<16xf32>,
          %parallel_loop3A_441 = arith.constant 0 : i32
          %parallel_loop3A_442 = arith.constant 0 : i32
          %parallel_loop3A_443 = tpu.memref_slice %arg15[%parallel_loop3A_183, %parallel_loop3A_441, %parallel_loop3A_442] : memref<2x40x128xf32, #tpu.memory_space<vmem>> -> memref<1x40x128xf32, #tpu.memory_space<vmem>>
          %parallel_loop3A_444 = tpu.memref_squeeze %parallel_loop3A_443 : memref<1x40x128xf32, #tpu.memory_space<vmem>> -> memref<40x128xf32, #tpu.memory_space<vmem>>
          %parallel_loop3A_445 = arith.index_cast %parallel_loop3A_286 : i32 to index
          %parallel_loop3A_446 = arith.constant 80 : index
          %parallel_loop3A_447 = tpu.vector_load %parallel_loop3A_444[%parallel_loop3A_445, %parallel_loop3A_446] {strides = array<i32>} : memref<40x128xf32, #tpu.memory_space<vmem>>, vector<16xf32>,
          %parallel_loop3A_448 = arith.addf %parallel_loop3A_440, %parallel_loop3A_447 : vector<16xf32>
          %parallel_loop3A_449 = arith.constant 0 : i32
          %parallel_loop3A_450 = arith.constant 0 : i32
          %parallel_loop3A_451 = tpu.memref_slice %arg16[%parallel_loop3A_184, %parallel_loop3A_449, %parallel_loop3A_450] : memref<2x40x128xf32, #tpu.memory_space<vmem>> -> memref<1x40x128xf32, #tpu.memory_space<vmem>>
          %parallel_loop3A_452 = tpu.memref_squeeze %parallel_loop3A_451 : memref<1x40x128xf32, #tpu.memory_space<vmem>> -> memref<40x128xf32, #tpu.memory_space<vmem>>
          %parallel_loop3A_453 = arith.index_cast %parallel_loop3A_286 : i32 to index
          %parallel_loop3A_454 = arith.constant 80 : index
          %parallel_loop3A_455 = tpu.vector_load %parallel_loop3A_452[%parallel_loop3A_453, %parallel_loop3A_454] {strides = array<i32>} : memref<40x128xf32, #tpu.memory_space<vmem>>, vector<16xf32>,
          %parallel_loop3A_456 = arith.addf %parallel_loop3A_448, %parallel_loop3A_455 : vector<16xf32>
          %parallel_loop3A_457 = arith.constant 2.000000e-01 : f32
          %parallel_loop3A_458 = vector.broadcast %parallel_loop3A_457 : f32 to vector<16xf32>
          %parallel_loop3A_459 = arith.mulf %parallel_loop3A_456, %parallel_loop3A_458 : vector<16xf32>
          %parallel_loop3A_460 = arith.maximumf %parallel_loop3A_456, %parallel_loop3A_459 : vector<16xf32>
          %parallel_loop3A_461 = arith.mulf %parallel_loop3A_460, %get3A_11 : vector<16xf32>
          %parallel_loop3A_462 = arith.addf %parallel_loop3A_433, %parallel_loop3A_461 : vector<16xf32>
          %parallel_loop3A_463 = arith.constant 0 : i32
          %parallel_loop3A_464 = arith.constant 0 : i32
          %parallel_loop3A_465 = tpu.memref_slice %arg14[%parallel_loop3A_182, %parallel_loop3A_463, %parallel_loop3A_464] : memref<2x40x128xf32, #tpu.memory_space<vmem>> -> memref<1x40x128xf32, #tpu.memory_space<vmem>>
          %parallel_loop3A_466 = tpu.memref_squeeze %parallel_loop3A_465 : memref<1x40x128xf32, #tpu.memory_space<vmem>> -> memref<40x128xf32, #tpu.memory_space<vmem>>
          %parallel_loop3A_467 = arith.index_cast %parallel_loop3A_286 : i32 to index
          %parallel_loop3A_468 = arith.constant 96 : index
          %parallel_loop3A_469 = tpu.vector_load %parallel_loop3A_466[%parallel_loop3A_467, %parallel_loop3A_468] {strides = array<i32>} : memref<40x128xf32, #tpu.memory_space<vmem>>, vector<16xf32>,
          %parallel_loop3A_470 = arith.constant 0 : i32
          %parallel_loop3A_471 = arith.constant 0 : i32
          %parallel_loop3A_472 = tpu.memref_slice %arg15[%parallel_loop3A_183, %parallel_loop3A_470, %parallel_loop3A_471] : memref<2x40x128xf32, #tpu.memory_space<vmem>> -> memref<1x40x128xf32, #tpu.memory_space<vmem>>
          %parallel_loop3A_473 = tpu.memref_squeeze %parallel_loop3A_472 : memref<1x40x128xf32, #tpu.memory_space<vmem>> -> memref<40x128xf32, #tpu.memory_space<vmem>>
          %parallel_loop3A_474 = arith.index_cast %parallel_loop3A_286 : i32 to index
          %parallel_loop3A_475 = arith.constant 96 : index
          %parallel_loop3A_476 = tpu.vector_load %parallel_loop3A_473[%parallel_loop3A_474, %parallel_loop3A_475] {strides = array<i32>} : memref<40x128xf32, #tpu.memory_space<vmem>>, vector<16xf32>,
          %parallel_loop3A_477 = arith.addf %parallel_loop3A_469, %parallel_loop3A_476 : vector<16xf32>
          %parallel_loop3A_478 = arith.constant 0 : i32
          %parallel_loop3A_479 = arith.constant 0 : i32
          %parallel_loop3A_480 = tpu.memref_slice %arg16[%parallel_loop3A_184, %parallel_loop3A_478, %parallel_loop3A_479] : memref<2x40x128xf32, #tpu.memory_space<vmem>> -> memref<1x40x128xf32, #tpu.memory_space<vmem>>
          %parallel_loop3A_481 = tpu.memref_squeeze %parallel_loop3A_480 : memref<1x40x128xf32, #tpu.memory_space<vmem>> -> memref<40x128xf32, #tpu.memory_space<vmem>>
          %parallel_loop3A_482 = arith.index_cast %parallel_loop3A_286 : i32 to index
          %parallel_loop3A_483 = arith.constant 96 : index
          %parallel_loop3A_484 = tpu.vector_load %parallel_loop3A_481[%parallel_loop3A_482, %parallel_loop3A_483] {strides = array<i32>} : memref<40x128xf32, #tpu.memory_space<vmem>>, vector<16xf32>,
          %parallel_loop3A_485 = arith.addf %parallel_loop3A_477, %parallel_loop3A_484 : vector<16xf32>
          %parallel_loop3A_486 = arith.constant 2.000000e-01 : f32
          %parallel_loop3A_487 = vector.broadcast %parallel_loop3A_486 : f32 to vector<16xf32>
          %parallel_loop3A_488 = arith.mulf %parallel_loop3A_485, %parallel_loop3A_487 : vector<16xf32>
          %parallel_loop3A_489 = arith.maximumf %parallel_loop3A_485, %parallel_loop3A_488 : vector<16xf32>
          %parallel_loop3A_490 = arith.mulf %parallel_loop3A_489, %get3A_13 : vector<16xf32>
          %parallel_loop3A_491 = arith.addf %parallel_loop3A_462, %parallel_loop3A_490 : vector<16xf32>
          %parallel_loop3A_492 = arith.constant 0 : i32
          %parallel_loop3A_493 = arith.constant 0 : i32
          %parallel_loop3A_494 = tpu.memref_slice %arg14[%parallel_loop3A_182, %parallel_loop3A_492, %parallel_loop3A_493] : memref<2x40x128xf32, #tpu.memory_space<vmem>> -> memref<1x40x128xf32, #tpu.memory_space<vmem>>
          %parallel_loop3A_495 = tpu.memref_squeeze %parallel_loop3A_494 : memref<1x40x128xf32, #tpu.memory_space<vmem>> -> memref<40x128xf32, #tpu.memory_space<vmem>>
          %parallel_loop3A_496 = arith.index_cast %parallel_loop3A_286 : i32 to index
          %parallel_loop3A_497 = arith.constant 112 : index
          %parallel_loop3A_498 = tpu.vector_load %parallel_loop3A_495[%parallel_loop3A_496, %parallel_loop3A_497] {strides = array<i32>} : memref<40x128xf32, #tpu.memory_space<vmem>>, vector<16xf32>,
          %parallel_loop3A_499 = arith.constant 0 : i32
          %parallel_loop3A_500 = arith.constant 0 : i32
          %parallel_loop3A_501 = tpu.memref_slice %arg15[%parallel_loop3A_183, %parallel_loop3A_499, %parallel_loop3A_500] : memref<2x40x128xf32, #tpu.memory_space<vmem>> -> memref<1x40x128xf32, #tpu.memory_space<vmem>>
          %parallel_loop3A_502 = tpu.memref_squeeze %parallel_loop3A_501 : memref<1x40x128xf32, #tpu.memory_space<vmem>> -> memref<40x128xf32, #tpu.memory_space<vmem>>
          %parallel_loop3A_503 = arith.index_cast %parallel_loop3A_286 : i32 to index
          %parallel_loop3A_504 = arith.constant 112 : index
          %parallel_loop3A_505 = tpu.vector_load %parallel_loop3A_502[%parallel_loop3A_503, %parallel_loop3A_504] {strides = array<i32>} : memref<40x128xf32, #tpu.memory_space<vmem>>, vector<16xf32>,
          %parallel_loop3A_506 = arith.addf %parallel_loop3A_498, %parallel_loop3A_505 : vector<16xf32>
          %parallel_loop3A_507 = arith.constant 0 : i32
          %parallel_loop3A_508 = arith.constant 0 : i32
          %parallel_loop3A_509 = tpu.memref_slice %arg16[%parallel_loop3A_184, %parallel_loop3A_507, %parallel_loop3A_508] : memref<2x40x128xf32, #tpu.memory_space<vmem>> -> memref<1x40x128xf32, #tpu.memory_space<vmem>>
          %parallel_loop3A_510 = tpu.memref_squeeze %parallel_loop3A_509 : memref<1x40x128xf32, #tpu.memory_space<vmem>> -> memref<40x128xf32, #tpu.memory_space<vmem>>
          %parallel_loop3A_511 = arith.index_cast %parallel_loop3A_286 : i32 to index
          %parallel_loop3A_512 = arith.constant 112 : index
          %parallel_loop3A_513 = tpu.vector_load %parallel_loop3A_510[%parallel_loop3A_511, %parallel_loop3A_512] {strides = array<i32>} : memref<40x128xf32, #tpu.memory_space<vmem>>, vector<16xf32>,
          %parallel_loop3A_514 = arith.addf %parallel_loop3A_506, %parallel_loop3A_513 : vector<16xf32>
          %parallel_loop3A_515 = arith.constant 2.000000e-01 : f32
          %parallel_loop3A_516 = vector.broadcast %parallel_loop3A_515 : f32 to vector<16xf32>
          %parallel_loop3A_517 = arith.mulf %parallel_loop3A_514, %parallel_loop3A_516 : vector<16xf32>
          %parallel_loop3A_518 = arith.maximumf %parallel_loop3A_514, %parallel_loop3A_517 : vector<16xf32>
          %parallel_loop3A_519 = arith.mulf %parallel_loop3A_518, %get3A_15 : vector<16xf32>
          %parallel_loop3A_520 = arith.addf %parallel_loop3A_491, %parallel_loop3A_519 : vector<16xf32>
          %parallel_loop3A_521 = arith.constant true
          %parallel_loop3A_522 = vector.broadcast %parallel_loop3A_521 : i1 to vector<16xi1>
          %parallel_loop3A_523 = tpu.scan <sum>, %parallel_loop3A_520 masked %parallel_loop3A_522 : vector<16xf32>, vector<16xi1> -> vector<16xf32>
          %parallel_loop3A_524 = vector.extract %parallel_loop3A_523[15] : f32 from vector<16xf32>
          %parallel_loop3A_525 = vector.broadcast %parallel_loop3A_524 : f32 to vector<16xf32>
          %parallel_loop3A_526 = math.exp %parallel_loop3A_525 : vector<16xf32>
          %parallel_loop3A_527 = arith.constant 0 : i32
          %parallel_loop3A_528 = arith.constant 0 : i32
          %parallel_loop3A_529 = tpu.memref_slice %arg17[%parallel_loop3A_185, %parallel_loop3A_527, %parallel_loop3A_528] : memref<2x40x16xf32, #tpu.memory_space<vmem>> -> memref<1x40x16xf32, #tpu.memory_space<vmem>>
          %parallel_loop3A_530 = tpu.memref_squeeze %parallel_loop3A_529 : memref<1x40x16xf32, #tpu.memory_space<vmem>> -> memref<40x16xf32, #tpu.memory_space<vmem>>
          %parallel_loop3A_531 = arith.index_cast %parallel_loop3A_286 : i32 to index
          %parallel_loop3A_532 = arith.constant 0 : index
          %parallel_loop3A_533 = tpu.vector_load %parallel_loop3A_530[%parallel_loop3A_531, %parallel_loop3A_532] {strides = array<i32>} : memref<40x16xf32, #tpu.memory_space<vmem>>, vector<16xf32>,
          tpu.vector_store %parallel_loop3A_530[%parallel_loop3A_531, %parallel_loop3A_532], %parallel_loop3A_526 {strides = array<i32>} : memref<40x16xf32, #tpu.memory_space<vmem>>, vector<16xf32>,
          %parallel_loop3A_534 = arith.mulf %parallel_loop3A_295, %parallel_loop3A_526 : vector<16xf32>
          %parallel_loop3A_535 = arith.constant 0 : i32
          %parallel_loop3A_536 = arith.constant 0 : i32
          %parallel_loop3A_537 = tpu.memref_slice %arg15[%parallel_loop3A_183, %parallel_loop3A_535, %parallel_loop3A_536] : memref<2x40x128xf32, #tpu.memory_space<vmem>> -> memref<1x40x128xf32, #tpu.memory_space<vmem>>
          %parallel_loop3A_538 = tpu.memref_squeeze %parallel_loop3A_537 : memref<1x40x128xf32, #tpu.memory_space<vmem>> -> memref<40x128xf32, #tpu.memory_space<vmem>>
          %parallel_loop3A_539 = arith.index_cast %parallel_loop3A_286 : i32 to index
          %parallel_loop3A_540 = arith.constant 0 : index
          %parallel_loop3A_541 = tpu.vector_load %parallel_loop3A_538[%parallel_loop3A_539, %parallel_loop3A_540] {strides = array<i32>} : memref<40x128xf32, #tpu.memory_space<vmem>>, vector<16xf32>,
          tpu.vector_store %parallel_loop3A_538[%parallel_loop3A_539, %parallel_loop3A_540], %parallel_loop3A_534 {strides = array<i32>} : memref<40x128xf32, #tpu.memory_space<vmem>>, vector<16xf32>,
          %parallel_loop3A_542 = arith.mulf %parallel_loop3A_324, %parallel_loop3A_526 : vector<16xf32>
          %parallel_loop3A_543 = arith.constant 0 : i32
          %parallel_loop3A_544 = arith.constant 0 : i32
          %parallel_loop3A_545 = tpu.memref_slice %arg15[%parallel_loop3A_183, %parallel_loop3A_543, %parallel_loop3A_544] : memref<2x40x128xf32, #tpu.memory_space<vmem>> -> memref<1x40x128xf32, #tpu.memory_space<vmem>>
          %parallel_loop3A_546 = tpu.memref_squeeze %parallel_loop3A_545 : memref<1x40x128xf32, #tpu.memory_space<vmem>> -> memref<40x128xf32, #tpu.memory_space<vmem>>
          %parallel_loop3A_547 = arith.index_cast %parallel_loop3A_286 : i32 to index
          %parallel_loop3A_548 = arith.constant 16 : index
          %parallel_loop3A_549 = tpu.vector_load %parallel_loop3A_546[%parallel_loop3A_547, %parallel_loop3A_548] {strides = array<i32>} : memref<40x128xf32, #tpu.memory_space<vmem>>, vector<16xf32>,
          tpu.vector_store %parallel_loop3A_546[%parallel_loop3A_547, %parallel_loop3A_548], %parallel_loop3A_542 {strides = array<i32>} : memref<40x128xf32, #tpu.memory_space<vmem>>, vector<16xf32>,
          %parallel_loop3A_550 = arith.mulf %parallel_loop3A_353, %parallel_loop3A_526 : vector<16xf32>
          %parallel_loop3A_551 = arith.constant 0 : i32
          %parallel_loop3A_552 = arith.constant 0 : i32
          %parallel_loop3A_553 = tpu.memref_slice %arg15[%parallel_loop3A_183, %parallel_loop3A_551, %parallel_loop3A_552] : memref<2x40x128xf32, #tpu.memory_space<vmem>> -> memref<1x40x128xf32, #tpu.memory_space<vmem>>
          %parallel_loop3A_554 = tpu.memref_squeeze %parallel_loop3A_553 : memref<1x40x128xf32, #tpu.memory_space<vmem>> -> memref<40x128xf32, #tpu.memory_space<vmem>>
          %parallel_loop3A_555 = arith.index_cast %parallel_loop3A_286 : i32 to index
          %parallel_loop3A_556 = arith.constant 32 : index
          %parallel_loop3A_557 = tpu.vector_load %parallel_loop3A_554[%parallel_loop3A_555, %parallel_loop3A_556] {strides = array<i32>} : memref<40x128xf32, #tpu.memory_space<vmem>>, vector<16xf32>,
          tpu.vector_store %parallel_loop3A_554[%parallel_loop3A_555, %parallel_loop3A_556], %parallel_loop3A_550 {strides = array<i32>} : memref<40x128xf32, #tpu.memory_space<vmem>>, vector<16xf32>,
          %parallel_loop3A_558 = arith.mulf %parallel_loop3A_382, %parallel_loop3A_526 : vector<16xf32>
          %parallel_loop3A_559 = arith.constant 0 : i32
          %parallel_loop3A_560 = arith.constant 0 : i32
          %parallel_loop3A_561 = tpu.memref_slice %arg15[%parallel_loop3A_183, %parallel_loop3A_559, %parallel_loop3A_560] : memref<2x40x128xf32, #tpu.memory_space<vmem>> -> memref<1x40x128xf32, #tpu.memory_space<vmem>>
          %parallel_loop3A_562 = tpu.memref_squeeze %parallel_loop3A_561 : memref<1x40x128xf32, #tpu.memory_space<vmem>> -> memref<40x128xf32, #tpu.memory_space<vmem>>
          %parallel_loop3A_563 = arith.index_cast %parallel_loop3A_286 : i32 to index
          %parallel_loop3A_564 = arith.constant 48 : index
          %parallel_loop3A_565 = tpu.vector_load %parallel_loop3A_562[%parallel_loop3A_563, %parallel_loop3A_564] {strides = array<i32>} : memref<40x128xf32, #tpu.memory_space<vmem>>, vector<16xf32>,
          tpu.vector_store %parallel_loop3A_562[%parallel_loop3A_563, %parallel_loop3A_564], %parallel_loop3A_558 {strides = array<i32>} : memref<40x128xf32, #tpu.memory_space<vmem>>, vector<16xf32>,
          %parallel_loop3A_566 = arith.mulf %parallel_loop3A_411, %parallel_loop3A_526 : vector<16xf32>
          %parallel_loop3A_567 = arith.constant 0 : i32
          %parallel_loop3A_568 = arith.constant 0 : i32
          %parallel_loop3A_569 = tpu.memref_slice %arg15[%parallel_loop3A_183, %parallel_loop3A_567, %parallel_loop3A_568] : memref<2x40x128xf32, #tpu.memory_space<vmem>> -> memref<1x40x128xf32, #tpu.memory_space<vmem>>
          %parallel_loop3A_570 = tpu.memref_squeeze %parallel_loop3A_569 : memref<1x40x128xf32, #tpu.memory_space<vmem>> -> memref<40x128xf32, #tpu.memory_space<vmem>>
          %parallel_loop3A_571 = arith.index_cast %parallel_loop3A_286 : i32 to index
          %parallel_loop3A_572 = arith.constant 64 : index
          %parallel_loop3A_573 = tpu.vector_load %parallel_loop3A_570[%parallel_loop3A_571, %parallel_loop3A_572] {strides = array<i32>} : memref<40x128xf32, #tpu.memory_space<vmem>>, vector<16xf32>,
          tpu.vector_store %parallel_loop3A_570[%parallel_loop3A_571, %parallel_loop3A_572], %parallel_loop3A_566 {strides = array<i32>} : memref<40x128xf32, #tpu.memory_space<vmem>>, vector<16xf32>,
          %parallel_loop3A_574 = arith.mulf %parallel_loop3A_440, %parallel_loop3A_526 : vector<16xf32>
          %parallel_loop3A_575 = arith.constant 0 : i32
          %parallel_loop3A_576 = arith.constant 0 : i32
          %parallel_loop3A_577 = tpu.memref_slice %arg15[%parallel_loop3A_183, %parallel_loop3A_575, %parallel_loop3A_576] : memref<2x40x128xf32, #tpu.memory_space<vmem>> -> memref<1x40x128xf32, #tpu.memory_space<vmem>>
          %parallel_loop3A_578 = tpu.memref_squeeze %parallel_loop3A_577 : memref<1x40x128xf32, #tpu.memory_space<vmem>> -> memref<40x128xf32, #tpu.memory_space<vmem>>
          %parallel_loop3A_579 = arith.index_cast %parallel_loop3A_286 : i32 to index
          %parallel_loop3A_580 = arith.constant 80 : index
          %parallel_loop3A_581 = tpu.vector_load %parallel_loop3A_578[%parallel_loop3A_579, %parallel_loop3A_580] {strides = array<i32>} : memref<40x128xf32, #tpu.memory_space<vmem>>, vector<16xf32>,
          tpu.vector_store %parallel_loop3A_578[%parallel_loop3A_579, %parallel_loop3A_580], %parallel_loop3A_574 {strides = array<i32>} : memref<40x128xf32, #tpu.memory_space<vmem>>, vector<16xf32>,
          %parallel_loop3A_582 = arith.mulf %parallel_loop3A_469, %parallel_loop3A_526 : vector<16xf32>
          %parallel_loop3A_583 = arith.constant 0 : i32
          %parallel_loop3A_584 = arith.constant 0 : i32
          %parallel_loop3A_585 = tpu.memref_slice %arg15[%parallel_loop3A_183, %parallel_loop3A_583, %parallel_loop3A_584] : memref<2x40x128xf32, #tpu.memory_space<vmem>> -> memref<1x40x128xf32, #tpu.memory_space<vmem>>
          %parallel_loop3A_586 = tpu.memref_squeeze %parallel_loop3A_585 : memref<1x40x128xf32, #tpu.memory_space<vmem>> -> memref<40x128xf32, #tpu.memory_space<vmem>>
          %parallel_loop3A_587 = arith.index_cast %parallel_loop3A_286 : i32 to index
          %parallel_loop3A_588 = arith.constant 96 : index
          %parallel_loop3A_589 = tpu.vector_load %parallel_loop3A_586[%parallel_loop3A_587, %parallel_loop3A_588] {strides = array<i32>} : memref<40x128xf32, #tpu.memory_space<vmem>>, vector<16xf32>,
          tpu.vector_store %parallel_loop3A_586[%parallel_loop3A_587, %parallel_loop3A_588], %parallel_loop3A_582 {strides = array<i32>} : memref<40x128xf32, #tpu.memory_space<vmem>>, vector<16xf32>,
          %parallel_loop3A_590 = arith.mulf %parallel_loop3A_498, %parallel_loop3A_526 : vector<16xf32>
          %parallel_loop3A_591 = arith.constant 0 : i32
          %parallel_loop3A_592 = arith.constant 0 : i32
          %parallel_loop3A_593 = tpu.memref_slice %arg15[%parallel_loop3A_183, %parallel_loop3A_591, %parallel_loop3A_592] : memref<2x40x128xf32, #tpu.memory_space<vmem>> -> memref<1x40x128xf32, #tpu.memory_space<vmem>>
          %parallel_loop3A_594 = tpu.memref_squeeze %parallel_loop3A_593 : memref<1x40x128xf32, #tpu.memory_space<vmem>> -> memref<40x128xf32, #tpu.memory_space<vmem>>
          %parallel_loop3A_595 = arith.index_cast %parallel_loop3A_286 : i32 to index
          %parallel_loop3A_596 = arith.constant 112 : index
          %parallel_loop3A_597 = tpu.vector_load %parallel_loop3A_594[%parallel_loop3A_595, %parallel_loop3A_596] {strides = array<i32>} : memref<40x128xf32, #tpu.memory_space<vmem>>, vector<16xf32>,
          tpu.vector_store %parallel_loop3A_594[%parallel_loop3A_595, %parallel_loop3A_596], %parallel_loop3A_590 {strides = array<i32>} : memref<40x128xf32, #tpu.memory_space<vmem>>, vector<16xf32>,
        } {sc.loop_unroll_factor = 4 : i64, sc.parallel_access}
        %dma_start3A_186 = arith.constant 0 : i32
        %dma_start3A_187 = arith.constant 0 : i32
        %dma_start3A_188 = arith.constant 0 : i32
        %dma_start3A_189 = tpu.memref_slice %arg15[%dma_start3A_186, %dma_start3A_187, %dma_start3A_188] : memref<2x40x128xf32, #tpu.memory_space<vmem>> -> memref<1x40x128xf32, #tpu.memory_space<vmem>>
        %dma_start3A_190 = tpu.memref_squeeze %dma_start3A_189 : memref<1x40x128xf32, #tpu.memory_space<vmem>> -> memref<40x128xf32, #tpu.memory_space<vmem>>
        %dma_start3A_191 = arith.constant 0 : i32
        %dma_start3A_192 = tpu.memref_slice %arg13[%add3A_135, %dma_start3A_191] : memref<50x40xi32, #tpu.memory_space<vmem>> -> memref<1x40xi32, #tpu.memory_space<vmem>>
        %dma_start3A_193 = tpu.memref_squeeze %dma_start3A_192 : memref<1x40xi32, #tpu.memory_space<vmem>> -> memref<40xi32, #tpu.memory_space<vmem>>
        %dma_start3A_194 = arith.constant 0 : i32
        %dma_start3A_195 = arith.constant 0 : i32
        %dma_start3A_196 = tpu.memref_slice %arg19[%dma_start3A_194, %dma_start3A_195] : memref<10000x128xf32, #tpu.memory_space<vmem_shared>> -> memref<10000x128xf32, #tpu.memory_space<vmem_shared>>
        tpu.enqueue_indirect_dma source(%dma_start3A_190 : memref<40x128xf32, #tpu.memory_space<vmem>>) target(%dma_start3A_196 : memref<10000x128xf32, #tpu.memory_space<vmem_shared>>) offsets(%dma_start3A_193 : memref<40xi32, #tpu.memory_space<vmem>>) semaphore(%arg23 : memref<!tpu.dma_semaphore, #tpu.memory_space<semaphore_mem>>) {add = true}
        %dma_start3A_197 = arith.constant 0 : i32
        %dma_start3A_198 = arith.constant 0 : i32
        %dma_start3A_199 = arith.constant 0 : i32
        %dma_start3A_200 = tpu.memref_slice %arg17[%dma_start3A_197, %dma_start3A_198, %dma_start3A_199] : memref<2x40x16xf32, #tpu.memory_space<vmem>> -> memref<1x40x16xf32, #tpu.memory_space<vmem>>
        %dma_start3A_201 = tpu.memref_squeeze %dma_start3A_200 : memref<1x40x16xf32, #tpu.memory_space<vmem>> -> memref<40x16xf32, #tpu.memory_space<vmem>>
        %dma_start3A_202 = arith.constant 0 : i32
        %dma_start3A_203 = tpu.memref_slice %arg13[%add3A_135, %dma_start3A_202] : memref<50x40xi32, #tpu.memory_space<vmem>> -> memref<1x40xi32, #tpu.memory_space<vmem>>
        %dma_start3A_204 = tpu.memref_squeeze %dma_start3A_203 : memref<1x40xi32, #tpu.memory_space<vmem>> -> memref<40xi32, #tpu.memory_space<vmem>>
        %dma_start3A_205 = arith.constant 0 : i32
        %dma_start3A_206 = arith.constant 0 : i32
        %dma_start3A_207 = tpu.memref_slice %arg20[%dma_start3A_205, %dma_start3A_206] : memref<10000x16xf32, #tpu.memory_space<vmem_shared>> -> memref<10000x16xf32, #tpu.memory_space<vmem_shared>>
        tpu.enqueue_indirect_dma source(%dma_start3A_201 : memref<40x16xf32, #tpu.memory_space<vmem>>) target(%dma_start3A_207 : memref<10000x16xf32, #tpu.memory_space<vmem_shared>>) offsets(%dma_start3A_204 : memref<40xi32, #tpu.memory_space<vmem>>) semaphore(%arg23 : memref<!tpu.dma_semaphore, #tpu.memory_space<semaphore_mem>>) {add = true}
        %mul3A_208 = arith.constant 2 : i32
        %mul3A_209 = arith.muli %mul3A_208, %scan3A_130 : i32
        %add3A_210 = arith.constant 1 : i32
        %add3A_211 = arith.addi %mul3A_209, %add3A_210 : i32
        %dma_wait3A_212 = arith.constant 1 : i32
        %dma_wait3A_213 = arith.constant 0 : i32
        %dma_wait3A_214 = arith.constant 0 : i32
        %dma_wait3A_215 = tpu.memref_slice %arg16[%dma_wait3A_212, %dma_wait3A_213, %dma_wait3A_214] : memref<2x40x128xf32, #tpu.memory_space<vmem>> -> memref<1x40x128xf32, #tpu.memory_space<vmem>>
        %dma_wait3A_216 = tpu.memref_squeeze %dma_wait3A_215 : memref<1x40x128xf32, #tpu.memory_space<vmem>> -> memref<40x128xf32, #tpu.memory_space<vmem>>
        %dma_wait3A_217 = arith.constant 0 : i32
        %dma_wait3A_218 = arith.constant 0 : i32
        %dma_wait3A_219 = tpu.memref_slice %arg4[%dma_wait3A_217, %dma_wait3A_218] : memref<320000x128xf32, #tpu.memory_space<hbm>> -> memref<40x128xf32, #tpu.memory_space<hbm>>
        %dma_wait3A_220 = arith.constant 0 : i32
        %dma_wait3A_221 = arith.constant 0 : i32
        %dma_wait3A_222 = tpu.memref_slice %arg16[%dma_wait3A_212, %dma_wait3A_220, %dma_wait3A_221] : memref<2x40x128xf32, #tpu.memory_space<vmem>> -> memref<1x40x128xf32, #tpu.memory_space<vmem>>
        %dma_wait3A_223 = tpu.memref_squeeze %dma_wait3A_222 : memref<1x40x128xf32, #tpu.memory_space<vmem>> -> memref<40x128xf32, #tpu.memory_space<vmem>>
        %dma_wait3A_224 = arith.constant 0 : i32
        %dma_wait3A_225 = arith.constant 0 : i32
        %dma_wait3A_226 = tpu.memref_slice %arg4[%dma_wait3A_224, %dma_wait3A_225] : memref<320000x128xf32, #tpu.memory_space<hbm>> -> memref<40x128xf32, #tpu.memory_space<hbm>>
        tpu.wait_dma2 semaphore(%arg22 : memref<!tpu.dma_semaphore, #tpu.memory_space<semaphore_mem>>) src(%dma_wait3A_226 : memref<40x128xf32, #tpu.memory_space<hbm>>) dst(%dma_wait3A_223 : memref<40x128xf32, #tpu.memory_space<vmem>>)
        %dma_wait3A_227 = arith.constant 0 : i32
        %dma_wait3A_228 = arith.constant 1 : i32
        %dma_wait3A_229 = arith.constant 0 : i32
        %dma_wait3A_230 = arith.constant 0 : i32
        %dma_wait3A_231 = tpu.memref_slice %arg14[%dma_wait3A_228, %dma_wait3A_229, %dma_wait3A_230] : memref<2x40x128xf32, #tpu.memory_space<vmem>> -> memref<1x40x128xf32, #tpu.memory_space<vmem>>
        %dma_wait3A_232 = tpu.memref_squeeze %dma_wait3A_231 : memref<1x40x128xf32, #tpu.memory_space<vmem>> -> memref<40x128xf32, #tpu.memory_space<vmem>>
        %dma_wait3A_233 = arith.constant 0 : i32
        %dma_wait3A_234 = tpu.memref_slice %arg12[%dma_wait3A_227, %dma_wait3A_233] : memref<50x40xi32, #tpu.memory_space<vmem>> -> memref<1x40xi32, #tpu.memory_space<vmem>>
        %dma_wait3A_235 = tpu.memref_squeeze %dma_wait3A_234 : memref<1x40xi32, #tpu.memory_space<vmem>> -> memref<40xi32, #tpu.memory_space<vmem>>
        %dma_wait3A_236 = arith.constant 0 : i32
        %dma_wait3A_237 = arith.constant 0 : i32
        %dma_wait3A_238 = tpu.memref_slice %arg2[%dma_wait3A_236, %dma_wait3A_237] : memref<10000x128xf32, #tpu.memory_space<hbm>> -> memref<10000x128xf32, #tpu.memory_space<hbm>>
        tpu.wait_indirect_dma semaphore(%arg22 : memref<!tpu.dma_semaphore, #tpu.memory_space<semaphore_mem>>) src(%dma_wait3A_238 : memref<10000x128xf32, #tpu.memory_space<hbm>>) dst(%dma_wait3A_232 : memref<40x128xf32, #tpu.memory_space<vmem>>)
        %dma_wait3A_239 = arith.constant 0 : i32
        %dma_wait3A_240 = arith.constant 1 : i32
        %dma_wait3A_241 = arith.constant 0 : i32
        %dma_wait3A_242 = arith.constant 0 : i32
        %dma_wait3A_243 = tpu.memref_slice %arg15[%dma_wait3A_240, %dma_wait3A_241, %dma_wait3A_242] : memref<2x40x128xf32, #tpu.memory_space<vmem>> -> memref<1x40x128xf32, #tpu.memory_space<vmem>>
        %dma_wait3A_244 = tpu.memref_squeeze %dma_wait3A_243 : memref<1x40x128xf32, #tpu.memory_space<vmem>> -> memref<40x128xf32, #tpu.memory_space<vmem>>
        %dma_wait3A_245 = arith.constant 0 : i32
        %dma_wait3A_246 = tpu.memref_slice %arg13[%dma_wait3A_239, %dma_wait3A_245] : memref<50x40xi32, #tpu.memory_space<vmem>> -> memref<1x40xi32, #tpu.memory_space<vmem>>
        %dma_wait3A_247 = tpu.memref_squeeze %dma_wait3A_246 : memref<1x40xi32, #tpu.memory_space<vmem>> -> memref<40xi32, #tpu.memory_space<vmem>>
        %dma_wait3A_248 = arith.constant 0 : i32
        %dma_wait3A_249 = arith.constant 0 : i32
        %dma_wait3A_250 = tpu.memref_slice %arg3[%dma_wait3A_248, %dma_wait3A_249] : memref<10000x128xf32, #tpu.memory_space<hbm>> -> memref<10000x128xf32, #tpu.memory_space<hbm>>
        tpu.wait_indirect_dma semaphore(%arg22 : memref<!tpu.dma_semaphore, #tpu.memory_space<semaphore_mem>>) src(%dma_wait3A_250 : memref<10000x128xf32, #tpu.memory_space<hbm>>) dst(%dma_wait3A_244 : memref<40x128xf32, #tpu.memory_space<vmem>>)
        %lt3A_251 = arith.constant 49 : i32
        %lt3A_252 = arith.cmpi slt, %add3A_211, %lt3A_251 : i32
        %convert_element_type3A_253 = arith.extui %lt3A_252 : i1 to i32
        %cond3A_254 = arith.constant 0 : i32
        %cond3A_255 = arith.cmpi ne, %convert_element_type3A_253, %cond3A_254 : i32
        scf.if %cond3A_255 {
          %ge3A = arith.constant 1 : i32
          %ge3A_286 = arith.cmpi sge, %add3A_211, %ge3A : i32
          %convert_element_type3A_287 = arith.extui %ge3A_286 : i1 to i32
          %cond3A_288 = arith.constant 0 : i32
          %cond3A_289 = arith.cmpi ne, %convert_element_type3A_287, %cond3A_288 : i32
          scf.if %cond3A_289 {
            %dma_wait3A_335 = arith.constant 0 : i32
            %dma_wait3A_336 = arith.constant 0 : i32
            %dma_wait3A_337 = arith.constant 0 : i32
            %dma_wait3A_338 = arith.constant 0 : i32
            %dma_wait3A_339 = tpu.memref_slice %arg15[%dma_wait3A_335, %dma_wait3A_337, %dma_wait3A_338] : memref<2x40x128xf32, #tpu.memory_space<vmem>> -> memref<1x40x128xf32, #tpu.memory_space<vmem>>
            %dma_wait3A_340 = tpu.memref_squeeze %dma_wait3A_339 : memref<1x40x128xf32, #tpu.memory_space<vmem>> -> memref<40x128xf32, #tpu.memory_space<vmem>>
            %dma_wait3A_341 = arith.constant 0 : i32
            %dma_wait3A_342 = tpu.memref_slice %arg13[%dma_wait3A_336, %dma_wait3A_341] : memref<50x40xi32, #tpu.memory_space<vmem>> -> memref<1x40xi32, #tpu.memory_space<vmem>>
            %dma_wait3A_343 = tpu.memref_squeeze %dma_wait3A_342 : memref<1x40xi32, #tpu.memory_space<vmem>> -> memref<40xi32, #tpu.memory_space<vmem>>
            %dma_wait3A_344 = arith.constant 0 : i32
            %dma_wait3A_345 = arith.constant 0 : i32
            %dma_wait3A_346 = tpu.memref_slice %arg19[%dma_wait3A_344, %dma_wait3A_345] : memref<10000x128xf32, #tpu.memory_space<vmem_shared>> -> memref<10000x128xf32, #tpu.memory_space<vmem_shared>>
            tpu.wait_indirect_dma semaphore(%arg23 : memref<!tpu.dma_semaphore, #tpu.memory_space<semaphore_mem>>) src(%dma_wait3A_340 : memref<40x128xf32, #tpu.memory_space<vmem>>) dst(%dma_wait3A_346 : memref<10000x128xf32, #tpu.memory_space<vmem_shared>>)
            %dma_wait3A_347 = arith.constant 0 : i32
            %dma_wait3A_348 = arith.constant 0 : i32
            %dma_wait3A_349 = arith.constant 0 : i32
            %dma_wait3A_350 = arith.constant 0 : i32
            %dma_wait3A_351 = tpu.memref_slice %arg17[%dma_wait3A_347, %dma_wait3A_349, %dma_wait3A_350] : memref<2x40x16xf32, #tpu.memory_space<vmem>> -> memref<1x40x16xf32, #tpu.memory_space<vmem>>
            %dma_wait3A_352 = tpu.memref_squeeze %dma_wait3A_351 : memref<1x40x16xf32, #tpu.memory_space<vmem>> -> memref<40x16xf32, #tpu.memory_space<vmem>>
            %dma_wait3A_353 = arith.constant 0 : i32
            %dma_wait3A_354 = tpu.memref_slice %arg13[%dma_wait3A_348, %dma_wait3A_353] : memref<50x40xi32, #tpu.memory_space<vmem>> -> memref<1x40xi32, #tpu.memory_space<vmem>>
            %dma_wait3A_355 = tpu.memref_squeeze %dma_wait3A_354 : memref<1x40xi32, #tpu.memory_space<vmem>> -> memref<40xi32, #tpu.memory_space<vmem>>
            %dma_wait3A_356 = arith.constant 0 : i32
            %dma_wait3A_357 = arith.constant 0 : i32
            %dma_wait3A_358 = tpu.memref_slice %arg20[%dma_wait3A_356, %dma_wait3A_357] : memref<10000x16xf32, #tpu.memory_space<vmem_shared>> -> memref<10000x16xf32, #tpu.memory_space<vmem_shared>>
            tpu.wait_indirect_dma semaphore(%arg23 : memref<!tpu.dma_semaphore, #tpu.memory_space<semaphore_mem>>) src(%dma_wait3A_352 : memref<40x16xf32, #tpu.memory_space<vmem>>) dst(%dma_wait3A_358 : memref<10000x16xf32, #tpu.memory_space<vmem_shared>>)
          } else {
          }
          %add3A_290 = arith.constant 1 : i32
          %add3A_291 = arith.addi %add3A_211, %add3A_290 : i32
          %mul3A_292 = arith.constant 10000 : i32
          %mul3A_293 = arith.muli %add3A, %mul3A_292 : i32
          %mul3A_294 = arith.constant 2000 : i32
          %mul3A_295 = arith.muli %scan3A_30, %mul3A_294 : i32
          %add3A_296 = arith.addi %mul3A_293, %mul3A_295 : i32
          %mul3A_297 = arith.constant 40 : i32
          %mul3A_298 = arith.muli %add3A_291, %mul3A_297 : i32
          %add3A_299 = arith.addi %add3A_296, %mul3A_298 : i32
          %dma_start3A_300 = arith.constant 0 : i32
          %dma_start3A_301 = arith.constant 0 : i32
          %dma_start3A_302 = arith.constant 0 : i32
          %dma_start3A_303 = tpu.memref_slice %arg16[%dma_start3A_300, %dma_start3A_301, %dma_start3A_302] : memref<2x40x128xf32, #tpu.memory_space<vmem>> -> memref<1x40x128xf32, #tpu.memory_space<vmem>>
          %dma_start3A_304 = tpu.memref_squeeze %dma_start3A_303 : memref<1x40x128xf32, #tpu.memory_space<vmem>> -> memref<40x128xf32, #tpu.memory_space<vmem>>
          %dma_start3A_305 = arith.constant 0 : i32
          %dma_start3A_306 = tpu.memref_slice %arg4[%add3A_299, %dma_start3A_305] : memref<320000x128xf32, #tpu.memory_space<hbm>> -> memref<40x128xf32, #tpu.memory_space<hbm>>
          %dma_start3A_307 = arith.constant 0 : i32
          %dma_start3A_308 = arith.constant 0 : i32
          %dma_start3A_309 = tpu.memref_slice %arg16[%dma_start3A_300, %dma_start3A_307, %dma_start3A_308] : memref<2x40x128xf32, #tpu.memory_space<vmem>> -> memref<1x40x128xf32, #tpu.memory_space<vmem>>
          %dma_start3A_310 = tpu.memref_squeeze %dma_start3A_309 : memref<1x40x128xf32, #tpu.memory_space<vmem>> -> memref<40x128xf32, #tpu.memory_space<vmem>>
          %dma_start3A_311 = arith.constant 0 : i32
          %dma_start3A_312 = tpu.memref_slice %arg4[%add3A_299, %dma_start3A_311] : memref<320000x128xf32, #tpu.memory_space<hbm>> -> memref<40x128xf32, #tpu.memory_space<hbm>>
          tpu.enqueue_dma source(%dma_start3A_312 : memref<40x128xf32, #tpu.memory_space<hbm>>) target(%dma_start3A_310 : memref<40x128xf32, #tpu.memory_space<vmem>>) target_semaphore(%arg21 : memref<!tpu.dma_semaphore, #tpu.memory_space<semaphore_mem>>)
          %dma_start3A_313 = arith.constant 0 : i32
          %dma_start3A_314 = arith.constant 0 : i32
          %dma_start3A_315 = arith.constant 0 : i32
          %dma_start3A_316 = tpu.memref_slice %arg14[%dma_start3A_313, %dma_start3A_314, %dma_start3A_315] : memref<2x40x128xf32, #tpu.memory_space<vmem>> -> memref<1x40x128xf32, #tpu.memory_space<vmem>>
          %dma_start3A_317 = tpu.memref_squeeze %dma_start3A_316 : memref<1x40x128xf32, #tpu.memory_space<vmem>> -> memref<40x128xf32, #tpu.memory_space<vmem>>
          %dma_start3A_318 = arith.constant 0 : i32
          %dma_start3A_319 = tpu.memref_slice %arg12[%add3A_291, %dma_start3A_318] : memref<50x40xi32, #tpu.memory_space<vmem>> -> memref<1x40xi32, #tpu.memory_space<vmem>>
          %dma_start3A_320 = tpu.memref_squeeze %dma_start3A_319 : memref<1x40xi32, #tpu.memory_space<vmem>> -> memref<40xi32, #tpu.memory_space<vmem>>
          %dma_start3A_321 = arith.constant 0 : i32
          %dma_start3A_322 = arith.constant 0 : i32
          %dma_start3A_323 = tpu.memref_slice %arg2[%dma_start3A_321, %dma_start3A_322] : memref<10000x128xf32, #tpu.memory_space<hbm>> -> memref<10000x128xf32, #tpu.memory_space<hbm>>
          tpu.enqueue_indirect_dma source(%dma_start3A_323 : memref<10000x128xf32, #tpu.memory_space<hbm>>) target(%dma_start3A_317 : memref<40x128xf32, #tpu.memory_space<vmem>>) offsets(%dma_start3A_320 : memref<40xi32, #tpu.memory_space<vmem>>) semaphore(%arg21 : memref<!tpu.dma_semaphore, #tpu.memory_space<semaphore_mem>>)
          %dma_start3A_324 = arith.constant 0 : i32
          %dma_start3A_325 = arith.constant 0 : i32
          %dma_start3A_326 = arith.constant 0 : i32
          %dma_start3A_327 = tpu.memref_slice %arg15[%dma_start3A_324, %dma_start3A_325, %dma_start3A_326] : memref<2x40x128xf32, #tpu.memory_space<vmem>> -> memref<1x40x128xf32, #tpu.memory_space<vmem>>
          %dma_start3A_328 = tpu.memref_squeeze %dma_start3A_327 : memref<1x40x128xf32, #tpu.memory_space<vmem>> -> memref<40x128xf32, #tpu.memory_space<vmem>>
          %dma_start3A_329 = arith.constant 0 : i32
          %dma_start3A_330 = tpu.memref_slice %arg13[%add3A_291, %dma_start3A_329] : memref<50x40xi32, #tpu.memory_space<vmem>> -> memref<1x40xi32, #tpu.memory_space<vmem>>
          %dma_start3A_331 = tpu.memref_squeeze %dma_start3A_330 : memref<1x40xi32, #tpu.memory_space<vmem>> -> memref<40xi32, #tpu.memory_space<vmem>>
          %dma_start3A_332 = arith.constant 0 : i32
          %dma_start3A_333 = arith.constant 0 : i32
          %dma_start3A_334 = tpu.memref_slice %arg3[%dma_start3A_332, %dma_start3A_333] : memref<10000x128xf32, #tpu.memory_space<hbm>> -> memref<10000x128xf32, #tpu.memory_space<hbm>>
          tpu.enqueue_indirect_dma source(%dma_start3A_334 : memref<10000x128xf32, #tpu.memory_space<hbm>>) target(%dma_start3A_328 : memref<40x128xf32, #tpu.memory_space<vmem>>) offsets(%dma_start3A_331 : memref<40xi32, #tpu.memory_space<vmem>>) semaphore(%arg21 : memref<!tpu.dma_semaphore, #tpu.memory_space<semaphore_mem>>)
        } else {
        }
        %parallel_loop3A_256 = arith.constant 0 : i32
        %parallel_loop3A_257 = arith.constant 40 : i32
        %parallel_loop3A_258 = arith.constant 1 : i32
        %parallel_loop3A_259 = arith.constant 1 : i32
        %parallel_loop3A_260 = arith.constant 1 : i32
        %parallel_loop3A_261 = arith.constant 1 : i32
        %parallel_loop3A_262 = arith.constant 1 : i32
        scf.for %parallel_loop3A_286 = %parallel_loop3A_256 to %parallel_loop3A_257 step %parallel_loop3A_258  : i32 {
          %parallel_loop3A_287 = arith.constant 0.000000e+00 : f32
          %parallel_loop3A_288 = vector.broadcast %parallel_loop3A_287 : f32 to vector<16xf32>
          %parallel_loop3A_289 = arith.constant 0 : i32
          %parallel_loop3A_290 = arith.constant 0 : i32
          %parallel_loop3A_291 = tpu.memref_slice %arg14[%parallel_loop3A_259, %parallel_loop3A_289, %parallel_loop3A_290] : memref<2x40x128xf32, #tpu.memory_space<vmem>> -> memref<1x40x128xf32, #tpu.memory_space<vmem>>
          %parallel_loop3A_292 = tpu.memref_squeeze %parallel_loop3A_291 : memref<1x40x128xf32, #tpu.memory_space<vmem>> -> memref<40x128xf32, #tpu.memory_space<vmem>>
          %parallel_loop3A_293 = arith.index_cast %parallel_loop3A_286 : i32 to index
          %parallel_loop3A_294 = arith.constant 0 : index
          %parallel_loop3A_295 = tpu.vector_load %parallel_loop3A_292[%parallel_loop3A_293, %parallel_loop3A_294] {strides = array<i32>} : memref<40x128xf32, #tpu.memory_space<vmem>>, vector<16xf32>,
          %parallel_loop3A_296 = arith.constant 0 : i32
          %parallel_loop3A_297 = arith.constant 0 : i32
          %parallel_loop3A_298 = tpu.memref_slice %arg15[%parallel_loop3A_260, %parallel_loop3A_296, %parallel_loop3A_297] : memref<2x40x128xf32, #tpu.memory_space<vmem>> -> memref<1x40x128xf32, #tpu.memory_space<vmem>>
          %parallel_loop3A_299 = tpu.memref_squeeze %parallel_loop3A_298 : memref<1x40x128xf32, #tpu.memory_space<vmem>> -> memref<40x128xf32, #tpu.memory_space<vmem>>
          %parallel_loop3A_300 = arith.index_cast %parallel_loop3A_286 : i32 to index
          %parallel_loop3A_301 = arith.constant 0 : index
          %parallel_loop3A_302 = tpu.vector_load %parallel_loop3A_299[%parallel_loop3A_300, %parallel_loop3A_301] {strides = array<i32>} : memref<40x128xf32, #tpu.memory_space<vmem>>, vector<16xf32>,
          %parallel_loop3A_303 = arith.addf %parallel_loop3A_295, %parallel_loop3A_302 : vector<16xf32>
          %parallel_loop3A_304 = arith.constant 0 : i32
          %parallel_loop3A_305 = arith.constant 0 : i32
          %parallel_loop3A_306 = tpu.memref_slice %arg16[%parallel_loop3A_261, %parallel_loop3A_304, %parallel_loop3A_305] : memref<2x40x128xf32, #tpu.memory_space<vmem>> -> memref<1x40x128xf32, #tpu.memory_space<vmem>>
          %parallel_loop3A_307 = tpu.memref_squeeze %parallel_loop3A_306 : memref<1x40x128xf32, #tpu.memory_space<vmem>> -> memref<40x128xf32, #tpu.memory_space<vmem>>
          %parallel_loop3A_308 = arith.index_cast %parallel_loop3A_286 : i32 to index
          %parallel_loop3A_309 = arith.constant 0 : index
          %parallel_loop3A_310 = tpu.vector_load %parallel_loop3A_307[%parallel_loop3A_308, %parallel_loop3A_309] {strides = array<i32>} : memref<40x128xf32, #tpu.memory_space<vmem>>, vector<16xf32>,
          %parallel_loop3A_311 = arith.addf %parallel_loop3A_303, %parallel_loop3A_310 : vector<16xf32>
          %parallel_loop3A_312 = arith.constant 2.000000e-01 : f32
          %parallel_loop3A_313 = vector.broadcast %parallel_loop3A_312 : f32 to vector<16xf32>
          %parallel_loop3A_314 = arith.mulf %parallel_loop3A_311, %parallel_loop3A_313 : vector<16xf32>
          %parallel_loop3A_315 = arith.maximumf %parallel_loop3A_311, %parallel_loop3A_314 : vector<16xf32>
          %parallel_loop3A_316 = arith.mulf %parallel_loop3A_315, %get3A_1 : vector<16xf32>
          %parallel_loop3A_317 = arith.addf %parallel_loop3A_288, %parallel_loop3A_316 : vector<16xf32>
          %parallel_loop3A_318 = arith.constant 0 : i32
          %parallel_loop3A_319 = arith.constant 0 : i32
          %parallel_loop3A_320 = tpu.memref_slice %arg14[%parallel_loop3A_259, %parallel_loop3A_318, %parallel_loop3A_319] : memref<2x40x128xf32, #tpu.memory_space<vmem>> -> memref<1x40x128xf32, #tpu.memory_space<vmem>>
          %parallel_loop3A_321 = tpu.memref_squeeze %parallel_loop3A_320 : memref<1x40x128xf32, #tpu.memory_space<vmem>> -> memref<40x128xf32, #tpu.memory_space<vmem>>
          %parallel_loop3A_322 = arith.index_cast %parallel_loop3A_286 : i32 to index
          %parallel_loop3A_323 = arith.constant 16 : index
          %parallel_loop3A_324 = tpu.vector_load %parallel_loop3A_321[%parallel_loop3A_322, %parallel_loop3A_323] {strides = array<i32>} : memref<40x128xf32, #tpu.memory_space<vmem>>, vector<16xf32>,
          %parallel_loop3A_325 = arith.constant 0 : i32
          %parallel_loop3A_326 = arith.constant 0 : i32
          %parallel_loop3A_327 = tpu.memref_slice %arg15[%parallel_loop3A_260, %parallel_loop3A_325, %parallel_loop3A_326] : memref<2x40x128xf32, #tpu.memory_space<vmem>> -> memref<1x40x128xf32, #tpu.memory_space<vmem>>
          %parallel_loop3A_328 = tpu.memref_squeeze %parallel_loop3A_327 : memref<1x40x128xf32, #tpu.memory_space<vmem>> -> memref<40x128xf32, #tpu.memory_space<vmem>>
          %parallel_loop3A_329 = arith.index_cast %parallel_loop3A_286 : i32 to index
          %parallel_loop3A_330 = arith.constant 16 : index
          %parallel_loop3A_331 = tpu.vector_load %parallel_loop3A_328[%parallel_loop3A_329, %parallel_loop3A_330] {strides = array<i32>} : memref<40x128xf32, #tpu.memory_space<vmem>>, vector<16xf32>,
          %parallel_loop3A_332 = arith.addf %parallel_loop3A_324, %parallel_loop3A_331 : vector<16xf32>
          %parallel_loop3A_333 = arith.constant 0 : i32
          %parallel_loop3A_334 = arith.constant 0 : i32
          %parallel_loop3A_335 = tpu.memref_slice %arg16[%parallel_loop3A_261, %parallel_loop3A_333, %parallel_loop3A_334] : memref<2x40x128xf32, #tpu.memory_space<vmem>> -> memref<1x40x128xf32, #tpu.memory_space<vmem>>
          %parallel_loop3A_336 = tpu.memref_squeeze %parallel_loop3A_335 : memref<1x40x128xf32, #tpu.memory_space<vmem>> -> memref<40x128xf32, #tpu.memory_space<vmem>>
          %parallel_loop3A_337 = arith.index_cast %parallel_loop3A_286 : i32 to index
          %parallel_loop3A_338 = arith.constant 16 : index
          %parallel_loop3A_339 = tpu.vector_load %parallel_loop3A_336[%parallel_loop3A_337, %parallel_loop3A_338] {strides = array<i32>} : memref<40x128xf32, #tpu.memory_space<vmem>>, vector<16xf32>,
          %parallel_loop3A_340 = arith.addf %parallel_loop3A_332, %parallel_loop3A_339 : vector<16xf32>
          %parallel_loop3A_341 = arith.constant 2.000000e-01 : f32
          %parallel_loop3A_342 = vector.broadcast %parallel_loop3A_341 : f32 to vector<16xf32>
          %parallel_loop3A_343 = arith.mulf %parallel_loop3A_340, %parallel_loop3A_342 : vector<16xf32>
          %parallel_loop3A_344 = arith.maximumf %parallel_loop3A_340, %parallel_loop3A_343 : vector<16xf32>
          %parallel_loop3A_345 = arith.mulf %parallel_loop3A_344, %get3A_3 : vector<16xf32>
          %parallel_loop3A_346 = arith.addf %parallel_loop3A_317, %parallel_loop3A_345 : vector<16xf32>
          %parallel_loop3A_347 = arith.constant 0 : i32
          %parallel_loop3A_348 = arith.constant 0 : i32
          %parallel_loop3A_349 = tpu.memref_slice %arg14[%parallel_loop3A_259, %parallel_loop3A_347, %parallel_loop3A_348] : memref<2x40x128xf32, #tpu.memory_space<vmem>> -> memref<1x40x128xf32, #tpu.memory_space<vmem>>
          %parallel_loop3A_350 = tpu.memref_squeeze %parallel_loop3A_349 : memref<1x40x128xf32, #tpu.memory_space<vmem>> -> memref<40x128xf32, #tpu.memory_space<vmem>>
          %parallel_loop3A_351 = arith.index_cast %parallel_loop3A_286 : i32 to index
          %parallel_loop3A_352 = arith.constant 32 : index
          %parallel_loop3A_353 = tpu.vector_load %parallel_loop3A_350[%parallel_loop3A_351, %parallel_loop3A_352] {strides = array<i32>} : memref<40x128xf32, #tpu.memory_space<vmem>>, vector<16xf32>,
          %parallel_loop3A_354 = arith.constant 0 : i32
          %parallel_loop3A_355 = arith.constant 0 : i32
          %parallel_loop3A_356 = tpu.memref_slice %arg15[%parallel_loop3A_260, %parallel_loop3A_354, %parallel_loop3A_355] : memref<2x40x128xf32, #tpu.memory_space<vmem>> -> memref<1x40x128xf32, #tpu.memory_space<vmem>>
          %parallel_loop3A_357 = tpu.memref_squeeze %parallel_loop3A_356 : memref<1x40x128xf32, #tpu.memory_space<vmem>> -> memref<40x128xf32, #tpu.memory_space<vmem>>
          %parallel_loop3A_358 = arith.index_cast %parallel_loop3A_286 : i32 to index
          %parallel_loop3A_359 = arith.constant 32 : index
          %parallel_loop3A_360 = tpu.vector_load %parallel_loop3A_357[%parallel_loop3A_358, %parallel_loop3A_359] {strides = array<i32>} : memref<40x128xf32, #tpu.memory_space<vmem>>, vector<16xf32>,
          %parallel_loop3A_361 = arith.addf %parallel_loop3A_353, %parallel_loop3A_360 : vector<16xf32>
          %parallel_loop3A_362 = arith.constant 0 : i32
          %parallel_loop3A_363 = arith.constant 0 : i32
          %parallel_loop3A_364 = tpu.memref_slice %arg16[%parallel_loop3A_261, %parallel_loop3A_362, %parallel_loop3A_363] : memref<2x40x128xf32, #tpu.memory_space<vmem>> -> memref<1x40x128xf32, #tpu.memory_space<vmem>>
          %parallel_loop3A_365 = tpu.memref_squeeze %parallel_loop3A_364 : memref<1x40x128xf32, #tpu.memory_space<vmem>> -> memref<40x128xf32, #tpu.memory_space<vmem>>
          %parallel_loop3A_366 = arith.index_cast %parallel_loop3A_286 : i32 to index
          %parallel_loop3A_367 = arith.constant 32 : index
          %parallel_loop3A_368 = tpu.vector_load %parallel_loop3A_365[%parallel_loop3A_366, %parallel_loop3A_367] {strides = array<i32>} : memref<40x128xf32, #tpu.memory_space<vmem>>, vector<16xf32>,
          %parallel_loop3A_369 = arith.addf %parallel_loop3A_361, %parallel_loop3A_368 : vector<16xf32>
          %parallel_loop3A_370 = arith.constant 2.000000e-01 : f32
          %parallel_loop3A_371 = vector.broadcast %parallel_loop3A_370 : f32 to vector<16xf32>
          %parallel_loop3A_372 = arith.mulf %parallel_loop3A_369, %parallel_loop3A_371 : vector<16xf32>
          %parallel_loop3A_373 = arith.maximumf %parallel_loop3A_369, %parallel_loop3A_372 : vector<16xf32>
          %parallel_loop3A_374 = arith.mulf %parallel_loop3A_373, %get3A_5 : vector<16xf32>
          %parallel_loop3A_375 = arith.addf %parallel_loop3A_346, %parallel_loop3A_374 : vector<16xf32>
          %parallel_loop3A_376 = arith.constant 0 : i32
          %parallel_loop3A_377 = arith.constant 0 : i32
          %parallel_loop3A_378 = tpu.memref_slice %arg14[%parallel_loop3A_259, %parallel_loop3A_376, %parallel_loop3A_377] : memref<2x40x128xf32, #tpu.memory_space<vmem>> -> memref<1x40x128xf32, #tpu.memory_space<vmem>>
          %parallel_loop3A_379 = tpu.memref_squeeze %parallel_loop3A_378 : memref<1x40x128xf32, #tpu.memory_space<vmem>> -> memref<40x128xf32, #tpu.memory_space<vmem>>
          %parallel_loop3A_380 = arith.index_cast %parallel_loop3A_286 : i32 to index
          %parallel_loop3A_381 = arith.constant 48 : index
          %parallel_loop3A_382 = tpu.vector_load %parallel_loop3A_379[%parallel_loop3A_380, %parallel_loop3A_381] {strides = array<i32>} : memref<40x128xf32, #tpu.memory_space<vmem>>, vector<16xf32>,
          %parallel_loop3A_383 = arith.constant 0 : i32
          %parallel_loop3A_384 = arith.constant 0 : i32
          %parallel_loop3A_385 = tpu.memref_slice %arg15[%parallel_loop3A_260, %parallel_loop3A_383, %parallel_loop3A_384] : memref<2x40x128xf32, #tpu.memory_space<vmem>> -> memref<1x40x128xf32, #tpu.memory_space<vmem>>
          %parallel_loop3A_386 = tpu.memref_squeeze %parallel_loop3A_385 : memref<1x40x128xf32, #tpu.memory_space<vmem>> -> memref<40x128xf32, #tpu.memory_space<vmem>>
          %parallel_loop3A_387 = arith.index_cast %parallel_loop3A_286 : i32 to index
          %parallel_loop3A_388 = arith.constant 48 : index
          %parallel_loop3A_389 = tpu.vector_load %parallel_loop3A_386[%parallel_loop3A_387, %parallel_loop3A_388] {strides = array<i32>} : memref<40x128xf32, #tpu.memory_space<vmem>>, vector<16xf32>,
          %parallel_loop3A_390 = arith.addf %parallel_loop3A_382, %parallel_loop3A_389 : vector<16xf32>
          %parallel_loop3A_391 = arith.constant 0 : i32
          %parallel_loop3A_392 = arith.constant 0 : i32
          %parallel_loop3A_393 = tpu.memref_slice %arg16[%parallel_loop3A_261, %parallel_loop3A_391, %parallel_loop3A_392] : memref<2x40x128xf32, #tpu.memory_space<vmem>> -> memref<1x40x128xf32, #tpu.memory_space<vmem>>
          %parallel_loop3A_394 = tpu.memref_squeeze %parallel_loop3A_393 : memref<1x40x128xf32, #tpu.memory_space<vmem>> -> memref<40x128xf32, #tpu.memory_space<vmem>>
          %parallel_loop3A_395 = arith.index_cast %parallel_loop3A_286 : i32 to index
          %parallel_loop3A_396 = arith.constant 48 : index
          %parallel_loop3A_397 = tpu.vector_load %parallel_loop3A_394[%parallel_loop3A_395, %parallel_loop3A_396] {strides = array<i32>} : memref<40x128xf32, #tpu.memory_space<vmem>>, vector<16xf32>,
          %parallel_loop3A_398 = arith.addf %parallel_loop3A_390, %parallel_loop3A_397 : vector<16xf32>
          %parallel_loop3A_399 = arith.constant 2.000000e-01 : f32
          %parallel_loop3A_400 = vector.broadcast %parallel_loop3A_399 : f32 to vector<16xf32>
          %parallel_loop3A_401 = arith.mulf %parallel_loop3A_398, %parallel_loop3A_400 : vector<16xf32>
          %parallel_loop3A_402 = arith.maximumf %parallel_loop3A_398, %parallel_loop3A_401 : vector<16xf32>
          %parallel_loop3A_403 = arith.mulf %parallel_loop3A_402, %get3A_7 : vector<16xf32>
          %parallel_loop3A_404 = arith.addf %parallel_loop3A_375, %parallel_loop3A_403 : vector<16xf32>
          %parallel_loop3A_405 = arith.constant 0 : i32
          %parallel_loop3A_406 = arith.constant 0 : i32
          %parallel_loop3A_407 = tpu.memref_slice %arg14[%parallel_loop3A_259, %parallel_loop3A_405, %parallel_loop3A_406] : memref<2x40x128xf32, #tpu.memory_space<vmem>> -> memref<1x40x128xf32, #tpu.memory_space<vmem>>
          %parallel_loop3A_408 = tpu.memref_squeeze %parallel_loop3A_407 : memref<1x40x128xf32, #tpu.memory_space<vmem>> -> memref<40x128xf32, #tpu.memory_space<vmem>>
          %parallel_loop3A_409 = arith.index_cast %parallel_loop3A_286 : i32 to index
          %parallel_loop3A_410 = arith.constant 64 : index
          %parallel_loop3A_411 = tpu.vector_load %parallel_loop3A_408[%parallel_loop3A_409, %parallel_loop3A_410] {strides = array<i32>} : memref<40x128xf32, #tpu.memory_space<vmem>>, vector<16xf32>,
          %parallel_loop3A_412 = arith.constant 0 : i32
          %parallel_loop3A_413 = arith.constant 0 : i32
          %parallel_loop3A_414 = tpu.memref_slice %arg15[%parallel_loop3A_260, %parallel_loop3A_412, %parallel_loop3A_413] : memref<2x40x128xf32, #tpu.memory_space<vmem>> -> memref<1x40x128xf32, #tpu.memory_space<vmem>>
          %parallel_loop3A_415 = tpu.memref_squeeze %parallel_loop3A_414 : memref<1x40x128xf32, #tpu.memory_space<vmem>> -> memref<40x128xf32, #tpu.memory_space<vmem>>
          %parallel_loop3A_416 = arith.index_cast %parallel_loop3A_286 : i32 to index
          %parallel_loop3A_417 = arith.constant 64 : index
          %parallel_loop3A_418 = tpu.vector_load %parallel_loop3A_415[%parallel_loop3A_416, %parallel_loop3A_417] {strides = array<i32>} : memref<40x128xf32, #tpu.memory_space<vmem>>, vector<16xf32>,
          %parallel_loop3A_419 = arith.addf %parallel_loop3A_411, %parallel_loop3A_418 : vector<16xf32>
          %parallel_loop3A_420 = arith.constant 0 : i32
          %parallel_loop3A_421 = arith.constant 0 : i32
          %parallel_loop3A_422 = tpu.memref_slice %arg16[%parallel_loop3A_261, %parallel_loop3A_420, %parallel_loop3A_421] : memref<2x40x128xf32, #tpu.memory_space<vmem>> -> memref<1x40x128xf32, #tpu.memory_space<vmem>>
          %parallel_loop3A_423 = tpu.memref_squeeze %parallel_loop3A_422 : memref<1x40x128xf32, #tpu.memory_space<vmem>> -> memref<40x128xf32, #tpu.memory_space<vmem>>
          %parallel_loop3A_424 = arith.index_cast %parallel_loop3A_286 : i32 to index
          %parallel_loop3A_425 = arith.constant 64 : index
          %parallel_loop3A_426 = tpu.vector_load %parallel_loop3A_423[%parallel_loop3A_424, %parallel_loop3A_425] {strides = array<i32>} : memref<40x128xf32, #tpu.memory_space<vmem>>, vector<16xf32>,
          %parallel_loop3A_427 = arith.addf %parallel_loop3A_419, %parallel_loop3A_426 : vector<16xf32>
          %parallel_loop3A_428 = arith.constant 2.000000e-01 : f32
          %parallel_loop3A_429 = vector.broadcast %parallel_loop3A_428 : f32 to vector<16xf32>
          %parallel_loop3A_430 = arith.mulf %parallel_loop3A_427, %parallel_loop3A_429 : vector<16xf32>
          %parallel_loop3A_431 = arith.maximumf %parallel_loop3A_427, %parallel_loop3A_430 : vector<16xf32>
          %parallel_loop3A_432 = arith.mulf %parallel_loop3A_431, %get3A_9 : vector<16xf32>
          %parallel_loop3A_433 = arith.addf %parallel_loop3A_404, %parallel_loop3A_432 : vector<16xf32>
          %parallel_loop3A_434 = arith.constant 0 : i32
          %parallel_loop3A_435 = arith.constant 0 : i32
          %parallel_loop3A_436 = tpu.memref_slice %arg14[%parallel_loop3A_259, %parallel_loop3A_434, %parallel_loop3A_435] : memref<2x40x128xf32, #tpu.memory_space<vmem>> -> memref<1x40x128xf32, #tpu.memory_space<vmem>>
          %parallel_loop3A_437 = tpu.memref_squeeze %parallel_loop3A_436 : memref<1x40x128xf32, #tpu.memory_space<vmem>> -> memref<40x128xf32, #tpu.memory_space<vmem>>
          %parallel_loop3A_438 = arith.index_cast %parallel_loop3A_286 : i32 to index
          %parallel_loop3A_439 = arith.constant 80 : index
          %parallel_loop3A_440 = tpu.vector_load %parallel_loop3A_437[%parallel_loop3A_438, %parallel_loop3A_439] {strides = array<i32>} : memref<40x128xf32, #tpu.memory_space<vmem>>, vector<16xf32>,
          %parallel_loop3A_441 = arith.constant 0 : i32
          %parallel_loop3A_442 = arith.constant 0 : i32
          %parallel_loop3A_443 = tpu.memref_slice %arg15[%parallel_loop3A_260, %parallel_loop3A_441, %parallel_loop3A_442] : memref<2x40x128xf32, #tpu.memory_space<vmem>> -> memref<1x40x128xf32, #tpu.memory_space<vmem>>
          %parallel_loop3A_444 = tpu.memref_squeeze %parallel_loop3A_443 : memref<1x40x128xf32, #tpu.memory_space<vmem>> -> memref<40x128xf32, #tpu.memory_space<vmem>>
          %parallel_loop3A_445 = arith.index_cast %parallel_loop3A_286 : i32 to index
          %parallel_loop3A_446 = arith.constant 80 : index
          %parallel_loop3A_447 = tpu.vector_load %parallel_loop3A_444[%parallel_loop3A_445, %parallel_loop3A_446] {strides = array<i32>} : memref<40x128xf32, #tpu.memory_space<vmem>>, vector<16xf32>,
          %parallel_loop3A_448 = arith.addf %parallel_loop3A_440, %parallel_loop3A_447 : vector<16xf32>
          %parallel_loop3A_449 = arith.constant 0 : i32
          %parallel_loop3A_450 = arith.constant 0 : i32
          %parallel_loop3A_451 = tpu.memref_slice %arg16[%parallel_loop3A_261, %parallel_loop3A_449, %parallel_loop3A_450] : memref<2x40x128xf32, #tpu.memory_space<vmem>> -> memref<1x40x128xf32, #tpu.memory_space<vmem>>
          %parallel_loop3A_452 = tpu.memref_squeeze %parallel_loop3A_451 : memref<1x40x128xf32, #tpu.memory_space<vmem>> -> memref<40x128xf32, #tpu.memory_space<vmem>>
          %parallel_loop3A_453 = arith.index_cast %parallel_loop3A_286 : i32 to index
          %parallel_loop3A_454 = arith.constant 80 : index
          %parallel_loop3A_455 = tpu.vector_load %parallel_loop3A_452[%parallel_loop3A_453, %parallel_loop3A_454] {strides = array<i32>} : memref<40x128xf32, #tpu.memory_space<vmem>>, vector<16xf32>,
          %parallel_loop3A_456 = arith.addf %parallel_loop3A_448, %parallel_loop3A_455 : vector<16xf32>
          %parallel_loop3A_457 = arith.constant 2.000000e-01 : f32
          %parallel_loop3A_458 = vector.broadcast %parallel_loop3A_457 : f32 to vector<16xf32>
          %parallel_loop3A_459 = arith.mulf %parallel_loop3A_456, %parallel_loop3A_458 : vector<16xf32>
          %parallel_loop3A_460 = arith.maximumf %parallel_loop3A_456, %parallel_loop3A_459 : vector<16xf32>
          %parallel_loop3A_461 = arith.mulf %parallel_loop3A_460, %get3A_11 : vector<16xf32>
          %parallel_loop3A_462 = arith.addf %parallel_loop3A_433, %parallel_loop3A_461 : vector<16xf32>
          %parallel_loop3A_463 = arith.constant 0 : i32
          %parallel_loop3A_464 = arith.constant 0 : i32
          %parallel_loop3A_465 = tpu.memref_slice %arg14[%parallel_loop3A_259, %parallel_loop3A_463, %parallel_loop3A_464] : memref<2x40x128xf32, #tpu.memory_space<vmem>> -> memref<1x40x128xf32, #tpu.memory_space<vmem>>
          %parallel_loop3A_466 = tpu.memref_squeeze %parallel_loop3A_465 : memref<1x40x128xf32, #tpu.memory_space<vmem>> -> memref<40x128xf32, #tpu.memory_space<vmem>>
          %parallel_loop3A_467 = arith.index_cast %parallel_loop3A_286 : i32 to index
          %parallel_loop3A_468 = arith.constant 96 : index
          %parallel_loop3A_469 = tpu.vector_load %parallel_loop3A_466[%parallel_loop3A_467, %parallel_loop3A_468] {strides = array<i32>} : memref<40x128xf32, #tpu.memory_space<vmem>>, vector<16xf32>,
          %parallel_loop3A_470 = arith.constant 0 : i32
          %parallel_loop3A_471 = arith.constant 0 : i32
          %parallel_loop3A_472 = tpu.memref_slice %arg15[%parallel_loop3A_260, %parallel_loop3A_470, %parallel_loop3A_471] : memref<2x40x128xf32, #tpu.memory_space<vmem>> -> memref<1x40x128xf32, #tpu.memory_space<vmem>>
          %parallel_loop3A_473 = tpu.memref_squeeze %parallel_loop3A_472 : memref<1x40x128xf32, #tpu.memory_space<vmem>> -> memref<40x128xf32, #tpu.memory_space<vmem>>
          %parallel_loop3A_474 = arith.index_cast %parallel_loop3A_286 : i32 to index
          %parallel_loop3A_475 = arith.constant 96 : index
          %parallel_loop3A_476 = tpu.vector_load %parallel_loop3A_473[%parallel_loop3A_474, %parallel_loop3A_475] {strides = array<i32>} : memref<40x128xf32, #tpu.memory_space<vmem>>, vector<16xf32>,
          %parallel_loop3A_477 = arith.addf %parallel_loop3A_469, %parallel_loop3A_476 : vector<16xf32>
          %parallel_loop3A_478 = arith.constant 0 : i32
          %parallel_loop3A_479 = arith.constant 0 : i32
          %parallel_loop3A_480 = tpu.memref_slice %arg16[%parallel_loop3A_261, %parallel_loop3A_478, %parallel_loop3A_479] : memref<2x40x128xf32, #tpu.memory_space<vmem>> -> memref<1x40x128xf32, #tpu.memory_space<vmem>>
          %parallel_loop3A_481 = tpu.memref_squeeze %parallel_loop3A_480 : memref<1x40x128xf32, #tpu.memory_space<vmem>> -> memref<40x128xf32, #tpu.memory_space<vmem>>
          %parallel_loop3A_482 = arith.index_cast %parallel_loop3A_286 : i32 to index
          %parallel_loop3A_483 = arith.constant 96 : index
          %parallel_loop3A_484 = tpu.vector_load %parallel_loop3A_481[%parallel_loop3A_482, %parallel_loop3A_483] {strides = array<i32>} : memref<40x128xf32, #tpu.memory_space<vmem>>, vector<16xf32>,
          %parallel_loop3A_485 = arith.addf %parallel_loop3A_477, %parallel_loop3A_484 : vector<16xf32>
          %parallel_loop3A_486 = arith.constant 2.000000e-01 : f32
          %parallel_loop3A_487 = vector.broadcast %parallel_loop3A_486 : f32 to vector<16xf32>
          %parallel_loop3A_488 = arith.mulf %parallel_loop3A_485, %parallel_loop3A_487 : vector<16xf32>
          %parallel_loop3A_489 = arith.maximumf %parallel_loop3A_485, %parallel_loop3A_488 : vector<16xf32>
          %parallel_loop3A_490 = arith.mulf %parallel_loop3A_489, %get3A_13 : vector<16xf32>
          %parallel_loop3A_491 = arith.addf %parallel_loop3A_462, %parallel_loop3A_490 : vector<16xf32>
          %parallel_loop3A_492 = arith.constant 0 : i32
          %parallel_loop3A_493 = arith.constant 0 : i32
          %parallel_loop3A_494 = tpu.memref_slice %arg14[%parallel_loop3A_259, %parallel_loop3A_492, %parallel_loop3A_493] : memref<2x40x128xf32, #tpu.memory_space<vmem>> -> memref<1x40x128xf32, #tpu.memory_space<vmem>>
          %parallel_loop3A_495 = tpu.memref_squeeze %parallel_loop3A_494 : memref<1x40x128xf32, #tpu.memory_space<vmem>> -> memref<40x128xf32, #tpu.memory_space<vmem>>
          %parallel_loop3A_496 = arith.index_cast %parallel_loop3A_286 : i32 to index
          %parallel_loop3A_497 = arith.constant 112 : index
          %parallel_loop3A_498 = tpu.vector_load %parallel_loop3A_495[%parallel_loop3A_496, %parallel_loop3A_497] {strides = array<i32>} : memref<40x128xf32, #tpu.memory_space<vmem>>, vector<16xf32>,
          %parallel_loop3A_499 = arith.constant 0 : i32
          %parallel_loop3A_500 = arith.constant 0 : i32
          %parallel_loop3A_501 = tpu.memref_slice %arg15[%parallel_loop3A_260, %parallel_loop3A_499, %parallel_loop3A_500] : memref<2x40x128xf32, #tpu.memory_space<vmem>> -> memref<1x40x128xf32, #tpu.memory_space<vmem>>
          %parallel_loop3A_502 = tpu.memref_squeeze %parallel_loop3A_501 : memref<1x40x128xf32, #tpu.memory_space<vmem>> -> memref<40x128xf32, #tpu.memory_space<vmem>>
          %parallel_loop3A_503 = arith.index_cast %parallel_loop3A_286 : i32 to index
          %parallel_loop3A_504 = arith.constant 112 : index
          %parallel_loop3A_505 = tpu.vector_load %parallel_loop3A_502[%parallel_loop3A_503, %parallel_loop3A_504] {strides = array<i32>} : memref<40x128xf32, #tpu.memory_space<vmem>>, vector<16xf32>,
          %parallel_loop3A_506 = arith.addf %parallel_loop3A_498, %parallel_loop3A_505 : vector<16xf32>
          %parallel_loop3A_507 = arith.constant 0 : i32
          %parallel_loop3A_508 = arith.constant 0 : i32
          %parallel_loop3A_509 = tpu.memref_slice %arg16[%parallel_loop3A_261, %parallel_loop3A_507, %parallel_loop3A_508] : memref<2x40x128xf32, #tpu.memory_space<vmem>> -> memref<1x40x128xf32, #tpu.memory_space<vmem>>
          %parallel_loop3A_510 = tpu.memref_squeeze %parallel_loop3A_509 : memref<1x40x128xf32, #tpu.memory_space<vmem>> -> memref<40x128xf32, #tpu.memory_space<vmem>>
          %parallel_loop3A_511 = arith.index_cast %parallel_loop3A_286 : i32 to index
          %parallel_loop3A_512 = arith.constant 112 : index
          %parallel_loop3A_513 = tpu.vector_load %parallel_loop3A_510[%parallel_loop3A_511, %parallel_loop3A_512] {strides = array<i32>} : memref<40x128xf32, #tpu.memory_space<vmem>>, vector<16xf32>,
          %parallel_loop3A_514 = arith.addf %parallel_loop3A_506, %parallel_loop3A_513 : vector<16xf32>
          %parallel_loop3A_515 = arith.constant 2.000000e-01 : f32
          %parallel_loop3A_516 = vector.broadcast %parallel_loop3A_515 : f32 to vector<16xf32>
          %parallel_loop3A_517 = arith.mulf %parallel_loop3A_514, %parallel_loop3A_516 : vector<16xf32>
          %parallel_loop3A_518 = arith.maximumf %parallel_loop3A_514, %parallel_loop3A_517 : vector<16xf32>
          %parallel_loop3A_519 = arith.mulf %parallel_loop3A_518, %get3A_15 : vector<16xf32>
          %parallel_loop3A_520 = arith.addf %parallel_loop3A_491, %parallel_loop3A_519 : vector<16xf32>
          %parallel_loop3A_521 = arith.constant true
          %parallel_loop3A_522 = vector.broadcast %parallel_loop3A_521 : i1 to vector<16xi1>
          %parallel_loop3A_523 = tpu.scan <sum>, %parallel_loop3A_520 masked %parallel_loop3A_522 : vector<16xf32>, vector<16xi1> -> vector<16xf32>
          %parallel_loop3A_524 = vector.extract %parallel_loop3A_523[15] : f32 from vector<16xf32>
          %parallel_loop3A_525 = vector.broadcast %parallel_loop3A_524 : f32 to vector<16xf32>
          %parallel_loop3A_526 = math.exp %parallel_loop3A_525 : vector<16xf32>
          %parallel_loop3A_527 = arith.constant 0 : i32
          %parallel_loop3A_528 = arith.constant 0 : i32
          %parallel_loop3A_529 = tpu.memref_slice %arg17[%parallel_loop3A_262, %parallel_loop3A_527, %parallel_loop3A_528] : memref<2x40x16xf32, #tpu.memory_space<vmem>> -> memref<1x40x16xf32, #tpu.memory_space<vmem>>
          %parallel_loop3A_530 = tpu.memref_squeeze %parallel_loop3A_529 : memref<1x40x16xf32, #tpu.memory_space<vmem>> -> memref<40x16xf32, #tpu.memory_space<vmem>>
          %parallel_loop3A_531 = arith.index_cast %parallel_loop3A_286 : i32 to index
          %parallel_loop3A_532 = arith.constant 0 : index
          %parallel_loop3A_533 = tpu.vector_load %parallel_loop3A_530[%parallel_loop3A_531, %parallel_loop3A_532] {strides = array<i32>} : memref<40x16xf32, #tpu.memory_space<vmem>>, vector<16xf32>,
          tpu.vector_store %parallel_loop3A_530[%parallel_loop3A_531, %parallel_loop3A_532], %parallel_loop3A_526 {strides = array<i32>} : memref<40x16xf32, #tpu.memory_space<vmem>>, vector<16xf32>,
          %parallel_loop3A_534 = arith.mulf %parallel_loop3A_295, %parallel_loop3A_526 : vector<16xf32>
          %parallel_loop3A_535 = arith.constant 0 : i32
          %parallel_loop3A_536 = arith.constant 0 : i32
          %parallel_loop3A_537 = tpu.memref_slice %arg15[%parallel_loop3A_260, %parallel_loop3A_535, %parallel_loop3A_536] : memref<2x40x128xf32, #tpu.memory_space<vmem>> -> memref<1x40x128xf32, #tpu.memory_space<vmem>>
          %parallel_loop3A_538 = tpu.memref_squeeze %parallel_loop3A_537 : memref<1x40x128xf32, #tpu.memory_space<vmem>> -> memref<40x128xf32, #tpu.memory_space<vmem>>
          %parallel_loop3A_539 = arith.index_cast %parallel_loop3A_286 : i32 to index
          %parallel_loop3A_540 = arith.constant 0 : index
          %parallel_loop3A_541 = tpu.vector_load %parallel_loop3A_538[%parallel_loop3A_539, %parallel_loop3A_540] {strides = array<i32>} : memref<40x128xf32, #tpu.memory_space<vmem>>, vector<16xf32>,
          tpu.vector_store %parallel_loop3A_538[%parallel_loop3A_539, %parallel_loop3A_540], %parallel_loop3A_534 {strides = array<i32>} : memref<40x128xf32, #tpu.memory_space<vmem>>, vector<16xf32>,
          %parallel_loop3A_542 = arith.mulf %parallel_loop3A_324, %parallel_loop3A_526 : vector<16xf32>
          %parallel_loop3A_543 = arith.constant 0 : i32
          %parallel_loop3A_544 = arith.constant 0 : i32
          %parallel_loop3A_545 = tpu.memref_slice %arg15[%parallel_loop3A_260, %parallel_loop3A_543, %parallel_loop3A_544] : memref<2x40x128xf32, #tpu.memory_space<vmem>> -> memref<1x40x128xf32, #tpu.memory_space<vmem>>
          %parallel_loop3A_546 = tpu.memref_squeeze %parallel_loop3A_545 : memref<1x40x128xf32, #tpu.memory_space<vmem>> -> memref<40x128xf32, #tpu.memory_space<vmem>>
          %parallel_loop3A_547 = arith.index_cast %parallel_loop3A_286 : i32 to index
          %parallel_loop3A_548 = arith.constant 16 : index
          %parallel_loop3A_549 = tpu.vector_load %parallel_loop3A_546[%parallel_loop3A_547, %parallel_loop3A_548] {strides = array<i32>} : memref<40x128xf32, #tpu.memory_space<vmem>>, vector<16xf32>,
          tpu.vector_store %parallel_loop3A_546[%parallel_loop3A_547, %parallel_loop3A_548], %parallel_loop3A_542 {strides = array<i32>} : memref<40x128xf32, #tpu.memory_space<vmem>>, vector<16xf32>,
          %parallel_loop3A_550 = arith.mulf %parallel_loop3A_353, %parallel_loop3A_526 : vector<16xf32>
          %parallel_loop3A_551 = arith.constant 0 : i32
          %parallel_loop3A_552 = arith.constant 0 : i32
          %parallel_loop3A_553 = tpu.memref_slice %arg15[%parallel_loop3A_260, %parallel_loop3A_551, %parallel_loop3A_552] : memref<2x40x128xf32, #tpu.memory_space<vmem>> -> memref<1x40x128xf32, #tpu.memory_space<vmem>>
          %parallel_loop3A_554 = tpu.memref_squeeze %parallel_loop3A_553 : memref<1x40x128xf32, #tpu.memory_space<vmem>> -> memref<40x128xf32, #tpu.memory_space<vmem>>
          %parallel_loop3A_555 = arith.index_cast %parallel_loop3A_286 : i32 to index
          %parallel_loop3A_556 = arith.constant 32 : index
          %parallel_loop3A_557 = tpu.vector_load %parallel_loop3A_554[%parallel_loop3A_555, %parallel_loop3A_556] {strides = array<i32>} : memref<40x128xf32, #tpu.memory_space<vmem>>, vector<16xf32>,
          tpu.vector_store %parallel_loop3A_554[%parallel_loop3A_555, %parallel_loop3A_556], %parallel_loop3A_550 {strides = array<i32>} : memref<40x128xf32, #tpu.memory_space<vmem>>, vector<16xf32>,
          %parallel_loop3A_558 = arith.mulf %parallel_loop3A_382, %parallel_loop3A_526 : vector<16xf32>
          %parallel_loop3A_559 = arith.constant 0 : i32
          %parallel_loop3A_560 = arith.constant 0 : i32
          %parallel_loop3A_561 = tpu.memref_slice %arg15[%parallel_loop3A_260, %parallel_loop3A_559, %parallel_loop3A_560] : memref<2x40x128xf32, #tpu.memory_space<vmem>> -> memref<1x40x128xf32, #tpu.memory_space<vmem>>
          %parallel_loop3A_562 = tpu.memref_squeeze %parallel_loop3A_561 : memref<1x40x128xf32, #tpu.memory_space<vmem>> -> memref<40x128xf32, #tpu.memory_space<vmem>>
          %parallel_loop3A_563 = arith.index_cast %parallel_loop3A_286 : i32 to index
          %parallel_loop3A_564 = arith.constant 48 : index
          %parallel_loop3A_565 = tpu.vector_load %parallel_loop3A_562[%parallel_loop3A_563, %parallel_loop3A_564] {strides = array<i32>} : memref<40x128xf32, #tpu.memory_space<vmem>>, vector<16xf32>,
          tpu.vector_store %parallel_loop3A_562[%parallel_loop3A_563, %parallel_loop3A_564], %parallel_loop3A_558 {strides = array<i32>} : memref<40x128xf32, #tpu.memory_space<vmem>>, vector<16xf32>,
          %parallel_loop3A_566 = arith.mulf %parallel_loop3A_411, %parallel_loop3A_526 : vector<16xf32>
          %parallel_loop3A_567 = arith.constant 0 : i32
          %parallel_loop3A_568 = arith.constant 0 : i32
          %parallel_loop3A_569 = tpu.memref_slice %arg15[%parallel_loop3A_260, %parallel_loop3A_567, %parallel_loop3A_568] : memref<2x40x128xf32, #tpu.memory_space<vmem>> -> memref<1x40x128xf32, #tpu.memory_space<vmem>>
          %parallel_loop3A_570 = tpu.memref_squeeze %parallel_loop3A_569 : memref<1x40x128xf32, #tpu.memory_space<vmem>> -> memref<40x128xf32, #tpu.memory_space<vmem>>
          %parallel_loop3A_571 = arith.index_cast %parallel_loop3A_286 : i32 to index
          %parallel_loop3A_572 = arith.constant 64 : index
          %parallel_loop3A_573 = tpu.vector_load %parallel_loop3A_570[%parallel_loop3A_571, %parallel_loop3A_572] {strides = array<i32>} : memref<40x128xf32, #tpu.memory_space<vmem>>, vector<16xf32>,
          tpu.vector_store %parallel_loop3A_570[%parallel_loop3A_571, %parallel_loop3A_572], %parallel_loop3A_566 {strides = array<i32>} : memref<40x128xf32, #tpu.memory_space<vmem>>, vector<16xf32>,
          %parallel_loop3A_574 = arith.mulf %parallel_loop3A_440, %parallel_loop3A_526 : vector<16xf32>
          %parallel_loop3A_575 = arith.constant 0 : i32
          %parallel_loop3A_576 = arith.constant 0 : i32
          %parallel_loop3A_577 = tpu.memref_slice %arg15[%parallel_loop3A_260, %parallel_loop3A_575, %parallel_loop3A_576] : memref<2x40x128xf32, #tpu.memory_space<vmem>> -> memref<1x40x128xf32, #tpu.memory_space<vmem>>
          %parallel_loop3A_578 = tpu.memref_squeeze %parallel_loop3A_577 : memref<1x40x128xf32, #tpu.memory_space<vmem>> -> memref<40x128xf32, #tpu.memory_space<vmem>>
          %parallel_loop3A_579 = arith.index_cast %parallel_loop3A_286 : i32 to index
          %parallel_loop3A_580 = arith.constant 80 : index
          %parallel_loop3A_581 = tpu.vector_load %parallel_loop3A_578[%parallel_loop3A_579, %parallel_loop3A_580] {strides = array<i32>} : memref<40x128xf32, #tpu.memory_space<vmem>>, vector<16xf32>,
          tpu.vector_store %parallel_loop3A_578[%parallel_loop3A_579, %parallel_loop3A_580], %parallel_loop3A_574 {strides = array<i32>} : memref<40x128xf32, #tpu.memory_space<vmem>>, vector<16xf32>,
          %parallel_loop3A_582 = arith.mulf %parallel_loop3A_469, %parallel_loop3A_526 : vector<16xf32>
          %parallel_loop3A_583 = arith.constant 0 : i32
          %parallel_loop3A_584 = arith.constant 0 : i32
          %parallel_loop3A_585 = tpu.memref_slice %arg15[%parallel_loop3A_260, %parallel_loop3A_583, %parallel_loop3A_584] : memref<2x40x128xf32, #tpu.memory_space<vmem>> -> memref<1x40x128xf32, #tpu.memory_space<vmem>>
          %parallel_loop3A_586 = tpu.memref_squeeze %parallel_loop3A_585 : memref<1x40x128xf32, #tpu.memory_space<vmem>> -> memref<40x128xf32, #tpu.memory_space<vmem>>
          %parallel_loop3A_587 = arith.index_cast %parallel_loop3A_286 : i32 to index
          %parallel_loop3A_588 = arith.constant 96 : index
          %parallel_loop3A_589 = tpu.vector_load %parallel_loop3A_586[%parallel_loop3A_587, %parallel_loop3A_588] {strides = array<i32>} : memref<40x128xf32, #tpu.memory_space<vmem>>, vector<16xf32>,
          tpu.vector_store %parallel_loop3A_586[%parallel_loop3A_587, %parallel_loop3A_588], %parallel_loop3A_582 {strides = array<i32>} : memref<40x128xf32, #tpu.memory_space<vmem>>, vector<16xf32>,
          %parallel_loop3A_590 = arith.mulf %parallel_loop3A_498, %parallel_loop3A_526 : vector<16xf32>
          %parallel_loop3A_591 = arith.constant 0 : i32
          %parallel_loop3A_592 = arith.constant 0 : i32
          %parallel_loop3A_593 = tpu.memref_slice %arg15[%parallel_loop3A_260, %parallel_loop3A_591, %parallel_loop3A_592] : memref<2x40x128xf32, #tpu.memory_space<vmem>> -> memref<1x40x128xf32, #tpu.memory_space<vmem>>
          %parallel_loop3A_594 = tpu.memref_squeeze %parallel_loop3A_593 : memref<1x40x128xf32, #tpu.memory_space<vmem>> -> memref<40x128xf32, #tpu.memory_space<vmem>>
          %parallel_loop3A_595 = arith.index_cast %parallel_loop3A_286 : i32 to index
          %parallel_loop3A_596 = arith.constant 112 : index
          %parallel_loop3A_597 = tpu.vector_load %parallel_loop3A_594[%parallel_loop3A_595, %parallel_loop3A_596] {strides = array<i32>} : memref<40x128xf32, #tpu.memory_space<vmem>>, vector<16xf32>,
          tpu.vector_store %parallel_loop3A_594[%parallel_loop3A_595, %parallel_loop3A_596], %parallel_loop3A_590 {strides = array<i32>} : memref<40x128xf32, #tpu.memory_space<vmem>>, vector<16xf32>,
        } {sc.loop_unroll_factor = 4 : i64, sc.parallel_access}
        %dma_start3A_263 = arith.constant 1 : i32
        %dma_start3A_264 = arith.constant 0 : i32
        %dma_start3A_265 = arith.constant 0 : i32
        %dma_start3A_266 = tpu.memref_slice %arg15[%dma_start3A_263, %dma_start3A_264, %dma_start3A_265] : memref<2x40x128xf32, #tpu.memory_space<vmem>> -> memref<1x40x128xf32, #tpu.memory_space<vmem>>
        %dma_start3A_267 = tpu.memref_squeeze %dma_start3A_266 : memref<1x40x128xf32, #tpu.memory_space<vmem>> -> memref<40x128xf32, #tpu.memory_space<vmem>>
        %dma_start3A_268 = arith.constant 0 : i32
        %dma_start3A_269 = tpu.memref_slice %arg13[%add3A_211, %dma_start3A_268] : memref<50x40xi32, #tpu.memory_space<vmem>> -> memref<1x40xi32, #tpu.memory_space<vmem>>
        %dma_start3A_270 = tpu.memref_squeeze %dma_start3A_269 : memref<1x40xi32, #tpu.memory_space<vmem>> -> memref<40xi32, #tpu.memory_space<vmem>>
        %dma_start3A_271 = arith.constant 0 : i32
        %dma_start3A_272 = arith.constant 0 : i32
        %dma_start3A_273 = tpu.memref_slice %arg19[%dma_start3A_271, %dma_start3A_272] : memref<10000x128xf32, #tpu.memory_space<vmem_shared>> -> memref<10000x128xf32, #tpu.memory_space<vmem_shared>>
        tpu.enqueue_indirect_dma source(%dma_start3A_267 : memref<40x128xf32, #tpu.memory_space<vmem>>) target(%dma_start3A_273 : memref<10000x128xf32, #tpu.memory_space<vmem_shared>>) offsets(%dma_start3A_270 : memref<40xi32, #tpu.memory_space<vmem>>) semaphore(%arg24 : memref<!tpu.dma_semaphore, #tpu.memory_space<semaphore_mem>>) {add = true}
        %dma_start3A_274 = arith.constant 1 : i32
        %dma_start3A_275 = arith.constant 0 : i32
        %dma_start3A_276 = arith.constant 0 : i32
        %dma_start3A_277 = tpu.memref_slice %arg17[%dma_start3A_274, %dma_start3A_275, %dma_start3A_276] : memref<2x40x16xf32, #tpu.memory_space<vmem>> -> memref<1x40x16xf32, #tpu.memory_space<vmem>>
        %dma_start3A_278 = tpu.memref_squeeze %dma_start3A_277 : memref<1x40x16xf32, #tpu.memory_space<vmem>> -> memref<40x16xf32, #tpu.memory_space<vmem>>
        %dma_start3A_279 = arith.constant 0 : i32
        %dma_start3A_280 = tpu.memref_slice %arg13[%add3A_211, %dma_start3A_279] : memref<50x40xi32, #tpu.memory_space<vmem>> -> memref<1x40xi32, #tpu.memory_space<vmem>>
        %dma_start3A_281 = tpu.memref_squeeze %dma_start3A_280 : memref<1x40xi32, #tpu.memory_space<vmem>> -> memref<40xi32, #tpu.memory_space<vmem>>
        %dma_start3A_282 = arith.constant 0 : i32
        %dma_start3A_283 = arith.constant 0 : i32
        %dma_start3A_284 = tpu.memref_slice %arg20[%dma_start3A_282, %dma_start3A_283] : memref<10000x16xf32, #tpu.memory_space<vmem_shared>> -> memref<10000x16xf32, #tpu.memory_space<vmem_shared>>
        tpu.enqueue_indirect_dma source(%dma_start3A_278 : memref<40x16xf32, #tpu.memory_space<vmem>>) target(%dma_start3A_284 : memref<10000x16xf32, #tpu.memory_space<vmem_shared>>) offsets(%dma_start3A_281 : memref<40xi32, #tpu.memory_space<vmem>>) semaphore(%arg24 : memref<!tpu.dma_semaphore, #tpu.memory_space<semaphore_mem>>) {add = true}
        %scan3A_285 = arith.constant 0 : i32
        scf.yield %scan3A_285 : i32
      }
      %scan3A_81 = arith.constant 25 : i32
      %dma_wait3A = arith.constant 0 : i32
      %dma_wait3A_82 = arith.constant 0 : i32
      %dma_wait3A_83 = arith.constant 0 : i32
      %dma_wait3A_84 = arith.constant 0 : i32
      %dma_wait3A_85 = tpu.memref_slice %arg15[%dma_wait3A, %dma_wait3A_83, %dma_wait3A_84] : memref<2x40x128xf32, #tpu.memory_space<vmem>> -> memref<1x40x128xf32, #tpu.memory_space<vmem>>
      %dma_wait3A_86 = tpu.memref_squeeze %dma_wait3A_85 : memref<1x40x128xf32, #tpu.memory_space<vmem>> -> memref<40x128xf32, #tpu.memory_space<vmem>>
      %dma_wait3A_87 = arith.constant 0 : i32
      %dma_wait3A_88 = tpu.memref_slice %arg13[%dma_wait3A_82, %dma_wait3A_87] : memref<50x40xi32, #tpu.memory_space<vmem>> -> memref<1x40xi32, #tpu.memory_space<vmem>>
      %dma_wait3A_89 = tpu.memref_squeeze %dma_wait3A_88 : memref<1x40xi32, #tpu.memory_space<vmem>> -> memref<40xi32, #tpu.memory_space<vmem>>
      %dma_wait3A_90 = arith.constant 0 : i32
      %dma_wait3A_91 = arith.constant 0 : i32
      %dma_wait3A_92 = tpu.memref_slice %arg19[%dma_wait3A_90, %dma_wait3A_91] : memref<10000x128xf32, #tpu.memory_space<vmem_shared>> -> memref<10000x128xf32, #tpu.memory_space<vmem_shared>>
      tpu.wait_indirect_dma semaphore(%arg23 : memref<!tpu.dma_semaphore, #tpu.memory_space<semaphore_mem>>) src(%dma_wait3A_86 : memref<40x128xf32, #tpu.memory_space<vmem>>) dst(%dma_wait3A_92 : memref<10000x128xf32, #tpu.memory_space<vmem_shared>>)
      %dma_wait3A_93 = arith.constant 0 : i32
      %dma_wait3A_94 = arith.constant 0 : i32
      %dma_wait3A_95 = arith.constant 0 : i32
      %dma_wait3A_96 = arith.constant 0 : i32
      %dma_wait3A_97 = tpu.memref_slice %arg17[%dma_wait3A_93, %dma_wait3A_95, %dma_wait3A_96] : memref<2x40x16xf32, #tpu.memory_space<vmem>> -> memref<1x40x16xf32, #tpu.memory_space<vmem>>
      %dma_wait3A_98 = tpu.memref_squeeze %dma_wait3A_97 : memref<1x40x16xf32, #tpu.memory_space<vmem>> -> memref<40x16xf32, #tpu.memory_space<vmem>>
      %dma_wait3A_99 = arith.constant 0 : i32
      %dma_wait3A_100 = tpu.memref_slice %arg13[%dma_wait3A_94, %dma_wait3A_99] : memref<50x40xi32, #tpu.memory_space<vmem>> -> memref<1x40xi32, #tpu.memory_space<vmem>>
      %dma_wait3A_101 = tpu.memref_squeeze %dma_wait3A_100 : memref<1x40xi32, #tpu.memory_space<vmem>> -> memref<40xi32, #tpu.memory_space<vmem>>
      %dma_wait3A_102 = arith.constant 0 : i32
      %dma_wait3A_103 = arith.constant 0 : i32
      %dma_wait3A_104 = tpu.memref_slice %arg20[%dma_wait3A_102, %dma_wait3A_103] : memref<10000x16xf32, #tpu.memory_space<vmem_shared>> -> memref<10000x16xf32, #tpu.memory_space<vmem_shared>>
      tpu.wait_indirect_dma semaphore(%arg23 : memref<!tpu.dma_semaphore, #tpu.memory_space<semaphore_mem>>) src(%dma_wait3A_98 : memref<40x16xf32, #tpu.memory_space<vmem>>) dst(%dma_wait3A_104 : memref<10000x16xf32, #tpu.memory_space<vmem_shared>>)
      %dma_wait3A_105 = arith.constant 1 : i32
      %dma_wait3A_106 = arith.constant 0 : i32
      %dma_wait3A_107 = arith.constant 0 : i32
      %dma_wait3A_108 = arith.constant 0 : i32
      %dma_wait3A_109 = tpu.memref_slice %arg15[%dma_wait3A_105, %dma_wait3A_107, %dma_wait3A_108] : memref<2x40x128xf32, #tpu.memory_space<vmem>> -> memref<1x40x128xf32, #tpu.memory_space<vmem>>
      %dma_wait3A_110 = tpu.memref_squeeze %dma_wait3A_109 : memref<1x40x128xf32, #tpu.memory_space<vmem>> -> memref<40x128xf32, #tpu.memory_space<vmem>>
      %dma_wait3A_111 = arith.constant 0 : i32
      %dma_wait3A_112 = tpu.memref_slice %arg13[%dma_wait3A_106, %dma_wait3A_111] : memref<50x40xi32, #tpu.memory_space<vmem>> -> memref<1x40xi32, #tpu.memory_space<vmem>>
      %dma_wait3A_113 = tpu.memref_squeeze %dma_wait3A_112 : memref<1x40xi32, #tpu.memory_space<vmem>> -> memref<40xi32, #tpu.memory_space<vmem>>
      %dma_wait3A_114 = arith.constant 0 : i32
      %dma_wait3A_115 = arith.constant 0 : i32
      %dma_wait3A_116 = tpu.memref_slice %arg19[%dma_wait3A_114, %dma_wait3A_115] : memref<10000x128xf32, #tpu.memory_space<vmem_shared>> -> memref<10000x128xf32, #tpu.memory_space<vmem_shared>>
      tpu.wait_indirect_dma semaphore(%arg24 : memref<!tpu.dma_semaphore, #tpu.memory_space<semaphore_mem>>) src(%dma_wait3A_110 : memref<40x128xf32, #tpu.memory_space<vmem>>) dst(%dma_wait3A_116 : memref<10000x128xf32, #tpu.memory_space<vmem_shared>>)
      %dma_wait3A_117 = arith.constant 1 : i32
      %dma_wait3A_118 = arith.constant 0 : i32
      %dma_wait3A_119 = arith.constant 0 : i32
      %dma_wait3A_120 = arith.constant 0 : i32
      %dma_wait3A_121 = tpu.memref_slice %arg17[%dma_wait3A_117, %dma_wait3A_119, %dma_wait3A_120] : memref<2x40x16xf32, #tpu.memory_space<vmem>> -> memref<1x40x16xf32, #tpu.memory_space<vmem>>
      %dma_wait3A_122 = tpu.memref_squeeze %dma_wait3A_121 : memref<1x40x16xf32, #tpu.memory_space<vmem>> -> memref<40x16xf32, #tpu.memory_space<vmem>>
      %dma_wait3A_123 = arith.constant 0 : i32
      %dma_wait3A_124 = tpu.memref_slice %arg13[%dma_wait3A_118, %dma_wait3A_123] : memref<50x40xi32, #tpu.memory_space<vmem>> -> memref<1x40xi32, #tpu.memory_space<vmem>>
      %dma_wait3A_125 = tpu.memref_squeeze %dma_wait3A_124 : memref<1x40xi32, #tpu.memory_space<vmem>> -> memref<40xi32, #tpu.memory_space<vmem>>
      %dma_wait3A_126 = arith.constant 0 : i32
      %dma_wait3A_127 = arith.constant 0 : i32
      %dma_wait3A_128 = tpu.memref_slice %arg20[%dma_wait3A_126, %dma_wait3A_127] : memref<10000x16xf32, #tpu.memory_space<vmem_shared>> -> memref<10000x16xf32, #tpu.memory_space<vmem_shared>>
      tpu.wait_indirect_dma semaphore(%arg24 : memref<!tpu.dma_semaphore, #tpu.memory_space<semaphore_mem>>) src(%dma_wait3A_122 : memref<40x16xf32, #tpu.memory_space<vmem>>) dst(%dma_wait3A_128 : memref<10000x16xf32, #tpu.memory_space<vmem_shared>>)
      %scan3A_129 = arith.constant 0 : i32
      scf.yield %scan3A_129 : i32
    }
    %scan3A_23 = arith.constant 5 : i32
    %barrier3A_24 = arith.constant 0 : index
    tpu.barrier barrier_id(%barrier3A_24)
    %lt3A_25 = arith.constant 10 : i32
    %lt3A_26 = arith.cmpi slt, %arg1, %lt3A_25 : i32
    %convert_element_type3A_27 = arith.extui %lt3A_26 : i1 to i32
    %cond3A_28 = arith.constant 0 : i32
    %cond3A_29 = arith.cmpi ne, %convert_element_type3A_27, %cond3A_28 : i32
    scf.if %cond3A_29 {
      %mul3A_30 = arith.constant 1000 : i32
      %mul3A_31 = arith.muli %arg1, %mul3A_30 : i32
      %mul3A_32 = arith.constant 1000 : i32
      %mul3A_33 = arith.muli %arg1, %mul3A_32 : i32
      "tpu.region"() ({
        %run_scoped3A = tpu.sem_alloc : memref<!tpu.dma_semaphore, #tpu.memory_space<semaphore_mem>>
        %dma_start3A = arith.constant 0 : i32
        %dma_start3A_38 = tpu.memref_slice %arg10[%arg0, %mul3A_33, %dma_start3A] : memref<2x10000x128xf32, #tpu.memory_space<hbm>> -> memref<1x1000x128xf32, #tpu.memory_space<hbm>>
        %dma_start3A_39 = tpu.memref_squeeze %dma_start3A_38 : memref<1x1000x128xf32, #tpu.memory_space<hbm>> -> memref<1000x128xf32, #tpu.memory_space<hbm>>
        %dma_start3A_40 = arith.constant 0 : i32
        %dma_start3A_41 = tpu.memref_slice %arg19[%mul3A_31, %dma_start3A_40] : memref<10000x128xf32, #tpu.memory_space<vmem_shared>> -> memref<1000x128xf32, #tpu.memory_space<vmem_shared>>
        tpu.enqueue_dma source(%dma_start3A_41 : memref<1000x128xf32, #tpu.memory_space<vmem_shared>>) target(%dma_start3A_39 : memref<1000x128xf32, #tpu.memory_space<hbm>>) target_semaphore(%run_scoped3A : memref<!tpu.dma_semaphore, #tpu.memory_space<semaphore_mem>>)
        %dma_wait3A = arith.constant 0 : i32
        %dma_wait3A_42 = tpu.memref_slice %arg10[%arg0, %mul3A_33, %dma_wait3A] : memref<2x10000x128xf32, #tpu.memory_space<hbm>> -> memref<1x1000x128xf32, #tpu.memory_space<hbm>>
        %dma_wait3A_43 = tpu.memref_squeeze %dma_wait3A_42 : memref<1x1000x128xf32, #tpu.memory_space<hbm>> -> memref<1000x128xf32, #tpu.memory_space<hbm>>
        %dma_wait3A_44 = arith.constant 0 : i32
        %dma_wait3A_45 = tpu.memref_slice %arg19[%mul3A_31, %dma_wait3A_44] : memref<10000x128xf32, #tpu.memory_space<vmem_shared>> -> memref<1000x128xf32, #tpu.memory_space<vmem_shared>>
        tpu.wait_dma2 semaphore(%run_scoped3A : memref<!tpu.dma_semaphore, #tpu.memory_space<semaphore_mem>>) src(%dma_wait3A_45 : memref<1000x128xf32, #tpu.memory_space<vmem_shared>>) dst(%dma_wait3A_43 : memref<1000x128xf32, #tpu.memory_space<hbm>>)
        tpu.yield
      }) : () -> ()
      %mul3A_34 = arith.constant 1000 : i32
      %mul3A_35 = arith.muli %arg1, %mul3A_34 : i32
      %mul3A_36 = arith.constant 1000 : i32
      %mul3A_37 = arith.muli %arg1, %mul3A_36 : i32
      "tpu.region"() ({
        %run_scoped3A = tpu.sem_alloc : memref<!tpu.dma_semaphore, #tpu.memory_space<semaphore_mem>>
        %dma_start3A = arith.constant 0 : i32
        %dma_start3A_38 = tpu.memref_slice %arg11[%arg0, %mul3A_37, %dma_start3A] : memref<2x10000x16xf32, #tpu.memory_space<hbm>> -> memref<1x1000x16xf32, #tpu.memory_space<hbm>>
        %dma_start3A_39 = tpu.memref_squeeze %dma_start3A_38 : memref<1x1000x16xf32, #tpu.memory_space<hbm>> -> memref<1000x16xf32, #tpu.memory_space<hbm>>
        %dma_start3A_40 = arith.constant 0 : i32
        %dma_start3A_41 = tpu.memref_slice %arg20[%mul3A_35, %dma_start3A_40] : memref<10000x16xf32, #tpu.memory_space<vmem_shared>> -> memref<1000x16xf32, #tpu.memory_space<vmem_shared>>
        tpu.enqueue_dma source(%dma_start3A_41 : memref<1000x16xf32, #tpu.memory_space<vmem_shared>>) target(%dma_start3A_39 : memref<1000x16xf32, #tpu.memory_space<hbm>>) target_semaphore(%run_scoped3A : memref<!tpu.dma_semaphore, #tpu.memory_space<semaphore_mem>>)
        %dma_wait3A = arith.constant 0 : i32
        %dma_wait3A_42 = tpu.memref_slice %arg11[%arg0, %mul3A_37, %dma_wait3A] : memref<2x10000x16xf32, #tpu.memory_space<hbm>> -> memref<1x1000x16xf32, #tpu.memory_space<hbm>>
        %dma_wait3A_43 = tpu.memref_squeeze %dma_wait3A_42 : memref<1x1000x16xf32, #tpu.memory_space<hbm>> -> memref<1000x16xf32, #tpu.memory_space<hbm>>
        %dma_wait3A_44 = arith.constant 0 : i32
        %dma_wait3A_45 = tpu.memref_slice %arg20[%mul3A_35, %dma_wait3A_44] : memref<10000x16xf32, #tpu.memory_space<vmem_shared>> -> memref<1000x16xf32, #tpu.memory_space<vmem_shared>>
        tpu.wait_dma2 semaphore(%run_scoped3A : memref<!tpu.dma_semaphore, #tpu.memory_space<semaphore_mem>>) src(%dma_wait3A_45 : memref<1000x16xf32, #tpu.memory_space<vmem_shared>>) dst(%dma_wait3A_43 : memref<1000x16xf32, #tpu.memory_space<hbm>>)
        tpu.yield
      }) : () -> ()
    } else {
    }
    return
  }
}

module attributes {stable_mosaic.version = 14 : i64} {
  func.func @body(%arg0: i32, %arg1: memref<400x128xf32, #tpu.memory_space<vmem>>, %arg2: memref<128x128xf32, #tpu.memory_space<vmem>>, %arg3: memref<128x128xf32, #tpu.memory_space<vmem>>, %arg4: memref<12800x16xf32, #tpu.memory_space<vmem>>, %arg5: memref<16x128xf32, #tpu.memory_space<vmem>>, %arg6: memref<400x128xf32, #tpu.memory_space<vmem>>, %arg7: memref<400x128xf32, #tpu.memory_space<vmem>>, %arg8: memref<12800x128xf32, #tpu.memory_space<vmem>>) attributes {dimension_semantics = [#tpu.dimension_semantics<arbitrary>], iteration_bounds = array<i64: 25>, scalar_prefetch = 0 : i64, scratch_operands = 0 : i64, tpu.core_type = #tpu.core_type<tc>, window_params = [{transform_indices = @transform_0, window_bounds = array<i64: 400, 128>}, {pipeline_mode = #tpu.pipeline_mode<synchronous>, transform_indices = @transform_1, window_bounds = array<i64: 128, 128>}, {pipeline_mode = #tpu.pipeline_mode<synchronous>, transform_indices = @transform_2, window_bounds = array<i64: 128, 128>}, {transform_indices = @transform_3, window_bounds = array<i64: 12800, 16>}, {pipeline_mode = #tpu.pipeline_mode<synchronous>, transform_indices = @transform_4, window_bounds = array<i64: 16, 128>}, {transform_indices = @transform_5, window_bounds = array<i64: 400, 128>}, {transform_indices = @transform_6, window_bounds = array<i64: 400, 128>}, {transform_indices = @transform_7, window_bounds = array<i64: 12800, 128>}]} {
    %get3A = arith.constant 0 : index
    %get3A_0 = arith.constant 0 : index
    %get3A_1 = vector.load %arg1[%get3A, %get3A_0] : memref<400x128xf32, #tpu.memory_space<vmem>>, vector<400x128xf32>
    %get3A_2 = arith.constant 0 : index
    %get3A_3 = arith.constant 0 : index
    %get3A_4 = vector.load %arg2[%get3A_2, %get3A_3] : memref<128x128xf32, #tpu.memory_space<vmem>>, vector<128x128xf32>
    %dot_general3A = arith.constant dense<0.000000e+00> : vector<400x128xf32>
    %dot_general3A_5 = tpu.matmul %get3A_1, %get3A_4, %dot_general3A {dimension_numbers = #tpu.dot_dimension_numbers<[1], [0], [0], [1], [0, 0, 1, 1], [], []>, transpose_lhs_hint = false} : vector<400x128xf32>, vector<128x128xf32>, vector<400x128xf32> -> vector<400x128xf32>
    %swap3A = arith.constant 0 : index
    %swap3A_6 = arith.constant 0 : index
    %swap3A_7 = vector.load %arg6[%swap3A, %swap3A_6] : memref<400x128xf32, #tpu.memory_space<vmem>>, vector<400x128xf32>
    tpu.vector_store %arg6[%swap3A, %swap3A_6], %dot_general3A_5 {strides = array<i32>} : memref<400x128xf32, #tpu.memory_space<vmem>>, vector<400x128xf32>,
    %get3A_8 = arith.constant 0 : index
    %get3A_9 = arith.constant 0 : index
    %get3A_10 = vector.load %arg3[%get3A_8, %get3A_9] : memref<128x128xf32, #tpu.memory_space<vmem>>, vector<128x128xf32>
    %dot_general3A_11 = arith.constant dense<0.000000e+00> : vector<400x128xf32>
    %dot_general3A_12 = tpu.matmul %get3A_1, %get3A_10, %dot_general3A_11 {dimension_numbers = #tpu.dot_dimension_numbers<[1], [0], [0], [1], [0, 0, 1, 1], [], []>, transpose_lhs_hint = false} : vector<400x128xf32>, vector<128x128xf32>, vector<400x128xf32> -> vector<400x128xf32>
    %swap3A_13 = arith.constant 0 : index
    %swap3A_14 = arith.constant 0 : index
    %swap3A_15 = vector.load %arg7[%swap3A_13, %swap3A_14] : memref<400x128xf32, #tpu.memory_space<vmem>>, vector<400x128xf32>
    tpu.vector_store %arg7[%swap3A_13, %swap3A_14], %dot_general3A_12 {strides = array<i32>} : memref<400x128xf32, #tpu.memory_space<vmem>>, vector<400x128xf32>,
    %get3A_16 = arith.constant 0 : index
    %get3A_17 = arith.constant 0 : index
    %get3A_18 = vector.load %arg4[%get3A_16, %get3A_17] : memref<12800x16xf32, #tpu.memory_space<vmem>>, vector<12800x16xf32>
    %get3A_19 = arith.constant 0 : index
    %get3A_20 = arith.constant 0 : index
    %get3A_21 = vector.load %arg5[%get3A_19, %get3A_20] : memref<16x128xf32, #tpu.memory_space<vmem>>, vector<16x128xf32>
    %dot_general3A_22 = arith.constant dense<0.000000e+00> : vector<12800x128xf32>
    %dot_general3A_23 = tpu.matmul %get3A_18, %get3A_21, %dot_general3A_22 {dimension_numbers = #tpu.dot_dimension_numbers<[1], [0], [0], [1], [0, 0, 1, 1], [], []>, transpose_lhs_hint = false} : vector<12800x16xf32>, vector<16x128xf32>, vector<12800x128xf32> -> vector<12800x128xf32>
    %swap3A_24 = arith.constant 0 : index
    %swap3A_25 = arith.constant 0 : index
    %swap3A_26 = vector.load %arg8[%swap3A_24, %swap3A_25] : memref<12800x128xf32, #tpu.memory_space<vmem>>, vector<12800x128xf32>
    tpu.vector_store %arg8[%swap3A_24, %swap3A_25], %dot_general3A_23 {strides = array<i32>} : memref<12800x128xf32, #tpu.memory_space<vmem>>, vector<12800x128xf32>,
    return
  }
  func.func @transform_0(%arg0: i32) -> (i32, i32) {
    %c0_i32 = arith.constant 0 : i32
    %c0_i32_0 = arith.constant 0 : i32
    return %arg0, %c0_i32 : i32, i32
  }
  func.func @transform_1(%arg0: i32) -> (i32, i32) {
    %c0_i32 = arith.constant 0 : i32
    %c0_i32_0 = arith.constant 0 : i32
    %c0_i32_1 = arith.constant 0 : i32
    return %c0_i32, %c0_i32_0 : i32, i32
  }
  func.func @transform_2(%arg0: i32) -> (i32, i32) {
    %c0_i32 = arith.constant 0 : i32
    %c0_i32_0 = arith.constant 0 : i32
    %c0_i32_1 = arith.constant 0 : i32
    return %c0_i32, %c0_i32_0 : i32, i32
  }
  func.func @transform_3(%arg0: i32) -> (i32, i32) {
    %c0_i32 = arith.constant 0 : i32
    %c0_i32_0 = arith.constant 0 : i32
    return %arg0, %c0_i32 : i32, i32
  }
  func.func @transform_4(%arg0: i32) -> (i32, i32) {
    %c0_i32 = arith.constant 0 : i32
    %c0_i32_0 = arith.constant 0 : i32
    %c0_i32_1 = arith.constant 0 : i32
    return %c0_i32, %c0_i32_0 : i32, i32
  }
  func.func @transform_5(%arg0: i32) -> (i32, i32) {
    %c0_i32 = arith.constant 0 : i32
    %c0_i32_0 = arith.constant 0 : i32
    return %arg0, %c0_i32 : i32, i32
  }
  func.func @transform_6(%arg0: i32) -> (i32, i32) {
    %c0_i32 = arith.constant 0 : i32
    %c0_i32_0 = arith.constant 0 : i32
    return %arg0, %c0_i32 : i32, i32
  }
  func.func @transform_7(%arg0: i32) -> (i32, i32) {
    %c0_i32 = arith.constant 0 : i32
    %c0_i32_0 = arith.constant 0 : i32
    return %arg0, %c0_i32 : i32, i32
  }
}

module attributes {stable_mosaic.version = 14 : i64} {
  func.func @body(%arg0: i32, %arg1: memref<2x1000x128xf32, #tpu.memory_space<vmem>>, %arg2: memref<2x1000x16xf32, #tpu.memory_space<vmem>>, %arg3: memref<1x128xf32, #tpu.memory_space<vmem>>, %arg4: memref<1x128xf32, #tpu.memory_space<vmem>>, %arg5: memref<1x128xf32, #tpu.memory_space<vmem>>, %arg6: memref<128x128xf32, #tpu.memory_space<vmem>>, %arg7: memref<128x128xf32, #tpu.memory_space<vmem>>, %arg8: memref<1000x128xf32, #tpu.memory_space<vmem>>, %arg9: memref<1000x128xf32, #tpu.memory_space<vmem>>, %arg10: memref<2x128xf32, #tpu.memory_space<vmem>>, %arg11: memref<10000x128xf32, #tpu.memory_space<vmem>>) attributes {dimension_semantics = [#tpu.dimension_semantics<arbitrary>], iteration_bounds = array<i64: 20>, scalar_prefetch = 0 : i64, scratch_operands = 1 : i64, tpu.core_type = #tpu.core_type<tc>, window_params = [{transform_indices = @transform_0, window_bounds = array<i64: 2, 1000, 128>}, {transform_indices = @transform_1, window_bounds = array<i64: 2, 1000, 16>}, {pipeline_mode = #tpu.pipeline_mode<synchronous>, transform_indices = @transform_2, window_bounds = array<i64: 1, 128>}, {pipeline_mode = #tpu.pipeline_mode<synchronous>, transform_indices = @transform_3, window_bounds = array<i64: 1, 128>}, {pipeline_mode = #tpu.pipeline_mode<synchronous>, transform_indices = @transform_4, window_bounds = array<i64: 1, 128>}, {pipeline_mode = #tpu.pipeline_mode<synchronous>, transform_indices = @transform_5, window_bounds = array<i64: 128, 128>}, {pipeline_mode = #tpu.pipeline_mode<synchronous>, transform_indices = @transform_6, window_bounds = array<i64: 128, 128>}, {transform_indices = @transform_7, window_bounds = array<i64: 1000, 128>}, {transform_indices = @transform_8, window_bounds = array<i64: 1000, 128>}, {pipeline_mode = #tpu.pipeline_mode<synchronous>, transform_indices = @transform_9, window_bounds = array<i64: 2, 128>}]} {
    %eq3A = arith.constant 0 : i32
    %eq3A_0 = arith.cmpi eq, %arg0, %eq3A : i32
    %convert_element_type3A = arith.extui %eq3A_0 : i1 to i32
    %cond3A = arith.constant 0 : i32
    %cond3A_1 = arith.cmpi ne, %convert_element_type3A, %cond3A : i32
    scf.if %cond3A_1 {
      %broadcast_in_dim3A = arith.constant 0.000000e+00 : f32
      %broadcast_in_dim3A_10 = vector.broadcast %broadcast_in_dim3A : f32 to vector<2x128xf32>
      %swap3A = arith.constant 0 : index
      %swap3A_11 = arith.constant 0 : index
      %swap3A_12 = vector.load %arg10[%swap3A, %swap3A_11] : memref<2x128xf32, #tpu.memory_space<vmem>>, vector<2x128xf32>
      tpu.vector_store %arg10[%swap3A, %swap3A_11], %broadcast_in_dim3A_10 {strides = array<i32>} : memref<2x128xf32, #tpu.memory_space<vmem>>, vector<2x128xf32>,
    } else {
    }
    %lt3A = arith.constant 10 : i32
    %lt3A_2 = arith.cmpi slt, %arg0, %lt3A : i32
    %convert_element_type3A_3 = arith.extui %lt3A_2 : i1 to i32
    %cond3A_4 = arith.constant 0 : i32
    %cond3A_5 = arith.cmpi ne, %convert_element_type3A_3, %cond3A_4 : i32
    scf.if %cond3A_5 {
      %get3A = arith.constant 0 : index
      %get3A_10 = arith.constant 0 : index
      %get3A_11 = arith.constant 0 : index
      %get3A_12 = vector.load %arg1[%get3A, %get3A_10, %get3A_11] : memref<2x1000x128xf32, #tpu.memory_space<vmem>>, vector<1x1000x128xf32>
      %get3A_13 = vector.shape_cast %get3A_12 : vector<1x1000x128xf32> to vector<1000x128xf32>
      %get3A_14 = arith.constant 1 : index
      %get3A_15 = arith.constant 0 : index
      %get3A_16 = arith.constant 0 : index
      %get3A_17 = vector.load %arg1[%get3A_14, %get3A_15, %get3A_16] : memref<2x1000x128xf32, #tpu.memory_space<vmem>>, vector<1x1000x128xf32>
      %get3A_18 = vector.shape_cast %get3A_17 : vector<1x1000x128xf32> to vector<1000x128xf32>
      %add3A = arith.addf %get3A_13, %get3A_18 : vector<1000x128xf32>
      %get3A_19 = arith.constant 0 : index
      %get3A_20 = arith.constant 0 : index
      %get3A_21 = arith.constant 0 : index
      %get3A_22 = vector.load %arg2[%get3A_19, %get3A_20, %get3A_21] : memref<2x1000x16xf32, #tpu.memory_space<vmem>>, vector<1x1000x1xf32>
      %get3A_23 = vector.shape_cast %get3A_22 : vector<1x1000x1xf32> to vector<1000xf32>
      %get3A_24 = arith.constant 1 : index
      %get3A_25 = arith.constant 0 : index
      %get3A_26 = arith.constant 0 : index
      %get3A_27 = vector.load %arg2[%get3A_24, %get3A_25, %get3A_26] : memref<2x1000x16xf32, #tpu.memory_space<vmem>>, vector<1x1000x1xf32>
      %get3A_28 = vector.shape_cast %get3A_27 : vector<1x1000x1xf32> to vector<1000xf32>
      %add3A_29 = arith.addf %get3A_23, %get3A_28 : vector<1000xf32>
      %add3A_30 = arith.constant 1.000000e-16 : f32
      %add3A_31 = vector.broadcast %add3A_30 : f32 to vector<1000xf32>
      %add3A_32 = arith.addf %add3A_29, %add3A_31 : vector<1000xf32>
      %broadcast_in_dim3A = vector.shape_cast %add3A_32 : vector<1000xf32> to vector<1000x1xf32>
      %div3A = vector.broadcast %broadcast_in_dim3A : vector<1000x1xf32> to vector<1000x128xf32>
      %div3A_33 = arith.divf %add3A, %div3A : vector<1000x128xf32>
      %get3A_34 = arith.constant 0 : index
      %get3A_35 = arith.constant 0 : index
      %get3A_36 = vector.load %arg3[%get3A_34, %get3A_35] : memref<1x128xf32, #tpu.memory_space<vmem>>, vector<1x128xf32>
      %add3A_37 = vector.broadcast %get3A_36 : vector<1x128xf32> to vector<1000x128xf32>
      %add3A_38 = arith.addf %div3A_33, %add3A_37 : vector<1000x128xf32>
      %gt3A = arith.constant 0.000000e+00 : f32
      %gt3A_39 = vector.broadcast %gt3A : f32 to vector<1000x128xf32>
      %gt3A_40 = arith.cmpf ogt, %add3A_38, %gt3A_39 : vector<1000x128xf32>
      %exp3A = math.exp %add3A_38 : vector<1000x128xf32>
      %sub3A = arith.constant 1.000000e+00 : f32
      %sub3A_41 = vector.broadcast %sub3A : f32 to vector<1000x128xf32>
      %sub3A_42 = arith.subf %exp3A, %sub3A_41 : vector<1000x128xf32>
      %select_n3A = arith.select %gt3A_40, %add3A_38, %sub3A_42 : vector<1000x128xi1>, vector<1000x128xf32>
      %mul3A = arith.constant 1000 : i32
      %mul3A_43 = arith.muli %arg0, %mul3A : i32
      %swap3A = arith.index_cast %mul3A_43 : i32 to index
      %swap3A_44 = arith.constant 0 : index
      %swap3A_45 = vector.load %arg11[%swap3A, %swap3A_44] : memref<10000x128xf32, #tpu.memory_space<vmem>>, vector<1000x128xf32>
      tpu.vector_store %arg11[%swap3A, %swap3A_44], %select_n3A {strides = array<i32>} : memref<10000x128xf32, #tpu.memory_space<vmem>>, vector<1000x128xf32>,
      %get3A_46 = arith.constant 0 : index
      %get3A_47 = arith.constant 0 : index
      %get3A_48 = vector.load %arg10[%get3A_46, %get3A_47] : memref<2x128xf32, #tpu.memory_space<vmem>>, vector<1x128xf32>
      %reduce_sum3A = arith.constant dense<0.000000e+00> : vector<128xf32>
      %reduce_sum3A_49 = vector.multi_reduction <add>, %select_n3A, %reduce_sum3A [0] : vector<1000x128xf32> to vector<128xf32>
      %broadcast_in_dim3A_50 = vector.shape_cast %reduce_sum3A_49 : vector<128xf32> to vector<1x128xf32>
      %add3A_51 = arith.addf %get3A_48, %broadcast_in_dim3A_50 : vector<1x128xf32>
      %swap3A_52 = arith.constant 0 : index
      %swap3A_53 = arith.constant 0 : index
      %swap3A_54 = vector.load %arg10[%swap3A_52, %swap3A_53] : memref<2x128xf32, #tpu.memory_space<vmem>>, vector<1x128xf32>
      tpu.vector_store %arg10[%swap3A_52, %swap3A_53], %add3A_51 {strides = array<i32>} : memref<2x128xf32, #tpu.memory_space<vmem>>, vector<1x128xf32>,
      %get3A_55 = arith.constant 1 : index
      %get3A_56 = arith.constant 0 : index
      %get3A_57 = vector.load %arg10[%get3A_55, %get3A_56] : memref<2x128xf32, #tpu.memory_space<vmem>>, vector<1x128xf32>
      %mul3A_58 = arith.mulf %select_n3A, %select_n3A : vector<1000x128xf32>
      %reduce_sum3A_59 = arith.constant dense<0.000000e+00> : vector<128xf32>
      %reduce_sum3A_60 = vector.multi_reduction <add>, %mul3A_58, %reduce_sum3A_59 [0] : vector<1000x128xf32> to vector<128xf32>
      %broadcast_in_dim3A_61 = vector.shape_cast %reduce_sum3A_60 : vector<128xf32> to vector<1x128xf32>
      %add3A_62 = arith.addf %get3A_57, %broadcast_in_dim3A_61 : vector<1x128xf32>
      %swap3A_63 = arith.constant 1 : index
      %swap3A_64 = arith.constant 0 : index
      %swap3A_65 = vector.load %arg10[%swap3A_63, %swap3A_64] : memref<2x128xf32, #tpu.memory_space<vmem>>, vector<1x128xf32>
      tpu.vector_store %arg10[%swap3A_63, %swap3A_64], %add3A_62 {strides = array<i32>} : memref<2x128xf32, #tpu.memory_space<vmem>>, vector<1x128xf32>,
    } else {
    }
    %ge3A = arith.constant 10 : i32
    %ge3A_6 = arith.cmpi sge, %arg0, %ge3A : i32
    %convert_element_type3A_7 = arith.extui %ge3A_6 : i1 to i32
    %cond3A_8 = arith.constant 0 : i32
    %cond3A_9 = arith.cmpi ne, %convert_element_type3A_7, %cond3A_8 : i32
    scf.if %cond3A_9 {
      %sub3A = arith.constant 10 : i32
      %sub3A_10 = arith.subi %arg0, %sub3A : i32
      %mul3A = arith.constant 1000 : i32
      %mul3A_11 = arith.muli %sub3A_10, %mul3A : i32
      %get3A = arith.index_cast %mul3A_11 : i32 to index
      %get3A_12 = arith.constant 0 : index
      %get3A_13 = vector.load %arg11[%get3A, %get3A_12] : memref<10000x128xf32, #tpu.memory_space<vmem>>, vector<1000x128xf32>
      %get3A_14 = arith.constant 0 : index
      %get3A_15 = arith.constant 0 : index
      %get3A_16 = vector.load %arg10[%get3A_14, %get3A_15] : memref<2x128xf32, #tpu.memory_space<vmem>>, vector<1x128xf32>
      %mul3A_17 = arith.constant 9.99999974E-5 : f32
      %mul3A_18 = vector.broadcast %mul3A_17 : f32 to vector<1x128xf32>
      %mul3A_19 = arith.mulf %get3A_16, %mul3A_18 : vector<1x128xf32>
      %get3A_20 = arith.constant 1 : index
      %get3A_21 = arith.constant 0 : index
      %get3A_22 = vector.load %arg10[%get3A_20, %get3A_21] : memref<2x128xf32, #tpu.memory_space<vmem>>, vector<1x128xf32>
      %mul3A_23 = arith.constant 9.99999974E-5 : f32
      %mul3A_24 = vector.broadcast %mul3A_23 : f32 to vector<1x128xf32>
      %mul3A_25 = arith.mulf %get3A_22, %mul3A_24 : vector<1x128xf32>
      %mul3A_26 = arith.mulf %mul3A_19, %mul3A_19 : vector<1x128xf32>
      %sub3A_27 = arith.subf %mul3A_25, %mul3A_26 : vector<1x128xf32>
      %get3A_28 = arith.constant 0 : index
      %get3A_29 = arith.constant 0 : index
      %get3A_30 = vector.load %arg4[%get3A_28, %get3A_29] : memref<1x128xf32, #tpu.memory_space<vmem>>, vector<1x128xf32>
      %add3A = arith.constant 9.99999974E-6 : f32
      %add3A_31 = vector.broadcast %add3A : f32 to vector<1x128xf32>
      %add3A_32 = arith.addf %sub3A_27, %add3A_31 : vector<1x128xf32>
      %rsqrt3A = math.rsqrt %add3A_32 : vector<1x128xf32>
      %mul3A_33 = arith.mulf %get3A_30, %rsqrt3A : vector<1x128xf32>
      %sub3A_34 = vector.broadcast %mul3A_19 : vector<1x128xf32> to vector<1000x128xf32>
      %sub3A_35 = arith.subf %get3A_13, %sub3A_34 : vector<1000x128xf32>
      %mul3A_36 = vector.broadcast %mul3A_33 : vector<1x128xf32> to vector<1000x128xf32>
      %mul3A_37 = arith.mulf %sub3A_35, %mul3A_36 : vector<1000x128xf32>
      %get3A_38 = arith.constant 0 : index
      %get3A_39 = arith.constant 0 : index
      %get3A_40 = vector.load %arg5[%get3A_38, %get3A_39] : memref<1x128xf32, #tpu.memory_space<vmem>>, vector<1x128xf32>
      %add3A_41 = vector.broadcast %get3A_40 : vector<1x128xf32> to vector<1000x128xf32>
      %add3A_42 = arith.addf %mul3A_37, %add3A_41 : vector<1000x128xf32>
      %get3A_43 = arith.constant 0 : index
      %get3A_44 = arith.constant 0 : index
      %get3A_45 = vector.load %arg6[%get3A_43, %get3A_44] : memref<128x128xf32, #tpu.memory_space<vmem>>, vector<128x128xf32>
      %dot_general3A = arith.constant dense<0.000000e+00> : vector<1000x128xf32>
      %dot_general3A_46 = tpu.matmul %add3A_42, %get3A_45, %dot_general3A {dimension_numbers = #tpu.dot_dimension_numbers<[1], [0], [0], [1], [0, 0, 1, 1], [], []>, transpose_lhs_hint = false} : vector<1000x128xf32>, vector<128x128xf32>, vector<1000x128xf32> -> vector<1000x128xf32>
      %swap3A = arith.constant 0 : index
      %swap3A_47 = arith.constant 0 : index
      %swap3A_48 = vector.load %arg8[%swap3A, %swap3A_47] : memref<1000x128xf32, #tpu.memory_space<vmem>>, vector<1000x128xf32>
      tpu.vector_store %arg8[%swap3A, %swap3A_47], %dot_general3A_46 {strides = array<i32>} : memref<1000x128xf32, #tpu.memory_space<vmem>>, vector<1000x128xf32>,
      %get3A_49 = arith.constant 0 : index
      %get3A_50 = arith.constant 0 : index
      %get3A_51 = vector.load %arg7[%get3A_49, %get3A_50] : memref<128x128xf32, #tpu.memory_space<vmem>>, vector<128x128xf32>
      %dot_general3A_52 = arith.constant dense<0.000000e+00> : vector<1000x128xf32>
      %dot_general3A_53 = tpu.matmul %add3A_42, %get3A_51, %dot_general3A_52 {dimension_numbers = #tpu.dot_dimension_numbers<[1], [0], [0], [1], [0, 0, 1, 1], [], []>, transpose_lhs_hint = false} : vector<1000x128xf32>, vector<128x128xf32>, vector<1000x128xf32> -> vector<1000x128xf32>
      %swap3A_54 = arith.constant 0 : index
      %swap3A_55 = arith.constant 0 : index
      %swap3A_56 = vector.load %arg9[%swap3A_54, %swap3A_55] : memref<1000x128xf32, #tpu.memory_space<vmem>>, vector<1000x128xf32>
      tpu.vector_store %arg9[%swap3A_54, %swap3A_55], %dot_general3A_53 {strides = array<i32>} : memref<1000x128xf32, #tpu.memory_space<vmem>>, vector<1000x128xf32>,
    } else {
    }
    return
  }
  func.func @transform_0(%arg0: i32) -> (i32, i32, i32) {
    %min3A = arith.constant 9 : i32
    %min3A_0 = arith.minsi %arg0, %min3A : i32
    %c0_i32 = arith.constant 0 : i32
    %c0_i32_1 = arith.constant 0 : i32
    %c0_i32_2 = arith.constant 0 : i32
    return %c0_i32, %min3A_0, %c0_i32_1 : i32, i32, i32
  }
  func.func @transform_1(%arg0: i32) -> (i32, i32, i32) {
    %min3A = arith.constant 9 : i32
    %min3A_0 = arith.minsi %arg0, %min3A : i32
    %c0_i32 = arith.constant 0 : i32
    %c0_i32_1 = arith.constant 0 : i32
    %c0_i32_2 = arith.constant 0 : i32
    return %c0_i32, %min3A_0, %c0_i32_1 : i32, i32, i32
  }
  func.func @transform_2(%arg0: i32) -> (i32, i32) {
    %c0_i32 = arith.constant 0 : i32
    %c0_i32_0 = arith.constant 0 : i32
    %c0_i32_1 = arith.constant 0 : i32
    return %c0_i32, %c0_i32_0 : i32, i32
  }
  func.func @transform_3(%arg0: i32) -> (i32, i32) {
    %c0_i32 = arith.constant 0 : i32
    %c0_i32_0 = arith.constant 0 : i32
    %c0_i32_1 = arith.constant 0 : i32
    return %c0_i32, %c0_i32_0 : i32, i32
  }
  func.func @transform_4(%arg0: i32) -> (i32, i32) {
    %c0_i32 = arith.constant 0 : i32
    %c0_i32_0 = arith.constant 0 : i32
    %c0_i32_1 = arith.constant 0 : i32
    return %c0_i32, %c0_i32_0 : i32, i32
  }
  func.func @transform_5(%arg0: i32) -> (i32, i32) {
    %c0_i32 = arith.constant 0 : i32
    %c0_i32_0 = arith.constant 0 : i32
    %c0_i32_1 = arith.constant 0 : i32
    return %c0_i32, %c0_i32_0 : i32, i32
  }
  func.func @transform_6(%arg0: i32) -> (i32, i32) {
    %c0_i32 = arith.constant 0 : i32
    %c0_i32_0 = arith.constant 0 : i32
    %c0_i32_1 = arith.constant 0 : i32
    return %c0_i32, %c0_i32_0 : i32, i32
  }
  func.func @transform_7(%arg0: i32) -> (i32, i32) {
    %sub3A = arith.constant 10 : i32
    %sub3A_0 = arith.subi %arg0, %sub3A : i32
    %max3A = arith.constant 0 : i32
    %max3A_1 = arith.maxsi %sub3A_0, %max3A : i32
    %c0_i32 = arith.constant 0 : i32
    %c0_i32_2 = arith.constant 0 : i32
    return %max3A_1, %c0_i32 : i32, i32
  }
  func.func @transform_8(%arg0: i32) -> (i32, i32) {
    %sub3A = arith.constant 10 : i32
    %sub3A_0 = arith.subi %arg0, %sub3A : i32
    %max3A = arith.constant 0 : i32
    %max3A_1 = arith.maxsi %sub3A_0, %max3A : i32
    %c0_i32 = arith.constant 0 : i32
    %c0_i32_2 = arith.constant 0 : i32
    return %max3A_1, %c0_i32 : i32, i32
  }
  func.func @transform_9(%arg0: i32) -> (i32, i32) {
    %c0_i32 = arith.constant 0 : i32
    %c0_i32_0 = arith.constant 0 : i32
    %c0_i32_1 = arith.constant 0 : i32
    return %c0_i32, %c0_i32_0 : i32, i32
  }
}

module attributes {stable_mosaic.version = 14 : i64} {
  func.func @body(%arg0: i32, %arg1: memref<2x1000x128xf32, #tpu.memory_space<vmem>>, %arg2: memref<2x1000x16xf32, #tpu.memory_space<vmem>>, %arg3: memref<1x128xf32, #tpu.memory_space<vmem>>, %arg4: memref<1000x128xf32, #tpu.memory_space<vmem>>) attributes {dimension_semantics = [#tpu.dimension_semantics<arbitrary>], iteration_bounds = array<i64: 10>, scalar_prefetch = 0 : i64, scratch_operands = 0 : i64, tpu.core_type = #tpu.core_type<tc>, window_params = [{transform_indices = @transform_0, window_bounds = array<i64: 2, 1000, 128>}, {transform_indices = @transform_1, window_bounds = array<i64: 2, 1000, 16>}, {pipeline_mode = #tpu.pipeline_mode<synchronous>, transform_indices = @transform_2, window_bounds = array<i64: 1, 128>}, {transform_indices = @transform_3, window_bounds = array<i64: 1000, 128>}]} {
    %get3A = arith.constant 0 : index
    %get3A_0 = arith.constant 0 : index
    %get3A_1 = arith.constant 0 : index
    %get3A_2 = vector.load %arg1[%get3A, %get3A_0, %get3A_1] : memref<2x1000x128xf32, #tpu.memory_space<vmem>>, vector<1x1000x128xf32>
    %get3A_3 = vector.shape_cast %get3A_2 : vector<1x1000x128xf32> to vector<1000x128xf32>
    %get3A_4 = arith.constant 1 : index
    %get3A_5 = arith.constant 0 : index
    %get3A_6 = arith.constant 0 : index
    %get3A_7 = vector.load %arg1[%get3A_4, %get3A_5, %get3A_6] : memref<2x1000x128xf32, #tpu.memory_space<vmem>>, vector<1x1000x128xf32>
    %get3A_8 = vector.shape_cast %get3A_7 : vector<1x1000x128xf32> to vector<1000x128xf32>
    %add3A = arith.addf %get3A_3, %get3A_8 : vector<1000x128xf32>
    %get3A_9 = arith.constant 0 : index
    %get3A_10 = arith.constant 0 : index
    %get3A_11 = arith.constant 0 : index
    %get3A_12 = vector.load %arg2[%get3A_9, %get3A_10, %get3A_11] : memref<2x1000x16xf32, #tpu.memory_space<vmem>>, vector<1x1000x1xf32>
    %get3A_13 = vector.shape_cast %get3A_12 : vector<1x1000x1xf32> to vector<1000xf32>
    %get3A_14 = arith.constant 1 : index
    %get3A_15 = arith.constant 0 : index
    %get3A_16 = arith.constant 0 : index
    %get3A_17 = vector.load %arg2[%get3A_14, %get3A_15, %get3A_16] : memref<2x1000x16xf32, #tpu.memory_space<vmem>>, vector<1x1000x1xf32>
    %get3A_18 = vector.shape_cast %get3A_17 : vector<1x1000x1xf32> to vector<1000xf32>
    %add3A_19 = arith.addf %get3A_13, %get3A_18 : vector<1000xf32>
    %add3A_20 = arith.constant 1.000000e-16 : f32
    %add3A_21 = vector.broadcast %add3A_20 : f32 to vector<1000xf32>
    %add3A_22 = arith.addf %add3A_19, %add3A_21 : vector<1000xf32>
    %broadcast_in_dim3A = vector.shape_cast %add3A_22 : vector<1000xf32> to vector<1000x1xf32>
    %div3A = vector.broadcast %broadcast_in_dim3A : vector<1000x1xf32> to vector<1000x128xf32>
    %div3A_23 = arith.divf %add3A, %div3A : vector<1000x128xf32>
    %get3A_24 = arith.constant 0 : index
    %get3A_25 = arith.constant 0 : index
    %get3A_26 = vector.load %arg3[%get3A_24, %get3A_25] : memref<1x128xf32, #tpu.memory_space<vmem>>, vector<1x128xf32>
    %add3A_27 = vector.broadcast %get3A_26 : vector<1x128xf32> to vector<1000x128xf32>
    %add3A_28 = arith.addf %div3A_23, %add3A_27 : vector<1000x128xf32>
    %swap3A = arith.constant 0 : index
    %swap3A_29 = arith.constant 0 : index
    %swap3A_30 = vector.load %arg4[%swap3A, %swap3A_29] : memref<1000x128xf32, #tpu.memory_space<vmem>>, vector<1000x128xf32>
    tpu.vector_store %arg4[%swap3A, %swap3A_29], %add3A_28 {strides = array<i32>} : memref<1000x128xf32, #tpu.memory_space<vmem>>, vector<1000x128xf32>,
    return
  }
  func.func @transform_0(%arg0: i32) -> (i32, i32, i32) {
    %c0_i32 = arith.constant 0 : i32
    %c0_i32_0 = arith.constant 0 : i32
    %c0_i32_1 = arith.constant 0 : i32
    return %c0_i32, %arg0, %c0_i32_0 : i32, i32, i32
  }
  func.func @transform_1(%arg0: i32) -> (i32, i32, i32) {
    %c0_i32 = arith.constant 0 : i32
    %c0_i32_0 = arith.constant 0 : i32
    %c0_i32_1 = arith.constant 0 : i32
    return %c0_i32, %arg0, %c0_i32_0 : i32, i32, i32
  }
  func.func @transform_2(%arg0: i32) -> (i32, i32) {
    %c0_i32 = arith.constant 0 : i32
    %c0_i32_0 = arith.constant 0 : i32
    %c0_i32_1 = arith.constant 0 : i32
    return %c0_i32, %c0_i32_0 : i32, i32
  }
  func.func @transform_3(%arg0: i32) -> (i32, i32) {
    %c0_i32 = arith.constant 0 : i32
    %c0_i32_0 = arith.constant 0 : i32
    return %arg0, %c0_i32 : i32, i32
  }
}

</mosaic_0001>

<sc_bundles>
// kernel: kernel.10.cloned.1.call-start
scs
__scs_entry_jumppad:
0x0: {  	(pc) =	sbr.rel $0x88, $3  }
0x1: {  	(tag) =	ssettag $0x0;
	lr =	simm.s32 $0x1  }
0x2: {  	[smem:$0x3F93] =	sst lr;
	_ =	strace $0xD0000000  }
0x3: {  	_ = 	snop  }
0x4: {  	_ = 	snop  }
0x5: {  	_ = 	snop  }
0x6: {  	_ = 	snop  }
0x7: {  	_ = 	snop  }
__scs_overlays_trampoline_lowered:
0x8: {  	[smem:$0x3FA2] =	sst s0  }
0x9: {  	[smem:$0x3FA3] =	sst s1  }
0xa: {  	[smem:$0x3FA4] =	sst s2  }
0xb: {  	[smem:$0x3FA5] =	sst s3  }
0xc: {  	[smem:$0x3FA6] =	sst s4  }
0xd: {  	[smem:$0x3FA7] =	sst s5  }
0xe: {  	[smem:$0x3FA8] =	sst s6  }
0xf: {  	[smem:$0x3FA9] =	sst s7  }
0x10: {  	[smem:$0x3FAA] =	sst s8  }
0x11: {  	[smem:$0x3FAB] =	sst s9;
	s0 =	simm.s32 @!p0 $0x0  }
0x12: {  	s1 =	sld [smem:$0x3F91];
	s0 =	simm.s32 @p0 $0x1  }
0x13: {  	[smem:$0x3FAC] =	sst s0;
	s0 =	simm.s32 @!p1 $0x0  }
0x14: {  	s2 =	sld [smem:$0x3F90];
	s0 =	simm.s32 @p1 $0x1  }
0x15: {  	[smem:$0x3FAD] =	sst s0;
	s0 =	simm.s32 @!p2 $0x0  }
0x16: {  	s3 =	sld [smem:$0x3FDB];
	s0 =	simm.s32 @p2 $0x1  }
0x17: {  	s4 =	simm.s32 $0x1BF5;
	[smem:$0x3FAF] =	sst s0  }
0x18: {  	s0 =	sld [smem:$0x3F92];
	_ =	swait.ge [sflag:s4], $0x0  }
0x19: {  	s7 =	sld [smem:$0x3F93]  }
0x1a: {  	s8 =	sadd.s32 $0xFFFFE003, lr  }
0x1b: {  	s9 =	sadd.s32 $0xFFFFFEF7, lr;
	s5 =	simm.s32 $0xFFFFFFFF;
	p2 =	slt.u32 s8, $0xFFFFF086  }
0x1c: {  	p1 =	slt.u32 s9, $0xF7A;
	s5 =	simm.s32 @!p2 $0x0  }
0x1d: {  	s5 =	simm.s32 @p1 $0x1;
	p0 =	seq.s32 s7, s2  }
0x1e: {  	s7 =	smul.u32 @!p0 $0xF7A, s2;
	p2 =	seq.s32 @!p0 s5, $0x0  }
0x1f: {  	s9 =	smul.u32 $0xF7A, s1;
	s8 =	simm.s32 @!p0 $0x1BF5;
	p2 =	por !p2, p0  }
0x20: {  	[sflag:s8] =	ssyncset.s32 @!p0 $0xFFFFF086;
	s6 =	sadd.s32 @!p0 s3, s7;
	s7 =	simm.s32 @!p0 $0x108  }
0x21: {  	s3 =	sadd.s32 s3, s9;
	s6 =	sadd.s32 @!p0 $0x88, s6;
	s7 =	simm.s32 @p2 $0x1082  }
0x22: {  	[simem:s7], [sflag:s8] =	dma.local @!p0 [hbm:s6], $0xF7A  }
0x23: {  	s9 =	sor.u32 $0xD0000000, s2;
	s6 =	simm.s32 $0x108;
	_ =	swait.ge @!p0 [sflag:s8], $0x0  }
0x24: {  	s3 =	sadd.s32 $0x88, s3;
	s6 =	simm.s32 @!p1 $0x1082;
	[sflag:s4] =	ssyncset.s32 $0xFFFFF086  }
0x25: {  	[simem:s6], [sflag:s4] =	dma.local [hbm:s3], $0xF7A  }
0x26: {  	[smem:$0x3F93] =	sst s1;
	(tag) =	ssettag s2;
	_ =	strace s9  }
0x27: {  	s1 =	sld [smem:$0x3FA3]  }
0x28: {  	s2 =	sld [smem:$0x3FA4]  }
0x29: {  	s4 =	sld [smem:$0x3FA6]  }
0x2a: {  	p0 =	seq.s32 s5, $0x0;
	s5 =	sld [smem:$0x3FA7]  }
0x2b: {  	s6 =	sld [smem:$0x3FA8]  }
0x2c: {  	s7 =	sld [smem:$0x3FA9]  }
0x2d: {  	s3 =	simm.s32 $0x108;
	s8 =	sld [smem:$0x3FAA]  }
0x2e: {  	s3 =	simm.s32 @!p0 $0x1082;
	s9 =	sld [smem:$0x3FAB]  }
0x2f: {  	lr =	sadd.s32 s0, s3;
	s0 =	sld [smem:$0x3FA2]  }
0x30: {  	s3 =	sld [smem:$0x3FA5]  }
0x31: {  	[smem:$0x3FAE] =	sst s10  }
0x32: {  	s10 =	sld [smem:$0x3FAC];
	_ =	sdelay $0x3  }
0x33: {  	p0 =	seq.s32 s10, $0x1;
	s10 =	sld [smem:$0x3FAE];
	_ =	sdelay $0x3  }
0x34: {  	[smem:$0x3FAE] =	sst s10  }
0x35: {  	s10 =	sld [smem:$0x3FAD];
	_ =	sdelay $0x3  }
0x36: {  	p1 =	seq.s32 s10, $0x1;
	s10 =	sld [smem:$0x3FAE];
	_ =	sdelay $0x3  }
0x37: {  	[smem:$0x3FAE] =	sst s10  }
0x38: {  	s10 =	sld [smem:$0x3FAF]  }
0x39: {  	_ = 	snop;
	(pc) =	sbr.ind lr, $3  }
0x3a: {  	_ = 	snop  }
0x3b: {  	_ = 	snop  }
0x3c: {  	p2 =	seq.s32 s10, $0x1;
	s10 =	sld [smem:$0x3FAE]  }
0x3d: {  	_ =	shalt  }
0x3e: {  	_ =	shalt  }
0x3f: {  	_ =	shalt  }
0x40: {  	_ =	shalt  }
0x41: {  	_ =	shalt  }
0x42: {  	_ =	shalt  }
0x43: {  	_ =	shalt  }
0x44: {  	_ =	shalt  }
0x45: {  	_ =	shalt  }
0x46: {  	_ =	shalt  }
0x47: {  	_ =	shalt  }
0x48: {  	_ =	shalt  }
0x49: {  	_ =	shalt  }
0x4a: {  	_ =	shalt  }
0x4b: {  	_ =	shalt  }
0x4c: {  	_ =	shalt  }
0x4d: {  	_ =	shalt  }
0x4e: {  	_ =	shalt  }
0x4f: {  	_ =	shalt  }
0x50: {  	_ =	shalt  }
0x51: {  	_ =	shalt  }
0x52: {  	_ =	shalt  }
0x53: {  	_ =	shalt  }
0x54: {  	_ =	shalt  }
0x55: {  	_ =	shalt  }
0x56: {  	_ =	shalt  }
0x57: {  	_ =	shalt  }
0x58: {  	_ =	shalt  }
0x59: {  	_ =	shalt  }
0x5a: {  	_ =	shalt  }
0x5b: {  	_ =	shalt  }
0x5c: {  	_ =	shalt  }
0x5d: {  	_ =	shalt  }
0x5e: {  	_ =	shalt  }
0x5f: {  	_ =	shalt  }
0x60: {  	_ =	shalt  }
0x61: {  	_ =	shalt  }
0x62: {  	_ =	shalt  }
0x63: {  	_ =	shalt  }
0x64: {  	_ =	shalt  }
0x65: {  	_ =	shalt  }
0x66: {  	_ =	shalt  }
0x67: {  	_ =	shalt  }
0x68: {  	_ =	shalt  }
0x69: {  	_ =	shalt  }
0x6a: {  	_ =	shalt  }
0x6b: {  	_ =	shalt  }
0x6c: {  	_ =	shalt  }
0x6d: {  	_ =	shalt  }
0x6e: {  	_ =	shalt  }
0x6f: {  	_ =	shalt  }
0x70: {  	_ =	shalt  }
0x71: {  	_ =	shalt  }
0x72: {  	_ =	shalt  }
0x73: {  	_ =	shalt  }
0x74: {  	_ =	shalt  }
0x75: {  	_ =	shalt  }
0x76: {  	_ =	shalt  }
0x77: {  	_ =	shalt  }
0x78: {  	_ =	shalt  }
0x79: {  	_ =	shalt  }
0x7a: {  	_ =	shalt  }
0x7b: {  	_ =	shalt  }
0x7c: {  	_ =	shalt  }
0x7d: {  	_ =	shalt  }
0x7e: {  	_ =	shalt  }
0x7f: {  	_ =	shalt  }
0x80: {  	_ =	shalt  }
0x81: {  	_ =	shalt  }
0x82: {  	_ =	shalt  }
0x83: {  	_ =	shalt  }
0x84: {  	_ =	shalt  }
0x85: {  	_ =	shalt  }
0x86: {  	_ =	shalt  }
0x87: {  	_ =	shalt  }
.Lfunc_end0:
.L_simem_size_0:
called_computation.1_lowered:
.L_overlay_start_0:
0x88: {  	s2 =	sld [smem:$0x3FD9]  }
0x89: {  	s3 =	sld [smem:$0x3FFE];
	_ =	sdelay $0x1  }
0x8a: {  	s1 =	srdreg.scid  }
0x8b: {  	s0 =	sand.u32 $0x1, s1  }
0x8c: {  	s17 =	sshll.u32 s0, $0xA;
	s2 =	sadd.s32 s3, s2  }
0x8d: {  	s2 =	sadd.s32 s2, s17  }
0x8e: {  	[smem:$0x3FBA] =	sst s2  }
0x8f: {  	_ = 	snop  }
0x90: {  	s2 =	sld [smem:$0x3FBD]  }
0x91: {  	s18 =	sld [smem:$0x3FD0];
	(tm) =	ssettm $0x1  }
0x92: {  	s4 =	sld [smem:$0x3FFB];
	_ =	sdelay $0x3  }
0x93: {  	_ =	strace s4  }
0x94: {  	s4 =	sld [smem:$0x3FFC];
	_ =	sdelay $0x3  }
0x95: {  	_ =	strace s4  }
0x96: {  	s4 =	sld [smem:$0x3FFD];
	_ =	sdelay $0x3  }
0x97: {  	_ =	strace s4  }
0x98: {  	_ =	strace $0x8FFFFFFF  }
0x99: {  	s19 =	sld [smem:$0x3FDB];
	_ =	sdelay $0x1  }
0x9a: {  	s5 =	simm.s32 $_scs_section_size  }
0x9b: {  	s6 =	simm.s32 $_size__tile_overlayer_lowered;
	s7 =	simm.s32 $_tile_overlayer_lowered  }
0x9c: {  	s22 =	simm.s32 $0x1BFF;
	s21 =	sshll.u32 s7, $0x1;
	s4 =	sadd.s32 s5, s19  }
0x9d: {  	s8 =	simm.s32 $0x0;
	s20 =	sshll.u32 s6, $0x1;
	s6 =	sadd.s32 s21, s4  }
0x9e: {  	[timem:s8], [sflag:s22] =	dma.local [hbm:s6], s20  }
0x9f: {  	_ =	swait.ge [sflag:s22], s20  }
0xa0: {  	s5 =	ssub.s32 $0x0, s20;
	[sflag:s22] =	ssyncset.done $0x0  }
0xa1: {  	[sflag:s22] =	ssyncadd.s32 s5;
	_ =	sdelay $0x1  }
0xa2: {  	s23 =	simm.s32 $0x1B8B  }
0xa3: {  	_ =	swait.ge [sflag:s23], $0x1  }
0xa4: {  	[sflag:s23] =	ssyncset.done $0x0  }
0xa5: {  	s25 =	simm.s32 $0x1B8E;
	s24 =	sld [smem:$0x3FFE];
	[sflag:s23] =	ssyncadd.s32 $0xFFFFFFFF  }
0xa6: {  	s26 =	simm.s32 $execute0_lowered;
	[smem:$0x3FD2] =	sst s25  }
0xa7: {  	s6 =	sshll.u32 s26, $0x1;
	_ =	strace $0x80000049;
	[dreg:$0x1] =	wrdreg $0xFFFFFFFF  }
0xa8: {  	s28 =	simm.s32 $_size_execute0_lowered;
	s4 =	sadd.s32 s4, s6;
	[dreg:$0x0] =	wrdreg $0x0  }
0xa9: {  	s6 =	sshll.u32 s28, $0x1;
	[dreg:$0x2] =	wrdreg s4  }
0xaa: {  	[dreg:$0x3] =	wrdreg s6  }
0xab: {  	[dreg:$0x4] =	wrdreg $0xC0  }
0xac: {  	_ =	task [dreg:s8], $0x5FFFF  }
0xad: {  	[dreg:$0x1] =	wrdreg $0xFFFFFFFF  }
0xae: {  	[dreg:$0x0] =	wrdreg $0x60  }
0xaf: {  	[dreg:$0x2] =	wrdreg s18  }
0xb0: {  	[dreg:$0x3] =	wrdreg s24  }
0xb1: {  	[dreg:$0x4] =	wrdreg s2  }
0xb2: {  	[dreg:$0x5] =	wrdreg $0x65200  }
0xb3: {  	[dreg:$0x6] =	wrdreg $0x19DA00  }
0xb4: {  	[dreg:$0x7] =	wrdreg $0x9  }
0xb5: {  	_ =	task.clear_ibuf [dreg:s8], $0x8FFFF;
	_ =	strace $0x90000049  }
0xb6: {  	s29 =	simm.s32 $0x9;
	_ =	strace $0x8000004B  }
0xb7: {  	_ =	swait.ge [sflag:s29], $0x1  }
0xb8: {  	[sflag:s29] =	ssyncadd.s32 $0xFFFFFFFF  }
0xb9: {  	_ =	strace $0x9000004B  }
0xba: {  	_ =	sfence  }
0xbb: {  	s30 =	sld [smem:$0x0];
	_ =	sdelay $0x2  }
0xbc: {  	s31 =	sshll.u32 s1, $0xD;
	s1 =	sshrl.u32 s1, $0x2  }
0xbd: {  	s3 =	sand.u32 $0x4000, s31;
	s1 =	sadd.s32 s1, s30  }
0xbe: {  	s0 =	sor.u32 s3, s0;
	s1 =	sshll.u32 s1, $0x11  }
0xbf: {  	s0 =	sor.u32 s1, s0  }
0xc0: {  	s0 =	sadd.s32 $0x8F2B, s0  }
0xc1: {  	[sflag:s0] =	ssyncadd.remote.s32 $0x1  }
0xc2: {  	_ =	sfence.sel $0xFFFF  }
0xc3: {  	[dreg:$0x0] =	wrdreg $0xFFFFFFFF;
	(pc) =	sbr.abs _section_cstart, $3  }
0xc4: {  	[dreg:$0x1] =	wrdreg $0xFFFFFFFF  }
0xc5: {  	_ =	task.clear_ibuf [dreg:s8], $0x2FFFF;
	_ =	strace $0x9FFFFFFF  }
0xc6: {  	(tm) =	ssettm $0x7FFFFFFF  }
0xc7: {  	_ =	shalt  }
tec
execute0_lowered:
.L_overlay_start_1:
0x0: {  	(tag) =	ssettag $0x1  }
0x1: {  	s1 =	rddreg [dreg:$0x0]  }
0x2: {  	s0 =	rddreg [dreg:$0x1]  }
0x3: {  	s3 =	rddreg [dreg:$0x3]  }
0x4: {  	s4 =	rddreg [dreg:$0x4];
	s2 =	srdreg.scid  }
0x5: {  	s6 =	simm.s32 $0x0;
	s23 =	stileid.u32;
	s30 =	simm.s32 $0x5  }
0x6: {  	s31 =	simm.s32 $0x7D0;
	[smem:$0x7FF] =	sst s6;
	s6 =	smul.u32 $0x1F400, s23  }
0x7: {  	s29 =	simm.s32 $0x37A0;
	s2 =	sand.u32 $0x1, s2;
	s11 =	smul.u32 $0x3E80, s23  }
0x8: {  	s7 =	sadd.s32 $0x3400, s0;
	s8 =	sadd.s32 $0x4EF200, s0;
	s28 =	smul.u32 $0x3E8, s23  }
0x9: {  	s9 =	sadd.s32 $0x4E5400, s0;
	s12 =	sadd.s32 $0x2A600, s0;
	s13 =	smul.u32 $0x7D000, s23  }
0xa: {  	s26 =	sadd.s32 $0x2B400, s0;
	s16 =	smul.u32 $0xFA00, s23;
	p0 =	sgt.u32 s23, $0x9  }
0xb: {  	s15 =	sshll.u32 s23, $0x1;
	s5 =	smul.u32 $0x138800, s2;
	_ =	strace $0x8000004A  }
0xc: {  	s10 =	smul.u32 $0x27100, s2;
	[dreg:$0x6] =	wrdreg s12;
	s21 =	ssub.s32 $0x2, s2  }
0xd: {  	[dreg:$0x7] =	wrdreg s26;
	s2 =	sor.u32 s2, s15;
	s14 =	sshrl.u32 s21, $0x1  }
0xe: {  	s13 =	sshrl.u32 s13, $0x2;
	s22 =	sshrl.u32 s16, $0x2;
	s24 =	sadd.s32 $0xC8, s28  }
0xf: {  	s17 =	sadd.s32 $0x190, s28;
	s19 =	sadd.s32 $0x258, s28;
	s12 =	sadd.s32 $0x320, s28  }
0x10: {  	s5 =	sadd.s32 s6, s5;
	s10 =	sadd.s32 s11, s10;
	s13 =	sadd.s32 s13, s3  }
0x11: {  	s25 =	sshll.u32 s24, $0x7;
	s15 =	sshll.u32 s24, $0x4;
	s18 =	sshll.u32 s17, $0x7  }
0x12: {  	s17 =	sshll.u32 s17, $0x4;
	s20 =	sshll.u32 s19, $0x7;
	s19 =	sshll.u32 s19, $0x4  }
0x13: {  	s5 =	sshrl.u32 s5, $0x3;
	s10 =	sshrl.u32 s10, $0x3;
	s16 =	sadd.s32 s25, s3  }
0x14: {  	s15 =	sadd.s32 s15, s4;
	s18 =	sadd.s32 s18, s3;
	s17 =	sadd.s32 s17, s4  }
0x15: {  	s20 =	sadd.s32 s20, s3;
	s19 =	sadd.s32 s19, s4;
	s5 =	sadd.s32 s5, s0  }
0x16: {  	s0 =	sadd.s32 s10, s0;
	s10 =	ssub.s32 s21, s14;
	s14 =	sadd.s32 s22, s4  }
0x17: {  	s21 =	sshll.u32 s12, $0x7;
	s12 =	sshll.u32 s12, $0x4;
	s26 =	sadd.s32 $0x35400, s5  }
0x18: {  	s21 =	sadd.s32 s21, s3;
	s0 =	sadd.s32 $0x2B600, s0;
	[dreg:$0x8] =	wrdreg s26  }
0x19: {  	s22 =	sadd.s32 s12, s4;
	s28 =	smax.u32 s10, $0x1;
	[dreg:$0x9] =	wrdreg s0  }
0x1a: {  	s12 =	smul.u32 $0x2710, s2;
	s5 =	sshrl.u32 @!p0 s13, $0x3;
	[dreg:$0xa] =	wrdreg s28  }
0x1b: {  	s2 =	sadd.s32 s6, s3;
	[dreg:$0xb] =	wrdreg s5;
	s5 =	sshrl.u32 @!p0 s14, $0x3  }
0x1c: {  	s6 =	simm.s32 $0x1;
	s2 =	sshrl.u32 @!p0 s2, $0x3;
	[dreg:$0xc] =	wrdreg s5  }
0x1d: {  	s0 =	sadd.s32 s11, s4;
	s5 =	sshrl.u32 @!p0 s16, $0x3;
	[dreg:$0x15] =	wrdreg s2  }
0x1e: {  	s13 =	simm.s32 $0x4BA0;
	s0 =	sshrl.u32 @!p0 s0, $0x3;
	[dreg:$0xd] =	wrdreg s5  }
0x1f: {  	s14 =	simm.s32 $0x5FA0;
	s5 =	sshrl.u32 @!p0 s15, $0x3;
	[dreg:$0x16] =	wrdreg s0  }
0x20: {  	s2 =	simm.s32 $0xFA0;
	[dreg:$0xe] =	wrdreg s5;
	s5 =	sshrl.u32 @!p0 s18, $0x3  }
0x21: {  	s16 =	simm.s32 $0x6220;
	[dreg:$0xf] =	wrdreg s5;
	s5 =	sshrl.u32 @!p0 s17, $0x3  }
0x22: {  	s0 =	simm.s32 $0x28;
	[dreg:$0x10] =	wrdreg s5;
	s5 =	sshrl.u32 @!p0 s20, $0x3  }
0x23: {  	s15 =	simm.s32 $0x2;
	[dreg:$0x11] =	wrdreg s5;
	s5 =	sshrl.u32 @!p0 s19, $0x3  }
0x24: {  	s18 =	simm.s32 $0x4;
	[dreg:$0x12] =	wrdreg s5;
	s5 =	sshrl.u32 @!p0 s21, $0x3  }
0x25: {  	s17 =	simm.s32 $0x3;
	[dreg:$0x13] =	wrdreg s5;
	s5 =	sshrl.u32 @!p0 s22, $0x3  }
0x26: {  	s19 =	simm.s32 $0x0;
	[dreg:$0x14] =	wrdreg s5;
	s5 =	simm.s32 $0x23A0  }
.LBB2_1:
0x27: {  	[dreg:$0x17] =	wrdreg s19  }
0x28: {  	s10 =	rddreg [dreg:$0x2];
	s11 =	simm.s32 $0x0;
	s28 =	simm.s32 $0x64A0  }
0x29: {  	[tilespmem:s28], [sflag:$0x5] =	stream.linear.gather [hbm4b:s10+s11], $0x80, $0x38;
	[tilespmem:$0x1C4B0] =	vst v63  }
0x2a: {  	_ =	swait.ge [sflag:s30], $0x80  }
0x2b: {  	[sflag:s30] =	ssyncset.done $0x0  }
0x2c: {  	[sflag:s30] =	ssyncadd.s32 $0xFFFFFF80  }
0x2d: {  	v7 =	vld [tilespmem:$0x64A0]  }
0x2e: {  	v0 =	vld [tilespmem:$0x64B0]  }
0x2f: {  	v1 =	vld [tilespmem:$0x64C0]  }
0x30: {  	v2 =	vld [tilespmem:$0x64D0]  }
0x31: {  	s10 =	stileid.u32;
	v3 =	vld [tilespmem:$0x64E0]  }
0x32: {  	s10 =	sshll.u32 @!p0 s10, $0x6;
	s11 =	rddreg [dreg:$0x6];
	v4 =	vld [tilespmem:$0x64F0]  }
0x33: {  	s20 =	sor.u32 @!p0 $0x1C05, s10;
	s10 =	rddreg [dreg:$0xb];
	v5 =	vld [tilespmem:$0x6500]  }
0x34: {  	v6 =	vld [tilespmem:$0x6510];
	[spmem:s10], [sflag:s20] =	dma.local @!p0 [hbm:s11], $0xC80  }
0x35: {  	s10 =	simm.s32 @!p0 $0x5  }
0x36: {  	_ =	swait.ge @!p0 [sflag:s10], $0xC80  }
0x37: {  	[sflag:s10] =	ssyncset.done @!p0 $0x0;
	s19 =	rddreg [dreg:$0x7]  }
0x38: {  	s21 =	rddreg [dreg:$0xc];
	[sflag:s10] =	ssyncadd.s32 @!p0 $0xFFFFF380  }
0x39: {  	[spmem:s21], [sflag:s20] =	dma.local @!p0 [hbm:s19], $0x190  }
0x3a: {  	_ =	swait.ge @!p0 [sflag:s10], $0x190  }
0x3b: {  	[sflag:s10] =	ssyncset.done @!p0 $0x0  }
0x3c: {  	s21 =	rddreg [dreg:$0xd];
	[sflag:s10] =	ssyncadd.s32 @!p0 $0xFFFFFE70  }
0x3d: {  	[spmem:s21], [sflag:s20] =	dma.local @!p0 [hbm:s11], $0xC80  }
0x3e: {  	_ =	swait.ge @!p0 [sflag:s10], $0xC80  }
0x3f: {  	[sflag:s10] =	ssyncset.done @!p0 $0x0  }
0x40: {  	s21 =	rddreg [dreg:$0xe];
	[sflag:s10] =	ssyncadd.s32 @!p0 $0xFFFFF380  }
0x41: {  	[spmem:s21], [sflag:s20] =	dma.local @!p0 [hbm:s19], $0x190  }
0x42: {  	_ =	swait.ge @!p0 [sflag:s10], $0x190  }
0x43: {  	[sflag:s10] =	ssyncset.done @!p0 $0x0  }
0x44: {  	s21 =	rddreg [dreg:$0xf];
	[sflag:s10] =	ssyncadd.s32 @!p0 $0xFFFFFE70  }
0x45: {  	[spmem:s21], [sflag:s20] =	dma.local @!p0 [hbm:s11], $0xC80  }
0x46: {  	_ =	swait.ge @!p0 [sflag:s10], $0xC80  }
0x47: {  	[sflag:s10] =	ssyncset.done @!p0 $0x0  }
0x48: {  	s21 =	rddreg [dreg:$0x10];
	[sflag:s10] =	ssyncadd.s32 @!p0 $0xFFFFF380  }
0x49: {  	[spmem:s21], [sflag:s20] =	dma.local @!p0 [hbm:s19], $0x190  }
0x4a: {  	_ =	swait.ge @!p0 [sflag:s10], $0x190  }
0x4b: {  	[sflag:s10] =	ssyncset.done @!p0 $0x0  }
0x4c: {  	s21 =	rddreg [dreg:$0x11];
	[sflag:s10] =	ssyncadd.s32 @!p0 $0xFFFFFE70  }
0x4d: {  	[spmem:s21], [sflag:s20] =	dma.local @!p0 [hbm:s11], $0xC80  }
0x4e: {  	_ =	swait.ge @!p0 [sflag:s10], $0xC80  }
0x4f: {  	[sflag:s10] =	ssyncset.done @!p0 $0x0  }
0x50: {  	s21 =	rddreg [dreg:$0x12];
	[sflag:s10] =	ssyncadd.s32 @!p0 $0xFFFFF380  }
0x51: {  	[spmem:s21], [sflag:s20] =	dma.local @!p0 [hbm:s19], $0x190  }
0x52: {  	_ =	swait.ge @!p0 [sflag:s10], $0x190  }
0x53: {  	[sflag:s10] =	ssyncset.done @!p0 $0x0  }
0x54: {  	s21 =	rddreg [dreg:$0x13];
	[sflag:s10] =	ssyncadd.s32 @!p0 $0xFFFFFE70  }
0x55: {  	[spmem:s21], [sflag:s20] =	dma.local @!p0 [hbm:s11], $0xC80  }
0x56: {  	_ =	swait.ge @!p0 [sflag:s10], $0xC80  }
0x57: {  	[sflag:s10] =	ssyncset.done @!p0 $0x0  }
0x58: {  	s11 =	rddreg [dreg:$0x14];
	[sflag:s10] =	ssyncadd.s32 @!p0 $0xFFFFF380  }
0x59: {  	[spmem:s11], [sflag:s20] =	dma.local @!p0 [hbm:s19], $0x190  }
0x5a: {  	_ =	swait.ge @!p0 [sflag:s10], $0x190  }
0x5b: {  	[sflag:s10] =	ssyncset.done @!p0 $0x0  }
0x5c: {  	[sflag:s10] =	ssyncadd.s32 @!p0 $0xFFFFFE70  }
0x5d: {  	[bflag:$0x0] =	sbarrier.arrive $0xFFFF  }
0x5e: {  	[tilespmem:$0x1FF90] =	vst v4  }
0x5f: {  	[tilespmem:$0x1FFA0] =	vst v5  }
0x60: {  	[tilespmem:$0x1FFB0] =	vst v0  }
0x61: {  	[tilespmem:$0x1FFC0] =	vst v1  }
0x62: {  	[tilespmem:$0x1FFD0] =	vst v2  }
0x63: {  	[tilespmem:$0x1FFE0] =	vst v3  }
0x64: {  	s21 =	simm.s32 $0x0;
	[tilespmem:$0x1FFF0] =	vst v7  }
.LBB2_2:
0x65: {  	s10 =	smul.u32 $0x7D0, s21;
	_ =	sdelay $0x1  }
0x66: {  	s10 =	sadd.s32 s12, s10  }
0x67: {  	s10 =	sshrl.u32 s10, $0x3  }
0x68: {  	s22 =	simm.s32 $0x0;
	s11 =	sadd.s32 s8, s10  }
0x69: {  	[tilespmem:s22], [sflag:$0x5] =	stream.linear.gather [hbm4b:s11+s22], $0x7D0, $0x38;
	[tilespmem:$0x1C4B0] =	vst v63  }
0x6a: {  	_ =	swait.ge [sflag:s30], $0x7D0  }
0x6b: {  	[sflag:s30] =	ssyncset.done $0x0  }
0x6c: {  	s10 =	sadd.s32 s9, s10;
	[sflag:s30] =	ssyncadd.s32 $0xFFFFF830  }
0x6d: {  	[tilespmem:s31], [sflag:$0x5] =	stream.linear.gather [hbm4b:s10+s22], $0x7D0, $0x38;
	[tilespmem:$0x1C4B0] =	vst v63  }
0x6e: {  	_ =	swait.ge [sflag:s30], $0x7D0  }
0x6f: {  	[sflag:s30] =	ssyncset.done $0x0  }
0x70: {  	[sflag:s30] =	ssyncadd.s32 $0xFFFFF830  }
0x71: {  	[tilespmem:s2], [sflag:$0x1] =	stream.indirect.gather [hbm4b:s1+s0], $0x80, s22, s0, $0xb8;
	[tilespmem:$0x1C4B0] =	vst v63  }
0x72: {  	_ = 	snop  }
0x73: {  	[tilespmem:s29], [sflag:$0x1] =	stream.indirect.gather [hbm4b:s7+s0], $0x80, s31, s0, $0xb8;
	[tilespmem:$0x1C4B0] =	vst v63  }
.LBB2_3:
0x74: {  	_ =	swait.ge [sflag:s6], $0x1400  }
0x75: {  	[sflag:s6] =	ssyncset.done $0x0  }
0x76: {  	[sflag:s6] =	ssyncadd.s32 $0xFFFFEC00  }
0x77: {  	_ =	swait.ge [sflag:s6], $0x1400  }
0x78: {  	p1 =	seq.s32 s22, $0x0;
	[sflag:s6] =	ssyncset.done $0x0  }
0x79: {  	s10 =	simm.s32 @!p1 $0x4;
	[sflag:s6] =	ssyncadd.s32 $0xFFFFEC00  }
0x7a: {  	_ =	swait.ge @!p1 [sflag:s10], $0x1400  }
0x7b: {  	[sflag:s10] =	ssyncset.done @!p1 $0x0  }
0x7c: {  	[sflag:s10] =	ssyncadd.s32 @!p1 $0xFFFFEC00  }
0x7d: {  	s23 =	smul.u32 $0x50, s22;
	_ =	swait.ge @!p1 [sflag:s10], $0x280  }
0x7e: {  	[sflag:s10] =	ssyncset.done @!p1 $0x0  }
0x7f: {  	s19 =	sadd.s32 $0x28, s23;
	[sflag:s10] =	ssyncadd.s32 @!p1 $0xFFFFFD80  }
0x80: {  	[tilespmem:s5], [sflag:$0x2] =	stream.indirect.gather [hbm4b:s1+s0], $0x80, s19, s0, $0xb8;
	[tilespmem:$0x1C4B0] =	vst v63  }
0x81: {  	s25 =	simm.s32 $0x10A0;
	s24 =	sadd.s32 $0x7F8, s23  }
0x82: {  	[tilespmem:s13], [sflag:$0x2] =	stream.indirect.gather [hbm4b:s7+s0], $0x80, s24, s0, $0xb8;
	[tilespmem:$0x1C4B0] =	vst v63  }
0x83: {  	s24 =	simm.s32 $0x38A0;
	v52 =	vld [tilespmem:s25+$0x80]  }
0x84: {  	v8 =	vld [tilespmem:s24+$0x80]  }
0x85: {  	v54 =	vld [tilespmem:s25+$0x90]  }
0x86: {  	v9 =	vld [tilespmem:s24+$0x90]  }
0x87: {  	v53 =	vld [tilespmem:s25+$0xA0]  }
0x88: {  	v10 =	vld [tilespmem:s24+$0xA0]  }
0x89: {  	v51 =	vld [tilespmem:s25+$0xB0]  }
0x8a: {  	v11 =	vld [tilespmem:s24+$0xB0]  }
0x8b: {  	v57 =	vld [tilespmem:s25+$0xC0]  }
0x8c: {  	v12 =	vld [tilespmem:s24+$0xC0]  }
0x8d: {  	v59 =	vld [tilespmem:s25+$0xD0]  }
0x8e: {  	v13 =	vld [tilespmem:s24+$0xD0]  }
0x8f: {  	v23 =	vld [tilespmem:s25+$0xFFFFFF80]  }
0x90: {  	v60 =	vld [tilespmem:s25+$0xE0]  }
0x91: {  	v14 =	vld [tilespmem:s24+$0xE0]  }
0x92: {  	v55 =	vld [tilespmem:s25+$0xF0]  }
0x93: {  	v15 =	vld [tilespmem:s24+$0xF0]  }
0x94: {  	v16 =	vld [tilespmem:s24+$0xFFFFFF00];
	[tilespmem:$0x1FF50] =	vst v23  }
0x95: {  	v24 =	vld [tilespmem:s25+$0xFFFFFF00]  }
0x96: {  	v8 =	vadd.f32 v8, v52;
	_ =	sdelay $0x1  }
0x97: {  	v18 =	vld [tilespmem:s24+$0xFFFFFF80];
	v17 =	vmul.f32 $2.000000030e-01, v8  }
0x98: {  	v20 =	vld [tilespmem:s24+$0x0]  }
0x99: {  	v17 =	vmax.f32 v8, v17;
	v8 =	vld [tilespmem:s25+$0x0];
	[tilespmem:$0x1FED0] =	vst v24  }
0x9a: {  	v25 =	vld [tilespmem:s25+$0xFFFFFF10];
	_ =	sdelay $0x4  }
0x9b: {  	[tilespmem:$0x1FEE0] =	vst v25  }
0x9c: {  	v26 =	vld [tilespmem:s25+$0xFFFFFF90]  }
0x9d: {  	v9 =	vadd.f32 v9, v54;
	_ =	sdelay $0x1  }
0x9e: {  	v10 =	vadd.f32 v10, v53;
	v19 =	vmul.f32 $2.000000030e-01, v9  }
0x9f: {  	v17 =	vmul.f32 v17, v7  }
0xa0: {  	v11 =	vadd.f32 v11, v51;
	v9 =	vmax.f32 v9, v19;
	v19 =	vmul.f32 $2.000000030e-01, v10;
	v21 =	vld [tilespmem:s24+$0xFFFFFF10];
	[tilespmem:$0x1FF60] =	vst v26  }
0xa1: {  	v9 =	vmul.f32 v9, v0;
	v17 =	vadd.f32 $0.0e+00, v17;
	v27 =	vld [tilespmem:s25+$0xFFFFFF20]  }
0xa2: {  	v10 =	vmax.f32 v10, v19;
	v19 =	vmul.f32 $2.000000030e-01, v11  }
0xa3: {  	v10 =	vmul.f32 v10, v1;
	v9 =	vadd.f32 v9, v17  }
0xa4: {  	v11 =	vmax.f32 v11, v19;
	v19 =	vld [tilespmem:s24+$0xFFFFFF90]  }
0xa5: {  	v12 =	vadd.f32 v12, v57;
	v10 =	vadd.f32 v10, v9;
	v9 =	vld [tilespmem:s25+$0x10]  }
0xa6: {  	v22 =	vld [tilespmem:s24+$0x10];
	[tilespmem:$0x1FEF0] =	vst v27  }
0xa7: {  	v13 =	vadd.f32 v13, v59;
	v17 =	vmul.f32 $2.000000030e-01, v12;
	v28 =	vld [tilespmem:s25+$0xFFFFFFA0]  }
0xa8: {  	v11 =	vmul.f32 v11, v2  }
0xa9: {  	v14 =	vadd.f32 v14, v60;
	v12 =	vmax.f32 v12, v17;
	v17 =	vmul.f32 $2.000000030e-01, v13  }
0xaa: {  	v10 =	vadd.f32 v11, v10;
	v11 =	vmul.f32 v12, v3  }
0xab: {  	v15 =	vadd.f32 v15, v55;
	v12 =	vmax.f32 v13, v17;
	v13 =	vmul.f32 $2.000000030e-01, v14  }
0xac: {  	v10 =	vadd.f32 v11, v10;
	v11 =	vmul.f32 v12, v4;
	v17 =	vld [tilespmem:s24+$0xFFFFFF20];
	[tilespmem:$0x1FF70] =	vst v28  }
0xad: {  	v12 =	vmax.f32 v14, v13;
	v13 =	vmul.f32 $2.000000030e-01, v15;
	v14 =	vadd.f32 v18, v23;
	v23 =	vld [tilespmem:s24+$0xFFFFFFA0]  }
0xae: {  	v11 =	vadd.f32 v11, v10;
	v10 =	vld [tilespmem:s25+$0x20]  }
0xaf: {  	v13 =	vmax.f32 v15, v13;
	v15 =	vadd.f32 v16, v24;
	v24 =	vld [tilespmem:s24+$0x20];
	[tilespmem:$0x1FEB0] =	vst v8  }
0xb0: {  	v30 =	vld [tilespmem:s25+$0xFFFFFF30];
	_ =	sdelay $0x4  }
0xb1: {  	[tilespmem:$0x1FF00] =	vst v30  }
0xb2: {  	v29 =	vld [tilespmem:s25+$0xFFFFFFB0];
	_ =	sdelay $0x1  }
0xb3: {  	v12 =	vmul.f32 v12, v5  }
0xb4: {  	v16 =	vmul.f32 $2.000000030e-01, v14  }
0xb5: {  	v20 =	vadd.f32 v20, v8;
	v11 =	vadd.f32 v12, v11;
	v12 =	vmul.f32 v13, v6  }
0xb6: {  	v21 =	vadd.f32 v21, v25;
	v13 =	vmul.f32 $2.000000030e-01, v15;
	v14 =	vmax.f32 v14, v16;
	v16 =	vld [tilespmem:s24+$0xFFFFFF30];
	[tilespmem:$0x1FF80] =	vst v29  }
0xb7: {  	v25 =	vmul.f32 $2.000000030e-01, v20;
	v18 =	vadd.f32 v12, v11;
	v11 =	vmul.f32 v14, v7;
	v31 =	vld [tilespmem:s25+$0xFFFFFF40]  }
0xb8: {  	v12 =	vmax.f32 v15, v13;
	v13 =	vmul.f32 $2.000000030e-01, v21;
	v14 =	vadd.f32 v19, v26  }
0xb9: {  	v19 =	vmax.f32 v20, v25;
	v20 =	vmul.f32 v12, v7;
	v25 =	vadd.f32 $0.0e+00, v11  }
0xba: {  	v11 =	vmax.f32 v21, v13;
	v21 =	vadd.f32 v22, v9;
	v13 =	vmul.f32 $2.000000030e-01, v14;
	v15 =	vld [tilespmem:s24+$0xFFFFFFB0]  }
0xbb: {  	v11 =	vmul.f32 v11, v0;
	v20 =	vadd.f32 $0.0e+00, v20;
	v8 =	vmov v10;
	v10 =	vld [tilespmem:s25+$0x30]  }
0xbc: {  	v13 =	vmax.f32 v14, v13;
	v14 =	vmul.f32 $2.000000030e-01, v21;
	v17 =	vadd.f32 v17, v27;
	v22 =	vld [tilespmem:s24+$0x30];
	[tilespmem:$0x1FF10] =	vst v31  }
0xbd: {  	v19 =	vmul.f32 v19, v7;
	v20 =	vadd.f32 v11, v20;
	v13 =	vmul.f32 v13, v0;
	v11 =	vld [tilespmem:s25+$0xFFFFFF50]  }
0xbe: {  	v14 =	vmax.f32 v21, v14;
	v27 =	vmul.f32 $2.000000030e-01, v17;
	v23 =	vadd.f32 v23, v28;
	v26 =	vld [tilespmem:s24+$0xFFFFFF40]  }
0xbf: {  	v12 =	vmov v9;
	v19 =	vadd.f32 $0.0e+00, v19;
	v14 =	vmul.f32 v14, v0;
	v9 =	vld [tilespmem:s25+$0xFFFFFFC0]  }
0xc0: {  	v17 =	vmax.f32 v17, v27;
	v24 =	vadd.f32 v24, v8;
	v27 =	vmul.f32 $2.000000030e-01, v23;
	v21 =	vld [tilespmem:s24+$0xFFFFFFC0]  }
0xc1: {  	v25 =	vadd.f32 v13, v25;
	v14 =	vadd.f32 v14, v19;
	v17 =	vmul.f32 v17, v1;
	v13 =	vmovc v10;
	v10 =	vld [tilespmem:s25+$0x40]  }
0xc2: {  	v19 =	vmul.f32 $2.000000030e-01, v24;
	v23 =	vmax.f32 v23, v27;
	v16 =	vadd.f32 v16, v30;
	v28 =	vld [tilespmem:s24+$0x40];
	[tilespmem:$0x1FF20] =	vst v11  }
0xc3: {  	v23 =	vmul.f32 v23, v1;
	v15 =	vadd.f32 v15, v29;
	v32 =	vld [tilespmem:s25+$0xFFFFFF60]  }
0xc4: {  	v17 =	vadd.f32 v17, v20;
	v20 =	vmax.f32 v24, v19;
	v27 =	vmul.f32 $2.000000030e-01, v16;
	v29 =	vld [tilespmem:s24+$0xFFFFFF50]  }
0xc5: {  	v23 =	vadd.f32 v23, v25;
	v22 =	vadd.f32 v22, v13;
	v24 =	vmul.f32 $2.000000030e-01, v15;
	v19 =	vld [tilespmem:s25+$0xFFFFFFD0]  }
0xc6: {  	v25 =	vmul.f32 v20, v1;
	v16 =	vmax.f32 v16, v27;
	v26 =	vadd.f32 v26, v31;
	v27 =	vld [tilespmem:s24+$0xFFFFFFD0]  }
0xc7: {  	v16 =	vmul.f32 v16, v2;
	v15 =	vmax.f32 v15, v24;
	v24 =	vmul.f32 $2.000000030e-01, v22;
	v20 =	vld [tilespmem:s25+$0x50]  }
0xc8: {  	v14 =	vadd.f32 v25, v14;
	v21 =	vadd.f32 v21, v9;
	v31 =	vld [tilespmem:s24+$0x50];
	v30 =	vmul.f32 $2.000000030e-01, v26;
	[tilespmem:$0x1FF30] =	vst v32  }
0xc9: {  	v16 =	vadd.f32 v16, v17;
	v15 =	vmul.f32 v15, v2;
	v22 =	vmax.f32 v22, v24;
	v17 =	vld [tilespmem:s24+$0xFFFFFF60];
	[tilespmem:$0x1FEC0] =	vst v10  }
0xca: {  	v25 =	vmul.f32 $2.000000030e-01, v21;
	v24 =	vmax.f32 v26, v30;
	v26 =	vadd.f32 v28, v10;
	v30 =	vld [tilespmem:s25+$0xFFFFFFE0]  }
0xcb: {  	v15 =	vadd.f32 v15, v23;
	v22 =	vmul.f32 v22, v2;
	v23 =	vmul.f32 v24, v3;
	v24 =	vld [tilespmem:s24+$0xFFFFFFE0]  }
0xcc: {  	v21 =	vmax.f32 v21, v25;
	v28 =	vadd.f32 v29, v11;
	v29 =	vmul.f32 $2.000000030e-01, v26;
	v25 =	vld [tilespmem:s25+$0x60]  }
0xcd: {  	v14 =	vadd.f32 v22, v14;
	v21 =	vmul.f32 v21, v3;
	v16 =	vadd.f32 v23, v16;
	v22 =	vld [tilespmem:s24+$0x60]  }
0xce: {  	v23 =	vadd.f32 v27, v19;
	v26 =	vmax.f32 v26, v29;
	v27 =	vmul.f32 $2.000000030e-01, v28;
	v11 =	vld [tilespmem:s25+$0xFFFFFF70]  }
0xcf: {  	v21 =	vadd.f32 v21, v15;
	v29 =	vld [tilespmem:s24+$0xFFFFFF70];
	v15 =	vmul.f32 v26, v3;
	v26 =	vadd.f32 v31, v20  }
0xd0: {  	v34 =	vld [tilespmem:s25+$0xFFFFFFF0];
	v31 =	vmul.f32 $2.000000030e-01, v23;
	v27 =	vmax.f32 v28, v27  }
0xd1: {  	v28 =	vadd.f32 v15, v14;
	v14 =	vmul.f32 $2.000000030e-01, v26;
	v15 =	vmul.f32 v27, v4;
	v27 =	vld [tilespmem:s24+$0xFFFFFFF0]  }
0xd2: {  	v23 =	vmax.f32 v23, v31;
	v31 =	vld [tilespmem:s25+$0x70];
	s25 =	simm.s32 $0x3AA0;
	v17 =	vadd.f32 v17, v32  }
0xd3: {  	v23 =	vmul.f32 v23, v4;
	v33 =	vld [tilespmem:s25+$0x80];
	v24 =	vadd.f32 v24, v30;
	v14 =	vmax.f32 v26, v14  }
0xd4: {  	v63 =	vld [tilespmem:s25+$0xA0];
	v16 =	vadd.f32 v15, v16;
	v22 =	vadd.f32 v22, v25;
	v32 =	vmul.f32 $2.000000030e-01, v17  }
0xd5: {  	s26 =	simm.s32 $0x12A0;
	v26 =	vld [tilespmem:s24+$0x70];
	v29 =	vadd.f32 v29, v11;
	v21 =	vadd.f32 v23, v21;
	v23 =	vmul.f32 v14, v4  }
0xd6: {  	(xrf2) =	vadd.scan.msk.f32 $0xffff, v18;
	v15 =	vld [tilespmem:s26+$0x80];
	v61 =	vmul.f32 $2.000000030e-01, v24;
	v62 =	vmul.f32 $2.000000030e-01, v22;
	v17 =	vmax.f32 v17, v32  }
0xd7: {  	v40 =	vld [tilespmem:s25+$0xB0];
	v35 =	vmul.f32 $2.000000030e-01, v29;
	v23 =	vadd.f32 v23, v28;
	v17 =	vmul.f32 v17, v5  }
0xd8: {  	v14 =	vld [tilespmem:s26+$0x90];
	v27 =	vadd.f32 v27, v34;
	v24 =	vmax.f32 v24, v61;
	v22 =	vmax.f32 v22, v62  }
0xd9: {  	v29 =	vmax.f32 v29, v35;
	v28 =	vadd.f32 v17, v16;
	v17 =	vmul.f32 v24, v5;
	v24 =	vld [tilespmem:s25+$0x90]  }
0xda: {  	v46 =	vld [tilespmem:s25+$0xD0];
	v22 =	vmul.f32 v22, v5;
	v26 =	vadd.f32 v26, v31;
	v44 =	vmul.f32 $2.000000030e-01, v27  }
0xdb: {  	v33 =	vadd.f32 v33, v15;
	v29 =	vmul.f32 v29, v6;
	v16 =	vld [tilespmem:s26+$0xA0]  }
0xdc: {  	v37 =	vadd.f32 v22, v23;
	v22 =	vmul.f32 $2.000000030e-01, v26;
	v18 =	vmax.f32 v27, v44;
	v23 =	vld [tilespmem:s26+$0xC0]  }
0xdd: {  	v27 =	vmul.f32 $2.000000030e-01, v33;
	v21 =	vadd.f32 v17, v21;
	v17 =	vld [tilespmem:s26+$0xB0];
	v28 =	vadd.f32 v29, v28  }
0xde: {  	v18 =	vmul.f32 v18, v6;
	v29 =	vld [tilespmem:s25+$0xC0];
	v26 =	vmax.f32 v26, v22;
	v24 =	vadd.f32 v24, v14  }
0xdf: {  	v27 =	vmax.f32 v33, v27;
	v22 =	vld [tilespmem:s26+$0xD0];
	v26 =	vmul.f32 v26, v6  }
0xe0: {  	v61, _, _ =	vpop (xrf2);
	v18 =	vadd.f32 v18, v21;
	v21 =	vld [tilespmem:s26+$0xE0];
	(xrf2) =	vadd.scan.msk.f32 $0xffff, v28;
	v32 =	vadd.f32 v63, v16;
	v45 =	vmul.f32 $2.000000030e-01, v24  }
0xe1: {  	v27 =	vmul.f32 v27, v7;
	v28 =	vld [tilespmem:s25+$0xE0];
	v63 =	vmul.f32 $1.442695020e+00, v61;
	v26 =	vadd.f32 v26, v37  }
0xe2: {  	v10 =	vld [tilespmem:s26+$0xF0];
	(xrf2) =	vadd.scan.msk.f32 $0xffff, v18;
	v47 =	vmul.f32 $2.000000030e-01, v32;
	v40 =	vadd.f32 v40, v17;
	v24 =	vmax.f32 v24, v45  }
0xe3: {  	v27 =	vadd.f32 $0.0e+00, v27;
	v29 =	vadd.f32 v29, v23;
	(xrf2) =	vadd.scan.msk.f32 $0xffff, v26;
	v26 =	vld [tilespmem:s25+$0xF0];
	v24 =	vmul.f32 v24, v0  }
0xe4: {  	v50 =	vld [tilespmem:s25+$0xFFFFFF00];
	v37 =	vbroadcast v63, $0xF;
	v18 =	vmax.f32 v32, v47;
	v48 =	vmul.f32 $2.000000030e-01, v40  }
0xe5: {  	v41 =	vld [tilespmem:s25+$0xFFFFFF80];
	v35 =	vadd.f32 v46, v22;
	v18 =	vmul.f32 v18, v1;
	v24 =	vadd.f32 v24, v27  }
0xe6: {  	v39 =	vld [tilespmem:s25+$0x10];
	v49 =	vmul.f32 $2.000000030e-01, v29;
	v28 =	vadd.f32 v28, v21;
	v27 =	vmax.f32 v40, v48  }
0xe7: {  	v33 =	vld [tilespmem:s26+$0x0];
	v62 =	vmul.f32 $2.000000030e-01, v35;
	v27 =	vmul.f32 v27, v2;
	v24 =	vadd.f32 v18, v24  }
0xe8: {  	v63 =	vld [tilespmem:s25+$0xFFFFFF90];
	v29 =	vmax.f32 v29, v49;
	v42 =	vmul.f32 $2.000000030e-01, v28;
	v43 =	vadd.f32 v26, v10  }
0xe9: {  	v18 =	vld [tilespmem:s26+$0xFFFFFF80];
	v24 =	vadd.f32 v27, v24;
	v27 =	vmul.f32 v29, v3  }
0xea: {  	v28 =	vmax.f32 v28, v42;
	v26 =	vld [tilespmem:s26+$0xFFFFFF10];
	v58, _, _ =	vpop (xrf2);
	v44 =	vmul.f32 $2.000000030e-01, v43;
	v29 =	vmax.f32 v35, v62  }
0xeb: {  	v47 =	vmul.f32 $1.442695020e+00, v58;
	v62 =	vld [tilespmem:s25+$0xFFFFFF10];
	v29 =	vmul.f32 v29, v4;
	v24 =	vadd.f32 v27, v24  }
0xec: {  	(erf) = vpow2.f32 v37;
	v28 =	vmul.f32 v28, v5;
	v46, _, _ =	vpop (xrf2);
	v27 =	vld [tilespmem:s26+$0xFFFFFF00]  }
0xed: {  	v45 =	vld [tilespmem:s25+$0x0];
	v32 =	vmax.f32 v43, v44;
	v35 =	vbroadcast v47, $0xF;
	v48, _, _ =	vpop (xrf2);
	v29 =	vadd.f32 v29, v24  }
0xee: {  	v37 =	vld [tilespmem:s26+$0x10];
	v49 =	vmul.f32 $1.442695020e+00, v46;
	v58 =	vmul.f32 $1.442695020e+00, v48;
	v41 =	vadd.f32 v41, v18  }
0xef: {  	(erf) = vpow2.f32 v35;
	v24 =	vld [tilespmem:s26+$0xFFFFFF90];
	v28 =	vadd.f32 v28, v29;
	v29 =	vmul.f32 v32, v6  }
0xf0: {  	v58 =	vbroadcast v58, $0xF;
	v56 =	vmul.f32 $2.000000030e-01, v41;
	v62 =	vadd.f32 v62, v26  }
0xf1: {  	v42 =	vld [tilespmem:s25+$0xFFFFFF20];
	v32 =	vbroadcast v49, $0xF;
	v40 =	vadd.f32 v50, v27;
	v28 =	vadd.f32 v29, v28  }
0xf2: {  	v50 =	vadd.f32 v45, v33;
	v41 =	vmax.f32 v41, v56;
	v48 =	vmul.f32 $2.000000030e-01, v62;
	v29 =	vld [tilespmem:s26+$0xFFFFFF20]  }
0xf3: {  	v39 =	vadd.f32 v39, v37;
	v44 =	vld [tilespmem:s25+$0xFFFFFF30];
	v41 =	vmul.f32 v41, v7;
	v47 =	vmul.f32 $2.000000030e-01, v40;
	(xrf2) =	vadd.scan.msk.f32 $0xffff, v28  }
0xf4: {  	(erf) = vpow2.f32 v32;
	v36 =	vmul.f32 $2.000000030e-01, v50;
	v49 =	vadd.f32 v63, v24;
	v63 =	vld [tilespmem:s25+$0xFFFFFFA0]  }
0xf5: {  	(erf) = vpow2.f32 v58;
	v28 =	vld [tilespmem:s26+$0xFFFFFFA0];
	v41 =	vadd.f32 $0.0e+00, v41;
	v32 =	vmax.f32 v40, v47  }
0xf6: {  	v35 =	vmax.f32 v50, v36;
	v40 =	vld [tilespmem:s26+$0x20];
	v50 =	vmax.f32 v62, v48;
	v56 =	vmul.f32 $2.000000030e-01, v49  }
0xf7: {  	v62 =	vld [tilespmem:s25+$0x20];
	v48 =	vmul.f32 $2.000000030e-01, v39;
	v32 =	vmul.f32 v32, v7;
	v42 =	vadd.f32 v42, v29  }
0xf8: {  	v47 =	vld [tilespmem:s25+$0xFFFFFFB0];
	v35 =	vmul.f32 v35, v7;
	v36 =	vmul.f32 v50, v0;
	v45 =	vmax.f32 v49, v56  }
0xf9: {  	v39 =	vmax.f32 v39, v48;
	v38 =	vadd.f32 $0.0e+00, v32;
	v32 =	vld [tilespmem:s26+$0xFFFFFF30];
	v50 =	vmul.f32 $2.000000030e-01, v42  }
0xfa: {  	v43 =	vadd.f32 $0.0e+00, v35;
	v49 =	vmul.f32 v45, v0;
	v45 =	vld [tilespmem:s26+$0xFFFFFFB0];
	v56 =	vmul.f32 v39, v0  }
0xfb: {  	v58 =	vadd.f32 v63, v28;
	v36 =	vadd.f32 v36, v38;
	v38 =	vmax.f32 v42, v50  }
0xfc: {  	v42 =	vadd.f32 v62, v40;
	v38 =	vmul.f32 v38, v1  }
0xfd: {  	v48 =	vld [tilespmem:s25+$0x30];
	v63 =	vadd.f32 v49, v41;
	v0 =	vmul.f32 $2.000000030e-01, v58;
	v50 =	vadd.f32 v56, v43;
	v61, _, _ =	vpop (xrf2)  }
0xfe: {  	v35 =	vld [tilespmem:s26+$0xFFFFFF40];
	v44 =	vadd.f32 v44, v32;
	v39 =	vmul.f32 $1.442695020e+00, v61;
	v61 =	vmul.f32 $2.000000030e-01, v42  }
0xff: {  	v41 =	vld [tilespmem:s26+$0x30];
	v0 =	vmax.f32 v58, v0;
	v47 =	vadd.f32 v47, v45;
	v56 =	vadd.f32 v38, v36  }
0x100: {  	v36 =	vmul.f32 v0, v1;
	v49 =	vmul.f32 $2.000000030e-01, v44;
	v38 =	vpop (erf);
	v46 =	vmax.f32 v42, v61;
	v42 =	vld [tilespmem:s25+$0xFFFFFF40]  }
0x101: {  	v0 =	vmul.f32 $2.000000030e-01, v47;
	v62 =	vmul.f32 v38, v52;
	v52 =	vld [tilespmem:s26+$0xFFFFFFC0]  }
0x102: {  	v39 =	vbroadcast v39, $0xF;
	v55 =	vmul.f32 v38, v55;
	v49 =	vmax.f32 v44, v49;
	v44 =	vld [tilespmem:s25+$0xFFFFFFC0]  }
0x103: {  	s19 =	simm.s32 $0x5FC0;
	v58 =	vmul.f32 v38, v54;
	v53 =	vmul.f32 v38, v53  }
0x104: {  	v48 =	vadd.f32 v48, v41;
	v54 =	vmul.f32 v38, v51;
	v57 =	vmul.f32 v38, v57;
	[tilespmem:s19+$0x10] =	vst v38  }
0x105: {  	v63 =	vadd.f32 v36, v63;
	v59 =	vmul.f32 v38, v59;
	v60 =	vmul.f32 v38, v60;
	[tilespmem:s24+$0xF0] =	vst v55  }
0x106: {  	v43 =	vld [tilespmem:s26+$0x40];
	v38 =	vmax.f32 v47, v0;
	v0 =	vmul.f32 $2.000000030e-01, v48;
	v46 =	vmul.f32 v46, v1;
	[tilespmem:s24+$0x80] =	vst v62  }
0x107: {  	v36 =	vld [tilespmem:s26+$0xFFFFFF50];
	v38 =	vmul.f32 v38, v2;
	[tilespmem:s24+$0x90] =	vst v58;
	v42 =	vadd.f32 v42, v35;
	v44 =	vadd.f32 v44, v52  }
0x108: {  	v51 =	vld [tilespmem:s25+$0x40];
	(erf) = vpow2.f32 v39;
	v39 =	vmul.f32 v49, v2;
	[tilespmem:s24+$0xA0] =	vst v53  }
0x109: {  	v1 =	vld [tilespmem:s25+$0xFFFFFF50];
	[tilespmem:s24+$0xB0] =	vst v54;
	v61 =	vmul.f32 $2.000000030e-01, v42;
	v62 =	vmul.f32 $2.000000030e-01, v44  }
0x10a: {  	v47 =	vmax.f32 v48, v0;
	[tilespmem:s24+$0xC0] =	vst v57;
	v55 =	vadd.f32 v46, v50;
	v53 =	vadd.f32 v38, v63  }
0x10b: {  	v63 =	vmul.f32 v47, v2;
	v42 =	vmax.f32 v42, v61;
	v44 =	vmax.f32 v44, v62;
	v62 =	vld [tilespmem:$0x1FED0];
	[tilespmem:s24+$0xD0] =	vst v59  }
0x10c: {  	v39 =	vadd.f32 v39, v56;
	[tilespmem:s24+$0xE0] =	vst v60;
	v42 =	vmul.f32 v42, v3  }
0x10d: {  	v51 =	vadd.f32 v51, v43;
	v47 =	vpop (erf);
	v7 =	vadd.f32 v63, v55;
	v44 =	vmul.f32 v44, v3;
	v63 =	vld [tilespmem:$0x1FEE0]  }
0x10e: {  	v49 =	vadd.f32 v1, v36;
	v1 =	vadd.f32 v42, v39;
	v42 =	vld [tilespmem:$0x1FEF0];
	[tilespmem:s19+$0xFFFFFFE0] =	vst v47  }
0x10f: {  	v2 =	vadd.f32 v44, v53;
	v44 =	vld [tilespmem:$0x1FF00]  }
0x110: {  	v48 =	vmul.f32 $2.000000030e-01, v51  }
0x111: {  	v57 =	vmul.f32 v47, v62  }
0x112: {  	v54 =	vld [tilespmem:s25+$0x50];
	v56 =	vmax.f32 v51, v48;
	v51 =	vmul.f32 $2.000000030e-01, v49  }
0x113: {  	v48 =	vld [tilespmem:$0x1FF10];
	[tilespmem:s24+$0xFFFFFF00] =	vst v57  }
0x114: {  	v59 =	vmul.f32 v47, v63;
	v63 =	vmul.f32 v47, v44;
	v44 =	vmax.f32 v49, v51;
	v51 =	vld [tilespmem:$0x1FF20]  }
0x115: {  	v50 =	vld [tilespmem:s26+$0xFFFFFFD0]  }
0x116: {  	v46 =	vld [tilespmem:s26+$0x50]  }
0x117: {  	v38 =	vld [tilespmem:s26+$0xFFFFFF60]  }
0x118: {  	v61 =	vld [tilespmem:s25+$0xFFFFFFD0]  }
0x119: {  	v39 =	vld [tilespmem:s25+$0xFFFFFF60];
	v0 =	vmul.f32 v47, v51  }
0x11a: {  	v53 =	vld [tilespmem:s26+$0xFFFFFFE0]  }
0x11b: {  	v62 =	vld [tilespmem:s25+$0xFFFFFFE0];
	v60 =	vmul.f32 v47, v42;
	[tilespmem:$0x1FF40] =	vst v0  }
0x11c: {  	v58 =	vpop (erf);
	[tilespmem:s24+$0xFFFFFF10] =	vst v59  }
0x11d: {  	v55 =	vpop (erf);
	v48 =	vmul.f32 v47, v48;
	v59 =	vadd.f32 v54, v46;
	v54 =	vld [tilespmem:$0x1FF30];
	[tilespmem:s24+$0xFFFFFF20] =	vst v60  }
0x11e: {  	v49 =	vpop (erf);
	[tilespmem:s24+$0xFFFFFF30] =	vst v63  }
0x11f: {  	s28 =	simm.s32 $0x6000;
	v57 =	vmul.f32 v49, v10;
	[tilespmem:s24+$0xFFFFFF40] =	vst v48  }
0x120: {  	v44 =	vmul.f32 v44, v4;
	[tilespmem:s28+$0x10] =	vst v49  }
0x121: {  	[tilespmem:s25+$0xF0] =	vst v57  }
0x122: {  	v1 =	vadd.f32 v44, v1;
	v44 =	vld [tilespmem:$0x1FF40];
	_ =	sdelay $0x1  }
0x123: {  	v56 =	vmul.f32 v56, v3;
	v3 =	vmul.f32 v47, v11;
	v61 =	vadd.f32 v61, v50;
	_ =	sdelay $0x1  }
0x124: {  	v0 =	vmul.f32 $2.000000030e-01, v61;
	[tilespmem:s24+$0xFFFFFF70] =	vst v3;
	v10 =	vmul.f32 v47, v54  }
0x125: {  	[tilespmem:s24+$0xFFFFFF50] =	vst v44  }
0x126: {  	v0 =	vmax.f32 v61, v0;
	[tilespmem:s24+$0xFFFFFF60] =	vst v10  }
0x127: {  	v48 =	vmul.f32 v0, v4;
	v0 =	vld [tilespmem:$0x1FF50];
	_ =	sdelay $0x1  }
0x128: {  	v42 =	vadd.f32 v39, v38;
	v39 =	vld [tilespmem:s26+$0xFFFFFF70]  }
0x129: {  	v7 =	vadd.f32 v56, v7;
	v56 =	vmul.f32 $2.000000030e-01, v59;
	v47 =	vld [tilespmem:s25+$0xFFFFFF70]  }
0x12a: {  	v60 =	vmul.f32 $2.000000030e-01, v42;
	v61 =	vadd.f32 v62, v53  }
0x12b: {  	v51 =	vld [tilespmem:s26+$0x60];
	v59 =	vmax.f32 v59, v56;
	v2 =	vadd.f32 v48, v2;
	[tilespmem:s19+$0xFFFFFFF0] =	vst v58;
	v48 =	vmul.f32 v58, v0  }
0x12c: {  	v42 =	vmax.f32 v42, v60;
	v60 =	vmul.f32 $2.000000030e-01, v61;
	v59 =	vmul.f32 v59, v4;
	v57 =	vld [tilespmem:$0x1FF60]  }
0x12d: {  	v63 =	vmul.f32 v42, v5;
	v54 =	vld [tilespmem:s25+$0x60];
	[tilespmem:s24+$0xFFFFFF80] =	vst v48  }
0x12e: {  	v42 =	vadd.f32 v47, v39;
	v47 =	vmax.f32 v61, v60;
	v61 =	vadd.f32 v59, v7;
	v59 =	vld [tilespmem:$0x1FF70];
	_ =	sdelay $0x2  }
0x12f: {  	v57 =	vmul.f32 v58, v57  }
0x130: {  	v11 =	vld [tilespmem:s25+$0xFFFFFFF0]  }
0x131: {  	v3 =	vld [tilespmem:s25+$0x70];
	v62 =	vadd.f32 v54, v51;
	[tilespmem:s24+$0xFFFFFF90] =	vst v57;
	v0 =	vmul.f32 v58, v59  }
0x132: {  	v56 =	vld [tilespmem:s26+$0xFFFFFFF0];
	[tilespmem:s19+$0x0] =	vst v55  }
0x133: {  	v54 =	vld [tilespmem:s26+$0x70];
	v60 =	vmul.f32 $2.000000030e-01, v62;
	[tilespmem:s24+$0xFFFFFFA0] =	vst v0  }
0x134: {  	v59 =	vadd.f32 v63, v1;
	v63 =	vld [tilespmem:$0x1FF80]  }
0x135: {  	v44 =	vmul.f32 $2.000000030e-01, v42;
	v62 =	vmax.f32 v62, v60  }
0x136: {  	v47 =	vmul.f32 v47, v5;
	v62 =	vmul.f32 v62, v5  }
0x137: {  	v60 =	vadd.f32 v11, v56;
	v42 =	vmax.f32 v42, v44  }
0x138: {  	s11 =	simm.s32 $0x4;
	v47 =	vadd.f32 v47, v2;
	v57 =	vmul.f32 v42, v6;
	v44 =	vadd.f32 v62, v61  }
0x139: {  	s10 =	simm.s32 $0x3AA0;
	s26 =	sshll.u32 s22, $0x1;
	s19 =	simm.s32 $0x14A0;
	v62 =	vmul.f32 $2.000000030e-01, v60;
	v61 =	vadd.f32 v3, v54;
	v48 =	vmul.f32 v58, v63  }
.LBB2_4:
0x13a: {  	v63 =	vld [tilespmem:s19+$0x80]  }
0x13b: {  	v2 =	vld [tilespmem:$0x1FFF0]  }
0x13c: {  	v5 =	vld [tilespmem:$0x1FFC0]  }
0x13d: {  	s25 =	sadd.s32 $0x200, s25;
	v11 =	vld [tilespmem:$0x1FFD0]  }
0x13e: {  	v1 =	vmov v45;
	v45 =	vld [tilespmem:s25+$0x80]  }
0x13f: {  	[tilespmem:s24+$0xFFFFFFB0] =	vst v48;
	v48 =	vld [tilespmem:s19+$0x90]  }
0x140: {  	v0 =	vmul.f32 v58, v9;
	v10 =	vmovc v52;
	v19 =	vmul.f32 v58, v19;
	v52 =	vadd.f32 v57, v59;
	v57 =	vld [tilespmem:$0x1FEC0]  }
0x141: {  	v20 =	vmul.f32 v55, v20;
	[tilespmem:$0x1FEA0] =	vst v1;
	v59 =	vmul.f32 v55, v8;
	v8 =	vmov v40;
	v40 =	vld [tilespmem:s19+$0xC0]  }
0x142: {  	v25 =	vmul.f32 v55, v25;
	v60 =	vmax.f32 v60, v62;
	v62 =	vmul.f32 $2.000000030e-01, v61;
	v1 =	vld [tilespmem:$0x1FFB0];
	[tilespmem:s24+$0xFFFFFFC0] =	vst v0  }
0x143: {  	v0 =	vmul.f32 v58, v30;
	v30 =	vmul.f32 v58, v34;
	v34 =	vld [tilespmem:s25+$0x90];
	[tilespmem:s24+$0xFFFFFFD0] =	vst v19  }
0x144: {  	v58 =	vld [tilespmem:s19+$0xA0];
	[tilespmem:s24+$0x50] =	vst v20  }
0x145: {  	v42 =	vmul.f32 v60, v6;
	[tilespmem:s24+$0x60] =	vst v25;
	v25 =	vld [tilespmem:s25+$0xF0];
	v60 =	vmax.f32 v61, v62  }
0x146: {  	v19 =	vmul.f32 v55, v12;
	(xrf2) =	vadd.scan.msk.f32 $0xffff, v52;
	v62 =	vld [tilespmem:$0x1FEB0];
	[tilespmem:s24+$0x20] =	vst v59;
	v61 =	vmul.f32 v60, v6  }
0x147: {  	v47 =	vadd.f32 v42, v47;
	v60 =	vld [tilespmem:s25+$0xA0];
	[tilespmem:s24+$0xFFFFFFF0] =	vst v30;
	v30 =	vmul.f32 v55, v31  }
0x148: {  	[tilespmem:s24+$0xFFFFFFE0] =	vst v0;
	v61 =	vadd.f32 v61, v44;
	v44 =	vmul.f32 v55, v57;
	v12 =	vadd.f32 v45, v63;
	v45 =	vld [tilespmem:s25+$0xB0]  }
0x149: {  	[tilespmem:s24+$0x10] =	vst v19;
	v42 =	vmovc v33;
	(xrf2) =	vadd.scan.msk.f32 $0xffff, v47;
	v47 =	vmul.f32 v49, v15;
	v57 =	vmul.f32 v49, v17;
	v33 =	vld [tilespmem:s19+$0xD0]  }
0x14a: {  	v15 =	vmovc v48;
	v19 =	vmov v50;
	v50 =	vmul.f32 v49, v22;
	[tilespmem:s24+$0x70] =	vst v30;
	v34 =	vadd.f32 v34, v48;
	v48 =	vld [tilespmem:s25+$0xC0]  }
0x14b: {  	[tilespmem:$0x1FEB0] =	vst v42;
	v52 =	vmul.f32 v55, v62;
	v62 =	vmul.f32 v55, v13;
	v13 =	vld [tilespmem:s19+$0xB0]  }
0x14c: {  	v31 =	vmul.f32 $2.000000030e-01, v12;
	v55 =	vmul.f32 v49, v14;
	[tilespmem:s24+$0x40] =	vst v44;
	v44 =	vld [tilespmem:s19+$0xFFFFFF80]  }
0x14d: {  	v9 =	vmovc v37;
	v14 =	vld [tilespmem:$0x1FFE0];
	v3 =	vmul.f32 $2.000000030e-01, v34;
	[tilespmem:s24+$0x0] =	vst v52;
	v52 =	vmul.f32 v49, v16;
	v16 =	vmov v58  }
0x14e: {  	(xrf2) =	vadd.scan.msk.f32 $0xffff, v61;
	v42 =	vmovc v41;
	v41 =	vld [tilespmem:s25+$0xD0];
	v58 =	vmax.f32 v12, v31;
	v31 =	vadd.f32 v60, v16;
	v60 =	vmov v43  }
0x14f: {  	v37 =	vmul.f32 v58, v2;
	v61 =	vmax.f32 v34, v3;
	[tilespmem:$0x1FEC0] =	vst v60;
	v60 =	vadd.f32 v48, v40;
	v48 =	vld [tilespmem:s19+$0xF0]  }
0x150: {  	[tilespmem:s24+$0x30] =	vst v62;
	s24 =	smov.u32 s10;
	v43 =	vld [tilespmem:s19+$0xE0];
	v0 =	vmul.f32 v61, v1;
	v17 =	vmov v13;
	v62 =	vmul.f32 $2.000000030e-01, v31;
	v22, _, _ =	vpop (xrf2)  }
0x151: {  	v7 =	vmovc v63;
	[tilespmem:s24+$0xA0] =	vst v52;
	v52 =	vld [tilespmem:s25+$0x0];
	v37 =	vadd.f32 $0.0e+00, v37;
	v63 =	vadd.f32 v45, v17;
	v61 =	vmul.f32 $1.442695020e+00, v22  }
0x152: {  	v58 =	vmul.f32 v49, v23;
	v45 =	vld [tilespmem:s25+$0xE0];
	v20 =	vmax.f32 v31, v62  }
0x153: {  	v23 =	vmovc v40;
	v22 =	vmovc v33;
	v33 =	vld [tilespmem:s19+$0x0];
	v0 =	vadd.f32 v0, v37;
	v31 =	vmul.f32 $2.000000030e-01, v63;
	v37 =	vbroadcast v61, $0xF  }
0x154: {  	v12 =	vld [tilespmem:$0x1FF90];
	[tilespmem:s24+$0x90] =	vst v55;
	v62 =	vadd.f32 v41, v22;
	v3 =	vmul.f32 v20, v5;
	v55 =	vadd.f32 v25, v48  }
0x155: {  	v40 =	vld [tilespmem:s25+$0xFFFFFF00];
	v4 =	vmax.f32 v63, v31;
	v31 =	vmul.f32 $2.000000030e-01, v60;
	v63, _, _ =	vpop (xrf2);
	(erf) = vpow2.f32 v37  }
0x156: {  	[tilespmem:s24+$0x80] =	vst v47;
	v0 =	vadd.f32 v3, v0;
	v20 =	vmovc v46;
	v46 =	vld [tilespmem:s25+$0xFFFFFF80];
	v41 =	vmul.f32 v4, v11;
	v47 =	vmul.f32 $1.442695020e+00, v63  }
0x157: {  	v13 =	vld [tilespmem:$0x1FFA0];
	v45 =	vadd.f32 v45, v43;
	v31 =	vmax.f32 v60, v31;
	v60 =	vmul.f32 $2.000000030e-01, v62  }
0x158: {  	[tilespmem:s24+$0xD0] =	vst v50;
	v50 =	vld [tilespmem:s19+$0xFFFFFF10];
	v61, _, _ =	vpop (xrf2);
	v52 =	vadd.f32 v52, v33;
	v0 =	vadd.f32 v41, v0;
	v4 =	vmul.f32 v31, v14  }
0x159: {  	v25 =	vmovc v51;
	v51 =	vld [tilespmem:s19+$0xFFFFFF00];
	v63 =	vmul.f32 $2.000000030e-01, v45;
	v41 =	vmul.f32 $1.442695020e+00, v61;
	v62 =	vmax.f32 v62, v60  }
0x15a: {  	[tilespmem:s24+$0xC0] =	vst v58;
	v58 =	vld [tilespmem:s25+$0x10];
	v61 =	vmul.f32 $2.000000030e-01, v55;
	v0 =	vadd.f32 v4, v0;
	v60 =	vmul.f32 v62, v12  }
0x15b: {  	v45 =	vmax.f32 v45, v63;
	v62 =	vbroadcast v47, $0xF;
	v63 =	vld [tilespmem:s25+$0xFFFFFF10];
	v46 =	vadd.f32 v46, v44  }
0x15c: {  	v30 =	vmovc v53;
	v47 =	vld [tilespmem:s19+$0xFFFFFF90];
	v53 =	vmax.f32 v55, v61;
	v41 =	vbroadcast v41, $0xF;
	v61 =	vmul.f32 $2.000000030e-01, v52  }
0x15d: {  	v55 =	vld [tilespmem:s25+$0xFFFFFF90];
	v45 =	vmul.f32 v45, v13;
	v0 =	vadd.f32 v60, v0;
	(erf) = vpow2.f32 v62  }
0x15e: {  	v37 =	vld [tilespmem:s19+$0x10];
	v40 =	vadd.f32 v40, v51;
	v3 =	vmul.f32 v53, v6;
	v60 =	vmul.f32 $2.000000030e-01, v46  }
0x15f: {  	v59 =	vld [tilespmem:s19+$0xFFFFFF20];
	v52 =	vmax.f32 v52, v61;
	(erf) = vpow2.f32 v41;
	v0 =	vadd.f32 v45, v0  }
0x160: {  	v53 =	vld [tilespmem:s25+$0xFFFFFF20];
	v62 =	vmul.f32 $2.000000030e-01, v40;
	v52 =	vmul.f32 v52, v2;
	v63 =	vadd.f32 v63, v50  }
0x161: {  	[tilespmem:s24+$0xB0] =	vst v57;
	v57 =	vld [tilespmem:s19+$0xFFFFFFA0];
	v46 =	vmax.f32 v46, v60;
	v60 =	vmul.f32 v49, v21;
	v0 =	vadd.f32 v3, v0  }
0x162: {  	v34 =	vmovc v56;
	v31 =	vmovc v54;
	v40 =	vmax.f32 v40, v62;
	v49 =	vadd.f32 v55, v47;
	v55 =	vld [tilespmem:s25+$0xFFFFFFA0];
	v61 =	vmul.f32 $2.000000030e-01, v63  }
0x163: {  	v56 =	vadd.f32 v58, v37;
	v54 =	vpop (erf);
	v46 =	vmul.f32 v46, v2;
	v62 =	vmul.f32 v40, v2;
	v40 =	vld [tilespmem:s19+$0x20];
	(xrf2) =	vadd.scan.msk.f32 $0xffff, v0  }
0x164: {  	v2 =	vmul.f32 v54, v27;
	[tilespmem:s24+$0xE0] =	vst v60;
	v60 =	vld [tilespmem:s25+$0x20];
	v45 =	vmul.f32 $2.000000030e-01, v49;
	v63 =	vmax.f32 v63, v61  }
0x165: {  	v21 =	vmovc v43;
	v53 =	vadd.f32 v53, v59;
	v43 =	vadd.f32 $0.0e+00, v62;
	v61 =	vld [tilespmem:s19+$0xFFFFFF30];
	v0 =	vmul.f32 v63, v1  }
0x166: {  	v46 =	vadd.f32 $0.0e+00, v46;
	v41 =	vmax.f32 v49, v45;
	v49 =	vmul.f32 $2.000000030e-01, v56;
	[tilespmem:s28+$0xFFFFFFE0] =	vst v54;
	v45 =	vld [tilespmem:s19+$0xFFFFFFB0];
	v58 =	vpop (erf)  }
0x167: {  	v3 =	vmul.f32 $2.000000030e-01, v53;
	v41 =	vmul.f32 v41, v1;
	v0 =	vadd.f32 v0, v43;
	v43 =	vld [tilespmem:s25+$0xFFFFFF30];
	[tilespmem:s28+$0xFFFFFFF0] =	vst v58  }
0x168: {  	v26 =	vmul.f32 v54, v26;
	v63 =	vadd.f32 v55, v57;
	v49 =	vmax.f32 v56, v49;
	v55 =	vpop (erf);
	v56 =	vld [tilespmem:s25+$0xFFFFFFB0]  }
0x169: {  	v52 =	vadd.f32 $0.0e+00, v52;
	v27 =	vmovc v51;
	v53 =	vmax.f32 v53, v3;
	v46 =	vadd.f32 v41, v46;
	v41 =	vld [tilespmem:s19+$0x30];
	[tilespmem:s28+$0x0] =	vst v55  }
0x16a: {  	v60 =	vadd.f32 v60, v40;
	v51 =	vmul.f32 v53, v5;
	v49 =	vmul.f32 v49, v1;
	[tilespmem:s24+$0xFFFFFF00] =	vst v2;
	v53 =	vld [tilespmem:s25+$0x30]  }
0x16b: {  	v62 =	vmul.f32 $2.000000030e-01, v63;
	[tilespmem:s24+$0xFFFFFF10] =	vst v26;
	v1 =	vmul.f32 v54, v29  }
0x16c: {  	v26 =	vmovc v50;
	v3 =	vld [tilespmem:s19+$0xFFFFFF40];
	v49 =	vadd.f32 v49, v52;
	v2 =	vadd.f32 v43, v61;
	v43 =	vmul.f32 $2.000000030e-01, v60  }
0x16d: {  	v50 =	vld [tilespmem:s25+$0xFFFFFF40];
	v0 =	vadd.f32 v51, v0;
	[tilespmem:s24+$0xFFFFFF20] =	vst v1;
	v1 =	vmul.f32 v54, v32;
	v52, _, _ =	vpop (xrf2);
	v56 =	vadd.f32 v56, v45  }
0x16e: {  	v29 =	vmovc v59;
	v51 =	vmax.f32 v63, v62;
	v32 =	vmovc v61;
	v61 =	vld [tilespmem:s25+$0xFFFFFFC0];
	v4 =	vmul.f32 $1.442695020e+00, v52;
	v59 =	vmax.f32 v60, v43  }
0x16f: {  	[tilespmem:s24+$0xFFFFFF30] =	vst v1;
	v52 =	vld [tilespmem:s19+$0xFFFFFFC0];
	v60 =	vmul.f32 $2.000000030e-01, v2;
	v53 =	vadd.f32 v53, v41;
	v1 =	vmul.f32 $2.000000030e-01, v56  }
0x170: {  	v51 =	vmul.f32 v51, v5;
	v62 =	vld [tilespmem:s25+$0xFFFFFF50];
	v4 =	vbroadcast v4, $0xF  }
0x171: {  	v43 =	vld [tilespmem:s19+$0x40];
	v2 =	vmax.f32 v2, v60;
	v1 =	vmax.f32 v56, v1;
	v56 =	vmul.f32 $2.000000030e-01, v53  }
0x172: {  	v60 =	vld [tilespmem:s19+$0xFFFFFF50];
	v2 =	vmul.f32 v2, v11;
	(erf) = vpow2.f32 v4  }
0x173: {  	v4 =	vadd.f32 v51, v46;
	v46 =	vmul.f32 v59, v5;
	v51 =	vld [tilespmem:s25+$0x40];
	v59 =	vadd.f32 v50, v3  }
0x174: {  	v1 =	vmul.f32 v1, v11;
	v50 =	vld [tilespmem:s19+$0xFFFFFFD0];
	v61 =	vadd.f32 v61, v52;
	v53 =	vmax.f32 v53, v56  }
0x175: {  	v0 =	vadd.f32 v2, v0;
	v2 =	vld [tilespmem:s25+$0xFFFFFFD0];
	v49 =	vadd.f32 v46, v49;
	v46 =	vmul.f32 $2.000000030e-01, v59  }
0x176: {  	v1 =	vadd.f32 v1, v4;
	v4 =	vmul.f32 v53, v11  }
0x177: {  	v56 =	vmul.f32 $2.000000030e-01, v61;
	v63 =	vmax.f32 v59, v46;
	v46 =	vld [tilespmem:s19+$0x50]  }
0x178: {  	v4 =	vadd.f32 v4, v49;
	v59 =	vld [tilespmem:s25+$0x50];
	v51 =	vadd.f32 v51, v43  }
0x179: {  	v53 =	vmul.f32 v63, v14;
	v63 =	vmul.f32 v54, v35;
	v11 =	vmax.f32 v61, v56  }
0x17a: {  	v35 =	vmovc v3;
	v3 =	vadd.f32 v62, v60;
	v62 =	vld [tilespmem:s19+$0xFFFFFF60];
	v5 =	vmul.f32 v11, v14;
	v2 =	vadd.f32 v2, v50  }
0x17b: {  	v61 =	vld [tilespmem:s25+$0xFFFFFF60];
	v56 =	vmul.f32 $2.000000030e-01, v51;
	v0 =	vadd.f32 v53, v0;
	[tilespmem:s24+$0xFFFFFF40] =	vst v63;
	v63 =	vmul.f32 v54, v36;
	v36 =	vmovc v60  }
0x17c: {  	v53 =	vld [tilespmem:s19+$0xFFFFFFE0];
	v1 =	vadd.f32 v5, v1;
	v11 =	vmov v6;
	v6 =	vmul.f32 $2.000000030e-01, v2;
	v49 =	vpop (erf)  }
0x17d: {  	s28 =	sadd.s32 $0x40, s28;
	v5 =	vld [tilespmem:s25+$0xFFFFFFE0];
	v51 =	vmax.f32 v51, v56;
	v59 =	vadd.f32 v59, v46;
	[tilespmem:s24+$0xFFFFFF50] =	vst v63;
	v48 =	vmul.f32 v49, v48  }
0x17e: {  	v60 =	vmul.f32 v51, v14;
	v14 =	vmovc v15;
	v15 =	vmov v7;
	[tilespmem:s28+$0x10] =	vst v49;
	v51 =	vld [tilespmem:s19+$0x60];
	v7 =	vmul.f32 v54, v38  }
0x17f: {  	v56 =	vmul.f32 $2.000000030e-01, v3;
	v54 =	vmul.f32 v54, v39;
	v2 =	vmax.f32 v2, v6;
	[tilespmem:s25+$0xF0] =	vst v48;
	v48 =	vld [tilespmem:s25+$0x60]  }
0x180: {  	v39 =	vld [tilespmem:s19+$0xFFFFFF70];
	v6 =	vmul.f32 $2.000000030e-01, v59;
	v4 =	vadd.f32 v60, v4;
	v60 =	vadd.f32 v61, v62;
	[tilespmem:s24+$0xFFFFFF60] =	vst v7  }
0x181: {  	v3 =	vmax.f32 v3, v56;
	v2 =	vmul.f32 v2, v12;
	v61 =	vld [tilespmem:s25+$0xFFFFFF70]  }
0x182: {  	v5 =	vadd.f32 v5, v53;
	v6 =	vmax.f32 v59, v6;
	v63 =	vmul.f32 $2.000000030e-01, v60  }
0x183: {  	v38 =	vmovc v62;
	v3 =	vmul.f32 v3, v12;
	v1 =	vadd.f32 v2, v1;
	v62 =	vmul.f32 v6, v12  }
0x184: {  	v56 =	vld [tilespmem:s19+$0xFFFFFFF0];
	v59 =	vmul.f32 $2.000000030e-01, v5;
	v6 =	vmax.f32 v60, v63;
	v48 =	vadd.f32 v48, v51  }
0x185: {  	v2 =	vld [tilespmem:s25+$0xFFFFFFF0];
	v0 =	vadd.f32 v3, v0;
	v60 =	vmul.f32 v58, v18;
	v6 =	vmul.f32 v6, v13  }
0x186: {  	v18 =	vmovc v44;
	v5 =	vmax.f32 v5, v59;
	v44 =	vadd.f32 v61, v39;
	v61 =	vmul.f32 $2.000000030e-01, v48  }
0x187: {  	[tilespmem:s24+$0xFFFFFF70] =	vst v54;
	v54 =	vld [tilespmem:s19+$0x70];
	v59 =	vadd.f32 v6, v0;
	v0 =	vmul.f32 v5, v13  }
0x188: {  	s11 =	sadd.s32 $0x4, s11;
	v3 =	vadd.f32 v62, v4;
	v4 =	vld [tilespmem:s25+$0x70];
	v63 =	vmax.f32 v48, v61  }
0x189: {  	p1 =	slt.u32 s11, $0x24;
	v5 =	vmul.f32 v58, v24;
	v24 =	vmovc v47;
	v47 =	vadd.f32 v0, v1;
	v0 =	vmul.f32 v63, v13;
	v63 =	vld [tilespmem:$0x1FEA0]  }
.Ltmp0:
0x18a: {  	[tilespmem:s24+$0xFFFFFF80] =	vst v60;
	v60 =	vadd.f32 v2, v56;
	(pc) =	sbr.rel @p1 .LBB2_4-.Ltmp0, $4  }
0x18b: {  	v7 =	vmul.f32 $2.000000030e-01, v44  }
0x18c: {  	v12 =	vmovc v9;
	v9 =	vmov v10;
	v62 =	vmul.f32 $2.000000030e-01, v60;
	[tilespmem:s24+$0xFFFFFF90] =	vst v5;
	v1 =	vmul.f32 v58, v28  }
0x18d: {  	v6 =	vmovc v11;
	v61 =	vadd.f32 v4, v54;
	v28 =	vmovc v57;
	v13 =	vmov v42;
	v48 =	vmax.f32 v44, v7  }
0x18e: {  	s10 =	smov.u32 s25;
	s19 =	sadd.s32 $0x200, s19;
	v57 =	vmul.f32 v48, v11;
	[tilespmem:s24+$0xFFFFFFA0] =	vst v1;
	v44 =	vadd.f32 v0, v3;
	v48 =	vmul.f32 v58, v63  }
0x18f: {  	v0 =	vmax.f32 v60, v62  }
0x190: {  	v1 =	vmul.f32 $2.000000030e-01, v61;
	v0 =	vmul.f32 v0, v6  }
0x191: {  	v2 =	vadd.f32 v57, v59  }
0x192: {  	v1 =	vmax.f32 v61, v1;
	v0 =	vadd.f32 v0, v47  }
0x193: {  	v1 =	vmul.f32 v1, v6;
	(xrf2) =	vadd.scan.msk.f32 $0xffff, v2  }
0x194: {  	v47 =	vmul.f32 v58, v19;
	(xrf2) =	vadd.scan.msk.f32 $0xffff, v0  }
0x195: {  	[tilespmem:s24+$0xFFFFFFB0] =	vst v48;
	v1 =	vadd.f32 v1, v44;
	v44 =	vmul.f32 v58, v9  }
0x196: {  	[tilespmem:s24+$0xFFFFFFD0] =	vst v47  }
0x197: {  	[tilespmem:s24+$0xFFFFFFC0] =	vst v44  }
0x198: {  	(xrf2) =	vadd.scan.msk.f32 $0xffff, v1;
	v1 =	vld [tilespmem:$0x1FEB0]  }
0x199: {  	v48 =	vmul.f32 v58, v30  }
0x19a: {  	v57 =	vmul.f32 v58, v34  }
0x19b: {  	v58 =	vmul.f32 v55, v12;
	[tilespmem:s24+$0xFFFFFFE0] =	vst v48  }
0x19c: {  	v3 =	vmul.f32 v55, v8;
	[tilespmem:s24+$0xFFFFFFF0] =	vst v57  }
0x19d: {  	v4 =	vld [tilespmem:$0x1FEC0];
	[tilespmem:s24+$0x10] =	vst v58;
	v1 =	vmul.f32 v55, v1;
	v60, _, _ =	vpop (xrf2)  }
0x19e: {  	v59 =	vmul.f32 v55, v13;
	[tilespmem:s24+$0x20] =	vst v3;
	v61 =	vmul.f32 $1.442695020e+00, v60;
	v62, _, _ =	vpop (xrf2)  }
0x19f: {  	v5 =	vmul.f32 v55, v20;
	[tilespmem:s24+$0x0] =	vst v1;
	v1 =	vmul.f32 $1.442695020e+00, v62  }
0x1a0: {  	v6 =	vmul.f32 v55, v25;
	[tilespmem:s24+$0x30] =	vst v59;
	v0 =	vbroadcast v61, $0xF  }
0x1a1: {  	v63 =	vmul.f32 v49, v15;
	[tilespmem:s24+$0x50] =	vst v5;
	v1 =	vbroadcast v1, $0xF  }
0x1a2: {  	v44 =	vmul.f32 v49, v14;
	[tilespmem:s24+$0x60] =	vst v6;
	(erf) = vpow2.f32 v0  }
0x1a3: {  	v47 =	vmul.f32 v49, v16;
	[tilespmem:s10+$0x80] =	vst v63;
	(erf) = vpow2.f32 v1  }
0x1a4: {  	v48 =	vmul.f32 v49, v17;
	[tilespmem:s10+$0x90] =	vst v44  }
0x1a5: {  	v57 =	vmul.f32 v49, v22;
	[tilespmem:s10+$0xA0] =	vst v47;
	v34, _, _ =	vpop (xrf2)  }
0x1a6: {  	[tilespmem:s10+$0xB0] =	vst v48;
	v4 =	vmul.f32 v55, v4;
	v2 =	vmul.f32 $1.442695020e+00, v34  }
0x1a7: {  	v58 =	vmul.f32 v49, v21;
	[tilespmem:s10+$0xD0] =	vst v57  }
0x1a8: {  	[tilespmem:s24+$0x40] =	vst v4;
	v4 =	vmul.f32 v55, v31;
	v42 =	vbroadcast v2, $0xF  }
0x1a9: {  	[tilespmem:s10+$0xE0] =	vst v58;
	v55 =	vmul.f32 v49, v23  }
0x1aa: {  	[tilespmem:s24+$0x70] =	vst v4;
	(erf) = vpow2.f32 v42  }
0x1ab: {  	[tilespmem:s10+$0xC0] =	vst v55;
	v59 =	vpop (erf)  }
0x1ac: {  	[tilespmem:s28+$0xFFFFFFE0] =	vst v59;
	v60 =	vmul.f32 v59, v27;
	v61 =	vpop (erf)  }
0x1ad: {  	v63 =	vmul.f32 v59, v26;
	[tilespmem:s28+$0xFFFFFFF0] =	vst v61  }
0x1ae: {  	v4 =	vmul.f32 v59, v29;
	[tilespmem:s10+$0xFFFFFF00] =	vst v60  }
0x1af: {  	v34 =	vmul.f32 v59, v32;
	[tilespmem:s10+$0xFFFFFF10] =	vst v63  }
0x1b0: {  	v36 =	vmul.f32 v59, v36;
	[tilespmem:s10+$0xFFFFFF20] =	vst v4  }
0x1b1: {  	v0 =	vmul.f32 v59, v39;
	[tilespmem:s10+$0xFFFFFF30] =	vst v34  }
0x1b2: {  	[tilespmem:s10+$0xFFFFFF50] =	vst v36  }
0x1b3: {  	v4 =	vmul.f32 v59, v35;
	[tilespmem:s10+$0xFFFFFF70] =	vst v0;
	v62 =	vpop (erf)  }
0x1b4: {  	v42 =	vmul.f32 v61, v18;
	[tilespmem:s28+$0x0] =	vst v62  }
0x1b5: {  	v44 =	vmul.f32 v61, v24;
	[tilespmem:s10+$0xFFFFFF40] =	vst v4  }
0x1b6: {  	v47 =	vmul.f32 v61, v28;
	[tilespmem:s10+$0xFFFFFF80] =	vst v42  }
0x1b7: {  	v48 =	vmul.f32 v61, v45;
	[tilespmem:s10+$0xFFFFFF90] =	vst v44  }
0x1b8: {  	v49 =	vmul.f32 v61, v52;
	[tilespmem:s10+$0xFFFFFFA0] =	vst v47  }
0x1b9: {  	v50 =	vmul.f32 v61, v50;
	[tilespmem:s10+$0xFFFFFFB0] =	vst v48  }
0x1ba: {  	v52 =	vmul.f32 v61, v53;
	[tilespmem:s10+$0xFFFFFFC0] =	vst v49  }
0x1bb: {  	v2 =	vmul.f32 v61, v56;
	[tilespmem:s10+$0xFFFFFFD0] =	vst v50  }
0x1bc: {  	v4 =	vmul.f32 v59, v38;
	[tilespmem:s10+$0xFFFFFFE0] =	vst v52  }
0x1bd: {  	v53 =	vmul.f32 v62, v33;
	[tilespmem:s10+$0xFFFFFFF0] =	vst v2  }
0x1be: {  	v55 =	vmul.f32 v62, v37;
	[tilespmem:s10+$0xFFFFFF60] =	vst v4  }
0x1bf: {  	v56 =	vmul.f32 v62, v40;
	[tilespmem:s10+$0x0] =	vst v53  }
0x1c0: {  	v57 =	vmul.f32 v62, v41;
	[tilespmem:s10+$0x10] =	vst v55  }
0x1c1: {  	v58 =	vmul.f32 v62, v43;
	[tilespmem:s10+$0x20] =	vst v56  }
0x1c2: {  	v59 =	vmul.f32 v62, v46;
	[tilespmem:s10+$0x30] =	vst v57  }
0x1c3: {  	s11 =	smul.u32 $0x140, s22;
	v60 =	vmul.f32 v62, v51;
	[tilespmem:s10+$0x40] =	vst v58  }
0x1c4: {  	v61 =	vmul.f32 v62, v54;
	[tilespmem:s10+$0x50] =	vst v59  }
0x1c5: {  	s11 =	sshra.s32 s11, $0x2;
	[tilespmem:s10+$0x60] =	vst v60  }
0x1c6: {  	s28 =	sadd.s32 $0x7D0, s11;
	[tilespmem:s10+$0x70] =	vst v61  }
0x1c7: {  	[spmem:s3] =	stream.indirect.scatter.add.f32 [tilespmem:s29], [sflag:$0x3], $0x80, s28, s0, $0xb8;
	[tilespmem:$0x1C4B0] =	vst v63  }
0x1c8: {  	_ = 	snop  }
0x1c9: {  	[spmem:s4] =	stream.indirect.scatter.add.f32 [tilespmem:s14], [sflag:$0x3], $0x10, s28, s0, $0xb8;
	[tilespmem:$0x1C4B0] =	vst v63  }
0x1ca: {  	_ =	swait.ge [sflag:s15], $0x1400  }
0x1cb: {  	[sflag:s15] =	ssyncset.done $0x0  }
0x1cc: {  	[sflag:s15] =	ssyncadd.s32 $0xFFFFEC00  }
0x1cd: {  	s24 =	sor.u32 $0x1, s26;
	_ =	swait.ge [sflag:s15], $0x1400  }
0x1ce: {  	p1 =	sgt.u32 s24, $0x30;
	[sflag:s15] =	ssyncset.done $0x0  }
0x1cf: {  	s10 =	simm.s32 @!p1 $0x3;
	[sflag:s15] =	ssyncadd.s32 $0xFFFFEC00  }
0x1d0: {  	_ =	swait.ge @!p1 [sflag:s10], $0x1400  }
0x1d1: {  	[sflag:s10] =	ssyncset.done @!p1 $0x0  }
0x1d2: {  	[sflag:s10] =	ssyncadd.s32 @!p1 $0xFFFFEC00  }
0x1d3: {  	_ =	swait.ge @!p1 [sflag:s10], $0x280  }
0x1d4: {  	s19 =	simm.s32 @!p1 $0xFA0;
	[sflag:s10] =	ssyncset.done @!p1 $0x0  }
0x1d5: {  	s11 =	simm.s32 @!p1 $0x28;
	[sflag:s10] =	ssyncadd.s32 @!p1 $0xFFFFFD80;
	s10 =	sadd.s32 @!p1 $0x50, s23  }
0x1d6: {  	[tilespmem:s19], [sflag:$0x1] =	stream.indirect.gather @!p1 [hbm4b:s1+s11], $0x80, s10, s11, $0xb8;
	[tilespmem:$0x1C4B0] =	vst v63  }
0x1d7: {  	s10 =	sadd.s32 @!p1 $0x820, s23;
	s19 =	simm.s32 @!p1 $0x37A0  }
0x1d8: {  	[tilespmem:s19], [sflag:$0x1] =	stream.indirect.gather @!p1 [hbm4b:s7+s11], $0x80, s10, s11, $0xb8;
	[tilespmem:$0x1C4B0] =	vst v63  }
0x1d9: {  	s11 =	simm.s32 $0x2590  }
0x1da: {  	s23 =	simm.s32 $0x4D90;
	v52 =	vld [tilespmem:s11+$0xFFFFFF90]  }
0x1db: {  	v62 =	vld [tilespmem:s23+$0xFFFFFF90]  }
0x1dc: {  	v47 =	vld [tilespmem:s11+$0xFFFFFFA0]  }
0x1dd: {  	v63 =	vld [tilespmem:s23+$0xFFFFFFA0]  }
0x1de: {  	v53 =	vld [tilespmem:s11+$0xFFFFFFB0]  }
0x1df: {  	v32 =	vld [tilespmem:s23+$0xFFFFFFB0]  }
0x1e0: {  	v43 =	vld [tilespmem:s11+$0xFFFFFFC0]  }
0x1e1: {  	v33 =	vld [tilespmem:s23+$0xFFFFFFC0]  }
0x1e2: {  	v50 =	vld [tilespmem:s11+$0xFFFFFFD0]  }
0x1e3: {  	v4 =	vld [tilespmem:s23+$0xFFFFFFD0]  }
0x1e4: {  	v51 =	vld [tilespmem:s11+$0xFFFFFFE0]  }
0x1e5: {  	v5 =	vld [tilespmem:s23+$0xFFFFFFE0]  }
0x1e6: {  	v7 =	vld [tilespmem:s11+$0xFFFFFE90]  }
0x1e7: {  	v48 =	vld [tilespmem:s11+$0xFFFFFFF0]  }
0x1e8: {  	v6 =	vld [tilespmem:s23+$0xFFFFFFF0]  }
0x1e9: {  	v55 =	vld [tilespmem:s11+$0x0]  }
0x1ea: {  	v16 =	vld [tilespmem:s23+$0x0]  }
0x1eb: {  	v18 =	vld [tilespmem:s23+$0xFFFFFE10];
	[tilespmem:$0x1FE60] =	vst v7  }
0x1ec: {  	v19 =	vld [tilespmem:s11+$0xFFFFFE10]  }
0x1ed: {  	v0 =	vadd.f32 v62, v52;
	_ =	sdelay $0x1  }
0x1ee: {  	v12 =	vld [tilespmem:s23+$0xFFFFFE90];
	v13 =	vmul.f32 $2.000000030e-01, v0  }
0x1ef: {  	v20 =	vld [tilespmem:s11+$0xFFFFFF10]  }
0x1f0: {  	v0 =	vmax.f32 v0, v13;
	v13 =	vld [tilespmem:s23+$0xFFFFFF10];
	[tilespmem:$0x1FE10] =	vst v19  }
0x1f1: {  	v22 =	vld [tilespmem:s11+$0xFFFFFE20];
	_ =	sdelay $0x4  }
0x1f2: {  	v1 =	vadd.f32 v63, v47;
	[tilespmem:$0x1FE20] =	vst v22  }
0x1f3: {  	v10 =	vld [tilespmem:s11+$0xFFFFFEA0]  }
0x1f4: {  	v2 =	vadd.f32 v32, v53;
	v14 =	vmul.f32 $2.000000030e-01, v1;
	_ =	sdelay $0x1  }
0x1f5: {  	v1 =	vmax.f32 v1, v14;
	v14 =	vmul.f32 $2.000000030e-01, v2  }
0x1f6: {  	v36 =	vld [tilespmem:$0x1FFF0]  }
0x1f7: {  	v3 =	vadd.f32 v33, v43;
	v2 =	vmax.f32 v2, v14;
	v14 =	vld [tilespmem:s23+$0xFFFFFE20];
	[tilespmem:$0x1FE70] =	vst v10  }
0x1f8: {  	v24 =	vld [tilespmem:s11+$0xFFFFFE30]  }
0x1f9: {  	v39 =	vld [tilespmem:$0x1FFB0];
	v4 =	vadd.f32 v4, v50;
	v15 =	vmul.f32 $2.000000030e-01, v3  }
0x1fa: {  	v42 =	vld [tilespmem:$0x1FFD0]  }
0x1fb: {  	v37 =	vmul.f32 $2.000000030e-01, v4;
	v35 =	vmax.f32 v3, v15;
	v15 =	vld [tilespmem:s23+$0xFFFFFEA0]  }
0x1fc: {  	v8 =	vld [tilespmem:s11+$0xFFFFFF20]  }
0x1fd: {  	v40 =	vmax.f32 v4, v37;
	v4 =	vadd.f32 v6, v48;
	v6 =	vld [tilespmem:s23+$0xFFFFFF20];
	[tilespmem:$0x1FE30] =	vst v24  }
0x1fe: {  	v5 =	vadd.f32 v5, v51;
	v21 =	vld [tilespmem:s11+$0xFFFFFEB0]  }
0x1ff: {  	v60 =	vld [tilespmem:$0x1FFC0]  }
0x200: {  	v59 =	vld [tilespmem:$0x1FFE0];
	v41 =	vmul.f32 $2.000000030e-01, v5  }
0x201: {  	v37 =	vld [tilespmem:$0x1FF90];
	v0 =	vmul.f32 v0, v36  }
0x202: {  	v45 =	vmax.f32 v5, v41;
	v38 =	vmul.f32 v35, v42;
	v35 =	vld [tilespmem:$0x1FFA0]  }
0x203: {  	v5 =	vadd.f32 v16, v55;
	v1 =	vmul.f32 v1, v39;
	v0 =	vadd.f32 $0.0e+00, v0;
	v16 =	vld [tilespmem:s23+$0xFFFFFE30];
	[tilespmem:$0x1FE80] =	vst v21  }
0x204: {  	v17 =	vld [tilespmem:s23+$0xFFFFFEB0]  }
0x205: {  	v34 =	vmul.f32 v2, v60;
	v0 =	vadd.f32 v1, v0;
	v9 =	vld [tilespmem:s11+$0xFFFFFF30]  }
0x206: {  	v46 =	vmul.f32 $2.000000030e-01, v4;
	v56 =	vmul.f32 $2.000000030e-01, v5;
	v61 =	vadd.f32 v18, v19;
	v19 =	vld [tilespmem:s23+$0xFFFFFF30];
	[tilespmem:$0x1FE00] =	vst v20  }
0x207: {  	v44 =	vmul.f32 v40, v59;
	v0 =	vadd.f32 v34, v0;
	v20 =	vadd.f32 v13, v20;
	v23 =	vld [tilespmem:s11+$0xFFFFFEC0]  }
0x208: {  	v54 =	vmax.f32 v4, v46;
	v4 =	vadd.f32 v12, v7;
	v58 =	vmax.f32 v5, v56  }
0x209: {  	v63 =	vmul.f32 $2.000000030e-01, v61;
	v0 =	vadd.f32 v38, v0;
	v12 =	vmul.f32 $2.000000030e-01, v20  }
0x20a: {  	v49 =	vmul.f32 v45, v37;
	v5 =	vmul.f32 $2.000000030e-01, v4;
	v13 =	vadd.f32 v14, v22  }
0x20b: {  	v62 =	vmul.f32 v58, v11;
	v57 =	vmul.f32 v54, v35;
	v0 =	vadd.f32 v44, v0;
	v54 =	vld [tilespmem:s11+$0xFFFFFE40]  }
0x20c: {  	v4 =	vmax.f32 v4, v5;
	v38 =	vadd.f32 v15, v10;
	v5 =	vld [tilespmem:s23+$0xFFFFFE40];
	v34 =	vmul.f32 $2.000000030e-01, v13;
	[tilespmem:$0x1FE90] =	vst v23  }
0x20d: {  	v32 =	vmul.f32 v4, v36;
	v0 =	vadd.f32 v49, v0;
	v15 =	vmax.f32 v20, v12;
	v12 =	vmovc v8;
	v4 =	vld [tilespmem:s23+$0xFFFFFEC0]  }
0x20e: {  	v2 =	vmax.f32 v13, v34;
	v13 =	vmul.f32 $2.000000030e-01, v38;
	v7 =	vld [tilespmem:s11+$0xFFFFFF40];
	v6 =	vadd.f32 v6, v12  }
0x20f: {  	v33 =	vmax.f32 v61, v63;
	v0 =	vadd.f32 v57, v0;
	v20 =	vmul.f32 v15, v36;
	v14 =	vld [tilespmem:s23+$0xFFFFFF40]  }
0x210: {  	v15 =	vadd.f32 v16, v24;
	v3 =	vmax.f32 v38, v13;
	v56 =	vld [tilespmem:s11+$0xFFFFFE50];
	v13 =	vmul.f32 $2.000000030e-01, v6  }
0x211: {  	v1 =	vmul.f32 v33, v36;
	v18 =	vadd.f32 v62, v0;
	v0 =	vadd.f32 $0.0e+00, v32;
	v16 =	vld [tilespmem:s23+$0xFFFFFE50]  }
0x212: {  	v17 =	vadd.f32 v17, v21;
	v8 =	vmovc v9;
	v9 =	vld [tilespmem:s11+$0xFFFFFED0];
	v41 =	vmul.f32 $2.000000030e-01, v15;
	v6 =	vmax.f32 v6, v13  }
0x213: {  	v5 =	vadd.f32 v5, v54;
	v21 =	vld [tilespmem:s23+$0xFFFFFED0];
	v44 =	vmul.f32 v6, v39;
	v6 =	vadd.f32 v19, v8  }
0x214: {  	v40 =	vmul.f32 v3, v39;
	v22 =	vld [tilespmem:s23+$0xFFFFFF50];
	v3 =	vmax.f32 v15, v41;
	v15 =	vmul.f32 $2.000000030e-01, v17  }
0x215: {  	v1 =	vadd.f32 $0.0e+00, v1;
	v2 =	vmul.f32 v2, v39;
	v57 =	vld [tilespmem:s11+$0xFFFFFE60];
	v19 =	vmul.f32 $2.000000030e-01, v6  }
0x216: {  	v10 =	vld [tilespmem:s11+$0xFFFFFE70];
	v0 =	vadd.f32 v40, v0;
	v15 =	vmax.f32 v17, v15;
	v17 =	vmul.f32 $2.000000030e-01, v5  }
0x217: {  	v4 =	vadd.f32 v4, v23;
	v23 =	vld [tilespmem:s23+$0xFFFFFE60];
	v45 =	vmax.f32 v6, v19;
	v6 =	vmul.f32 v15, v60  }
0x218: {  	v20 =	vadd.f32 $0.0e+00, v20;
	v1 =	vadd.f32 v2, v1;
	v3 =	vmul.f32 v3, v60;
	v13 =	vmovc v7;
	v7 =	vld [tilespmem:s11+$0xFFFFFF50]  }
0x219: {  	v5 =	vmax.f32 v5, v17;
	v17 =	vld [tilespmem:s23+$0xFFFFFEE0];
	v0 =	vadd.f32 v6, v0;
	v6 =	vadd.f32 v16, v56  }
0x21a: {  	v2 =	vadd.f32 v44, v20;
	v14 =	vadd.f32 v14, v13;
	v20 =	vld [tilespmem:s11+$0xFFFFFF60];
	v15 =	vmul.f32 $2.000000030e-01, v4  }
0x21b: {  	v1 =	vadd.f32 v3, v1;
	v5 =	vmul.f32 v5, v42;
	v19 =	vld [tilespmem:s11+$0xFFFFFEE0];
	v24 =	vmul.f32 $2.000000030e-01, v6  }
0x21c: {  	v21 =	vadd.f32 v21, v9;
	v4 =	vmax.f32 v4, v15;
	v15 =	vmul.f32 $2.000000030e-01, v14;
	v16 =	vld [tilespmem:s23+$0xFFFFFF60];
	[tilespmem:$0x1FE40] =	vst v10  }
0x21d: {  	v1 =	vadd.f32 v5, v1;
	v4 =	vmul.f32 v4, v42;
	v6 =	vmax.f32 v6, v24;
	v24 =	vld [tilespmem:s11+$0xFFFFFE80]  }
0x21e: {  	v5 =	vld [tilespmem:s23+$0xFFFFFE70];
	v46 =	vmax.f32 v14, v15;
	v14 =	vmul.f32 $2.000000030e-01, v21;
	v15 =	vadd.f32 v22, v7  }
0x21f: {  	v3 =	vmul.f32 v45, v60;
	v30 =	vld [tilespmem:s11+$0xFFFFFEF0];
	v22 =	vadd.f32 v23, v57;
	v0 =	vadd.f32 v4, v0  }
0x220: {  	v25 =	vld [tilespmem:s11+$0xFFFFFF70];
	v14 =	vmax.f32 v21, v14;
	v21 =	vmul.f32 $2.000000030e-01, v15;
	v4 =	vmul.f32 v6, v59  }
0x221: {  	v2 =	vadd.f32 v3, v2;
	v6 =	vld [tilespmem:s23+$0xFFFFFEF0];
	v49 =	vmul.f32 v14, v59;
	v14 =	vadd.f32 v17, v19  }
0x222: {  	v17 =	vmul.f32 $2.000000030e-01, v22;
	v15 =	vmax.f32 v15, v21;
	v1 =	vadd.f32 v4, v1;
	v4 =	vld [tilespmem:s23+$0xFFFFFF70];
	[tilespmem:$0x1FE50] =	vst v24  }
0x223: {  	v3 =	vmul.f32 v46, v42;
	v58 =	vmul.f32 v15, v59;
	v15 =	vadd.f32 v16, v20;
	v16 =	vld [tilespmem:s23+$0xFFFFFE80]  }
0x224: {  	v5 =	vadd.f32 v5, v10;
	v21 =	vmul.f32 $2.000000030e-01, v14;
	v17 =	vmax.f32 v22, v17;
	v34 =	vld [tilespmem:s11+$0xFFFFFF00]  }
0x225: {  	v2 =	vadd.f32 v3, v2;
	v0 =	vadd.f32 v49, v0;
	v17 =	vmul.f32 v17, v37;
	v22 =	vld [tilespmem:s23+$0xFFFFFF00]  }
0x226: {  	v14 =	vmax.f32 v14, v21;
	v21 =	vmul.f32 $2.000000030e-01, v5;
	v6 =	vadd.f32 v6, v30;
	v31 =	vld [tilespmem:s11+$0xFFFFFF80]  }
0x227: {  	s25 =	simm.s32 $0x4F90;
	v2 =	vadd.f32 v58, v2;
	v61 =	vmul.f32 $2.000000030e-01, v15;
	v1 =	vadd.f32 v17, v1;
	v17 =	vld [tilespmem:s23+$0xFFFFFF80]  }
0x228: {  	s19 =	simm.s32 $0x2790;
	v14 =	vmul.f32 v14, v37;
	v23 =	vld [tilespmem:s25+$0xFFFFFF90];
	v5 =	vmax.f32 v5, v21;
	v21 =	vmul.f32 $2.000000030e-01, v6  }
0x229: {  	v3 =	vmax.f32 v15, v61;
	v15 =	vld [tilespmem:s19+$0xFFFFFF90];
	v4 =	vadd.f32 v4, v25;
	v5 =	vmul.f32 v5, v35  }
0x22a: {  	v0 =	vadd.f32 v14, v0;
	v3 =	vmul.f32 v3, v37;
	v14 =	vld [tilespmem:s19+$0xFFFFFFA0];
	v6 =	vmax.f32 v6, v21  }
0x22b: {  	v1 =	vadd.f32 v5, v1;
	v5 =	vld [tilespmem:s25+$0xFFFFFFA0];
	v24 =	vadd.f32 v16, v24;
	v16 =	vmul.f32 $2.000000030e-01, v4  }
0x22c: {  	v2 =	vadd.f32 v3, v2;
	v62 =	vmul.f32 v6, v35  }
0x22d: {  	v21 =	vadd.f32 v22, v34;
	v22 =	vld [tilespmem:s25+$0xFFFFFFB0];
	v6 =	vmul.f32 $2.000000030e-01, v24;
	v4 =	vmax.f32 v4, v16  }
0x22e: {  	v26 =	vadd.f32 v23, v15;
	v16 =	vld [tilespmem:s19+$0xFFFFFFB0];
	v63 =	vmul.f32 v4, v35;
	v4 =	vadd.f32 v17, v31  }
0x22f: {  	v27 =	vld [tilespmem:s25+$0xFFFFFFC0];
	v0 =	vadd.f32 v62, v0;
	v6 =	vmax.f32 v24, v6;
	v24 =	vmul.f32 $2.000000030e-01, v21  }
0x230: {  	v17 =	vld [tilespmem:s19+$0xFFFFFFC0];
	v5 =	vadd.f32 v5, v14;
	v6 =	vmul.f32 v6, v11;
	v32 =	vmul.f32 $2.000000030e-01, v4  }
0x231: {  	(xrf2) =	vadd.scan.msk.f32 $0xffff, v18;
	v23 =	vld [tilespmem:s19+$0xFFFFFFD0];
	v2 =	vadd.f32 v63, v2;
	v18 =	vmax.f32 v21, v24;
	v21 =	vmul.f32 $2.000000030e-01, v26  }
0x232: {  	v1 =	vadd.f32 v6, v1;
	v6 =	vmul.f32 v18, v11;
	v3 =	vmax.f32 v4, v32;
	v4 =	vld [tilespmem:s25+$0xFFFFFFD0]  }
0x233: {  	v24 =	vadd.f32 v22, v16;
	v22 =	vld [tilespmem:s19+$0xFFFFFFE0];
	v18 =	vmax.f32 v26, v21;
	v21 =	vmul.f32 $2.000000030e-01, v5  }
0x234: {  	v3 =	vmul.f32 v3, v11;
	v0 =	vadd.f32 v6, v0;
	v6 =	vmul.f32 v18, v36;
	v18 =	vld [tilespmem:s25+$0xFFFFFFE0]  }
0x235: {  	v27 =	vadd.f32 v27, v17;
	v5 =	vmax.f32 v5, v21;
	v21 =	vld [tilespmem:s19+$0xFFFFFFF0]  }
0x236: {  	v26 =	vmul.f32 $2.000000030e-01, v24;
	v33 =	vadd.f32 v3, v2;
	v40 =	vmul.f32 v5, v39;
	v5 =	vld [tilespmem:s25+$0xFFFFFFF0]  }
0x237: {  	(xrf2) =	vadd.scan.msk.f32 $0xffff, v1;
	v38 =	vadd.f32 $0.0e+00, v6;
	v6 =	vmul.f32 $2.000000030e-01, v27;
	v4 =	vadd.f32 v4, v23  }
0x238: {  	(xrf2) =	vadd.scan.msk.f32 $0xffff, v0;
	v41 =	vmax.f32 v24, v26  }
0x239: {  	v45 =	vld [tilespmem:s25+$0x0];
	(xrf2) =	vadd.scan.msk.f32 $0xffff, v33;
	v46 =	vmax.f32 v27, v6;
	v6 =	vmul.f32 $2.000000030e-01, v4;
	v24 =	vadd.f32 v18, v22  }
0x23a: {  	v61 =	vld [tilespmem:s19+$0x0];
	v0 =	vmul.f32 v41, v60;
	v44 =	vadd.f32 v40, v38  }
0x23b: {  	v4 =	vmax.f32 v4, v6;
	v6 =	vmul.f32 $2.000000030e-01, v24;
	v5 =	vadd.f32 v5, v21  }
0x23c: {  	v28 =	vld [tilespmem:s25+$0xFFFFFE10];
	v49 =	vmul.f32 v46, v42;
	v0 =	vadd.f32 v0, v44  }
0x23d: {  	v10 =	vld [tilespmem:s19+$0xFFFFFE90];
	v62 =	vmul.f32 v4, v59;
	v4 =	vmax.f32 v24, v6;
	v6 =	vmul.f32 $2.000000030e-01, v5  }
0x23e: {  	v29 =	vld [tilespmem:s25+$0xFFFFFE90];
	v0 =	vadd.f32 v49, v0  }
0x23f: {  	v32 =	vld [tilespmem:s25+$0xFFFFFF10];
	v2 =	vadd.f32 v45, v61  }
0x240: {  	v58, _, _ =	vpop (xrf2);
	v26 =	vld [tilespmem:s19+$0xFFFFFE20];
	v0 =	vadd.f32 v62, v0;
	v63 =	vmul.f32 v4, v37  }
0x241: {  	v27 =	vld [tilespmem:s19+$0xFFFFFE10];
	v4 =	vmax.f32 v5, v6;
	v5 =	vmul.f32 $2.000000030e-01, v2;
	v6, _, _ =	vpop (xrf2)  }
0x242: {  	v24 =	vld [tilespmem:s19+$0xFFFFFEA0];
	v0 =	vadd.f32 v63, v0;
	v37 =	vmul.f32 v4, v35;
	v38, _, _ =	vpop (xrf2)  }
0x243: {  	v62 =	vld [tilespmem:s25+$0xFFFFFF20];
	v2 =	vmax.f32 v2, v5;
	v5 =	vmul.f32 $1.442695020e+00, v6;
	v6, _, _ =	vpop (xrf2)  }
0x244: {  	v0 =	vadd.f32 v37, v0;
	v40 =	vmul.f32 v2, v11;
	v44 =	vmul.f32 $1.442695020e+00, v6;
	v6 =	vld [tilespmem:s25+$0xFFFFFEA0]  }
0x245: {  	v3 =	vmul.f32 $1.442695020e+00, v58;
	v4 =	vld [tilespmem:s25+$0xFFFFFE20]  }
0x246: {  	v45 =	vadd.f32 v29, v10;
	v37 =	vld [tilespmem:s19+$0xFFFFFF20];
	v0 =	vadd.f32 v40, v0  }
0x247: {  	v33 =	vld [tilespmem:s19+$0xFFFFFF10];
	v3 =	vbroadcast v3, $0xF;
	v41 =	vmul.f32 $1.442695020e+00, v38  }
0x248: {  	v58 =	vadd.f32 v28, v27;
	v28 =	vmul.f32 $2.000000030e-01, v45;
	v5 =	vbroadcast v5, $0xF;
	(xrf2) =	vadd.scan.msk.f32 $0xffff, v0  }
0x249: {  	(erf) = vpow2.f32 v3;
	v46 =	vbroadcast v41, $0xF;
	v6 =	vadd.f32 v6, v24  }
0x24a: {  	v29 =	vld [tilespmem:s19+$0xFFFFFE30];
	v40 =	vmax.f32 v45, v28;
	v38 =	vadd.f32 v4, v26;
	(erf) = vpow2.f32 v5  }
0x24b: {  	v4 =	vld [tilespmem:s25+$0xFFFFFE30];
	(erf) = vpow2.f32 v46;
	v41 =	vadd.f32 v62, v37;
	v46 =	vmul.f32 $2.000000030e-01, v6  }
0x24c: {  	v63 =	vmul.f32 $2.000000030e-01, v58;
	v28 =	vld [tilespmem:s19+$0xFFFFFEB0];
	v2 =	vmul.f32 v40, v36;
	v5 =	vadd.f32 v32, v33  }
0x24d: {  	v45 =	vld [tilespmem:s25+$0xFFFFFEB0];
	v49 =	vbroadcast v44, $0xF;
	v3 =	vmax.f32 v6, v46;
	v6 =	vmul.f32 $2.000000030e-01, v41  }
0x24e: {  	v0 =	vmax.f32 v58, v63;
	v44 =	vmul.f32 $2.000000030e-01, v38;
	v32 =	vmul.f32 $2.000000030e-01, v5  }
0x24f: {  	v0 =	vmul.f32 v0, v36;
	(erf) = vpow2.f32 v49;
	v6 =	vmax.f32 v41, v6  }
0x250: {  	v40 =	vld [tilespmem:s19+$0xFFFFFF30];
	v1 =	vmax.f32 v38, v44;
	v5 =	vmax.f32 v5, v32;
	v4 =	vadd.f32 v4, v29  }
0x251: {  	v58 =	vld [tilespmem:s25+$0xFFFFFF30];
	v0 =	vadd.f32 $0.0e+00, v0;
	v1 =	vmul.f32 v1, v39;
	v5 =	vmul.f32 v5, v36  }
0x252: {  	v35 =	vadd.f32 v45, v28;
	v49 =	vmul.f32 $2.000000030e-01, v4;
	v46 =	vmul.f32 v6, v39;
	v6, _, _ =	vpop (xrf2)  }
0x253: {  	v62 =	vld [tilespmem:s25+$0xFFFFFE40];
	v36 =	vadd.f32 v1, v0;
	v6 =	vmul.f32 $1.442695020e+00, v6  }
0x254: {  	v32 =	vld [tilespmem:s19+$0xFFFFFE40];
	v5 =	vadd.f32 $0.0e+00, v5;
	v1 =	vmax.f32 v4, v49;
	v49 =	vmul.f32 $2.000000030e-01, v35  }
0x255: {  	v2 =	vadd.f32 $0.0e+00, v2;
	v3 =	vmul.f32 v3, v39;
	v6 =	vbroadcast v6, $0xF  }
0x256: {  	v4 =	vadd.f32 v58, v40;
	v39 =	vadd.f32 v46, v5;
	v46 =	vmax.f32 v35, v49;
	v35 =	vld [tilespmem:s19+$0xFFFFFE50]  }
0x257: {  	v0 =	vpop (erf);
	(erf) = vpow2.f32 v6;
	v6 =	vld [tilespmem:s25+$0xFFFFFE50]  }
0x258: {  	s28 =	simm.s32 $0x6250;
	v47 =	vmul.f32 v0, v47;
	v38 =	vadd.f32 v3, v2;
	v2 =	vmul.f32 $2.000000030e-01, v4  }
0x259: {  	v63 =	vld [tilespmem:s25+$0xFFFFFEC0];
	v53 =	vmul.f32 v0, v53;
	[tilespmem:s28+$0x0] =	vst v0;
	v1 =	vmul.f32 v1, v60;
	v62 =	vadd.f32 v62, v32  }
0x25a: {  	v45 =	vld [tilespmem:s19+$0xFFFFFEC0];
	[tilespmem:s23+$0xFFFFFFA0] =	vst v47;
	v2 =	vmax.f32 v4, v2;
	v4 =	vmul.f32 v0, v55  }
0x25b: {  	[tilespmem:s23+$0xFFFFFFB0] =	vst v53;
	v44 =	vadd.f32 v1, v36;
	v49 =	vmul.f32 $2.000000030e-01, v62;
	v55 =	vmul.f32 v0, v52  }
0x25c: {  	v36 =	vmul.f32 v46, v60;
	v46 =	vmul.f32 v0, v50;
	[tilespmem:s23+$0x0] =	vst v4;
	v6 =	vadd.f32 v6, v35  }
0x25d: {  	v51 =	vmul.f32 v0, v51;
	v58 =	vmax.f32 v62, v49;
	v49 =	vmul.f32 v0, v43;
	[tilespmem:s23+$0xFFFFFF90] =	vst v55  }
0x25e: {  	v41 =	vld [tilespmem:s19+$0xFFFFFF40];
	v2 =	vmul.f32 v2, v60;
	[tilespmem:s23+$0xFFFFFFD0] =	vst v46;
	v60 =	vmul.f32 $2.000000030e-01, v6  }
0x25f: {  	v48 =	vmul.f32 v0, v48;
	v52 =	vld [tilespmem:s19+$0xFFFFFED0];
	v62 =	vadd.f32 v63, v45;
	[tilespmem:s23+$0xFFFFFFC0] =	vst v49  }
0x260: {  	v6 =	vmax.f32 v6, v60;
	v60 =	vld [tilespmem:$0x1FE10];
	[tilespmem:s23+$0xFFFFFFE0] =	vst v51  }
0x261: {  	v63 =	vld [tilespmem:s25+$0xFFFFFED0];
	v50 =	vmul.f32 $2.000000030e-01, v62;
	[tilespmem:s23+$0xFFFFFFF0] =	vst v48  }
0x262: {  	v3 =	vadd.f32 v36, v38;
	v18 =	vld [tilespmem:$0x1FE20]  }
0x263: {  	v5 =	vld [tilespmem:s25+$0xFFFFFF40];
	v0 =	vmax.f32 v62, v50  }
0x264: {  	v0 =	vmul.f32 v0, v42  }
0x265: {  	v1 =	vld [tilespmem:s25+$0xFFFFFF50];
	v38 =	vadd.f32 v2, v39  }
0x266: {  	v43 =	vld [tilespmem:s19+$0xFFFFFF50];
	v4 =	vadd.f32 v63, v52;
	v2 =	vadd.f32 v0, v3;
	v3 =	vpop (erf)  }
0x267: {  	v50 =	vmul.f32 v58, v42;
	v46 =	vmul.f32 v3, v18;
	v18 =	vld [tilespmem:$0x1FE30]  }
0x268: {  	v39 =	vld [tilespmem:s25+$0xFFFFFEE0];
	v5 =	vadd.f32 v5, v41;
	v63 =	vmul.f32 $2.000000030e-01, v4  }
0x269: {  	v44 =	vadd.f32 v50, v44;
	v50 =	vld [tilespmem:s19+$0xFFFFFEE0]  }
0x26a: {  	v47 =	vld [tilespmem:s19+$0xFFFFFF60];
	v58 =	vmul.f32 $2.000000030e-01, v5;
	v4 =	vmax.f32 v4, v63;
	v0 =	vmul.f32 v3, v60  }
0x26b: {  	v36 =	vld [tilespmem:s19+$0xFFFFFE60];
	v4 =	vmul.f32 v4, v59;
	[tilespmem:s28+$0xFFFFFFD0] =	vst v3  }
0x26c: {  	v1 =	vadd.f32 v1, v43;
	v5 =	vmax.f32 v5, v58;
	v63 =	vld [tilespmem:s25+$0xFFFFFF60];
	[tilespmem:s23+$0xFFFFFE10] =	vst v0;
	v48 =	vmul.f32 v3, v18  }
0x26d: {  	v62 =	vld [tilespmem:s25+$0xFFFFFE60];
	v5 =	vmul.f32 v5, v42;
	v42 =	vadd.f32 v4, v2;
	v4 =	vmul.f32 v3, v54;
	[tilespmem:s23+$0xFFFFFE20] =	vst v46  }
0x26e: {  	v49 =	vmul.f32 $2.000000030e-01, v1;
	v0 =	vmul.f32 v3, v57;
	v57 =	vadd.f32 v39, v50;
	v39 =	vld [tilespmem:$0x1FE40];
	[tilespmem:s23+$0xFFFFFE30] =	vst v48  }
0x26f: {  	v48 =	vld [tilespmem:$0x1FE50];
	[tilespmem:s23+$0xFFFFFE40] =	vst v4  }
0x270: {  	v58 =	vpop (erf);
	v1 =	vmax.f32 v1, v49;
	v18 =	vld [tilespmem:$0x1FF90]  }
0x271: {  	v55 =	vpop (erf);
	v1 =	vmul.f32 v1, v59;
	v54 =	vmul.f32 v3, v56;
	v46 =	vadd.f32 v63, v47  }
0x272: {  	v53 =	vld [tilespmem:s19+$0xFFFFFEF0];
	v62 =	vadd.f32 v62, v36;
	v49 =	vpop (erf);
	v6 =	vmul.f32 v6, v59;
	v63 =	vmul.f32 $2.000000030e-01, v57  }
0x273: {  	s26 =	simm.s32 $0x6290;
	v5 =	vadd.f32 v5, v38;
	v38 =	vld [tilespmem:s19+$0xFFFFFE70];
	v61 =	vmul.f32 v49, v61;
	v2 =	vmul.f32 $2.000000030e-01, v46;
	[tilespmem:s23+$0xFFFFFE50] =	vst v54  }
0x274: {  	v56 =	vld [tilespmem:s25+$0xFFFFFEF0];
	v59 =	vmul.f32 v3, v39;
	[tilespmem:s26+$0x0] =	vst v49;
	v3 =	vmul.f32 v3, v48;
	v48 =	vmax.f32 v57, v63  }
0x275: {  	v51 =	vld [tilespmem:s19+$0xFFFFFF70];
	v2 =	vmax.f32 v46, v2;
	[tilespmem:s23+$0xFFFFFE60] =	vst v0;
	v46 =	vmul.f32 v48, v18  }
0x276: {  	v60 =	vadd.f32 v6, v44;
	v6 =	vld [tilespmem:s25+$0xFFFFFE70];
	v44 =	vmul.f32 $2.000000030e-01, v62;
	[tilespmem:s25+$0x0] =	vst v61  }
0x277: {  	v0 =	vadd.f32 v46, v42;
	v42 =	vld [tilespmem:$0x1FFA0];
	[tilespmem:s23+$0xFFFFFE70] =	vst v59  }
0x278: {  	v44 =	vmax.f32 v62, v44;
	v62 =	vld [tilespmem:s25+$0xFFFFFF70];
	[tilespmem:s23+$0xFFFFFE80] =	vst v3  }
0x279: {  	v3 =	vld [tilespmem:$0x1FE60];
	_ =	sdelay $0x1  }
0x27a: {  	v1 =	vadd.f32 v1, v5;
	v5 =	vld [tilespmem:s25+$0xFFFFFF00];
	v6 =	vadd.f32 v6, v38;
	v4 =	vmul.f32 v44, v18  }
0x27b: {  	v57 =	vadd.f32 v56, v53;
	v56 =	vld [tilespmem:s19+$0xFFFFFF00]  }
0x27c: {  	v63 =	vmul.f32 $2.000000030e-01, v6;
	v4 =	vadd.f32 v4, v60;
	v60 =	vadd.f32 v62, v51  }
0x27d: {  	[tilespmem:s28+$0xFFFFFFE0] =	vst v58;
	v3 =	vmul.f32 v58, v3  }
0x27e: {  	v2 =	vmul.f32 v2, v18;
	v6 =	vmax.f32 v6, v63;
	v63 =	vmul.f32 $2.000000030e-01, v60;
	v18 =	vld [tilespmem:$0x1FE70]  }
0x27f: {  	[tilespmem:s23+$0xFFFFFE90] =	vst v3  }
0x280: {  	v46 =	vmax.f32 v60, v63;
	v60 =	vadd.f32 v5, v56;
	v5 =	vld [tilespmem:$0x1FE80]  }
0x281: {  	v48 =	vmul.f32 $2.000000030e-01, v57  }
0x282: {  	v39 =	vld [tilespmem:s19+$0xFFFFFE80]  }
0x283: {  	v44 =	vld [tilespmem:s25+$0xFFFFFE80];
	v62 =	vmax.f32 v57, v48;
	v48 =	vmul.f32 v58, v18;
	_ =	sdelay $0x1  }
0x284: {  	[tilespmem:s23+$0xFFFFFEA0] =	vst v48;
	v5 =	vmul.f32 v58, v5  }
0x285: {  	v54 =	vld [tilespmem:s19+$0xFFFFFF80];
	[tilespmem:s28+$0xFFFFFFF0] =	vst v55  }
0x286: {  	v1 =	vadd.f32 v2, v1;
	v2 =	vld [tilespmem:s25+$0xFFFFFF80];
	[tilespmem:s23+$0xFFFFFEB0] =	vst v5  }
0x287: {  	v61 =	vadd.f32 v44, v39;
	v63 =	vld [tilespmem:$0x1FE90]  }
0x288: {  	v6 =	vmul.f32 v6, v42;
	v44 =	vmul.f32 v62, v42  }
0x289: {  	v57 =	vmul.f32 $2.000000030e-01, v61;
	v42 =	vmul.f32 v46, v42  }
0x28a: {  	v62 =	vmul.f32 $2.000000030e-01, v60;
	v59 =	vadd.f32 v6, v4  }
0x28b: {  	v46 =	vadd.f32 v44, v0;
	v57 =	vmax.f32 v61, v57;
	v44 =	vadd.f32 v42, v1  }
0x28c: {  	s10 =	simm.s32 $0x4F90;
	s11 =	simm.s32 $0x4;
	s19 =	simm.s32 $0x2990;
	v61 =	vadd.f32 v2, v54;
	v57 =	vmul.f32 v57, v11;
	v6 =	vmovc v11;
	v48 =	vmul.f32 v58, v63  }
.LBB2_6:
0x28d: {  	v0 =	vld [tilespmem:s19+$0xFFFFFF90]  }
0x28e: {  	s25 =	sadd.s32 $0x200, s25;
	v4 =	vmov v52;
	v63 =	vmul.f32 v55, v13;
	v13 =	vld [tilespmem:s19+$0xFFFFFFC0]  }
0x28f: {  	[tilespmem:$0x1FDE0] =	vst v4;
	v4 =	vld [tilespmem:s25+$0xFFFFFF90]  }
0x290: {  	v5 =	vmov v45;
	v52 =	vld [tilespmem:s25+$0xFFFFFFA0]  }
0x291: {  	[tilespmem:$0x1FDF0] =	vst v5;
	v5 =	vadd.f32 v57, v59;
	v57 =	vld [tilespmem:s19+$0xFFFFFFB0]  }
0x292: {  	v1 =	vmax.f32 v60, v62;
	[tilespmem:s23+$0xFFFFFEC0] =	vst v48;
	v48 =	vmul.f32 v58, v30;
	v59 =	vld [tilespmem:s25+$0xFFFFFFB0]  }
0x293: {  	v1 =	vmul.f32 v1, v6;
	v6 =	vmul.f32 v58, v19;
	v19 =	vld [tilespmem:s19+$0xFFFFFFA0]  }
0x294: {  	v2 =	vmul.f32 $2.000000030e-01, v61;
	v30 =	vmul.f32 v58, v34;
	[tilespmem:s23+$0xFFFFFF40] =	vst v63;
	(xrf2) =	vadd.scan.msk.f32 $0xffff, v5;
	v5 =	vld [tilespmem:$0x1FE00]  }
0x295: {  	[tilespmem:s23+$0xFFFFFEF0] =	vst v48;
	v48 =	vmul.f32 v55, v20;
	v20 =	vmul.f32 v55, v25;
	v25 =	vld [tilespmem:s25+$0xFFFFFFC0]  }
0x296: {  	v2 =	vmax.f32 v61, v2;
	[tilespmem:s23+$0xFFFFFF00] =	vst v30;
	v61 =	vld [tilespmem:s19+$0xFFFFFFD0]  }
0x297: {  	v30 =	vmul.f32 v55, v31;
	[tilespmem:s23+$0xFFFFFEE0] =	vst v6;
	v6 =	vmul.f32 v55, v12;
	v12 =	vmov v33;
	v33 =	vld [tilespmem:s25+$0xFFFFFFE0]  }
0x298: {  	v3 =	vmul.f32 v58, v9;
	v9 =	vmovc v37;
	v37 =	vmul.f32 v55, v7;
	v7 =	vmov v43;
	v43 =	vld [tilespmem:s19+$0xFFFFFFF0];
	[tilespmem:s23+$0xFFFFFF60] =	vst v48  }
0x299: {  	v58 =	vmul.f32 v55, v8;
	v8 =	vmov v40;
	v40 =	vmul.f32 v49, v14;
	v14 =	vld [tilespmem:$0x1FFE0];
	[tilespmem:s23+$0xFFFFFF70] =	vst v20  }
0x29a: {  	v48 =	vld [tilespmem:s19+$0x0];
	[tilespmem:s23+$0xFFFFFF80] =	vst v30;
	v4 =	vadd.f32 v4, v0  }
0x29b: {  	v2 =	vmul.f32 v2, v11;
	[tilespmem:s23+$0xFFFFFF20] =	vst v6;
	v6 =	vld [tilespmem:s19+$0xFFFFFFE0];
	v31 =	vadd.f32 v52, v19;
	v5 =	vmul.f32 v55, v5  }
0x29c: {  	v1 =	vadd.f32 v1, v46;
	v18 =	vmov v0;
	[tilespmem:s23+$0xFFFFFF30] =	vst v58;
	v58 =	vld [tilespmem:$0x1FFF0];
	v60 =	vmul.f32 $2.000000030e-01, v4  }
0x29d: {  	v2 =	vadd.f32 v2, v44;
	v52 =	vmul.f32 v49, v16;
	v16 =	vmovc v57;
	v62 =	vmul.f32 $2.000000030e-01, v31;
	[tilespmem:s23+$0xFFFFFF10] =	vst v5;
	v5 =	vld [tilespmem:s25+$0xFFFFFFD0]  }
0x29e: {  	(xrf2) =	vadd.scan.msk.f32 $0xffff, v1;
	v44 =	vmul.f32 v49, v15;
	v0 =	vmax.f32 v4, v60;
	v4 =	vadd.f32 v59, v16;
	v59 =	vld [tilespmem:$0x1FFB0]  }
0x29f: {  	[tilespmem:s23+$0xFFFFFED0] =	vst v3;
	v55 =	vmul.f32 v49, v17;
	(xrf2) =	vadd.scan.msk.f32 $0xffff, v2;
	v17 =	vmovc v13;
	v2 =	vmax.f32 v31, v62;
	v31 =	vld [tilespmem:s25+$0xFFFFFFF0]  }
0x2a0: {  	[tilespmem:s23+$0xFFFFFF50] =	vst v37;
	v25 =	vadd.f32 v25, v17;
	s23 =	smov.u32 s10;
	v62 =	vld [tilespmem:$0x1FFC0]  }
0x2a1: {  	[tilespmem:s23+$0xFFFFFF90] =	vst v44;
	v44 =	vld [tilespmem:s19+$0xFFFFFE90]  }
0x2a2: {  	v46 =	vmul.f32 $2.000000030e-01, v25;
	[tilespmem:s23+$0xFFFFFFA0] =	vst v40;
	v40 =	vld [tilespmem:s25+$0xFFFFFE90]  }
0x2a3: {  	[tilespmem:s23+$0xFFFFFFB0] =	vst v52;
	v52 =	vld [tilespmem:s25+$0xFFFFFE30];
	v63 =	vmul.f32 $2.000000030e-01, v4  }
0x2a4: {  	v0 =	vmul.f32 v0, v58;
	v3 =	vmax.f32 v25, v46;
	v46 =	vld [tilespmem:s19+$0xFFFFFEA0]  }
0x2a5: {  	v37 =	vmul.f32 v49, v22;
	v22, _, _ =	vpop (xrf2);
	v45 =	vmax.f32 v4, v63;
	v63 =	vld [tilespmem:$0x1FFD0]  }
0x2a6: {  	v0 =	vadd.f32 $0.0e+00, v0;
	v4 =	vadd.f32 v5, v61;
	v5 =	vmul.f32 $1.442695020e+00, v22;
	v22 =	vmovc v6;
	v6 =	vld [tilespmem:s25+$0xFFFFFE10]  }
0x2a7: {  	v2 =	vmul.f32 v2, v59;
	v57 =	vadd.f32 v33, v22;
	v31 =	vadd.f32 v31, v43;
	v33 =	vld [tilespmem:s19+$0xFFFFFF10]  }
0x2a8: {  	[tilespmem:$0x1FE00] =	vst v12;
	v15 =	vmov v19;
	v1 =	vmul.f32 v45, v62;
	v45 =	vld [tilespmem:s25+$0xFFFFFF10];
	v25 =	vmul.f32 $2.000000030e-01, v4  }
0x2a9: {  	[tilespmem:s23+$0xFFFFFFC0] =	vst v55;
	v20, _, _ =	vpop (xrf2);
	v0 =	vadd.f32 v2, v0;
	v2 =	vld [tilespmem:s25+$0x0];
	v12 =	vmul.f32 $2.000000030e-01, v57;
	v55 =	vmul.f32 $2.000000030e-01, v31  }
0x2aa: {  	v19 =	vmovc v50;
	v50 =	vmul.f32 v3, v63;
	v3 =	vmul.f32 $1.442695020e+00, v20;
	v20 =	vmovc v47;
	v4 =	vmax.f32 v4, v25;
	v47 =	vld [tilespmem:s19+$0xFFFFFE10]  }
0x2ab: {  	v30 =	vmovc v53;
	v0 =	vadd.f32 v1, v0;
	v53 =	vmul.f32 v4, v14;
	v13 =	vmax.f32 v57, v12;
	v12 =	vld [tilespmem:$0x1FF90]  }
0x2ac: {  	v4 =	vbroadcast v5, $0xF;
	v5, _, _ =	vpop (xrf2);
	v60 =	vmax.f32 v31, v55;
	v31 =	vmov v54;
	v54 =	vld [tilespmem:s25+$0xFFFFFE20]  }
0x2ad: {  	v0 =	vadd.f32 v50, v0;
	v5 =	vmul.f32 $1.442695020e+00, v5;
	v50 =	vld [tilespmem:s19+$0xFFFFFE20]  }
0x2ae: {  	v42 =	vmovc v41;
	v41 =	vmul.f32 v49, v23;
	v25 =	vmovc v51;
	v3 =	vbroadcast v3, $0xF;
	v51 =	vld [tilespmem:s19+$0xFFFFFE30];
	v2 =	vadd.f32 v2, v48  }
0x2af: {  	(erf) = vpow2.f32 v4;
	v4 =	vld [tilespmem:s25+$0xFFFFFEA0];
	v5 =	vbroadcast v5, $0xF  }
0x2b0: {  	v23 =	vmovc v61;
	v40 =	vadd.f32 v40, v44;
	v61 =	vmul.f32 $2.000000030e-01, v2;
	v57 =	vmul.f32 v13, v12;
	v13 =	vld [tilespmem:$0x1FFA0]  }
0x2b1: {  	[tilespmem:s23+$0xFFFFFFD0] =	vst v41;
	v41 =	vadd.f32 v45, v33;
	v0 =	vadd.f32 v53, v0;
	(erf) = vpow2.f32 v3  }
0x2b2: {  	(erf) = vpow2.f32 v5;
	v2 =	vmax.f32 v2, v61;
	v5 =	vadd.f32 v54, v50  }
0x2b3: {  	v54 =	vmul.f32 v49, v21;
	v0 =	vadd.f32 v57, v0;
	v57 =	vadd.f32 v6, v47  }
0x2b4: {  	v34 =	vmovc v56;
	[tilespmem:s23+$0xFFFFFFE0] =	vst v37;
	v37 =	vld [tilespmem:s19+$0xFFFFFF20];
	v49 =	vadd.f32 v52, v51;
	v56 =	vmul.f32 v2, v11;
	v6 =	vmul.f32 $2.000000030e-01, v40  }
0x2b5: {  	v45 =	vld [tilespmem:s25+$0xFFFFFF20];
	v4 =	vadd.f32 v4, v46;
	v61 =	vmul.f32 $2.000000030e-01, v57;
	v55 =	vmul.f32 v60, v13  }
0x2b6: {  	v52 =	vmul.f32 $2.000000030e-01, v49;
	v6 =	vmax.f32 v40, v6;
	v60 =	vmul.f32 $2.000000030e-01, v41  }
0x2b7: {  	v6 =	vmul.f32 v6, v58;
	v1 =	vmax.f32 v57, v61;
	v57 =	vld [tilespmem:s19+$0xFFFFFEB0];
	v0 =	vadd.f32 v55, v0  }
0x2b8: {  	v61 =	vmul.f32 $2.000000030e-01, v4;
	v3 =	vmax.f32 v41, v60;
	v55 =	vmul.f32 $2.000000030e-01, v5;
	v41 =	vld [tilespmem:s25+$0xFFFFFEB0]  }
0x2b9: {  	v53 =	vld [tilespmem:s19+$0xFFFFFE40];
	v21 =	vmovc v43;
	v1 =	vmul.f32 v1, v58;
	v3 =	vmul.f32 v3, v58;
	v0 =	vadd.f32 v56, v0  }
0x2ba: {  	v43 =	vld [tilespmem:s25+$0xFFFFFF30];
	[tilespmem:s23+$0xFFFFFFF0] =	vst v54;
	v2 =	vmax.f32 v4, v61;
	v60 =	vmax.f32 v5, v55;
	v5 =	vadd.f32 v45, v37  }
0x2bb: {  	v40 =	vld [tilespmem:s19+$0xFFFFFF30];
	v54 =	vpop (erf);
	v6 =	vadd.f32 $0.0e+00, v6;
	v2 =	vmul.f32 v2, v59;
	(xrf2) =	vadd.scan.msk.f32 $0xffff, v0;
	v0 =	vmul.f32 v60, v59  }
0x2bc: {  	[tilespmem:s26+$0xFFFFFFD0] =	vst v54;
	v58 =	vpop (erf);
	v1 =	vadd.f32 $0.0e+00, v1;
	v45 =	vld [tilespmem:s19+$0xFFFFFEC0];
	v4 =	vmul.f32 $2.000000030e-01, v5;
	v60 =	vmul.f32 v54, v27  }
0x2bd: {  	[tilespmem:s26+$0xFFFFFFE0] =	vst v58;
	v2 =	vadd.f32 v2, v6;
	v6 =	vmul.f32 v54, v26;
	v56 =	vadd.f32 v41, v57;
	v41 =	vld [tilespmem:s19+$0xFFFFFF40]  }
0x2be: {  	v0 =	vadd.f32 v0, v1;
	v1 =	vld [tilespmem:s25+$0xFFFFFE40];
	[tilespmem:s23+$0xFFFFFE10] =	vst v60  }
0x2bf: {  	v52 =	vmax.f32 v49, v52;
	v4 =	vmax.f32 v5, v4;
	v5 =	vld [tilespmem:s25+$0xFFFFFEC0];
	[tilespmem:s23+$0xFFFFFE20] =	vst v6  }
0x2c0: {  	v52 =	vmul.f32 v52, v62;
	v4 =	vmul.f32 v4, v59;
	v59 =	vld [tilespmem:s19+$0xFFFFFE50]  }
0x2c1: {  	v3 =	vadd.f32 $0.0e+00, v3;
	v55 =	vpop (erf);
	v27 =	vmov v47;
	v47 =	vld [tilespmem:s25+$0xFFFFFE50]  }
0x2c2: {  	[tilespmem:s26+$0xFFFFFFF0] =	vst v55;
	v49 =	vmul.f32 $2.000000030e-01, v56;
	v0 =	vadd.f32 v52, v0;
	v52 =	vld [tilespmem:s19+$0xFFFFFED0]  }
0x2c3: {  	v6 =	vmul.f32 v54, v29;
	v3 =	vadd.f32 v4, v3;
	v4 =	vld [tilespmem:s25+$0xFFFFFF40]  }
0x2c4: {  	v49 =	vmax.f32 v56, v49;
	v56 =	vld [tilespmem:s25+$0xFFFFFED0]  }
0x2c5: {  	v43 =	vadd.f32 v43, v40;
	[tilespmem:s23+$0xFFFFFE30] =	vst v6;
	v6 =	vmul.f32 v54, v32;
	v49 =	vmul.f32 v49, v62;
	v26, _, _ =	vpop (xrf2)  }
0x2c6: {  	v1 =	vadd.f32 v1, v53;
	v5 =	vadd.f32 v5, v45;
	v61 =	vmul.f32 $1.442695020e+00, v26  }
0x2c7: {  	v60 =	vmul.f32 $2.000000030e-01, v43;
	v2 =	vadd.f32 v49, v2;
	v47 =	vadd.f32 v47, v59  }
0x2c8: {  	v29 =	vmovc v51;
	v51 =	vld [tilespmem:s25+$0xFFFFFF50];
	[tilespmem:s23+$0xFFFFFE40] =	vst v6;
	v6 =	vmul.f32 $2.000000030e-01, v5;
	v4 =	vadd.f32 v4, v41;
	v61 =	vbroadcast v61, $0xF  }
0x2c9: {  	v32 =	vmovc v53;
	v53 =	vld [tilespmem:s25+$0xFFFFFE60];
	v56 =	vadd.f32 v56, v52;
	v26 =	vmovc v50;
	v50 =	vmax.f32 v43, v60;
	v60 =	vmul.f32 $2.000000030e-01, v1  }
0x2ca: {  	v43 =	vld [tilespmem:s19+$0xFFFFFF50];
	v5 =	vmax.f32 v5, v6;
	v6 =	vmul.f32 $2.000000030e-01, v4;
	(erf) = vpow2.f32 v61  }
0x2cb: {  	v49 =	vmul.f32 v50, v62;
	v5 =	vmul.f32 v5, v63;
	v50 =	vld [tilespmem:s19+$0xFFFFFEE0];
	v1 =	vmax.f32 v1, v60  }
0x2cc: {  	v62 =	vld [tilespmem:s19+$0xFFFFFE70];
	v1 =	vmul.f32 v1, v63;
	v4 =	vmax.f32 v4, v6;
	v61 =	vmul.f32 $2.000000030e-01, v47  }
0x2cd: {  	v60 =	vld [tilespmem:s19+$0xFFFFFE60];
	v3 =	vadd.f32 v49, v3;
	v6 =	vmul.f32 $2.000000030e-01, v56;
	v4 =	vmul.f32 v4, v63  }
0x2ce: {  	v0 =	vadd.f32 v1, v0;
	v1 =	vadd.f32 v5, v2;
	v2 =	vld [tilespmem:s25+$0xFFFFFEE0];
	v5 =	vmax.f32 v47, v61  }
0x2cf: {  	v51 =	vadd.f32 v51, v43;
	v47 =	vld [tilespmem:s19+$0xFFFFFF60];
	v5 =	vmul.f32 v5, v14  }
0x2d0: {  	v6 =	vmax.f32 v56, v6;
	v3 =	vadd.f32 v4, v3;
	v4 =	vld [tilespmem:s25+$0xFFFFFF60];
	v61 =	vmul.f32 v54, v35  }
0x2d1: {  	v6 =	vmul.f32 v6, v14;
	v56 =	vmul.f32 $2.000000030e-01, v51;
	v0 =	vadd.f32 v5, v0;
	v5 =	vld [tilespmem:s25+$0xFFFFFE70]  }
0x2d2: {  	v35 =	vmov v59;
	v59 =	vadd.f32 v53, v60  }
0x2d3: {  	v53 =	vld [tilespmem:s19+$0xFFFFFEF0];
	v1 =	vadd.f32 v6, v1;
	[tilespmem:s23+$0xFFFFFE50] =	vst v61;
	v61 =	vmul.f32 v54, v36;
	v51 =	vmax.f32 v51, v56;
	v49 =	vpop (erf)  }
0x2d4: {  	s26 =	sadd.s32 $0x40, s26;
	v6 =	vld [tilespmem:s25+$0xFFFFFEF0];
	v36 =	vmovc v60;
	v56 =	vmul.f32 $2.000000030e-01, v59;
	v2 =	vadd.f32 v2, v50;
	v48 =	vmul.f32 v49, v48  }
0x2d5: {  	v60 =	vmul.f32 v51, v14;
	v14 =	vmovc v15;
	v15 =	vmov v18;
	v51 =	vld [tilespmem:s19+$0xFFFFFF70];
	v18 =	vmul.f32 v54, v38;
	[tilespmem:s26+$0x0] =	vst v49  }
0x2d6: {  	v4 =	vadd.f32 v4, v47;
	v5 =	vadd.f32 v5, v62;
	[tilespmem:s25+$0x0] =	vst v48;
	v48 =	vmax.f32 v59, v56;
	v59 =	vld [tilespmem:s25+$0xFFFFFF70]  }
0x2d7: {  	v54 =	vmul.f32 v54, v39;
	v63 =	vmul.f32 $2.000000030e-01, v2  }
0x2d8: {  	v38 =	vmovc v62;
	[tilespmem:s23+$0xFFFFFE60] =	vst v61;
	v3 =	vadd.f32 v60, v3;
	v60 =	vmul.f32 $2.000000030e-01, v4;
	v62 =	vmul.f32 $2.000000030e-01, v5  }
0x2d9: {  	v39 =	vld [tilespmem:s19+$0xFFFFFE80];
	[tilespmem:s23+$0xFFFFFE70] =	vst v18;
	v6 =	vadd.f32 v6, v53;
	v2 =	vmax.f32 v2, v63;
	v48 =	vmul.f32 v48, v12  }
0x2da: {  	v61 =	vld [tilespmem:s25+$0xFFFFFE80];
	v2 =	vmul.f32 v2, v12;
	v4 =	vmax.f32 v4, v60;
	v5 =	vmax.f32 v5, v62  }
0x2db: {  	[tilespmem:s23+$0xFFFFFE80] =	vst v54;
	v54 =	vld [tilespmem:s19+$0xFFFFFF80];
	v0 =	vadd.f32 v48, v0;
	v48 =	vmul.f32 $2.000000030e-01, v6;
	v62 =	vadd.f32 v59, v51  }
0x2dc: {  	v56 =	vld [tilespmem:s19+$0xFFFFFF00];
	v4 =	vmul.f32 v4, v12;
	v5 =	vmul.f32 v5, v13  }
0x2dd: {  	v1 =	vadd.f32 v2, v1;
	v2 =	vld [tilespmem:s25+$0xFFFFFF00];
	v6 =	vmax.f32 v6, v48;
	v48 =	vmul.f32 $2.000000030e-01, v62  }
0x2de: {  	v3 =	vadd.f32 v4, v3;
	v4 =	vld [tilespmem:s25+$0xFFFFFF80];
	v59 =	vadd.f32 v5, v0;
	v0 =	vmul.f32 v6, v13  }
0x2df: {  	s11 =	sadd.s32 $0x4, s11;
	v60 =	vmul.f32 v58, v10;
	v10 =	vmovc v44;
	v44 =	vadd.f32 v61, v39;
	v63 =	vmax.f32 v62, v48  }
0x2e0: {  	p1 =	slt.u32 s11, $0x24;
	v5 =	vmul.f32 v58, v24;
	v24 =	vmovc v46;
	v46 =	vadd.f32 v0, v1;
	v0 =	vmul.f32 v63, v13;
	v63 =	vld [tilespmem:$0x1FDF0]  }
.Ltmp1:
0x2e1: {  	_ = 	snop;
	(pc) =	sbr.rel @p1 .LBB2_6-.Ltmp1, $4  }
0x2e2: {  	[tilespmem:s23+$0xFFFFFE90] =	vst v60;
	v18 =	vmul.f32 $2.000000030e-01, v44;
	v60 =	vadd.f32 v2, v56  }
0x2e3: {  	v12 =	vmov v9;
	v61 =	vadd.f32 v4, v54;
	v1 =	vmul.f32 v58, v28  }
0x2e4: {  	[tilespmem:s23+$0xFFFFFEA0] =	vst v5;
	v6 =	vmovc v11;
	v28 =	vmovc v57;
	v48 =	vmax.f32 v44, v18;
	v62 =	vmul.f32 $2.000000030e-01, v60;
	v13 =	vmov v42  }
0x2e5: {  	s10 =	smov.u32 s25;
	s19 =	sadd.s32 $0x200, s19;
	v9 =	vld [tilespmem:$0x1FDE0];
	v57 =	vmul.f32 v48, v11;
	[tilespmem:s23+$0xFFFFFEB0] =	vst v1;
	v44 =	vadd.f32 v0, v3;
	v48 =	vmul.f32 v58, v63  }
0x2e6: {  	v1 =	vmul.f32 $2.000000030e-01, v61  }
0x2e7: {  	v0 =	vmax.f32 v60, v62  }
0x2e8: {  	v0 =	vmul.f32 v0, v6;
	v1 =	vmax.f32 v61, v1  }
0x2e9: {  	v2 =	vadd.f32 v57, v59;
	v1 =	vmul.f32 v1, v6  }
0x2ea: {  	v0 =	vadd.f32 v0, v46  }
0x2eb: {  	(xrf2) =	vadd.scan.msk.f32 $0xffff, v2;
	v1 =	vadd.f32 v1, v44  }
0x2ec: {  	(xrf2) =	vadd.scan.msk.f32 $0xffff, v0;
	v0 =	vmul.f32 v58, v9  }
0x2ed: {  	[tilespmem:s23+$0xFFFFFEC0] =	vst v48;
	(xrf2) =	vadd.scan.msk.f32 $0xffff, v1;
	v1 =	vmul.f32 v58, v19  }
0x2ee: {  	[tilespmem:s23+$0xFFFFFED0] =	vst v0  }
0x2ef: {  	[tilespmem:s23+$0xFFFFFEE0] =	vst v1  }
0x2f0: {  	v1 =	vld [tilespmem:$0x1FE00];
	_ =	sdelay $0x4  }
0x2f1: {  	v0 =	vmul.f32 v58, v30;
	v1 =	vmul.f32 v55, v1  }
0x2f2: {  	v2 =	vmul.f32 v58, v34  }
0x2f3: {  	[tilespmem:s23+$0xFFFFFEF0] =	vst v0  }
0x2f4: {  	v0 =	vmul.f32 v55, v12;
	[tilespmem:s23+$0xFFFFFF00] =	vst v2;
	v2 =	vmul.f32 v55, v13  }
0x2f5: {  	v3 =	vmul.f32 v55, v8;
	v4 =	vmul.f32 v55, v7;
	[tilespmem:s23+$0xFFFFFF10] =	vst v1;
	v1, _, _ =	vpop (xrf2)  }
0x2f6: {  	v5 =	vmul.f32 v55, v20;
	[tilespmem:s23+$0xFFFFFF20] =	vst v0;
	v0 =	vmul.f32 $1.442695020e+00, v1;
	v1, _, _ =	vpop (xrf2)  }
0x2f7: {  	v6 =	vmul.f32 v55, v25;
	[tilespmem:s23+$0xFFFFFF30] =	vst v3;
	v1 =	vmul.f32 $1.442695020e+00, v1  }
0x2f8: {  	v3 =	vmul.f32 v49, v15;
	[tilespmem:s23+$0xFFFFFF40] =	vst v2;
	v2, _, _ =	vpop (xrf2);
	v0 =	vbroadcast v0, $0xF  }
0x2f9: {  	[tilespmem:s23+$0xFFFFFF50] =	vst v4;
	v2 =	vmul.f32 $1.442695020e+00, v2;
	v1 =	vbroadcast v1, $0xF  }
0x2fa: {  	v4 =	vmul.f32 v55, v31;
	[tilespmem:s23+$0xFFFFFF60] =	vst v5;
	(erf) = vpow2.f32 v0  }
0x2fb: {  	[tilespmem:s23+$0xFFFFFF70] =	vst v6;
	v0 =	vbroadcast v2, $0xF;
	(erf) = vpow2.f32 v1  }
0x2fc: {  	[tilespmem:s23+$0xFFFFFF80] =	vst v4;
	v2 =	vmul.f32 v49, v16  }
0x2fd: {  	[tilespmem:s10+$0xFFFFFF90] =	vst v3;
	(erf) = vpow2.f32 v0;
	v0 =	vmul.f32 v49, v17  }
0x2fe: {  	v1 =	vmul.f32 v49, v14;
	[tilespmem:s10+$0xFFFFFFB0] =	vst v2  }
0x2ff: {  	v2 =	vmul.f32 v49, v22;
	[tilespmem:s10+$0xFFFFFFC0] =	vst v0;
	v0 =	vmul.f32 v49, v21  }
0x300: {  	[tilespmem:s10+$0xFFFFFFA0] =	vst v1;
	v1 =	vmul.f32 v49, v23  }
0x301: {  	[tilespmem:s10+$0xFFFFFFE0] =	vst v2  }
0x302: {  	[tilespmem:s10+$0xFFFFFFD0] =	vst v1  }
0x303: {  	[tilespmem:s10+$0xFFFFFFF0] =	vst v0;
	v0 =	vpop (erf)  }
0x304: {  	[tilespmem:s26+$0xFFFFFFD0] =	vst v0;
	v1 =	vmul.f32 v0, v27;
	v2 =	vpop (erf)  }
0x305: {  	[tilespmem:s26+$0xFFFFFFE0] =	vst v2  }
0x306: {  	v4 =	vmul.f32 v0, v29;
	v3 =	vpop (erf);
	[tilespmem:s10+$0xFFFFFE10] =	vst v1  }
0x307: {  	v1 =	vmul.f32 v0, v26;
	[tilespmem:s26+$0xFFFFFFF0] =	vst v3  }
0x308: {  	[tilespmem:s10+$0xFFFFFE30] =	vst v4;
	v4 =	vmul.f32 v0, v35  }
0x309: {  	[tilespmem:s10+$0xFFFFFE20] =	vst v1;
	v1 =	vmul.f32 v0, v32  }
0x30a: {  	[tilespmem:s10+$0xFFFFFE50] =	vst v4;
	v4 =	vmul.f32 v0, v38  }
0x30b: {  	[tilespmem:s10+$0xFFFFFE40] =	vst v1;
	v1 =	vmul.f32 v0, v36  }
0x30c: {  	v0 =	vmul.f32 v0, v39;
	[tilespmem:s10+$0xFFFFFE70] =	vst v4  }
0x30d: {  	[tilespmem:s10+$0xFFFFFE60] =	vst v1;
	v1 =	vmul.f32 v2, v10  }
0x30e: {  	[tilespmem:s10+$0xFFFFFE80] =	vst v0;
	v0 =	vmul.f32 v2, v24  }
0x30f: {  	[tilespmem:s10+$0xFFFFFE90] =	vst v1;
	v1 =	vmul.f32 v2, v28  }
0x310: {  	[tilespmem:s10+$0xFFFFFEA0] =	vst v0;
	v0 =	vmul.f32 v2, v45  }
0x311: {  	[tilespmem:s10+$0xFFFFFEB0] =	vst v1;
	v1 =	vmul.f32 v2, v52  }
0x312: {  	[tilespmem:s10+$0xFFFFFEC0] =	vst v0;
	v0 =	vmul.f32 v2, v50  }
0x313: {  	[tilespmem:s10+$0xFFFFFED0] =	vst v1;
	v1 =	vmul.f32 v2, v53  }
0x314: {  	v2 =	vmul.f32 v2, v56;
	[tilespmem:s10+$0xFFFFFEE0] =	vst v0  }
0x315: {  	v0 =	vmul.f32 v3, v33;
	[tilespmem:s10+$0xFFFFFEF0] =	vst v1  }
0x316: {  	v1 =	vmul.f32 v3, v37;
	[tilespmem:s10+$0xFFFFFF00] =	vst v2  }
0x317: {  	v2 =	vmul.f32 v3, v40;
	[tilespmem:s10+$0xFFFFFF10] =	vst v0  }
0x318: {  	v0 =	vmul.f32 v3, v41;
	[tilespmem:s10+$0xFFFFFF20] =	vst v1  }
0x319: {  	v1 =	vmul.f32 v3, v43;
	[tilespmem:s10+$0xFFFFFF30] =	vst v2  }
0x31a: {  	v2 =	vmul.f32 v3, v47;
	[tilespmem:s10+$0xFFFFFF40] =	vst v0  }
0x31b: {  	v0 =	vmul.f32 v3, v51;
	[tilespmem:s10+$0xFFFFFF50] =	vst v1  }
0x31c: {  	v1 =	vmul.f32 v3, v54;
	[tilespmem:s10+$0xFFFFFF60] =	vst v2  }
0x31d: {  	[tilespmem:s10+$0xFFFFFF70] =	vst v0  }
0x31e: {  	[tilespmem:s10+$0xFFFFFF80] =	vst v1  }
0x31f: {  	s11 =	smul.u32 $0xA0, s24;
	s22 =	sadd.s32 $0x1, s22;
	v7 =	vld [tilespmem:$0x1FFF0]  }
0x320: {  	p1 =	sne.s32 s22, $0x19;
	v0 =	vld [tilespmem:$0x1FFB0]  }
.Ltmp2:
0x321: {  	s11 =	sshra.s32 s11, $0x2;
	v1 =	vld [tilespmem:$0x1FFC0];
	(pc) =	sbr.rel @p1 .LBB2_3-.Ltmp2, $4  }
0x322: {  	s28 =	sadd.s32 $0x7D0, s11;
	v2 =	vld [tilespmem:$0x1FFD0]  }
0x323: {  	[spmem:s3] =	stream.indirect.scatter.add.f32 [tilespmem:s13], [sflag:$0x4], $0x80, s28, s0, $0xb8;
	v3 =	vld [tilespmem:$0x1FFE0]  }
0x324: {  	v4 =	vld [tilespmem:$0x1FF90]  }
0x325: {  	v6 =	vmov v11;
	v5 =	vld [tilespmem:$0x1FFA0];
	[spmem:s4] =	stream.indirect.scatter.add.f32 [tilespmem:s16], [sflag:$0x4], $0x10, s28, s0, $0xb8  }
0x326: {  	_ =	swait.ge [sflag:s17], $0x1400  }
0x327: {  	[sflag:s17] =	ssyncset.done $0x0  }
0x328: {  	[sflag:s17] =	ssyncadd.s32 $0xFFFFEC00  }
0x329: {  	_ =	swait.ge [sflag:s17], $0x280  }
0x32a: {  	[sflag:s17] =	ssyncset.done $0x0  }
0x32b: {  	s21 =	sadd.s32 $0x1, s21;
	[sflag:s17] =	ssyncadd.s32 $0xFFFFFD80  }
0x32c: {  	p1 =	sne.s32 s21, $0x5;
	_ =	swait.ge [sflag:s18], $0x1400  }
.Ltmp3:
0x32d: {  	[sflag:s18] =	ssyncset.done $0x0;
	(pc) =	sbr.rel @p1 .LBB2_2-.Ltmp3, $4  }
0x32e: {  	[sflag:s18] =	ssyncadd.s32 $0xFFFFEC00  }
0x32f: {  	_ =	swait.ge [sflag:s18], $0x280  }
0x330: {  	[sflag:s18] =	ssyncset.done $0x0  }
0x331: {  	[sflag:s18] =	ssyncadd.s32 $0xFFFFFD80  }
0x332: {  	[bflag:$0x0] =	sbarrier.arrive $0xFFFF  }
0x333: {  	s10 =	rddreg [dreg:$0x8]  }
0x334: {  	s11 =	rddreg [dreg:$0x15]  }
0x335: {  	[hbm:s10], [sflag:s20] =	dma.local @!p0 [spmem:s11], $0x3E80  }
0x336: {  	s10 =	simm.s32 @!p0 $0x5  }
0x337: {  	_ =	swait.ge @!p0 [sflag:s10], $0x3E80  }
0x338: {  	[sflag:s10] =	ssyncset.done @!p0 $0x0;
	s11 =	rddreg [dreg:$0x9]  }
0x339: {  	s19 =	rddreg [dreg:$0x16];
	[sflag:s10] =	ssyncadd.s32 @!p0 $0xFFFFC180  }
0x33a: {  	[hbm:s11], [sflag:s20] =	dma.local @!p0 [spmem:s19], $0x7D0  }
0x33b: {  	_ =	swait.ge @!p0 [sflag:s10], $0x7D0  }
0x33c: {  	s26 =	rddreg [dreg:$0x17]  }
0x33d: {  	s28 =	rddreg [dreg:$0xa];
	s19 =	sadd.s32 $0x1, s26  }
0x33e: {  	p1 =	sne.s32 s19, s28  }
.Ltmp4:
0x33f: {  	_ = 	snop;
	(pc) =	sbr.rel @p1 .LBB2_1-.Ltmp4, $3  }
0x340: {  	_ =	sdelay $0x1  }
0x341: {  	[sflag:s10] =	ssyncset.done @!p0 $0x0  }
0x342: {  	[sflag:s10] =	ssyncadd.s32 @!p0 $0xFFFFF830  }
0x343: {  	_ =	sfence.sel $0x180000  }
0x344: {  	[bflag:$0x0] =	sbarrier.arrive $0xFFFF  }
0x345: {  	_ =	strace $0x9000004A  }
0x346: {  	s0 =	stileid.u32;
	[bflag:$0x2] =	sbarrier.arrive $0xFFFF  }
0x347: {  	p0 =	sne.s32 s0, $0x0;
	s0 =	rddreg [dreg:$0x5]  }
0x348: {  	s0 =	sadd.s32 @!p0 $0x100000, s0  }
0x349: {  	[sflag:s0] =	ssyncadd.tile.s32 @!p0 $0x1;
	_ =	shalt  }
.Lfunc_end2:
_tile_overlayer_lowered:
.L_overlay_start_2:
0x34a: {  	(tag) =	ssettag $0x2  }
0x34b: {  	s0 =	rddreg [dreg:$0x0];
	s2 =	stileid.u32  }
0x34c: {  	s1 =	rddreg [dreg:$0x1];
	p0 =	sne.s32 s2, $0x0  }
0x34d: {  	s3 =	rddreg [dreg:$0x2];
	[bflag:$0x3] =	sbarrier.arrive $0xFFFF;
	s2 =	simm.s32 @!p0 $0x1C05  }
0x34e: {  	[timem:s3], [sflag:s2] =	dma.local @!p0 [hbm:s0], s1  }
0x34f: {  	s0 =	simm.s32 @!p0 $0x5  }
0x350: {  	_ =	swait.ge @!p0 [sflag:s0], s1  }
0x351: {  	s1 =	ssub.s32 @!p0 $0x0, s1;
	[sflag:s0] =	ssyncset.done @!p0 $0x0  }
0x352: {  	[sflag:s0] =	ssyncadd.s32 @!p0 s1  }
0x353: {  	[bflag:$0x3] =	sbarrier.arrive $0xFFFF  }
0x354: {  	_ =	shalt  }

// kernel: kernel.7.cloned.1.call-start
scs
__scs_entry_jumppad:
0x0: {  	(pc) =	sbr.rel $0x88, $3  }
0x1: {  	(tag) =	ssettag $0x0;
	lr =	simm.s32 $0x1  }
0x2: {  	[smem:$0x3F93] =	sst lr;
	_ =	strace $0xD0000000  }
0x3: {  	_ = 	snop  }
0x4: {  	_ = 	snop  }
0x5: {  	_ = 	snop  }
0x6: {  	_ = 	snop  }
0x7: {  	_ = 	snop  }
__scs_overlays_trampoline_lowered:
0x8: {  	[smem:$0x3FA2] =	sst s0  }
0x9: {  	[smem:$0x3FA3] =	sst s1  }
0xa: {  	[smem:$0x3FA4] =	sst s2  }
0xb: {  	[smem:$0x3FA5] =	sst s3  }
0xc: {  	[smem:$0x3FA6] =	sst s4  }
0xd: {  	[smem:$0x3FA7] =	sst s5  }
0xe: {  	[smem:$0x3FA8] =	sst s6  }
0xf: {  	[smem:$0x3FA9] =	sst s7  }
0x10: {  	[smem:$0x3FAA] =	sst s8  }
0x11: {  	[smem:$0x3FAB] =	sst s9;
	s0 =	simm.s32 @!p0 $0x0  }
0x12: {  	s1 =	sld [smem:$0x3F91];
	s0 =	simm.s32 @p0 $0x1  }
0x13: {  	[smem:$0x3FAC] =	sst s0;
	s0 =	simm.s32 @!p1 $0x0  }
0x14: {  	s2 =	sld [smem:$0x3F90];
	s0 =	simm.s32 @p1 $0x1  }
0x15: {  	[smem:$0x3FAD] =	sst s0;
	s0 =	simm.s32 @!p2 $0x0  }
0x16: {  	s3 =	sld [smem:$0x3FDB];
	s0 =	simm.s32 @p2 $0x1  }
0x17: {  	s4 =	simm.s32 $0x1BF5;
	[smem:$0x3FAF] =	sst s0  }
0x18: {  	s0 =	sld [smem:$0x3F92];
	_ =	swait.ge [sflag:s4], $0x0  }
0x19: {  	s7 =	sld [smem:$0x3F93]  }
0x1a: {  	s8 =	sadd.s32 $0xFFFFE003, lr  }
0x1b: {  	s9 =	sadd.s32 $0xFFFFFEF7, lr;
	s5 =	simm.s32 $0xFFFFFFFF;
	p2 =	slt.u32 s8, $0xFFFFF086  }
0x1c: {  	p1 =	slt.u32 s9, $0xF7A;
	s5 =	simm.s32 @!p2 $0x0  }
0x1d: {  	s5 =	simm.s32 @p1 $0x1;
	p0 =	seq.s32 s7, s2  }
0x1e: {  	s7 =	smul.u32 @!p0 $0xF7A, s2;
	p2 =	seq.s32 @!p0 s5, $0x0  }
0x1f: {  	s9 =	smul.u32 $0xF7A, s1;
	s8 =	simm.s32 @!p0 $0x1BF5;
	p2 =	por !p2, p0  }
0x20: {  	[sflag:s8] =	ssyncset.s32 @!p0 $0xFFFFF086;
	s6 =	sadd.s32 @!p0 s3, s7;
	s7 =	simm.s32 @!p0 $0x108  }
0x21: {  	s3 =	sadd.s32 s3, s9;
	s6 =	sadd.s32 @!p0 $0x88, s6;
	s7 =	simm.s32 @p2 $0x1082  }
0x22: {  	[simem:s7], [sflag:s8] =	dma.local @!p0 [hbm:s6], $0xF7A  }
0x23: {  	s9 =	sor.u32 $0xD0000000, s2;
	s6 =	simm.s32 $0x108;
	_ =	swait.ge @!p0 [sflag:s8], $0x0  }
0x24: {  	s3 =	sadd.s32 $0x88, s3;
	s6 =	simm.s32 @!p1 $0x1082;
	[sflag:s4] =	ssyncset.s32 $0xFFFFF086  }
0x25: {  	[simem:s6], [sflag:s4] =	dma.local [hbm:s3], $0xF7A  }
0x26: {  	[smem:$0x3F93] =	sst s1;
	(tag) =	ssettag s2;
	_ =	strace s9  }
0x27: {  	s1 =	sld [smem:$0x3FA3]  }
0x28: {  	s2 =	sld [smem:$0x3FA4]  }
0x29: {  	s4 =	sld [smem:$0x3FA6]  }
0x2a: {  	p0 =	seq.s32 s5, $0x0;
	s5 =	sld [smem:$0x3FA7]  }
0x2b: {  	s6 =	sld [smem:$0x3FA8]  }
0x2c: {  	s7 =	sld [smem:$0x3FA9]  }
0x2d: {  	s3 =	simm.s32 $0x108;
	s8 =	sld [smem:$0x3FAA]  }
0x2e: {  	s3 =	simm.s32 @!p0 $0x1082;
	s9 =	sld [smem:$0x3FAB]  }
0x2f: {  	lr =	sadd.s32 s0, s3;
	s0 =	sld [smem:$0x3FA2]  }
0x30: {  	s3 =	sld [smem:$0x3FA5]  }
0x31: {  	[smem:$0x3FAE] =	sst s10  }
0x32: {  	s10 =	sld [smem:$0x3FAC];
	_ =	sdelay $0x3  }
0x33: {  	p0 =	seq.s32 s10, $0x1;
	s10 =	sld [smem:$0x3FAE];
	_ =	sdelay $0x3  }
0x34: {  	[smem:$0x3FAE] =	sst s10  }
0x35: {  	s10 =	sld [smem:$0x3FAD];
	_ =	sdelay $0x3  }
0x36: {  	p1 =	seq.s32 s10, $0x1;
	s10 =	sld [smem:$0x3FAE];
	_ =	sdelay $0x3  }
0x37: {  	[smem:$0x3FAE] =	sst s10  }
0x38: {  	s10 =	sld [smem:$0x3FAF]  }
0x39: {  	_ = 	snop;
	(pc) =	sbr.ind lr, $3  }
0x3a: {  	_ = 	snop  }
0x3b: {  	_ = 	snop  }
0x3c: {  	p2 =	seq.s32 s10, $0x1;
	s10 =	sld [smem:$0x3FAE]  }
0x3d: {  	_ =	shalt  }
0x3e: {  	_ =	shalt  }
0x3f: {  	_ =	shalt  }
0x40: {  	_ =	shalt  }
0x41: {  	_ =	shalt  }
0x42: {  	_ =	shalt  }
0x43: {  	_ =	shalt  }
0x44: {  	_ =	shalt  }
0x45: {  	_ =	shalt  }
0x46: {  	_ =	shalt  }
0x47: {  	_ =	shalt  }
0x48: {  	_ =	shalt  }
0x49: {  	_ =	shalt  }
0x4a: {  	_ =	shalt  }
0x4b: {  	_ =	shalt  }
0x4c: {  	_ =	shalt  }
0x4d: {  	_ =	shalt  }
0x4e: {  	_ =	shalt  }
0x4f: {  	_ =	shalt  }
0x50: {  	_ =	shalt  }
0x51: {  	_ =	shalt  }
0x52: {  	_ =	shalt  }
0x53: {  	_ =	shalt  }
0x54: {  	_ =	shalt  }
0x55: {  	_ =	shalt  }
0x56: {  	_ =	shalt  }
0x57: {  	_ =	shalt  }
0x58: {  	_ =	shalt  }
0x59: {  	_ =	shalt  }
0x5a: {  	_ =	shalt  }
0x5b: {  	_ =	shalt  }
0x5c: {  	_ =	shalt  }
0x5d: {  	_ =	shalt  }
0x5e: {  	_ =	shalt  }
0x5f: {  	_ =	shalt  }
0x60: {  	_ =	shalt  }
0x61: {  	_ =	shalt  }
0x62: {  	_ =	shalt  }
0x63: {  	_ =	shalt  }
0x64: {  	_ =	shalt  }
0x65: {  	_ =	shalt  }
0x66: {  	_ =	shalt  }
0x67: {  	_ =	shalt  }
0x68: {  	_ =	shalt  }
0x69: {  	_ =	shalt  }
0x6a: {  	_ =	shalt  }
0x6b: {  	_ =	shalt  }
0x6c: {  	_ =	shalt  }
0x6d: {  	_ =	shalt  }
0x6e: {  	_ =	shalt  }
0x6f: {  	_ =	shalt  }
0x70: {  	_ =	shalt  }
0x71: {  	_ =	shalt  }
0x72: {  	_ =	shalt  }
0x73: {  	_ =	shalt  }
0x74: {  	_ =	shalt  }
0x75: {  	_ =	shalt  }
0x76: {  	_ =	shalt  }
0x77: {  	_ =	shalt  }
0x78: {  	_ =	shalt  }
0x79: {  	_ =	shalt  }
0x7a: {  	_ =	shalt  }
0x7b: {  	_ =	shalt  }
0x7c: {  	_ =	shalt  }
0x7d: {  	_ =	shalt  }
0x7e: {  	_ =	shalt  }
0x7f: {  	_ =	shalt  }
0x80: {  	_ =	shalt  }
0x81: {  	_ =	shalt  }
0x82: {  	_ =	shalt  }
0x83: {  	_ =	shalt  }
0x84: {  	_ =	shalt  }
0x85: {  	_ =	shalt  }
0x86: {  	_ =	shalt  }
0x87: {  	_ =	shalt  }
.Lfunc_end0:
.L_simem_size_0:
called_computation_lowered:
.L_overlay_start_0:
0x88: {  	s2 =	sld [smem:$0x3FD9]  }
0x89: {  	s3 =	sld [smem:$0x3FFE];
	_ =	sdelay $0x1  }
0x8a: {  	s1 =	srdreg.scid  }
0x8b: {  	s0 =	sand.u32 $0x1, s1  }
0x8c: {  	s17 =	sshll.u32 s0, $0xA;
	s2 =	sadd.s32 s3, s2  }
0x8d: {  	s2 =	sadd.s32 s2, s17  }
0x8e: {  	[smem:$0x3FBA] =	sst s2  }
0x8f: {  	_ = 	snop  }
0x90: {  	s2 =	sld [smem:$0x3FC3]  }
0x91: {  	s18 =	sld [smem:$0x3FD0];
	(tm) =	ssettm $0x1  }
0x92: {  	s4 =	sld [smem:$0x3FFB];
	_ =	sdelay $0x3  }
0x93: {  	_ =	strace s4  }
0x94: {  	s4 =	sld [smem:$0x3FFC];
	_ =	sdelay $0x3  }
0x95: {  	_ =	strace s4  }
0x96: {  	s4 =	sld [smem:$0x3FFD];
	_ =	sdelay $0x3  }
0x97: {  	_ =	strace s4  }
0x98: {  	_ =	strace $0x8FFFFFFF  }
0x99: {  	s19 =	sld [smem:$0x3FDB];
	_ =	sdelay $0x1  }
0x9a: {  	s5 =	simm.s32 $_scs_section_size  }
0x9b: {  	s6 =	simm.s32 $_size__tile_overlayer_lowered;
	s7 =	simm.s32 $_tile_overlayer_lowered  }
0x9c: {  	s22 =	simm.s32 $0x1BFF;
	s21 =	sshll.u32 s7, $0x1;
	s4 =	sadd.s32 s5, s19  }
0x9d: {  	s8 =	simm.s32 $0x0;
	s20 =	sshll.u32 s6, $0x1;
	s6 =	sadd.s32 s21, s4  }
0x9e: {  	[timem:s8], [sflag:s22] =	dma.local [hbm:s6], s20  }
0x9f: {  	_ =	swait.ge [sflag:s22], s20  }
0xa0: {  	s5 =	ssub.s32 $0x0, s20;
	[sflag:s22] =	ssyncset.done $0x0  }
0xa1: {  	[sflag:s22] =	ssyncadd.s32 s5;
	_ =	sdelay $0x1  }
0xa2: {  	s23 =	simm.s32 $0x1B8B  }
0xa3: {  	_ =	swait.ge [sflag:s23], $0x1  }
0xa4: {  	[sflag:s23] =	ssyncset.done $0x0  }
0xa5: {  	s25 =	simm.s32 $0x1B8E;
	s24 =	sld [smem:$0x3FFE];
	[sflag:s23] =	ssyncadd.s32 $0xFFFFFFFF  }
0xa6: {  	s26 =	simm.s32 $execute0_lowered;
	[smem:$0x3FD2] =	sst s25  }
0xa7: {  	s6 =	sshll.u32 s26, $0x1;
	_ =	strace $0x80000046;
	[dreg:$0x1] =	wrdreg $0xFFFFFFFF  }
0xa8: {  	s28 =	simm.s32 $_size_execute0_lowered;
	s4 =	sadd.s32 s4, s6;
	[dreg:$0x0] =	wrdreg $0x0  }
0xa9: {  	s6 =	sshll.u32 s28, $0x1;
	[dreg:$0x2] =	wrdreg s4  }
0xaa: {  	[dreg:$0x3] =	wrdreg s6  }
0xab: {  	[dreg:$0x4] =	wrdreg $0xC0  }
0xac: {  	_ =	task [dreg:s8], $0x5FFFF  }
0xad: {  	[dreg:$0x1] =	wrdreg $0xFFFFFFFF  }
0xae: {  	[dreg:$0x0] =	wrdreg $0x60  }
0xaf: {  	[dreg:$0x2] =	wrdreg s18  }
0xb0: {  	[dreg:$0x3] =	wrdreg s24  }
0xb1: {  	[dreg:$0x4] =	wrdreg s2  }
0xb2: {  	[dreg:$0x5] =	wrdreg $0x8D200  }
0xb3: {  	[dreg:$0x6] =	wrdreg $0x1C5A00  }
0xb4: {  	[dreg:$0x7] =	wrdreg $0x9  }
0xb5: {  	_ =	task.clear_ibuf [dreg:s8], $0x8FFFF;
	_ =	strace $0x90000046  }
0xb6: {  	s29 =	simm.s32 $0x9;
	_ =	strace $0x80000048  }
0xb7: {  	_ =	swait.ge [sflag:s29], $0x1  }
0xb8: {  	[sflag:s29] =	ssyncadd.s32 $0xFFFFFFFF  }
0xb9: {  	_ =	strace $0x90000048  }
0xba: {  	_ =	sfence  }
0xbb: {  	s30 =	sld [smem:$0x0];
	_ =	sdelay $0x2  }
0xbc: {  	s31 =	sshll.u32 s1, $0xD;
	s1 =	sshrl.u32 s1, $0x2  }
0xbd: {  	s3 =	sand.u32 $0x4000, s31;
	s1 =	sadd.s32 s1, s30  }
0xbe: {  	s0 =	sor.u32 s3, s0;
	s1 =	sshll.u32 s1, $0x11  }
0xbf: {  	s0 =	sor.u32 s1, s0  }
0xc0: {  	s0 =	sadd.s32 $0x8F2B, s0  }
0xc1: {  	[sflag:s0] =	ssyncadd.remote.s32 $0x1  }
0xc2: {  	_ =	sfence.sel $0xFFFF  }
0xc3: {  	[dreg:$0x0] =	wrdreg $0xFFFFFFFF;
	(pc) =	sbr.abs _section_cstart, $3  }
0xc4: {  	[dreg:$0x1] =	wrdreg $0xFFFFFFFF  }
0xc5: {  	_ =	task.clear_ibuf [dreg:s8], $0x2FFFF;
	_ =	strace $0x9FFFFFFF  }
0xc6: {  	(tm) =	ssettm $0x7FFFFFFF  }
0xc7: {  	_ =	shalt  }
tec
execute0_lowered:
.L_overlay_start_1:
0x0: {  	(tag) =	ssettag $0x1  }
0x1: {  	s1 =	rddreg [dreg:$0x0]  }
0x2: {  	s0 =	rddreg [dreg:$0x1]  }
0x3: {  	s3 =	rddreg [dreg:$0x3]  }
0x4: {  	s4 =	rddreg [dreg:$0x4];
	s6 =	simm.s32 $0x0  }
0x5: {  	s2 =	srdreg.scid;
	s23 =	stileid.u32;
	s31 =	simm.s32 $0x5  }
0x6: {  	s30 =	simm.s32 $0x28;
	[smem:$0x7FF] =	sst s6;
	s2 =	sand.u32 $0x1, s2  }
0x7: {  	s7 =	sadd.s32 $0x3400, s0;
	s9 =	smul.u32 $0x1F400, s23;
	s10 =	sadd.s32 $0x4EF200, s0  }
0x8: {  	s8 =	sadd.s32 $0x4F9000, s0;
	s11 =	sadd.s32 $0x4E5400, s0;
	s14 =	smul.u32 $0x7D000, s23  }
0x9: {  	s12 =	sadd.s32 $0x2A600, s0;
	s21 =	sadd.s32 $0x2B400, s0;
	s17 =	smul.u32 $0xFA00, s23  }
0xa: {  	s5 =	smul.u32 $0x138800, s2;
	_ =	strace $0x80000047;
	[dreg:$0x6] =	wrdreg s10  }
0xb: {  	s16 =	sshll.u32 s23, $0x1;
	s20 =	smul.u32 $0x27100, s2;
	[dreg:$0x7] =	wrdreg s11  }
0xc: {  	p0 =	sgt.u32 s23, $0x9;
	s11 =	smul.u32 $0x3E80, s23;
	[dreg:$0x8] =	wrdreg s12  }
0xd: {  	[dreg:$0x9] =	wrdreg s21;
	s12 =	smul.u32 $0x3E8, s23;
	s13 =	ssub.s32 $0x2, s2  }
0xe: {  	s2 =	sor.u32 s2, s16;
	s23 =	simm.s32 $0x4;
	s15 =	sshrl.u32 s13, $0x1  }
0xf: {  	s22 =	sshrl.u32 s14, $0x2;
	s24 =	sshrl.u32 s17, $0x2;
	s5 =	sadd.s32 s9, s5  }
0x10: {  	s10 =	sadd.s32 s11, s20;
	s25 =	sadd.s32 $0xC8, s12;
	s16 =	sadd.s32 s22, s3  }
0x11: {  	s14 =	sadd.s32 s24, s4;
	s29 =	sadd.s32 $0x190, s12;
	s19 =	sadd.s32 $0x258, s12  }
0x12: {  	s12 =	sadd.s32 $0x320, s12;
	s5 =	sshrl.u32 s5, $0x3;
	s10 =	sshrl.u32 s10, $0x3  }
0x13: {  	s26 =	sshll.u32 s25, $0x7;
	s28 =	sshll.u32 s25, $0x4;
	s21 =	sshll.u32 s29, $0x7  }
0x14: {  	s22 =	sshll.u32 s29, $0x4;
	s24 =	sshll.u32 s19, $0x7;
	s25 =	sshll.u32 s19, $0x4  }
0x15: {  	s5 =	sadd.s32 s5, s0;
	s0 =	sadd.s32 s10, s0;
	s10 =	ssub.s32 s13, s15  }
0x16: {  	s17 =	sadd.s32 s26, s3;
	s18 =	sadd.s32 s28, s4;
	s20 =	sadd.s32 s21, s3  }
0x17: {  	s21 =	sadd.s32 s22, s4;
	s15 =	sadd.s32 s24, s3;
	s26 =	sshll.u32 s12, $0x7  }
0x18: {  	s12 =	sshll.u32 s12, $0x4;
	s22 =	sadd.s32 s25, s4;
	s28 =	sadd.s32 $0x35400, s5  }
0x19: {  	s13 =	smul.u32 $0x2710, s2;
	s0 =	sadd.s32 $0x2B600, s0;
	[dreg:$0xa] =	wrdreg s28  }
0x1a: {  	s2 =	sadd.s32 s9, s3;
	s29 =	smax.u32 s10, $0x1;
	[dreg:$0xb] =	wrdreg s0  }
0x1b: {  	s9 =	simm.s32 $0x0;
	s5 =	sshrl.u32 @!p0 s16, $0x3;
	[dreg:$0xc] =	wrdreg s29  }
0x1c: {  	s19 =	sadd.s32 s26, s3;
	s2 =	sshrl.u32 @!p0 s2, $0x3;
	[dreg:$0xd] =	wrdreg s5  }
0x1d: {  	s12 =	sadd.s32 s12, s4;
	s5 =	sshrl.u32 @!p0 s14, $0x3;
	[dreg:$0x17] =	wrdreg s2  }
0x1e: {  	s0 =	sadd.s32 s11, s4;
	[dreg:$0xe] =	wrdreg s5;
	s5 =	sshrl.u32 @!p0 s17, $0x3  }
0x1f: {  	s16 =	simm.s32 $0x73A0;
	s0 =	sshrl.u32 @!p0 s0, $0x3;
	[dreg:$0xf] =	wrdreg s5  }
0x20: {  	s14 =	simm.s32 $0x37A0;
	s5 =	sshrl.u32 @!p0 s18, $0x3;
	[dreg:$0x18] =	wrdreg s0  }
0x21: {  	s17 =	simm.s32 $0x23A0;
	[dreg:$0x10] =	wrdreg s5;
	s5 =	sshrl.u32 @!p0 s20, $0x3  }
0x22: {  	s0 =	simm.s32 $0x7D0;
	[dreg:$0x11] =	wrdreg s5;
	s5 =	sshrl.u32 @!p0 s21, $0x3  }
0x23: {  	s18 =	simm.s32 $0x4BA0;
	[dreg:$0x12] =	wrdreg s5;
	s5 =	sshrl.u32 @!p0 s15, $0x3  }
0x24: {  	s20 =	simm.s32 $0x2;
	[dreg:$0x13] =	wrdreg s5;
	s5 =	sshrl.u32 @!p0 s22, $0x3  }
0x25: {  	s21 =	simm.s32 $0x8A20;
	[dreg:$0x14] =	wrdreg s5;
	s5 =	sshrl.u32 @!p0 s19, $0x3  }
0x26: {  	s15 =	simm.s32 $0x1;
	[dreg:$0x15] =	wrdreg s5;
	s5 =	sshrl.u32 @!p0 s12, $0x3  }
0x27: {  	s22 =	simm.s32 $0x3;
	s19 =	simm.s32 $0x87A0;
	[dreg:$0x16] =	wrdreg s5  }
.LBB2_1:
0x28: {  	[dreg:$0x19] =	wrdreg s9  }
0x29: {  	s2 =	rddreg [dreg:$0x2];
	s5 =	simm.s32 $0x8CA0  }
0x2a: {  	[tilespmem:s5], [sflag:$0x5] =	stream.linear.gather [hbm4b:s2+s6], $0x80, $0x38;
	[tilespmem:$0x1ECB0] =	vst v63  }
0x2b: {  	_ =	swait.ge [sflag:s31], $0x80  }
0x2c: {  	[sflag:s31] =	ssyncset.done $0x0  }
0x2d: {  	[sflag:s31] =	ssyncadd.s32 $0xFFFFFF80  }
0x2e: {  	v61 =	vld [tilespmem:$0x8CA0]  }
0x2f: {  	v60 =	vld [tilespmem:$0x8CB0]  }
0x30: {  	v57 =	vld [tilespmem:$0x8CC0]  }
0x31: {  	v56 =	vld [tilespmem:$0x8CD0]  }
0x32: {  	s2 =	stileid.u32;
	v58 =	vld [tilespmem:$0x8CE0]  }
0x33: {  	s2 =	sshll.u32 @!p0 s2, $0x6;
	s5 =	rddreg [dreg:$0x8];
	v5 =	vld [tilespmem:$0x8CF0]  }
0x34: {  	s11 =	sor.u32 @!p0 $0x1C05, s2;
	s2 =	rddreg [dreg:$0xd];
	v6 =	vld [tilespmem:$0x8D00]  }
0x35: {  	v7 =	vld [tilespmem:$0x8D10];
	[spmem:s2], [sflag:s11] =	dma.local @!p0 [hbm:s5], $0xC80  }
0x36: {  	s2 =	simm.s32 @!p0 $0x5  }
0x37: {  	_ =	swait.ge @!p0 [sflag:s2], $0xC80  }
0x38: {  	[sflag:s2] =	ssyncset.done @!p0 $0x0;
	s9 =	rddreg [dreg:$0x9]  }
0x39: {  	s10 =	rddreg [dreg:$0xe];
	[sflag:s2] =	ssyncadd.s32 @!p0 $0xFFFFF380  }
0x3a: {  	[spmem:s10], [sflag:s11] =	dma.local @!p0 [hbm:s9], $0x190  }
0x3b: {  	_ =	swait.ge @!p0 [sflag:s2], $0x190  }
0x3c: {  	[sflag:s2] =	ssyncset.done @!p0 $0x0  }
0x3d: {  	s10 =	rddreg [dreg:$0xf];
	[sflag:s2] =	ssyncadd.s32 @!p0 $0xFFFFFE70  }
0x3e: {  	[spmem:s10], [sflag:s11] =	dma.local @!p0 [hbm:s5], $0xC80  }
0x3f: {  	_ =	swait.ge @!p0 [sflag:s2], $0xC80  }
0x40: {  	[sflag:s2] =	ssyncset.done @!p0 $0x0  }
0x41: {  	s10 =	rddreg [dreg:$0x10];
	[sflag:s2] =	ssyncadd.s32 @!p0 $0xFFFFF380  }
0x42: {  	[spmem:s10], [sflag:s11] =	dma.local @!p0 [hbm:s9], $0x190  }
0x43: {  	_ =	swait.ge @!p0 [sflag:s2], $0x190  }
0x44: {  	[sflag:s2] =	ssyncset.done @!p0 $0x0  }
0x45: {  	s10 =	rddreg [dreg:$0x11];
	[sflag:s2] =	ssyncadd.s32 @!p0 $0xFFFFFE70  }
0x46: {  	[spmem:s10], [sflag:s11] =	dma.local @!p0 [hbm:s5], $0xC80  }
0x47: {  	_ =	swait.ge @!p0 [sflag:s2], $0xC80  }
0x48: {  	[sflag:s2] =	ssyncset.done @!p0 $0x0  }
0x49: {  	s10 =	rddreg [dreg:$0x12];
	[sflag:s2] =	ssyncadd.s32 @!p0 $0xFFFFF380  }
0x4a: {  	[spmem:s10], [sflag:s11] =	dma.local @!p0 [hbm:s9], $0x190  }
0x4b: {  	_ =	swait.ge @!p0 [sflag:s2], $0x190  }
0x4c: {  	[sflag:s2] =	ssyncset.done @!p0 $0x0  }
0x4d: {  	s10 =	rddreg [dreg:$0x13];
	[sflag:s2] =	ssyncadd.s32 @!p0 $0xFFFFFE70  }
0x4e: {  	[spmem:s10], [sflag:s11] =	dma.local @!p0 [hbm:s5], $0xC80  }
0x4f: {  	_ =	swait.ge @!p0 [sflag:s2], $0xC80  }
0x50: {  	[sflag:s2] =	ssyncset.done @!p0 $0x0  }
0x51: {  	s10 =	rddreg [dreg:$0x14];
	[sflag:s2] =	ssyncadd.s32 @!p0 $0xFFFFF380  }
0x52: {  	[spmem:s10], [sflag:s11] =	dma.local @!p0 [hbm:s9], $0x190  }
0x53: {  	_ =	swait.ge @!p0 [sflag:s2], $0x190  }
0x54: {  	[sflag:s2] =	ssyncset.done @!p0 $0x0  }
0x55: {  	s10 =	rddreg [dreg:$0x15];
	[sflag:s2] =	ssyncadd.s32 @!p0 $0xFFFFFE70  }
0x56: {  	[spmem:s10], [sflag:s11] =	dma.local @!p0 [hbm:s5], $0xC80  }
0x57: {  	_ =	swait.ge @!p0 [sflag:s2], $0xC80  }
0x58: {  	[dreg:$0x1a] =	wrdreg s11;
	[sflag:s2] =	ssyncset.done @!p0 $0x0  }
0x59: {  	s5 =	rddreg [dreg:$0x16];
	[sflag:s2] =	ssyncadd.s32 @!p0 $0xFFFFF380  }
0x5a: {  	[spmem:s5], [sflag:s11] =	dma.local @!p0 [hbm:s9], $0x190  }
0x5b: {  	_ =	swait.ge @!p0 [sflag:s2], $0x190  }
0x5c: {  	[sflag:s2] =	ssyncset.done @!p0 $0x0  }
0x5d: {  	[sflag:s2] =	ssyncadd.s32 @!p0 $0xFFFFFE70  }
0x5e: {  	[bflag:$0x0] =	sbarrier.arrive $0xFFFF  }
0x5f: {  	[tilespmem:$0x1FFD0] =	vst v57  }
0x60: {  	[tilespmem:$0x1FFE0] =	vst v56  }
0x61: {  	s26 =	simm.s32 $0x0;
	[tilespmem:$0x1FFF0] =	vst v58  }
.LBB2_2:
0x62: {  	s2 =	smul.u32 $0x7D0, s26;
	_ =	sdelay $0x1  }
0x63: {  	s28 =	sadd.s32 s13, s2  }
0x64: {  	s5 =	rddreg [dreg:$0x6];
	s2 =	sshrl.u32 s28, $0x3  }
0x65: {  	s29 =	simm.s32 $0x0;
	s5 =	sadd.s32 s5, s2  }
0x66: {  	[tilespmem:s29], [sflag:$0x5] =	stream.linear.gather [hbm4b:s5+s29], $0x7D0, $0x38;
	[tilespmem:$0x1ECB0] =	vst v63  }
0x67: {  	_ =	swait.ge [sflag:s31], $0x7D0  }
0x68: {  	[sflag:s31] =	ssyncset.done $0x0;
	s11 =	rddreg [dreg:$0x7]  }
0x69: {  	[sflag:s31] =	ssyncadd.s32 $0xFFFFF830;
	s2 =	sadd.s32 s11, s2  }
0x6a: {  	[tilespmem:s0], [sflag:$0x5] =	stream.linear.gather [hbm4b:s2+s29], $0x7D0, $0x38;
	[tilespmem:$0x1ECB0] =	vst v63  }
0x6b: {  	_ =	swait.ge [sflag:s31], $0x7D0  }
0x6c: {  	s12 =	sshll.u32 s28, $0x4;
	[sflag:s31] =	ssyncset.done $0x0  }
0x6d: {  	s24 =	simm.s32 $0x5FA0;
	s2 =	sadd.s32 s8, s12;
	[sflag:s31] =	ssyncadd.s32 $0xFFFFF830  }
0x6e: {  	[tilespmem:s24], [sflag:$0x1] =	stream.linear.gather [hbm4b:s2+s29], $0x1400, $0x38;
	[tilespmem:$0x1ECB0] =	vst v63  }
0x6f: {  	s25 =	simm.s32 $0xFA0  }
0x70: {  	[tilespmem:s25], [sflag:$0x1] =	stream.indirect.gather [hbm4b:s1+s30], $0x80, s29, s30, $0xb8;
	[tilespmem:$0x1ECB0] =	vst v63  }
0x71: {  	_ = 	snop  }
0x72: {  	[tilespmem:s14], [sflag:$0x1] =	stream.indirect.gather [hbm4b:s7+s30], $0x80, s0, s30, $0xb8;
	[tilespmem:$0x1ECB0] =	vst v63  }
.LBB2_3:
0x73: {  	_ =	swait.ge [sflag:s15], $0x1400  }
0x74: {  	[sflag:s15] =	ssyncset.done $0x0  }
0x75: {  	[sflag:s15] =	ssyncadd.s32 $0xFFFFEC00  }
0x76: {  	_ =	swait.ge [sflag:s15], $0x1400  }
0x77: {  	[sflag:s15] =	ssyncset.done $0x0  }
0x78: {  	[sflag:s15] =	ssyncadd.s32 $0xFFFFEC00  }
0x79: {  	_ =	swait.ge [sflag:s15], $0x1400  }
0x7a: {  	p1 =	seq.s32 s29, $0x0;
	[sflag:s15] =	ssyncset.done $0x0  }
0x7b: {  	s11 =	smul.u32 $0x50, s29;
	s2 =	simm.s32 @!p1 $0x4;
	[sflag:s15] =	ssyncadd.s32 $0xFFFFEC00  }
0x7c: {  	_ =	swait.ge @!p1 [sflag:s2], $0x1400  }
0x7d: {  	s5 =	sadd.s32 $0x28, s11;
	[sflag:s2] =	ssyncset.done @!p1 $0x0  }
0x7e: {  	s9 =	sadd.s32 s28, s5;
	[sflag:s2] =	ssyncadd.s32 @!p1 $0xFFFFEC00  }
0x7f: {  	s9 =	sshll.u32 s9, $0x4;
	_ =	swait.ge @!p1 [sflag:s2], $0x280  }
0x80: {  	s9 =	sand.u32 $0x1FFFFF80, s9;
	[sflag:s2] =	ssyncset.done @!p1 $0x0  }
0x81: {  	s12 =	sadd.s32 s8, s9;
	[sflag:s2] =	ssyncadd.s32 @!p1 $0xFFFFFD80  }
0x82: {  	[tilespmem:s16], [sflag:$0x2] =	stream.linear.gather [hbm4b:s12+s6], $0x1400, $0x38;
	[tilespmem:$0x1ECB0] =	vst v63  }
0x83: {  	_ = 	snop  }
0x84: {  	[tilespmem:s17], [sflag:$0x2] =	stream.indirect.gather [hbm4b:s1+s30], $0x80, s5, s30, $0xb8;
	[tilespmem:$0x1ECB0] =	vst v63  }
0x85: {  	s25 =	simm.s32 $0x10A0;
	s24 =	sadd.s32 $0x7F8, s11  }
0x86: {  	[tilespmem:s18], [sflag:$0x2] =	stream.indirect.gather [hbm4b:s7+s30], $0x80, s24, s30, $0xb8;
	[tilespmem:$0x1ECB0] =	vst v63  }
0x87: {  	v20 =	vld [tilespmem:s25+$0xF0]  }
0x88: {  	v28 =	vld [tilespmem:s25+$0xE0]  }
0x89: {  	v30 =	vld [tilespmem:s25+$0xD0]  }
0x8a: {  	v31 =	vld [tilespmem:s25+$0xC0]  }
0x8b: {  	s12 =	simm.s32 $0x60A0;
	v26 =	vld [tilespmem:s25+$0xB0]  }
0x8c: {  	v8 =	vld [tilespmem:s12+$0x90]  }
0x8d: {  	v9 =	vld [tilespmem:s12+$0x80]  }
0x8e: {  	s24 =	simm.s32 $0x38A0;
	v27 =	vld [tilespmem:s25+$0x80]  }
0x8f: {  	v10 =	vld [tilespmem:s24+$0x80]  }
0x90: {  	v33 =	vld [tilespmem:s25+$0x90]  }
0x91: {  	v11 =	vld [tilespmem:s24+$0x90]  }
0x92: {  	v32 =	vld [tilespmem:s25+$0xA0]  }
0x93: {  	v12 =	vld [tilespmem:s24+$0xA0]  }
0x94: {  	v13 =	vld [tilespmem:s24+$0xB0]  }
0x95: {  	v14 =	vld [tilespmem:s12+$0xA0]  }
0x96: {  	v15 =	vld [tilespmem:s24+$0xC0]  }
0x97: {  	v16 =	vld [tilespmem:s12+$0xB0]  }
0x98: {  	v17 =	vld [tilespmem:s24+$0xD0]  }
0x99: {  	v18 =	vld [tilespmem:s12+$0xC0]  }
0x9a: {  	v19 =	vld [tilespmem:s24+$0xE0]  }
0x9b: {  	v21 =	vld [tilespmem:s12+$0xD0]  }
0x9c: {  	v22 =	vld [tilespmem:s24+$0xF0]  }
0x9d: {  	v23 =	vld [tilespmem:s12+$0xE0]  }
0x9e: {  	v24 =	vld [tilespmem:s24+$0xFFFFFF00]  }
0x9f: {  	v25 =	vld [tilespmem:s12+$0xF0]  }
0xa0: {  	v29 =	vld [tilespmem:s24+$0xFFFFFF80]  }
0xa1: {  	v35 =	vld [tilespmem:s24+$0x0]  }
0xa2: {  	v36 =	vld [tilespmem:s12+$0xFFFFFF00]  }
0xa3: {  	v37 =	vld [tilespmem:s24+$0xFFFFFF10]  }
0xa4: {  	v38 =	vld [tilespmem:s12+$0x0]  }
0xa5: {  	v63 =	vld [tilespmem:s24+$0xFFFFFF20]  }
0xa6: {  	v39 =	vld [tilespmem:s12+$0xFFFFFF90];
	v10 =	vadd.f32 v10, v27  }
0xa7: {  	v40 =	vld [tilespmem:s24+$0xFFFFFFA0]  }
0xa8: {  	v41 =	vld [tilespmem:s12+$0x10];
	v11 =	vadd.f32 v11, v33;
	v10 =	vadd.f32 v9, v10  }
0xa9: {  	v42 =	vld [tilespmem:s24+$0x20];
	v12 =	vadd.f32 v12, v32;
	v13 =	vadd.f32 v13, v26  }
0xaa: {  	v0 =	vld [tilespmem:s12+$0xFFFFFFA0];
	v15 =	vadd.f32 v15, v31;
	v11 =	vadd.f32 v8, v11;
	v34 =	vmul.f32 $2.000000030e-01, v10  }
0xab: {  	v45 =	vld [tilespmem:s24+$0xFFFFFFB0];
	v17 =	vadd.f32 v17, v30;
	v19 =	vadd.f32 v19, v28  }
0xac: {  	v2 =	vld [tilespmem:s12+$0xFFFFFF30];
	v14 =	vadd.f32 v14, v12;
	v53 =	vmul.f32 $2.000000030e-01, v11;
	v10 =	vmax.f32 v10, v34  }
0xad: {  	v22 =	vadd.f32 v22, v20;
	v8 =	vld [tilespmem:s25+$0x0];
	v16 =	vadd.f32 v16, v13;
	v10 =	vmul.f32 v10, v61  }
0xae: {  	v13 =	vld [tilespmem:s25+$0xFFFFFF10];
	v15 =	vadd.f32 v18, v15;
	v54 =	vmul.f32 $2.000000030e-01, v14;
	v11 =	vmax.f32 v11, v53  }
0xaf: {  	v48 =	vld [tilespmem:s24+$0xFFFFFF40];
	v17 =	vadd.f32 v21, v17;
	v11 =	vmul.f32 v11, v60;
	v10 =	vadd.f32 $0.0e+00, v10  }
0xb0: {  	v22 =	vadd.f32 v25, v22;
	v25 =	vld [tilespmem:s12+$0xFFFFFF10];
	v55 =	vmul.f32 $2.000000030e-01, v16;
	v14 =	vmax.f32 v14, v54  }
0xb1: {  	v50 =	vld [tilespmem:s12+$0xFFFFFFB0];
	v19 =	vadd.f32 v23, v19;
	v14 =	vmul.f32 v14, v57;
	v10 =	vadd.f32 v11, v10  }
0xb2: {  	v9 =	vld [tilespmem:s25+$0xFFFFFF80];
	v59 =	vmul.f32 $2.000000030e-01, v15;
	v16 =	vmax.f32 v16, v55;
	v35 =	vadd.f32 v35, v8  }
0xb3: {  	v12 =	vld [tilespmem:s25+$0xFFFFFF00];
	v16 =	vmul.f32 v16, v56;
	v37 =	vadd.f32 v37, v13;
	v14 =	vadd.f32 v14, v10  }
0xb4: {  	v21 =	vld [tilespmem:s24+$0xFFFFFF90];
	v62 =	vmul.f32 $2.000000030e-01, v17;
	v15 =	vmax.f32 v15, v59;
	v35 =	vadd.f32 v38, v35  }
0xb5: {  	v15 =	vmul.f32 v15, v58;
	v25 =	vadd.f32 v25, v37;
	v11 =	vld [tilespmem:s25+$0xFFFFFF90];
	v14 =	vadd.f32 v16, v14  }
0xb6: {  	v23 =	vld [tilespmem:s24+$0x10];
	v46 =	vmul.f32 $2.000000030e-01, v35;
	v16 =	vmax.f32 v17, v62;
	v17 =	vmul.f32 $2.000000030e-01, v19  }
0xb7: {  	v53 =	vmul.f32 $2.000000030e-01, v25;
	v10 =	vld [tilespmem:s25+$0x10];
	v16 =	vmul.f32 v16, v5;
	v14 =	vadd.f32 v15, v14  }
0xb8: {  	v18 =	vld [tilespmem:s12+$0xFFFFFF80];
	v35 =	vmax.f32 v35, v46;
	v17 =	vmax.f32 v19, v17;
	v19 =	vmul.f32 $2.000000030e-01, v22  }
0xb9: {  	v46 =	vmax.f32 v25, v53;
	v25 =	vld [tilespmem:s25+$0xFFFFFFC0];
	v17 =	vmul.f32 v17, v6;
	v14 =	vadd.f32 v16, v14  }
0xba: {  	v55 =	vmul.f32 v46, v60;
	v46 =	vld [tilespmem:s12+$0xFFFFFF40];
	v21 =	vadd.f32 v21, v11;
	v19 =	vmax.f32 v22, v19  }
0xbb: {  	v15 =	vld [tilespmem:s25+$0xFFFFFF20];
	v14 =	vadd.f32 v17, v14;
	v17 =	vmul.f32 v19, v7  }
0xbc: {  	v23 =	vadd.f32 v23, v10;
	v21 =	vadd.f32 v39, v21;
	v16 =	vld [tilespmem:s25+$0xFFFFFFA0]  }
0xbd: {  	v22 =	vadd.f32 v29, v9;
	v29 =	vld [tilespmem:s24+$0xFFFFFF30];
	v17 =	vadd.f32 v17, v14  }
0xbe: {  	v23 =	vadd.f32 v41, v23;
	v41 =	vld [tilespmem:s24+$0xFFFFFFC0]  }
0xbf: {  	v35 =	vmul.f32 v35, v61;
	v49 =	vmul.f32 $2.000000030e-01, v21;
	v19 =	vadd.f32 v24, v12;
	v24 =	vld [tilespmem:s12+$0xFFFFFF20];
	(xrf2) =	vadd.scan.msk.f32 $0xffff, v17  }
0xc0: {  	v18 =	vadd.f32 v18, v22;
	v22 =	vld [tilespmem:s25+$0xFFFFFFB0]  }
0xc1: {  	v35 =	vadd.f32 $0.0e+00, v35;
	v21 =	vmax.f32 v21, v49;
	v54 =	vmul.f32 $2.000000030e-01, v23;
	v49 =	vld [tilespmem:s12+$0xFFFFFFC0]  }
0xc2: {  	v34 =	vadd.f32 v63, v15;
	v14 =	vld [tilespmem:s25+$0x20];
	v19 =	vadd.f32 v36, v19;
	v44 =	vmul.f32 $2.000000030e-01, v18  }
0xc3: {  	v59 =	vmul.f32 v21, v60;
	v21 =	vld [tilespmem:s25+$0x40];
	v40 =	vadd.f32 v40, v16;
	v23 =	vmax.f32 v23, v54  }
0xc4: {  	v17 =	vld [tilespmem:s25+$0xFFFFFF30];
	v43 =	vmul.f32 $2.000000030e-01, v19;
	v1 =	vmax.f32 v18, v44;
	v23 =	vmul.f32 v23, v60  }
0xc5: {  	v18 =	vld [tilespmem:s25+$0x30];
	v41 =	vadd.f32 v41, v25;
	v38 =	vmul.f32 v1, v61;
	v24 =	vadd.f32 v24, v34  }
0xc6: {  	v36 =	vadd.f32 v0, v40;
	v45 =	vadd.f32 v45, v22;
	v19 =	vmax.f32 v19, v43;
	v43 =	vld [tilespmem:s12+$0x20]  }
0xc7: {  	v44 =	vld [tilespmem:s24+$0x30];
	v35 =	vadd.f32 v23, v35;
	v19 =	vmul.f32 v19, v61;
	v38 =	vadd.f32 $0.0e+00, v38  }
0xc8: {  	v34 =	vld [tilespmem:s12+$0x30];
	v41 =	vadd.f32 v49, v41;
	v42 =	vadd.f32 v42, v14;
	v62 =	vmul.f32 $2.000000030e-01, v24  }
0xc9: {  	v40 =	vld [tilespmem:s24+$0x40];
	v0 =	vmul.f32 $2.000000030e-01, v36;
	v47 =	vadd.f32 $0.0e+00, v19;
	v38 =	vadd.f32 v59, v38;
	v52, _, _ =	vpop (xrf2)  }
0xca: {  	v19 =	vld [tilespmem:s25+$0xFFFFFF40];
	v63 =	vmax.f32 v24, v62;
	v29 =	vadd.f32 v29, v17;
	v39 =	vmul.f32 $1.442695020e+00, v52  }
0xcb: {  	v24 =	vld [tilespmem:s25+$0xFFFFFF50];
	v36 =	vmax.f32 v36, v0;
	v59 =	vadd.f32 v50, v45;
	v42 =	vadd.f32 v43, v42  }
0xcc: {  	v45 =	vld [tilespmem:s24+$0xFFFFFFD0];
	v23 =	vmul.f32 v63, v57;
	v29 =	vadd.f32 v2, v29;
	v39 =	vbroadcast v39, $0xF  }
0xcd: {  	v36 =	vmul.f32 v36, v57;
	v43 =	vld [tilespmem:s24+$0xFFFFFF50];
	v2 =	vadd.f32 v44, v18;
	v1 =	vmul.f32 $2.000000030e-01, v42  }
0xce: {  	v50 =	vld [tilespmem:s12+$0x40];
	v40 =	vadd.f32 v40, v21;
	v62 =	vmul.f32 $2.000000030e-01, v29;
	(erf) = vpow2.f32 v39  }
0xcf: {  	v44 =	vld [tilespmem:s24+$0x60];
	v36 =	vadd.f32 v36, v38;
	v34 =	vadd.f32 v34, v2;
	v52 =	vmul.f32 $2.000000030e-01, v59  }
0xd0: {  	v2 =	vld [tilespmem:s12+$0xFFFFFF50];
	v63 =	vadd.f32 v48, v19;
	v42 =	vmax.f32 v42, v1;
	v29 =	vmax.f32 v29, v62  }
0xd1: {  	v38 =	vld [tilespmem:s24+$0x50];
	v42 =	vmul.f32 v42, v57;
	v0 =	vmul.f32 v29, v56;
	v29 =	vmax.f32 v59, v52  }
0xd2: {  	v37 =	vadd.f32 v46, v63;
	v43 =	vadd.f32 v43, v24;
	v52 =	vmul.f32 v29, v56;
	v29 =	vld [tilespmem:s25+$0xFFFFFF60]  }
0xd3: {  	v35 =	vadd.f32 v42, v35;
	v42 =	vld [tilespmem:s24+$0xFFFFFF60];
	v39 =	vadd.f32 v55, v47  }
0xd4: {  	v40 =	vadd.f32 v50, v40;
	v1 =	vmul.f32 $2.000000030e-01, v34;
	v62 =	vld [tilespmem:s12+$0xFFFFFFD0];
	v59 =	vmul.f32 $2.000000030e-01, v37  }
0xd5: {  	v63 =	vmul.f32 $2.000000030e-01, v41;
	v43 =	vadd.f32 v2, v43;
	v2 =	vld [tilespmem:s12+$0xFFFFFF60];
	v39 =	vadd.f32 v23, v39  }
0xd6: {  	v53 =	vmul.f32 $2.000000030e-01, v40;
	v34 =	vmax.f32 v34, v1;
	v37 =	vmax.f32 v37, v59;
	v23 =	vld [tilespmem:s25+$0xFFFFFFD0]  }
0xd7: {  	v46 =	vld [tilespmem:s12+$0xFFFFFFE0];
	v34 =	vmul.f32 v34, v56;
	v37 =	vmul.f32 v37, v58;
	v39 =	vadd.f32 v0, v39;
	v47 =	vpop (erf)  }
0xd8: {  	v36 =	vadd.f32 v52, v36;
	v42 =	vadd.f32 v42, v29;
	v51 =	vmul.f32 v47, v20;
	v20 =	vld [tilespmem:s25+$0x50]  }
0xd9: {  	v1 =	vmax.f32 v41, v63;
	v34 =	vadd.f32 v34, v35;
	v35 =	vld [tilespmem:s24+$0xFFFFFFE0];
	v37 =	vadd.f32 v37, v39  }
0xda: {  	v0 =	vld [tilespmem:s12+$0x50];
	v39 =	vmul.f32 v1, v58;
	v63 =	vadd.f32 v2, v42;
	v49 =	vmul.f32 v47, v27  }
0xdb: {  	v45 =	vadd.f32 v45, v23;
	v27 =	vld [tilespmem:s25+$0xFFFFFFE0];
	v50 =	vmul.f32 v47, v26;
	v41 =	vmul.f32 v47, v31  }
0xdc: {  	v26 =	vld [tilespmem:s25+$0x60];
	v54 =	vmul.f32 v47, v30;
	v55 =	vmul.f32 v47, v28;
	v28 =	vmax.f32 v40, v53  }
0xdd: {  	s2 =	simm.s32 $0x87C0;
	v31 =	vld [tilespmem:s25+$0xFFFFFF70];
	v30 =	vmul.f32 $2.000000030e-01, v43;
	v53 =	vadd.f32 v62, v45;
	v38 =	vadd.f32 v38, v20  }
0xde: {  	v36 =	vadd.f32 v39, v36;
	v33 =	vmul.f32 v47, v33;
	v45 =	vld [tilespmem:s24+$0xFFFFFF70];
	[tilespmem:s2+$0x10] =	vst v47;
	v28 =	vmul.f32 v28, v58  }
0xdf: {  	v52 =	vld [tilespmem:s12+$0x60];
	[tilespmem:s24+$0xF0] =	vst v51;
	v59 =	vmax.f32 v43, v30;
	v62 =	vmul.f32 $2.000000030e-01, v53;
	v38 =	vadd.f32 v0, v38  }
0xe0: {  	v32 =	vmul.f32 v47, v32;
	v30 =	vld [tilespmem:s25+$0xFFFFFFF0];
	[tilespmem:s24+$0x80] =	vst v49;
	v47 =	vadd.f32 v28, v34;
	v1 =	vmul.f32 v59, v5  }
0xe1: {  	[tilespmem:s24+$0x90] =	vst v33;
	v51 =	vmax.f32 v53, v62;
	v53 =	vmul.f32 $2.000000030e-01, v63;
	v0 =	vld [tilespmem:s24+$0xFFFFFFF0];
	v28 =	vmul.f32 $2.000000030e-01, v38  }
0xe2: {  	v42 =	vld [tilespmem:s12+$0x70];
	[tilespmem:s24+$0xA0] =	vst v32;
	v2 =	vadd.f32 v35, v27;
	v35 =	vmul.f32 v51, v5;
	v32 =	vadd.f32 v1, v37  }
0xe3: {  	[tilespmem:s24+$0xB0] =	vst v50;
	v33 =	vld [tilespmem:s24+$0x70];
	v59 =	vadd.f32 v44, v26;
	v34 =	vadd.f32 v45, v31;
	v38 =	vmax.f32 v38, v28  }
0xe4: {  	[tilespmem:s24+$0xC0] =	vst v41;
	v41 =	vld [tilespmem:s12+$0xFFFFFFF0];
	v63 =	vmax.f32 v63, v53;
	v62 =	vmul.f32 v38, v5;
	v38 =	vadd.f32 v46, v2  }
0xe5: {  	s10 =	simm.s32 $0x12A0;
	[tilespmem:s24+$0xD0] =	vst v54;
	v37 =	vld [tilespmem:s12+$0xFFFFFF70];
	v35 =	vadd.f32 v35, v36;
	v44 =	vmul.f32 v63, v6;
	v40 =	vadd.f32 v52, v59  }
0xe6: {  	s9 =	simm.s32 $0x0;
	s5 =	simm.s32 $0x38A0;
	[tilespmem:s24+$0xE0] =	vst v55;
	v28 =	vld [tilespmem:s25+$0x70];
	s25 =	sshll.u32 s29, $0x1;
	v43 =	vadd.f32 v0, v30;
	v36 =	vadd.f32 v62, v47;
	v45 =	vmul.f32 $2.000000030e-01, v38  }
.LBB2_4:
0xe7: {  	v39 =	vld [tilespmem:s10+$0xF0]  }
0xe8: {  	s24 =	sadd.s32 $0x200, s24;
	v44 =	vadd.f32 v44, v32;
	v32 =	vld [tilespmem:s10+$0xE0]  }
0xe9: {  	v52 =	vld [tilespmem:s24+$0x80]  }
0xea: {  	s12 =	sadd.s32 $0x200, s12;
	v54 =	vmul.f32 $2.000000030e-01, v40;
	v53 =	vld [tilespmem:s24+$0x90]  }
0xeb: {  	v50 =	vld [tilespmem:s12+$0xD0]  }
0xec: {  	v38 =	vmax.f32 v38, v45;
	v40 =	vmax.f32 v40, v54;
	v54 =	vld [tilespmem:s24+$0xA0]  }
0xed: {  	v38 =	vmul.f32 v38, v6;
	v46 =	vadd.f32 v33, v28;
	v33 =	vld [tilespmem:s10+$0xD0]  }
0xee: {  	v37 =	vadd.f32 v37, v34;
	v34 =	vld [tilespmem:s10+$0xC0]  }
0xef: {  	v47 =	vadd.f32 v38, v35;
	v55 =	vadd.f32 v41, v43;
	v35 =	vld [tilespmem:s10+$0xB0]  }
0xf0: {  	v43 =	vld [tilespmem:s12+$0x90];
	v59 =	vmul.f32 $2.000000030e-01, v37  }
0xf1: {  	v42 =	vadd.f32 v42, v46;
	v62 =	vmul.f32 $2.000000030e-01, v55;
	v46 =	vld [tilespmem:s12+$0x80]  }
0xf2: {  	v41 =	vmax.f32 v37, v59;
	v37 =	vld [tilespmem:s10+$0x80]  }
0xf3: {  	v40 =	vmul.f32 v40, v6;
	v63 =	vmul.f32 $2.000000030e-01, v42;
	v38 =	vmax.f32 v55, v62;
	v59 =	vld [tilespmem:s24+$0xB0]  }
0xf4: {  	v48 =	vmul.f32 v38, v7;
	v38 =	vld [tilespmem:s10+$0x90]  }
0xf5: {  	v40 =	vadd.f32 v40, v36;
	v62 =	vld [tilespmem:s12+$0xA0];
	v41 =	vmul.f32 v41, v7;
	v36 =	vmax.f32 v42, v63  }
0xf6: {  	v42 =	vmul.f32 v36, v7;
	v36 =	vld [tilespmem:s10+$0xA0]  }
0xf7: {  	v63 =	vld [tilespmem:s24+$0xD0];
	v41 =	vadd.f32 v41, v44  }
0xf8: {  	v47 =	vadd.f32 v48, v47;
	v55 =	vadd.f32 v52, v37;
	v52 =	vld [tilespmem:s24+$0xC0]  }
0xf9: {  	(xrf2) =	vadd.scan.msk.f32 $0xffff, v41;
	v44 =	vadd.f32 v53, v38;
	v53 =	vld [tilespmem:s12+$0xB0]  }
0xfa: {  	v40 =	vadd.f32 v42, v40;
	(xrf2) =	vadd.scan.msk.f32 $0xffff, v47;
	v47 =	vld [tilespmem:s24+$0xF0];
	v42 =	vadd.f32 v46, v55  }
0xfb: {  	v45 =	vld [tilespmem:s12+$0xC0];
	v43 =	vadd.f32 v43, v44;
	v41 =	vadd.f32 v54, v36  }
0xfc: {  	v54 =	vadd.f32 v59, v35;
	v59 =	vld [tilespmem:s24+$0xE0];
	v44 =	vadd.f32 v63, v33;
	v49 =	vmul.f32 $2.000000030e-01, v42  }
0xfd: {  	v48 =	vld [tilespmem:s12+$0xF0];
	v55 =	vmul.f32 $2.000000030e-01, v43;
	v41 =	vadd.f32 v62, v41  }
0xfe: {  	v46 =	vadd.f32 v52, v34;
	v44 =	vadd.f32 v50, v44;
	v42 =	vmax.f32 v42, v49  }
0xff: {  	(xrf2) =	vadd.scan.msk.f32 $0xffff, v40;
	v52 =	vld [tilespmem:s12+$0xE0];
	v40 =	vadd.f32 v53, v54;
	v47 =	vadd.f32 v47, v39;
	v42 =	vmul.f32 v42, v61  }
0x100: {  	v43 =	vmax.f32 v43, v55;
	v62 =	vmul.f32 $2.000000030e-01, v41;
	v45 =	vadd.f32 v45, v46  }
0x101: {  	v50 =	vld [tilespmem:s24+$0xFFFFFF80];
	v43 =	vmul.f32 v43, v60;
	v63 =	vmul.f32 $2.000000030e-01, v40;
	v59 =	vadd.f32 v59, v32  }
0x102: {  	v53 =	vld [tilespmem:s24+$0xFFFFFF00];
	v47 =	vadd.f32 v48, v47;
	v42 =	vadd.f32 $0.0e+00, v42;
	v41 =	vmax.f32 v41, v62  }
0x103: {  	v55 =	vld [tilespmem:s24+$0x0];
	v62 =	vmul.f32 $2.000000030e-01, v45;
	v41 =	vmul.f32 v41, v57;
	v40 =	vmax.f32 v40, v63  }
0x104: {  	v48 =	vld [tilespmem:s12+$0xFFFFFF00];
	v57 =	vmul.f32 $2.000000030e-01, v44;
	v46 =	vadd.f32 v52, v59;
	v42 =	vadd.f32 v43, v42  }
0x105: {  	v51, _, _ =	vpop (xrf2);
	v49 =	vmul.f32 $2.000000030e-01, v47;
	v43 =	vld [tilespmem:s10+$0xFFFFFF80];
	v63 =	vmul.f32 v40, v56;
	v45 =	vmax.f32 v45, v62  }
0x106: {  	v59 =	vmul.f32 v45, v58;
	v45 =	vmul.f32 $1.442695020e+00, v51;
	v51 =	vld [tilespmem:s10+$0xFFFFFF00];
	v41 =	vadd.f32 v41, v42  }
0x107: {  	v56 =	vld [tilespmem:s24+$0xFFFFFF10];
	v62 =	vmul.f32 $2.000000030e-01, v46  }
0x108: {  	v44 =	vmax.f32 v44, v57;
	v57 =	vld [tilespmem:s12+$0xFFFFFF80];
	v49 =	vmax.f32 v47, v49;
	v41 =	vadd.f32 v63, v41  }
0x109: {  	v54, _, _ =	vpop (xrf2);
	v47 =	vld [tilespmem:s10+$0xFFFFFF90];
	v58 =	vmul.f32 v49, v7;
	v46 =	vmax.f32 v46, v62;
	v45 =	vbroadcast v45, $0xF  }
0x10a: {  	v63 =	vmul.f32 v44, v5;
	v44 =	vmul.f32 $1.442695020e+00, v54;
	v54 =	vld [tilespmem:s10+$0xFFFFFF10];
	v41 =	vadd.f32 v59, v41  }
0x10b: {  	v52, _, _ =	vpop (xrf2);
	v62 =	vmul.f32 v46, v6;
	v50 =	vadd.f32 v50, v43;
	v53 =	vadd.f32 v53, v51;
	v59 =	vld [tilespmem:s24+$0xFFFFFF90]  }
0x10c: {  	v40 =	vld [tilespmem:s10+$0x0];
	v44 =	vbroadcast v44, $0xF;
	v41 =	vadd.f32 v63, v41;
	v63 =	vmul.f32 $1.442695020e+00, v52  }
0x10d: {  	(erf) = vpow2.f32 v45;
	v50 =	vadd.f32 v57, v50;
	v48 =	vadd.f32 v48, v53;
	v53 =	vld [tilespmem:s12+$0x0]  }
0x10e: {  	(erf) = vpow2.f32 v44;
	v52 =	vld [tilespmem:s24+$0x10];
	v41 =	vadd.f32 v62, v41;
	v46 =	vbroadcast v63, $0xF  }
0x10f: {  	v45 =	vadd.f32 v56, v54;
	v56 =	vld [tilespmem:s24+$0xFFFFFF20];
	v62 =	vmul.f32 $2.000000030e-01, v48;
	v63 =	vmul.f32 $2.000000030e-01, v50  }
0x110: {  	v49 =	vadd.f32 v59, v47;
	v59 =	vld [tilespmem:s24+$0xFFFFFFA0];
	v42 =	vadd.f32 v58, v41  }
0x111: {  	v55 =	vadd.f32 v55, v40;
	v44 =	vmax.f32 v48, v62;
	v48 =	vmax.f32 v50, v63;
	v50 =	vld [tilespmem:s12+$0xFFFFFF90]  }
0x112: {  	(xrf2) =	vadd.scan.msk.f32 $0xffff, v42;
	v42 =	vld [tilespmem:s12+$0xFFFFFF10]  }
0x113: {  	v41 =	vld [tilespmem:s10+$0x10];
	v53 =	vadd.f32 v53, v55  }
0x114: {  	(erf) = vpow2.f32 v46;
	v46 =	vld [tilespmem:s10+$0xFFFFFF20];
	v62 =	vmul.f32 v48, v61  }
0x115: {  	v48 =	vld [tilespmem:s10+$0xFFFFFFA0];
	v0 =	vmul.f32 $2.000000030e-01, v53  }
0x116: {  	v44 =	vmul.f32 v44, v61;
	v57 =	vpop (erf);
	v49 =	vadd.f32 v50, v49;
	v50 =	vld [tilespmem:s24+$0x20]  }
0x117: {  	[tilespmem:s2+$0xFFFFFFE0] =	vst v57;
	v12 =	vmul.f32 v57, v12;
	v45 =	vadd.f32 v42, v45;
	v42 =	vmax.f32 v53, v0;
	v53 =	vld [tilespmem:s12+$0x10]  }
0x118: {  	v55 =	vadd.f32 $0.0e+00, v62;
	v63 =	vmul.f32 v57, v13;
	v62 =	vpop (erf);
	v0 =	vld [tilespmem:s10+$0xFFFFFF30];
	v1 =	vmul.f32 $2.000000030e-01, v49  }
0x119: {  	v4 =	vmovc v60;
	v3 =	vmov v61;
	[tilespmem:s2+$0xFFFFFFF0] =	vst v62;
	v61 =	vmul.f32 v42, v61;
	v42 =	vld [tilespmem:s10+$0x20];
	v60 =	vmul.f32 $2.000000030e-01, v45  }
0x11a: {  	v15 =	vmul.f32 v57, v15;
	v17 =	vmul.f32 v57, v17;
	v1 =	vmax.f32 v49, v1;
	v49 =	vld [tilespmem:s12+$0xFFFFFFA0]  }
0x11b: {  	v19 =	vmul.f32 v57, v19;
	v1 =	vmul.f32 v1, v4;
	v45 =	vmax.f32 v45, v60;
	v60 =	vld [tilespmem:s12+$0xFFFFFF20]  }
0x11c: {  	v58 =	vadd.f32 $0.0e+00, v44;
	v52 =	vadd.f32 v52, v41;
	[tilespmem:s5+$0xFFFFFF00] =	vst v12;
	v12 =	vmovc v51;
	v51 =	vmul.f32 v45, v4;
	v45 =	vld [tilespmem:s10+$0xFFFFFFB0]  }
0x11d: {  	v13, _, _ =	vpop (xrf2);
	v1 =	vadd.f32 v1, v55;
	v55 =	vmul.f32 v62, v9;
	v9 =	vmov v43;
	v43 =	vld [tilespmem:s12+$0xFFFFFFB0]  }
0x11e: {  	v29 =	vmul.f32 v57, v29;
	v52 =	vadd.f32 v53, v52;
	v2 =	vmul.f32 $1.442695020e+00, v13;
	v13 =	vmovc v54;
	v54 =	vld [tilespmem:s24+$0xFFFFFF30]  }
0x11f: {  	v31 =	vmul.f32 v57, v31;
	v56 =	vadd.f32 v56, v46;
	v44 =	vpop (erf);
	[tilespmem:s5+$0xFFFFFF40] =	vst v19;
	v19 =	vmul.f32 v57, v24;
	v57 =	vld [tilespmem:$0x1FFD0]  }
0x120: {  	[tilespmem:s5+$0xFFFFFF20] =	vst v15;
	v15 =	vmovc v46;
	v46 =	vmul.f32 $2.000000030e-01, v52;
	v51 =	vadd.f32 v51, v58;
	v58 =	vld [tilespmem:$0x1FFF0];
	v2 =	vbroadcast v2, $0xF  }
0x121: {  	v59 =	vadd.f32 v59, v48;
	[tilespmem:s2+$0x0] =	vst v44;
	v53 =	vadd.f32 v60, v56;
	v56 =	vld [tilespmem:s24+$0xFFFFFFB0]  }
0x122: {  	[tilespmem:s5+$0xFFFFFF10] =	vst v63;
	(erf) = vpow2.f32 v2;
	v2 =	vmax.f32 v52, v46;
	v52 =	vld [tilespmem:s12+$0x20]  }
0x123: {  	[tilespmem:s5+$0xFFFFFF30] =	vst v17;
	v17 =	vmov v0;
	v49 =	vadd.f32 v49, v59;
	v46 =	vld [tilespmem:s10+$0x30];
	v0 =	vmul.f32 $2.000000030e-01, v53  }
0x124: {  	v16 =	vmul.f32 v62, v16;
	[tilespmem:s5+$0xFFFFFF50] =	vst v19;
	v24 =	vadd.f32 v54, v17;
	v54 =	vld [tilespmem:s24+$0x30]  }
0x125: {  	v22 =	vmul.f32 v62, v22;
	v63 =	vmul.f32 $2.000000030e-01, v49;
	[tilespmem:s5+$0xFFFFFF80] =	vst v55;
	v0 =	vmax.f32 v53, v0;
	v53 =	vld [tilespmem:s12+$0xFFFFFF30]  }
0x126: {  	v25 =	vmul.f32 v62, v25;
	v23 =	vmul.f32 v62, v23;
	v19 =	vld [tilespmem:s10+$0xFFFFFF40];
	[tilespmem:s5+$0xFFFFFF60] =	vst v29  }
0x127: {  	v27 =	vmul.f32 v62, v27;
	v50 =	vadd.f32 v50, v42;
	v29 =	vld [tilespmem:s24+$0xFFFFFF40];
	[tilespmem:s5+$0xFFFFFF70] =	vst v31;
	v31 =	vmax.f32 v49, v63  }
0x128: {  	v59 =	vmul.f32 v62, v11;
	v56 =	vadd.f32 v56, v45;
	v49 =	vmul.f32 v31, v57;
	v31 =	vld [tilespmem:s10+$0xFFFFFFC0]  }
0x129: {  	v0 =	vmul.f32 v0, v57;
	v50 =	vadd.f32 v52, v50;
	v52 =	vadd.f32 v54, v46;
	v54 =	vld [tilespmem:s12+$0xFFFFFF40]  }
0x12a: {  	v30 =	vmul.f32 v62, v30;
	[tilespmem:s5+$0xFFFFFF90] =	vst v59;
	v43 =	vadd.f32 v43, v56;
	v56 =	vld [tilespmem:$0x1FFE0];
	v24 =	vadd.f32 v53, v24  }
0x12b: {  	v61 =	vadd.f32 $0.0e+00, v61;
	v11 =	vmovc v47;
	v0 =	vadd.f32 v0, v51;
	v47 =	vld [tilespmem:s24+$0xFFFFFFC0];
	[tilespmem:s5+$0xFFFFFFC0] =	vst v25;
	v25 =	vmul.f32 v44, v8  }
0x12c: {  	[tilespmem:s5+$0xFFFFFFB0] =	vst v22;
	v51 =	vld [tilespmem:s10+$0x40];
	v63 =	vmul.f32 $2.000000030e-01, v50;
	v29 =	vadd.f32 v29, v19;
	v22 =	vmul.f32 $2.000000030e-01, v24  }
0x12d: {  	v14 =	vmul.f32 v44, v14;
	v2 =	vmul.f32 v2, v4;
	[tilespmem:s5+$0xFFFFFFA0] =	vst v16;
	v1 =	vadd.f32 v49, v1;
	v49 =	vld [tilespmem:s12+$0x30]  }
0x12e: {  	[tilespmem:s5+$0x0] =	vst v25;
	v59 =	vmax.f32 v50, v63;
	v63 =	vld [tilespmem:s24+$0x40];
	v25 =	vadd.f32 v54, v29;
	v22 =	vmax.f32 v24, v22  }
0x12f: {  	[tilespmem:s5+$0xFFFFFFD0] =	vst v23;
	v50 =	vmul.f32 v59, v57;
	v59 =	vld [tilespmem:s24+$0xFFFFFF50];
	v22 =	vmul.f32 v22, v56  }
0x130: {  	v2 =	vadd.f32 v2, v61;
	[tilespmem:s5+$0xFFFFFFE0] =	vst v27;
	v55 =	vmul.f32 $2.000000030e-01, v43;
	v24 =	vld [tilespmem:s10+$0xFFFFFF50];
	v29 =	vmul.f32 $2.000000030e-01, v25  }
0x131: {  	v18 =	vmul.f32 v44, v18;
	v27 =	vmul.f32 v44, v10;
	v0 =	vadd.f32 v22, v0;
	v22 =	vld [tilespmem:s12+$0xFFFFFFC0]  }
0x132: {  	v2 =	vadd.f32 v50, v2;
	v50 =	vmax.f32 v43, v55;
	v54 =	vmax.f32 v25, v29;
	v25 =	vld [tilespmem:s12+$0xFFFFFF50]  }
0x133: {  	v21 =	vmul.f32 v44, v21;
	v53 =	vpop (erf);
	v49 =	vadd.f32 v49, v52;
	[tilespmem:s5+$0xFFFFFFF0] =	vst v30;
	v30 =	vmul.f32 v50, v56;
	v29 =	vld [tilespmem:s10+$0xFFFFFF60]  }
0x134: {  	s2 =	sadd.s32 $0x40, s2;
	v26 =	vmul.f32 v44, v26;
	[tilespmem:s5+$0x10] =	vst v27;
	v39 =	vmul.f32 v53, v39;
	v23 =	vld [tilespmem:s10+$0xFFFFFFD0]  }
0x135: {  	v16 =	vmovc v48;
	v27 =	vmul.f32 v44, v20;
	[tilespmem:s2+$0x10] =	vst v53;
	v62 =	vmul.f32 $2.000000030e-01, v49;
	v1 =	vadd.f32 v30, v1;
	v30 =	vld [tilespmem:s12+$0x40]  }
0x136: {  	v37 =	vmul.f32 v53, v37;
	v36 =	vmul.f32 v53, v36;
	[tilespmem:s24+$0xF0] =	vst v39;
	v48 =	vadd.f32 v63, v51;
	v63 =	vld [tilespmem:s24+$0xFFFFFFD0]  }
0x137: {  	v35 =	vmul.f32 v53, v35;
	v34 =	vmul.f32 v53, v34;
	v20 =	vmax.f32 v49, v62;
	v62 =	vld [tilespmem:s12+$0xFFFFFFD0];
	[tilespmem:s5+$0x20] =	vst v14  }
0x138: {  	v8 =	vmov v40;
	v33 =	vmul.f32 v53, v33;
	v50 =	vmul.f32 v20, v56;
	v20 =	vld [tilespmem:s10+$0x50];
	[tilespmem:s5+$0x30] =	vst v18  }
0x139: {  	v32 =	vmul.f32 v53, v32;
	v47 =	vadd.f32 v47, v31;
	v40 =	vadd.f32 v59, v24;
	v52 =	vld [tilespmem:s24+$0x50];
	[tilespmem:s5+$0x40] =	vst v21  }
0x13a: {  	v21 =	vmul.f32 v44, v28;
	v28 =	vmul.f32 v53, v38;
	[tilespmem:s5+$0x60] =	vst v26;
	v26 =	vld [tilespmem:s24+$0xFFFFFF60];
	v30 =	vadd.f32 v30, v48  }
0x13b: {  	v2 =	vadd.f32 v50, v2;
	[tilespmem:s5+$0x50] =	vst v27;
	v27 =	vmul.f32 v54, v58;
	v50 =	vld [tilespmem:s12+$0xFFFFFF60];
	v18 =	vadd.f32 v22, v47  }
0x13c: {  	v53 =	vld [tilespmem:s12+$0xFFFFFFE0];
	v39 =	vadd.f32 v63, v23;
	[tilespmem:s24+$0x90] =	vst v28;
	v28 =	vadd.f32 v25, v40;
	v63 =	vmul.f32 $2.000000030e-01, v30  }
0x13d: {  	v22 =	vmov v45;
	v45 =	vld [tilespmem:s24+$0xFFFFFFE0];
	v55 =	vmul.f32 $2.000000030e-01, v18  }
0x13e: {  	[tilespmem:s5+$0x70] =	vst v21;
	v0 =	vadd.f32 v27, v0;
	v27 =	vld [tilespmem:s10+$0xFFFFFFE0];
	v25 =	vmovc v31;
	v31 =	vmul.f32 $2.000000030e-01, v28;
	v30 =	vmax.f32 v30, v63  }
0x13f: {  	v48 =	vadd.f32 v62, v39;
	v59 =	vmax.f32 v18, v55;
	v18 =	vmovc v46;
	v46 =	vld [tilespmem:s12+$0x50];
	v30 =	vmul.f32 v30, v58  }
0x140: {  	v49 =	vld [tilespmem:s24+$0x60];
	v47 =	vadd.f32 v26, v29;
	v28 =	vmax.f32 v28, v31  }
0x141: {  	v26 =	vld [tilespmem:s10+$0x60];
	v28 =	vmul.f32 v28, v5;
	v2 =	vadd.f32 v30, v2;
	v30 =	vmul.f32 $2.000000030e-01, v48  }
0x142: {  	v44 =	vadd.f32 v52, v20;
	v52 =	vld [tilespmem:s24+$0xFFFFFF70];
	v43 =	vmul.f32 v59, v58  }
0x143: {  	[tilespmem:s24+$0xE0] =	vst v32;
	v31 =	vld [tilespmem:s10+$0xFFFFFF70];
	v32 =	vadd.f32 v28, v0;
	v0 =	vmax.f32 v48, v30  }
0x144: {  	[tilespmem:s24+$0xA0] =	vst v36;
	v59 =	vld [tilespmem:s24+$0xFFFFFFF0];
	v1 =	vadd.f32 v43, v1;
	v36 =	vadd.f32 v46, v44;
	v0 =	vmul.f32 v0, v5  }
0x145: {  	s9 =	sadd.s32 $0x4, s9;
	v21 =	vmov v51;
	v51 =	vadd.f32 v45, v27;
	v30 =	vld [tilespmem:s10+$0xFFFFFFF0]  }
0x146: {  	p1 =	slt.u32 s9, $0x24;
	[tilespmem:s24+$0xB0] =	vst v35;
	v55 =	vadd.f32 v50, v47;
	v28 =	vmul.f32 $2.000000030e-01, v36;
	v35 =	vadd.f32 v0, v1;
	v1 =	vld [tilespmem:s12+$0x60]  }
.Ltmp0:
0x147: {  	[tilespmem:s24+$0x80] =	vst v37;
	v37 =	vld [tilespmem:s12+$0xFFFFFF70];
	(pc) =	sbr.rel @p1 .LBB2_4-.Ltmp0, $4  }
0x148: {  	v10 =	vmovc v41;
	[tilespmem:s24+$0xC0] =	vst v34;
	v41 =	vld [tilespmem:s12+$0xFFFFFFF0];
	v62 =	vmul.f32 $2.000000030e-01, v55;
	v38 =	vadd.f32 v53, v51;
	v0 =	vmax.f32 v36, v28  }
0x149: {  	[tilespmem:s24+$0xD0] =	vst v33;
	v33 =	vld [tilespmem:s24+$0x70];
	v54 =	vadd.f32 v49, v26;
	v34 =	vadd.f32 v52, v31;
	v0 =	vmul.f32 v0, v5  }
0x14a: {  	v60 =	vmovc v4;
	v14 =	vmovc v42;
	v42 =	vld [tilespmem:s12+$0x70];
	v63 =	vmax.f32 v55, v62;
	v45 =	vmul.f32 $2.000000030e-01, v38;
	v43 =	vadd.f32 v59, v30  }
0x14b: {  	v61 =	vmovc v3;
	s5 =	smov.u32 s24;
	v44 =	vmul.f32 v63, v6;
	v28 =	vld [tilespmem:s10+$0x70];
	s10 =	sadd.s32 $0x200, s10;
	v36 =	vadd.f32 v0, v2;
	v40 =	vadd.f32 v1, v54  }
0x14c: {  	v1 =	vadd.f32 v37, v34  }
0x14d: {  	v41 =	vadd.f32 v41, v43  }
0x14e: {  	v37 =	vmul.f32 $2.000000030e-01, v1  }
0x14f: {  	v2 =	vmax.f32 v38, v45;
	v45 =	vmul.f32 $2.000000030e-01, v41  }
0x150: {  	v32 =	vadd.f32 v44, v32;
	v2 =	vmul.f32 v2, v6;
	v1 =	vmax.f32 v1, v37  }
0x151: {  	v0 =	vadd.f32 v33, v28;
	v1 =	vmul.f32 v1, v7;
	v33 =	vmax.f32 v41, v45  }
0x152: {  	v2 =	vadd.f32 v2, v35;
	v33 =	vmul.f32 v33, v7  }
0x153: {  	v43 =	vmul.f32 $2.000000030e-01, v40;
	v0 =	vadd.f32 v42, v0;
	v1 =	vadd.f32 v1, v32  }
0x154: {  	v2 =	vadd.f32 v33, v2  }
0x155: {  	v34 =	vmax.f32 v40, v43;
	v46 =	vmul.f32 $2.000000030e-01, v0;
	(xrf2) =	vadd.scan.msk.f32 $0xffff, v1  }
0x156: {  	v34 =	vmul.f32 v34, v6;
	(xrf2) =	vadd.scan.msk.f32 $0xffff, v2  }
0x157: {  	v0 =	vmax.f32 v0, v46  }
0x158: {  	v34 =	vadd.f32 v34, v36;
	v0 =	vmul.f32 v0, v7;
	_ =	sdelay $0x1  }
0x159: {  	v0 =	vadd.f32 v0, v34;
	_ =	sdelay $0x1  }
0x15a: {  	(xrf2) =	vadd.scan.msk.f32 $0xffff, v0;
	_ =	sdelay $0x2  }
0x15b: {  	v0, _, _ =	vpop (xrf2)  }
0x15c: {  	v1, _, _ =	vpop (xrf2);
	v0 =	vmul.f32 $1.442695020e+00, v0  }
0x15d: {  	v1 =	vmul.f32 $1.442695020e+00, v1  }
0x15e: {  	v0 =	vbroadcast v0, $0xF  }
0x15f: {  	v1 =	vbroadcast v1, $0xF  }
0x160: {  	(erf) = vpow2.f32 v0  }
0x161: {  	(erf) = vpow2.f32 v1  }
0x162: {  	v2, _, _ =	vpop (xrf2)  }
0x163: {  	v2 =	vmul.f32 $1.442695020e+00, v2;
	_ =	sdelay $0x1  }
0x164: {  	v2 =	vbroadcast v2, $0xF;
	_ =	sdelay $0x1  }
0x165: {  	(erf) = vpow2.f32 v2;
	_ =	sdelay $0x1  }
0x166: {  	v0 =	vpop (erf)  }
0x167: {  	[tilespmem:s2+$0xFFFFFFE0] =	vst v0;
	v1 =	vpop (erf);
	v2 =	vmul.f32 v0, v12  }
0x168: {  	v13 =	vmul.f32 v0, v13;
	[tilespmem:s2+$0xFFFFFFF0] =	vst v1  }
0x169: {  	v15 =	vmul.f32 v0, v15;
	[tilespmem:s5+$0xFFFFFF00] =	vst v2  }
0x16a: {  	[tilespmem:s5+$0xFFFFFF10] =	vst v13;
	v2 =	vmul.f32 v0, v17  }
0x16b: {  	[tilespmem:s5+$0xFFFFFF20] =	vst v15;
	v13 =	vmul.f32 v0, v19  }
0x16c: {  	[tilespmem:s5+$0xFFFFFF30] =	vst v2  }
0x16d: {  	v2 =	vmul.f32 v0, v24;
	[tilespmem:s5+$0xFFFFFF40] =	vst v13;
	v12 =	vpop (erf)  }
0x16e: {  	v13 =	vmul.f32 v0, v29;
	[tilespmem:s2+$0x0] =	vst v12  }
0x16f: {  	v0 =	vmul.f32 v0, v31;
	[tilespmem:s5+$0xFFFFFF50] =	vst v2  }
0x170: {  	v2 =	vmul.f32 v1, v9;
	[tilespmem:s5+$0xFFFFFF60] =	vst v13  }
0x171: {  	[tilespmem:s5+$0xFFFFFF70] =	vst v0;
	v0 =	vmul.f32 v1, v11  }
0x172: {  	v9 =	vmul.f32 v1, v16;
	[tilespmem:s5+$0xFFFFFF80] =	vst v2  }
0x173: {  	v2 =	vmul.f32 v1, v22;
	[tilespmem:s5+$0xFFFFFF90] =	vst v0  }
0x174: {  	[tilespmem:s5+$0xFFFFFFA0] =	vst v9;
	v0 =	vmul.f32 v1, v25  }
0x175: {  	v9 =	vmul.f32 v1, v23;
	[tilespmem:s5+$0xFFFFFFB0] =	vst v2  }
0x176: {  	v2 =	vmul.f32 v1, v27;
	[tilespmem:s5+$0xFFFFFFC0] =	vst v0  }
0x177: {  	v0 =	vmul.f32 v1, v30;
	[tilespmem:s5+$0xFFFFFFD0] =	vst v9  }
0x178: {  	v1 =	vmul.f32 v12, v8;
	[tilespmem:s5+$0xFFFFFFE0] =	vst v2  }
0x179: {  	v2 =	vmul.f32 v12, v10;
	[tilespmem:s5+$0xFFFFFFF0] =	vst v0  }
0x17a: {  	v0 =	vmul.f32 v12, v14;
	[tilespmem:s5+$0x0] =	vst v1  }
0x17b: {  	v1 =	vmul.f32 v12, v18;
	[tilespmem:s5+$0x10] =	vst v2  }
0x17c: {  	v2 =	vmul.f32 v12, v21;
	[tilespmem:s5+$0x20] =	vst v0  }
0x17d: {  	v0 =	vmul.f32 v12, v20;
	[tilespmem:s5+$0x30] =	vst v1  }
0x17e: {  	s24 =	smul.u32 $0x140, s29;
	v1 =	vmul.f32 v12, v26;
	[tilespmem:s5+$0x40] =	vst v2  }
0x17f: {  	v2 =	vmul.f32 v12, v28;
	[tilespmem:s5+$0x50] =	vst v0  }
0x180: {  	s2 =	sshra.s32 s24, $0x2;
	[tilespmem:s5+$0x60] =	vst v1  }
0x181: {  	s2 =	sadd.s32 $0x7D0, s2;
	[tilespmem:s5+$0x70] =	vst v2  }
0x182: {  	[spmem:s3] =	stream.indirect.scatter.add.f32 [tilespmem:s14], [sflag:$0x3], $0x80, s2, s30, $0xb8;
	[tilespmem:$0x1ECB0] =	vst v63  }
0x183: {  	_ = 	snop  }
0x184: {  	[spmem:s4] =	stream.indirect.scatter.add.f32 [tilespmem:s19], [sflag:$0x3], $0x10, s2, s30, $0xb8;
	[tilespmem:$0x1ECB0] =	vst v63  }
0x185: {  	_ =	swait.ge [sflag:s20], $0x1400  }
0x186: {  	[sflag:s20] =	ssyncset.done $0x0  }
0x187: {  	[sflag:s20] =	ssyncadd.s32 $0xFFFFEC00  }
0x188: {  	_ =	swait.ge [sflag:s20], $0x1400  }
0x189: {  	[sflag:s20] =	ssyncset.done $0x0  }
0x18a: {  	[sflag:s20] =	ssyncadd.s32 $0xFFFFEC00  }
0x18b: {  	s12 =	sor.u32 $0x1, s25;
	_ =	swait.ge [sflag:s20], $0x1400  }
0x18c: {  	p1 =	sgt.u32 s12, $0x30;
	[sflag:s20] =	ssyncset.done $0x0  }
0x18d: {  	s2 =	simm.s32 @!p1 $0x3;
	[sflag:s20] =	ssyncadd.s32 $0xFFFFEC00  }
0x18e: {  	_ =	swait.ge @!p1 [sflag:s2], $0x1400  }
0x18f: {  	[sflag:s2] =	ssyncset.done @!p1 $0x0  }
0x190: {  	s5 =	sadd.s32 @!p1 $0x50, s11;
	[sflag:s2] =	ssyncadd.s32 @!p1 $0xFFFFEC00  }
0x191: {  	s9 =	sadd.s32 @!p1 s28, s5;
	_ =	swait.ge @!p1 [sflag:s2], $0x280  }
0x192: {  	s9 =	sshll.u32 @!p1 s9, $0x4;
	[sflag:s2] =	ssyncset.done @!p1 $0x0  }
0x193: {  	[sflag:s2] =	ssyncadd.s32 @!p1 $0xFFFFFD80;
	s2 =	sand.u32 @!p1 $0x1FFFFF00, s9  }
0x194: {  	s10 =	simm.s32 @!p1 $0x5FA0;
	s9 =	simm.s32 @!p1 $0x0;
	s2 =	sadd.s32 @!p1 s8, s2  }
0x195: {  	[tilespmem:s10], [sflag:$0x1] =	stream.linear.gather @!p1 [hbm4b:s2+s9], $0x1400, $0x38;
	[tilespmem:$0x1ECB0] =	vst v63  }
0x196: {  	s2 =	simm.s32 @!p1 $0x28;
	s9 =	simm.s32 @!p1 $0xFA0  }
0x197: {  	[tilespmem:s9], [sflag:$0x1] =	stream.indirect.gather @!p1 [hbm4b:s1+s2], $0x80, s5, s2, $0xb8;
	[tilespmem:$0x1ECB0] =	vst v63  }
0x198: {  	s25 =	simm.s32 $0x2590;
	s5 =	sadd.s32 @!p1 $0x820, s11;
	s9 =	simm.s32 @!p1 $0x37A0  }
0x199: {  	[tilespmem:s9], [sflag:$0x1] =	stream.indirect.gather @!p1 [hbm4b:s7+s2], $0x80, s5, s2, $0xb8;
	[tilespmem:$0x1ECB0] =	vst v63  }
0x19a: {  	v20 =	vld [tilespmem:s25+$0x0]  }
0x19b: {  	v28 =	vld [tilespmem:s25+$0xFFFFFFF0]  }
0x19c: {  	v30 =	vld [tilespmem:s25+$0xFFFFFFE0]  }
0x19d: {  	v31 =	vld [tilespmem:s25+$0xFFFFFFD0]  }
0x19e: {  	s11 =	simm.s32 $0x7590;
	v26 =	vld [tilespmem:s25+$0xFFFFFFC0]  }
0x19f: {  	v0 =	vld [tilespmem:s11+$0xFFFFFFA0]  }
0x1a0: {  	v1 =	vld [tilespmem:s11+$0xFFFFFF90]  }
0x1a1: {  	s24 =	simm.s32 $0x4D90;
	v27 =	vld [tilespmem:s25+$0xFFFFFF90]  }
0x1a2: {  	v2 =	vld [tilespmem:s24+$0xFFFFFF90]  }
0x1a3: {  	v33 =	vld [tilespmem:s25+$0xFFFFFFA0]  }
0x1a4: {  	v8 =	vld [tilespmem:s24+$0xFFFFFFA0]  }
0x1a5: {  	v32 =	vld [tilespmem:s25+$0xFFFFFFB0]  }
0x1a6: {  	v10 =	vld [tilespmem:s24+$0xFFFFFFB0]  }
0x1a7: {  	v11 =	vld [tilespmem:s24+$0xFFFFFFC0]  }
0x1a8: {  	v12 =	vld [tilespmem:s11+$0xFFFFFFB0]  }
0x1a9: {  	v13 =	vld [tilespmem:s24+$0xFFFFFFD0]  }
0x1aa: {  	v14 =	vld [tilespmem:s11+$0xFFFFFFC0]  }
0x1ab: {  	v15 =	vld [tilespmem:s24+$0xFFFFFFE0]  }
0x1ac: {  	v16 =	vld [tilespmem:s11+$0xFFFFFFD0]  }
0x1ad: {  	v17 =	vld [tilespmem:s24+$0xFFFFFFF0]  }
0x1ae: {  	v18 =	vld [tilespmem:s11+$0xFFFFFFE0]  }
0x1af: {  	v19 =	vld [tilespmem:s24+$0x0]  }
0x1b0: {  	v21 =	vld [tilespmem:s11+$0xFFFFFFF0]  }
0x1b1: {  	v22 =	vld [tilespmem:s24+$0xFFFFFE10]  }
0x1b2: {  	v23 =	vld [tilespmem:s11+$0x0]  }
0x1b3: {  	v9 =	vld [tilespmem:s25+$0xFFFFFE90]  }
0x1b4: {  	v24 =	vld [tilespmem:s24+$0xFFFFFE90]  }
0x1b5: {  	v29 =	vld [tilespmem:s24+$0xFFFFFF10]  }
0x1b6: {  	v47 =	vld [tilespmem:s11+$0xFFFFFE10]  }
0x1b7: {  	v48 =	vld [tilespmem:s24+$0xFFFFFE20]  }
0x1b8: {  	v49 =	vld [tilespmem:s24+$0xFFFFFEA0]  }
0x1b9: {  	v37 =	vld [tilespmem:s24+$0xFFFFFEB0];
	v2 =	vadd.f32 v2, v27  }
0x1ba: {  	v50 =	vld [tilespmem:s11+$0xFFFFFF20]  }
0x1bb: {  	v39 =	vld [tilespmem:s24+$0xFFFFFE40];
	v1 =	vadd.f32 v1, v2;
	v2 =	vadd.f32 v8, v33  }
0x1bc: {  	v51 =	vld [tilespmem:s11+$0xFFFFFEB0]  }
0x1bd: {  	v42 =	vld [tilespmem:s24+$0xFFFFFEC0];
	v25 =	vmul.f32 $2.000000030e-01, v1;
	v0 =	vadd.f32 v0, v2;
	v2 =	vadd.f32 v10, v32  }
0x1be: {  	v53 =	vld [tilespmem:s11+$0xFFFFFF30];
	v10 =	vadd.f32 v11, v26  }
0x1bf: {  	v43 =	vld [tilespmem:s24+$0xFFFFFF40];
	v1 =	vmax.f32 v1, v25;
	v11 =	vmul.f32 $2.000000030e-01, v0;
	v2 =	vadd.f32 v12, v2  }
0x1c0: {  	v44 =	vld [tilespmem:s24+$0xFFFFFE50];
	v25 =	vadd.f32 v13, v31;
	v1 =	vmul.f32 v1, v61  }
0x1c1: {  	v41 =	vld [tilespmem:s24+$0xFFFFFED0];
	v10 =	vadd.f32 v14, v10;
	v0 =	vmax.f32 v0, v11;
	v11 =	vmul.f32 $2.000000030e-01, v2  }
0x1c2: {  	v40 =	vld [tilespmem:s24+$0xFFFFFF50];
	v14 =	vadd.f32 v15, v30;
	v1 =	vadd.f32 $0.0e+00, v1;
	v0 =	vmul.f32 v0, v60  }
0x1c3: {  	v45 =	vld [tilespmem:s11+$0xFFFFFE50];
	v15 =	vmul.f32 $2.000000030e-01, v10;
	v16 =	vadd.f32 v16, v25;
	v2 =	vmax.f32 v2, v11  }
0x1c4: {  	v8 =	vld [tilespmem:s25+$0xFFFFFF10];
	v14 =	vadd.f32 v18, v14;
	v0 =	vadd.f32 v0, v1;
	v1 =	vmul.f32 v2, v57  }
0x1c5: {  	v12 =	vld [tilespmem:s25+$0xFFFFFE10];
	v10 =	vmax.f32 v10, v15;
	v15 =	vmul.f32 $2.000000030e-01, v16;
	v2 =	vadd.f32 v17, v28  }
0x1c6: {  	v13 =	vld [tilespmem:s25+$0xFFFFFE20];
	v17 =	vadd.f32 v19, v20;
	v0 =	vadd.f32 v1, v0;
	v1 =	vmul.f32 v10, v56  }
0x1c7: {  	v25 =	vld [tilespmem:s11+$0xFFFFFE90];
	v15 =	vmax.f32 v16, v15;
	v16 =	vmul.f32 $2.000000030e-01, v14;
	v2 =	vadd.f32 v21, v2  }
0x1c8: {  	v18 =	vld [tilespmem:s11+$0xFFFFFF10];
	v0 =	vadd.f32 v1, v0;
	v1 =	vmul.f32 v15, v58  }
0x1c9: {  	v11 =	vld [tilespmem:s25+$0xFFFFFEA0];
	v17 =	vadd.f32 v23, v17;
	v14 =	vmax.f32 v14, v16;
	v16 =	vmul.f32 $2.000000030e-01, v2  }
0x1ca: {  	v19 =	vld [tilespmem:s24+$0xFFFFFF20];
	v0 =	vadd.f32 v1, v0;
	v1 =	vmul.f32 v14, v5  }
0x1cb: {  	v22 =	vadd.f32 v22, v12;
	v10 =	vld [tilespmem:s25+$0xFFFFFF20];
	v2 =	vmax.f32 v2, v16;
	v14 =	vmul.f32 $2.000000030e-01, v17  }
0x1cc: {  	v24 =	vadd.f32 v24, v9;
	v21 =	vld [tilespmem:s11+$0xFFFFFE20];
	v0 =	vadd.f32 v1, v0;
	v1 =	vmul.f32 v2, v6  }
0x1cd: {  	v29 =	vadd.f32 v29, v8;
	v23 =	vld [tilespmem:s24+$0xFFFFFE30];
	v34 =	vadd.f32 v47, v22;
	v14 =	vmax.f32 v17, v14  }
0x1ce: {  	v24 =	vadd.f32 v25, v24;
	v15 =	vld [tilespmem:s25+$0xFFFFFE30];
	v0 =	vadd.f32 v1, v0;
	v1 =	vmul.f32 v14, v7  }
0x1cf: {  	v29 =	vadd.f32 v18, v29;
	v25 =	vmul.f32 $2.000000030e-01, v34;
	v36 =	vadd.f32 v49, v11;
	v49 =	vld [tilespmem:s11+$0xFFFFFE40]  }
0x1d0: {  	v52 =	vmul.f32 $2.000000030e-01, v24;
	v16 =	vld [tilespmem:s25+$0xFFFFFEB0];
	v0 =	vadd.f32 v1, v0  }
0x1d1: {  	v63 =	vmul.f32 $2.000000030e-01, v29;
	v25 =	vmax.f32 v34, v25;
	v62 =	vadd.f32 v19, v10;
	v2 =	vld [tilespmem:s11+$0xFFFFFEA0]  }
0x1d2: {  	v35 =	vadd.f32 v48, v13;
	v24 =	vmax.f32 v24, v52;
	v25 =	vmul.f32 v25, v61;
	v17 =	vld [tilespmem:s25+$0xFFFFFE40];
	(xrf2) =	vadd.scan.msk.f32 $0xffff, v0  }
0x1d3: {  	v29 =	vmax.f32 v29, v63;
	v24 =	vmul.f32 v24, v61;
	v55 =	vadd.f32 v50, v62;
	v14 =	vld [tilespmem:s25+$0xFFFFFF30]  }
0x1d4: {  	v21 =	vadd.f32 v21, v35;
	v29 =	vmul.f32 v29, v61;
	v48 =	vadd.f32 $0.0e+00, v25;
	v1 =	vld [tilespmem:s24+$0xFFFFFF30]  }
0x1d5: {  	v22 =	vld [tilespmem:s25+$0xFFFFFEC0];
	v24 =	vadd.f32 $0.0e+00, v24;
	v37 =	vadd.f32 v37, v16;
	v62 =	vmul.f32 $2.000000030e-01, v55  }
0x1d6: {  	v18 =	vld [tilespmem:s25+$0xFFFFFF40];
	v54 =	vmul.f32 $2.000000030e-01, v21;
	v23 =	vadd.f32 v23, v15;
	v2 =	vadd.f32 v2, v36  }
0x1d7: {  	v36 =	vmax.f32 v55, v62;
	v37 =	vadd.f32 v51, v37;
	v52 =	vadd.f32 v39, v17;
	v0 =	vld [tilespmem:s11+$0xFFFFFE30]  }
0x1d8: {  	v47 =	vld [tilespmem:s11+$0xFFFFFEC0];
	v29 =	vadd.f32 $0.0e+00, v29;
	v36 =	vmul.f32 v36, v60;
	v46 =	vmul.f32 $2.000000030e-01, v2  }
0x1d9: {  	v63 =	vld [tilespmem:s11+$0xFFFFFF40];
	v51 =	vmul.f32 $2.000000030e-01, v37;
	v34 =	vadd.f32 v49, v52;
	v1 =	vadd.f32 v1, v14  }
0x1da: {  	v19 =	vld [tilespmem:s25+$0xFFFFFE50];
	v21 =	vmax.f32 v21, v54;
	v29 =	vadd.f32 v36, v29;
	v2 =	vmax.f32 v2, v46  }
0x1db: {  	v55 =	vld [tilespmem:s11+$0xFFFFFED0];
	v37 =	vmax.f32 v37, v51;
	v62 =	vmul.f32 $2.000000030e-01, v34;
	v1 =	vadd.f32 v53, v1  }
0x1dc: {  	v52 =	vld [tilespmem:s24+$0xFFFFFF60];
	v2 =	vmul.f32 v2, v60;
	v37 =	vmul.f32 v37, v57;
	v0 =	vadd.f32 v0, v23;
	v25, _, _ =	vpop (xrf2)  }
0x1dd: {  	v36 =	vld [tilespmem:s24+$0xFFFFFE60];
	v53 =	vadd.f32 v42, v22;
	v54 =	vmul.f32 $2.000000030e-01, v1;
	v25 =	vmul.f32 $1.442695020e+00, v25  }
0x1de: {  	v23 =	vmul.f32 v21, v60;
	v21 =	vld [tilespmem:s25+$0xFFFFFF50];
	v34 =	vmax.f32 v34, v62;
	v50 =	vmul.f32 $2.000000030e-01, v0  }
0x1df: {  	v42 =	vld [tilespmem:s24+$0xFFFFFEE0];
	v39 =	vadd.f32 v47, v53;
	v1 =	vmax.f32 v1, v54;
	v59 =	vbroadcast v25, $0xF  }
0x1e0: {  	v2 =	vadd.f32 v2, v24;
	v0 =	vmax.f32 v0, v50;
	v1 =	vmul.f32 v1, v57;
	v25 =	vld [tilespmem:s25+$0xFFFFFED0]  }
0x1e1: {  	v24 =	vld [tilespmem:s25+$0xFFFFFE60];
	v49 =	vmul.f32 $2.000000030e-01, v39;
	(erf) = vpow2.f32 v59;
	v59 =	vadd.f32 v43, v18  }
0x1e2: {  	v23 =	vadd.f32 v23, v48;
	v47 =	vld [tilespmem:s11+$0xFFFFFF50];
	v0 =	vmul.f32 v0, v57;
	v1 =	vadd.f32 v1, v29  }
0x1e3: {  	v54 =	vld [tilespmem:s11+$0xFFFFFE60];
	v29 =	vmax.f32 v39, v49;
	v35 =	vadd.f32 v63, v59;
	v63 =	vadd.f32 v44, v19  }
0x1e4: {  	v2 =	vadd.f32 v37, v2;
	v0 =	vadd.f32 v0, v23;
	v23 =	vld [tilespmem:s25+$0xFFFFFEE0];
	v49 =	vmul.f32 v29, v56  }
0x1e5: {  	v39 =	vld [tilespmem:s24+$0xFFFFFE70];
	v41 =	vadd.f32 v41, v25;
	v53 =	vmul.f32 $2.000000030e-01, v35;
	v38 =	vadd.f32 v45, v63  }
0x1e6: {  	v34 =	vmul.f32 v34, v56;
	v29 =	vld [tilespmem:s25+$0xFFFFFE70];
	v2 =	vadd.f32 v49, v2  }
0x1e7: {  	v49 =	vld [tilespmem:s11+$0xFFFFFF60];
	v41 =	vadd.f32 v55, v41;
	v35 =	vmax.f32 v35, v53;
	v62 =	vmul.f32 $2.000000030e-01, v38  }
0x1e8: {  	v36 =	vadd.f32 v36, v24;
	v59 =	vadd.f32 v40, v21;
	v63 =	vld [tilespmem:s11+$0xFFFFFEE0];
	v35 =	vmul.f32 v35, v56  }
0x1e9: {  	v0 =	vadd.f32 v34, v0;
	v55 =	vmul.f32 $2.000000030e-01, v41;
	v38 =	vmax.f32 v38, v62;
	v62 =	vld [tilespmem:s11+$0xFFFFFE70]  }
0x1ea: {  	v34 =	vadd.f32 v47, v59;
	v1 =	vadd.f32 v35, v1;
	v35 =	vld [tilespmem:s24+$0xFFFFFEF0]  }
0x1eb: {  	v42 =	vadd.f32 v42, v23;
	v43 =	vpop (erf);
	v59 =	vmax.f32 v41, v55;
	v41 =	vld [tilespmem:s24+$0xFFFFFF70]  }
0x1ec: {  	v36 =	vadd.f32 v54, v36;
	v50 =	vmul.f32 $2.000000030e-01, v34;
	v48 =	vmul.f32 v43, v20;
	v20 =	vld [tilespmem:s25+$0xFFFFFF60]  }
0x1ed: {  	v38 =	vmul.f32 v38, v58;
	v63 =	vadd.f32 v63, v42;
	v42 =	vld [tilespmem:s24+$0xFFFFFE80];
	v46 =	vmul.f32 v43, v27  }
0x1ee: {  	v55 =	vld [tilespmem:s11+$0xFFFFFF70];
	v33 =	vmul.f32 v43, v33;
	v32 =	vmul.f32 v43, v32  }
0x1ef: {  	v39 =	vadd.f32 v39, v29;
	v27 =	vld [tilespmem:s25+$0xFFFFFEF0];
	v51 =	vmul.f32 v43, v30;
	v30 =	vmul.f32 $2.000000030e-01, v36  }
0x1f0: {  	v47 =	vmul.f32 v43, v26;
	v26 =	vld [tilespmem:s25+$0xFFFFFF70];
	v40 =	vmul.f32 v43, v31;
	v0 =	vadd.f32 v38, v0  }
0x1f1: {  	s2 =	simm.s32 $0x8A50;
	v31 =	vld [tilespmem:s25+$0xFFFFFE80];
	v38 =	vmul.f32 v59, v58;
	v36 =	vmax.f32 v36, v30;
	v37 =	vadd.f32 v52, v20  }
0x1f2: {  	[tilespmem:s2+$0x0] =	vst v43;
	v30 =	vld [tilespmem:s25+$0xFFFFFF00];
	v52 =	vmul.f32 v43, v28;
	v28 =	vmax.f32 v34, v50;
	v50 =	vmul.f32 $2.000000030e-01, v63  }
0x1f3: {  	[tilespmem:s24+$0x0] =	vst v48;
	v2 =	vadd.f32 v38, v2;
	v43 =	vld [tilespmem:s11+$0xFFFFFEF0];
	v28 =	vmul.f32 v28, v58;
	v37 =	vadd.f32 v49, v37  }
0x1f4: {  	[tilespmem:s24+$0xFFFFFF90] =	vst v46;
	v46 =	vld [tilespmem:s24+$0xFFFFFF00];
	v39 =	vadd.f32 v62, v39;
	v53 =	vmul.f32 v36, v5;
	v34 =	vmax.f32 v63, v50  }
0x1f5: {  	[tilespmem:s24+$0xFFFFFFA0] =	vst v33;
	v1 =	vadd.f32 v28, v1;
	v34 =	vmul.f32 v34, v5;
	v28 =	vmul.f32 $2.000000030e-01, v37  }
0x1f6: {  	[tilespmem:s24+$0xFFFFFFB0] =	vst v32;
	v33 =	vld [tilespmem:s24+$0xFFFFFF80];
	v54 =	vadd.f32 v35, v27;
	v62 =	vmul.f32 $2.000000030e-01, v39;
	v32 =	vadd.f32 v53, v0  }
0x1f7: {  	[tilespmem:s24+$0xFFFFFFC0] =	vst v47;
	v0 =	vadd.f32 v41, v26;
	v41 =	vld [tilespmem:s11+$0xFFFFFF00];
	v35 =	vadd.f32 v34, v2;
	v59 =	vmax.f32 v37, v28  }
0x1f8: {  	[tilespmem:s24+$0xFFFFFFD0] =	vst v40;
	v38 =	vadd.f32 v43, v54;
	v34 =	vadd.f32 v42, v31;
	v42 =	vld [tilespmem:s11+$0xFFFFFF80];
	v63 =	vmul.f32 v59, v5  }
0x1f9: {  	[tilespmem:s24+$0xFFFFFFE0] =	vst v51;
	v40 =	vadd.f32 v55, v0;
	v2 =	vmax.f32 v39, v62;
	v43 =	vadd.f32 v46, v30;
	v28 =	vld [tilespmem:s25+$0xFFFFFF80]  }
0x1fa: {  	s10 =	simm.s32 $0x2790;
	s9 =	simm.s32 $0x0;
	s5 =	simm.s32 $0x4D90;
	[tilespmem:s24+$0xFFFFFFF0] =	vst v52;
	v37 =	vld [tilespmem:s11+$0xFFFFFE80];
	v44 =	vmul.f32 v2, v6;
	v45 =	vmul.f32 $2.000000030e-01, v38;
	v36 =	vadd.f32 v63, v1  }
.LBB2_6:
0x1fb: {  	v39 =	vld [tilespmem:s10+$0x0]  }
0x1fc: {  	s11 =	sadd.s32 $0x200, s11;
	v0 =	vadd.f32 v44, v32;
	v32 =	vld [tilespmem:s10+$0xFFFFFFF0]  }
0x1fd: {  	s24 =	sadd.s32 $0x200, s24;
	v63 =	vld [tilespmem:s11+$0xFFFFFF90]  }
0x1fe: {  	v49 =	vld [tilespmem:s24+$0xFFFFFF90]  }
0x1ff: {  	v51 =	vld [tilespmem:s24+$0xFFFFFFA0]  }
0x200: {  	v1 =	vmax.f32 v38, v45;
	v53 =	vld [tilespmem:s24+$0xFFFFFFC0];
	v37 =	vadd.f32 v37, v34  }
0x201: {  	v2 =	vmul.f32 $2.000000030e-01, v40;
	v54 =	vld [tilespmem:s11+$0xFFFFFFB0];
	v1 =	vmul.f32 v1, v6;
	v59 =	vadd.f32 v33, v28  }
0x202: {  	v47 =	vld [tilespmem:s11+$0xFFFFFFE0];
	v41 =	vadd.f32 v41, v43;
	v62 =	vmul.f32 $2.000000030e-01, v37  }
0x203: {  	v2 =	vmax.f32 v40, v2;
	v34 =	vld [tilespmem:s10+$0xFFFFFFD0];
	v1 =	vadd.f32 v1, v35;
	v38 =	vadd.f32 v42, v59  }
0x204: {  	v35 =	vld [tilespmem:s10+$0xFFFFFFC0];
	v2 =	vmul.f32 v2, v6;
	v43 =	vmul.f32 $2.000000030e-01, v41;
	v40 =	vmax.f32 v37, v62  }
0x205: {  	v48 =	vmul.f32 $2.000000030e-01, v38;
	v37 =	vld [tilespmem:s10+$0xFFFFFF90];
	v40 =	vmul.f32 v40, v7  }
0x206: {  	v42 =	vld [tilespmem:s11+$0xFFFFFFA0];
	v2 =	vadd.f32 v2, v36  }
0x207: {  	v41 =	vmax.f32 v41, v43;
	v36 =	vmax.f32 v38, v48;
	v38 =	vld [tilespmem:s10+$0xFFFFFFA0];
	v0 =	vadd.f32 v40, v0  }
0x208: {  	v41 =	vmul.f32 v41, v7;
	v50 =	vmul.f32 v36, v7;
	v36 =	vld [tilespmem:s10+$0xFFFFFFB0]  }
0x209: {  	(xrf2) =	vadd.scan.msk.f32 $0xffff, v0;
	v0 =	vld [tilespmem:s24+$0xFFFFFFB0]  }
0x20a: {  	v59 =	vld [tilespmem:s24+$0xFFFFFFD0];
	v1 =	vadd.f32 v41, v1;
	v52 =	vadd.f32 v49, v37  }
0x20b: {  	v33 =	vld [tilespmem:s10+$0xFFFFFFE0]  }
0x20c: {  	v62 =	vld [tilespmem:s11+$0xFFFFFFC0];
	(xrf2) =	vadd.scan.msk.f32 $0xffff, v1;
	v1 =	vadd.f32 v63, v52;
	v55 =	vadd.f32 v51, v38  }
0x20d: {  	v2 =	vadd.f32 v50, v2;
	v52 =	vld [tilespmem:s11+$0xFFFFFFD0]  }
0x20e: {  	v63 =	vld [tilespmem:s24+$0xFFFFFFE0];
	v46 =	vmul.f32 $2.000000030e-01, v1;
	v40 =	vadd.f32 v42, v55;
	v0 =	vadd.f32 v0, v36  }
0x20f: {  	v43 =	vld [tilespmem:s10+$0xFFFFFE90];
	v44 =	vadd.f32 v59, v34;
	(xrf2) =	vadd.scan.msk.f32 $0xffff, v2;
	v2 =	vadd.f32 v53, v35  }
0x210: {  	v59 =	vld [tilespmem:s24+$0x0];
	v1 =	vmax.f32 v1, v46;
	v53 =	vmul.f32 $2.000000030e-01, v40;
	v0 =	vadd.f32 v54, v0  }
0x211: {  	v2 =	vadd.f32 v62, v2;
	v54 =	vld [tilespmem:s24+$0xFFFFFFF0];
	v1 =	vmul.f32 v1, v61  }
0x212: {  	v49 =	vld [tilespmem:s11+$0xFFFFFFF0];
	v41 =	vadd.f32 v52, v44;
	v40 =	vmax.f32 v40, v53;
	v55 =	vmul.f32 $2.000000030e-01, v0  }
0x213: {  	v50 =	vld [tilespmem:s24+$0xFFFFFE10];
	v42 =	vadd.f32 v63, v33;
	v1 =	vadd.f32 $0.0e+00, v1;
	v40 =	vmul.f32 v40, v60  }
0x214: {  	v63 =	vld [tilespmem:s24+$0xFFFFFE90];
	v60 =	vmul.f32 $2.000000030e-01, v2;
	v53 =	vmul.f32 $2.000000030e-01, v41;
	v0 =	vmax.f32 v0, v55  }
0x215: {  	v51 =	vld [tilespmem:s11+$0x0];
	v42 =	vadd.f32 v47, v42;
	v48, _, _ =	vpop (xrf2);
	v1 =	vadd.f32 v40, v1;
	v0 =	vmul.f32 v0, v57  }
0x216: {  	v47 =	vld [tilespmem:s10+$0xFFFFFEA0];
	v52, _, _ =	vpop (xrf2);
	v2 =	vmax.f32 v2, v60;
	v41 =	vmax.f32 v41, v53;
	v62 =	vadd.f32 v54, v32  }
0x217: {  	v40 =	vld [tilespmem:s10+$0xFFFFFF10];
	v60 =	vmul.f32 $1.442695020e+00, v52;
	v0 =	vadd.f32 v0, v1;
	v1 =	vmul.f32 v2, v56  }
0x218: {  	v53 =	vld [tilespmem:s10+$0xFFFFFE10];
	v2 =	vadd.f32 v59, v39;
	v56 =	vmul.f32 $2.000000030e-01, v42;
	v44 =	vadd.f32 v49, v62  }
0x219: {  	v54 =	vld [tilespmem:s24+$0xFFFFFE20];
	v62 =	vadd.f32 v63, v43;
	v0 =	vadd.f32 v1, v0;
	v1 =	vmul.f32 v41, v58  }
0x21a: {  	v57, _, _ =	vpop (xrf2);
	v59 =	vld [tilespmem:s11+$0xFFFFFE10];
	v41 =	vmul.f32 $1.442695020e+00, v48;
	v58 =	vmul.f32 $2.000000030e-01, v44;
	v2 =	vadd.f32 v51, v2  }
0x21b: {  	v52 =	vld [tilespmem:s24+$0xFFFFFE30];
	v42 =	vmax.f32 v42, v56;
	v56 =	vmul.f32 $1.442695020e+00, v57;
	v0 =	vadd.f32 v1, v0  }
0x21c: {  	v57 =	vld [tilespmem:s11+$0xFFFFFE90];
	v1 =	vmul.f32 v42, v5;
	v44 =	vmax.f32 v44, v58;
	v63 =	vmul.f32 $2.000000030e-01, v2  }
0x21d: {  	v49 =	vld [tilespmem:s24+$0xFFFFFF10];
	v41 =	vbroadcast v41, $0xF;
	v58 =	vadd.f32 v50, v53;
	v42 =	vbroadcast v60, $0xF  }
0x21e: {  	v51 =	vld [tilespmem:s10+$0xFFFFFE20];
	v0 =	vadd.f32 v1, v0;
	v1 =	vmul.f32 v44, v6;
	v2 =	vmax.f32 v2, v63  }
0x21f: {  	v48 =	vld [tilespmem:s10+$0xFFFFFEB0];
	v44 =	vbroadcast v56, $0xF;
	v45 =	vadd.f32 v59, v58;
	(erf) = vpow2.f32 v41  }
0x220: {  	v59 =	vld [tilespmem:s11+$0xFFFFFF10];
	(erf) = vpow2.f32 v42;
	v0 =	vadd.f32 v1, v0;
	v1 =	vmul.f32 v2, v7  }
0x221: {  	v46 =	vadd.f32 v57, v62;
	v2 =	vld [tilespmem:s24+$0xFFFFFEA0];
	(erf) = vpow2.f32 v44  }
0x222: {  	v50 =	vld [tilespmem:s24+$0xFFFFFF20];
	v60 =	vmul.f32 $2.000000030e-01, v45;
	v0 =	vadd.f32 v1, v0  }
0x223: {  	v49 =	vadd.f32 v49, v40;
	v63 =	vld [tilespmem:s11+$0xFFFFFEA0];
	v62 =	vmul.f32 $2.000000030e-01, v46  }
0x224: {  	v42 =	vmax.f32 v45, v60;
	(xrf2) =	vadd.scan.msk.f32 $0xffff, v0;
	v0 =	vld [tilespmem:s11+$0xFFFFFE20]  }
0x225: {  	v41 =	vld [tilespmem:s10+$0xFFFFFF20];
	v42 =	vmul.f32 v42, v61;
	v49 =	vadd.f32 v59, v49;
	v44 =	vmax.f32 v46, v62  }
0x226: {  	v46 =	vld [tilespmem:s24+$0xFFFFFF30];
	v44 =	vmul.f32 v44, v61;
	v2 =	vadd.f32 v2, v47  }
0x227: {  	v1 =	vadd.f32 v54, v51;
	v60 =	vmul.f32 $2.000000030e-01, v49;
	v55 =	vadd.f32 $0.0e+00, v42;
	v42 =	vld [tilespmem:s10+$0xFFFFFF30]  }
0x228: {  	v45 =	vld [tilespmem:s10+$0xFFFFFE30];
	v54 =	vpop (erf);
	v2 =	vadd.f32 v63, v2  }
0x229: {  	v62 =	vmax.f32 v49, v60;
	v49 =	vld [tilespmem:s11+$0xFFFFFF20];
	v59 =	vpop (erf);
	v0 =	vadd.f32 v0, v1  }
0x22a: {  	v56 =	vadd.f32 $0.0e+00, v44;
	v58 =	vmul.f32 v62, v61;
	[tilespmem:s2+$0xFFFFFFD0] =	vst v54;
	v1 =	vld [tilespmem:s24+$0xFFFFFEB0];
	v44 =	vpop (erf);
	v62 =	vmul.f32 $2.000000030e-01, v2  }
0x22b: {  	v50 =	vadd.f32 v50, v41;
	v61 =	vld [tilespmem:s10+$0xFFFFFE40];
	[tilespmem:s2+$0xFFFFFFF0] =	vst v44;
	v57 =	vmul.f32 $2.000000030e-01, v0  }
0x22c: {  	v12 =	vmul.f32 v54, v12;
	v2 =	vmax.f32 v2, v62;
	v62 =	vadd.f32 v46, v42;
	v46 =	vld [tilespmem:s10+$0xFFFFFF40]  }
0x22d: {  	v15 =	vmul.f32 v54, v15;
	[tilespmem:s2+$0xFFFFFFE0] =	vst v59;
	v2 =	vmul.f32 v2, v4;
	v0 =	vmax.f32 v0, v57;
	v57 =	vld [tilespmem:s11+$0xFFFFFE30]  }
0x22e: {  	v60 =	vmul.f32 v54, v13;
	v49 =	vadd.f32 v49, v50;
	v50 =	vld [tilespmem:s11+$0xFFFFFEB0]  }
0x22f: {  	v17 =	vmul.f32 v54, v17;
	[tilespmem:s5+$0xFFFFFE10] =	vst v12;
	v13, _, _ =	vpop (xrf2);
	v0 =	vmul.f32 v0, v4;
	v2 =	vadd.f32 v2, v56;
	v56 =	vld [tilespmem:$0x1FFE0]  }
0x230: {  	v52 =	vadd.f32 v52, v45;
	v19 =	vmul.f32 v54, v19;
	v63 =	vmul.f32 $1.442695020e+00, v13;
	v13 =	vmovc v51;
	v51 =	vld [tilespmem:s24+$0xFFFFFE40]  }
0x231: {  	v1 =	vadd.f32 v1, v48;
	[tilespmem:s5+$0xFFFFFE30] =	vst v15;
	v15 =	vmov v45;
	v45 =	vld [tilespmem:s10+$0xFFFFFEC0];
	v0 =	vadd.f32 v0, v55  }
0x232: {  	v12 =	vmovc v53;
	[tilespmem:s5+$0xFFFFFE20] =	vst v60;
	v55 =	vld [tilespmem:s24+$0xFFFFFEC0];
	v53 =	vbroadcast v63, $0xF;
	v63 =	vmul.f32 $2.000000030e-01, v49;
	v52 =	vadd.f32 v57, v52  }
0x233: {  	v24 =	vmul.f32 v54, v24;
	[tilespmem:s5+$0xFFFFFE40] =	vst v17;
	v1 =	vadd.f32 v50, v1;
	v50 =	vld [tilespmem:s24+$0xFFFFFF40]  }
0x234: {  	[tilespmem:s5+$0xFFFFFE50] =	vst v19;
	v57 =	vld [tilespmem:$0x1FFD0];
	v19 =	vmax.f32 v49, v63;
	v63 =	vmul.f32 $2.000000030e-01, v52  }
0x235: {  	v58 =	vadd.f32 $0.0e+00, v58;
	[tilespmem:s5+$0xFFFFFE60] =	vst v24;
	v24 =	vmul.f32 v54, v29;
	v49 =	vld [tilespmem:s11+$0xFFFFFF30];
	v19 =	vmul.f32 v19, v4  }
0x236: {  	v29 =	vmul.f32 v54, v31;
	v54 =	vmul.f32 v59, v9;
	v31 =	vmax.f32 v52, v63;
	v52 =	vld [tilespmem:s11+$0xFFFFFE40]  }
0x237: {  	v9 =	vmovc v43;
	(erf) = vpow2.f32 v53;
	v43 =	vmul.f32 $2.000000030e-01, v1;
	v53 =	vadd.f32 v19, v58;
	v58 =	vld [tilespmem:$0x1FFF0]  }
0x238: {  	v16 =	vmul.f32 v59, v16;
	v17 =	vmov v61;
	v19 =	vld [tilespmem:s10+$0xFFFFFE50];
	[tilespmem:s5+$0xFFFFFE70] =	vst v24  }
0x239: {  	v22 =	vmul.f32 v59, v22;
	v51 =	vadd.f32 v51, v17;
	v1 =	vmax.f32 v1, v43;
	v24 =	vld [tilespmem:s24+$0xFFFFFE50]  }
0x23a: {  	v31 =	vmul.f32 v31, v57;
	[tilespmem:s5+$0xFFFFFE80] =	vst v29;
	v29 =	vld [tilespmem:s11+$0xFFFFFEC0];
	v49 =	vadd.f32 v49, v62;
	v62 =	vmul.f32 v59, v11  }
0x23b: {  	v25 =	vmul.f32 v59, v25;
	[tilespmem:s5+$0xFFFFFE90] =	vst v54;
	v1 =	vmul.f32 v1, v57;
	v54 =	vld [tilespmem:s10+$0xFFFFFF50]  }
0x23c: {  	v0 =	vadd.f32 v31, v0;
	v31 =	vld [tilespmem:s10+$0xFFFFFED0];
	v43 =	vmul.f32 $2.000000030e-01, v49;
	[tilespmem:s5+$0xFFFFFEA0] =	vst v62;
	v62 =	vadd.f32 v52, v51  }
0x23d: {  	v23 =	vmul.f32 v59, v23;
	v27 =	vmul.f32 v59, v27;
	v55 =	vadd.f32 v55, v45;
	v63 =	vld [tilespmem:s24+$0xFFFFFED0]  }
0x23e: {  	v1 =	vadd.f32 v1, v2;
	[tilespmem:s5+$0xFFFFFEC0] =	vst v22;
	v2 =	vmax.f32 v49, v43;
	v43 =	vld [tilespmem:s11+$0xFFFFFF40];
	v22 =	vmul.f32 $2.000000030e-01, v62  }
0x23f: {  	v30 =	vmul.f32 v59, v30;
	v14 =	vmul.f32 v44, v14;
	v59 =	vld [tilespmem:s11+$0xFFFFFE50];
	[tilespmem:s5+$0xFFFFFEB0] =	vst v16  }
0x240: {  	v18 =	vmul.f32 v44, v18;
	[tilespmem:s5+$0xFFFFFED0] =	vst v25;
	v29 =	vadd.f32 v29, v55;
	v55 =	vld [tilespmem:s24+$0xFFFFFF50];
	v22 =	vmax.f32 v62, v22  }
0x241: {  	v50 =	vadd.f32 v50, v46;
	[tilespmem:s5+$0xFFFFFEE0] =	vst v23;
	v49 =	vadd.f32 v24, v19;
	v24 =	vld [tilespmem:s10+$0xFFFFFE60];
	v22 =	vmul.f32 v22, v56  }
0x242: {  	v21 =	vmul.f32 v44, v21;
	[tilespmem:s5+$0xFFFFFEF0] =	vst v27;
	v62 =	vmul.f32 $2.000000030e-01, v29;
	v51 =	vadd.f32 v63, v31;
	v63 =	vld [tilespmem:s24+$0xFFFFFE60]  }
0x243: {  	v25 =	vmul.f32 v44, v8;
	v43 =	vadd.f32 v43, v50;
	v0 =	vadd.f32 v22, v0;
	v22 =	vld [tilespmem:s11+$0xFFFFFED0];
	[tilespmem:s5+$0xFFFFFF00] =	vst v30  }
0x244: {  	v26 =	vmul.f32 v44, v26;
	v11 =	vmovc v47;
	v27 =	vmul.f32 v44, v10;
	v47 =	vmax.f32 v29, v62;
	v23 =	vld [tilespmem:s10+$0xFFFFFEE0]  }
0x245: {  	[tilespmem:s5+$0xFFFFFF10] =	vst v25;
	v25 =	vadd.f32 v59, v49;
	v29 =	vmul.f32 v47, v56;
	v30 =	vmul.f32 $2.000000030e-01, v43;
	v49 =	vld [tilespmem:s24+$0xFFFFFEE0]  }
0x246: {  	v2 =	vmul.f32 v2, v57;
	[tilespmem:s5+$0xFFFFFF20] =	vst v27;
	v27 =	vmul.f32 v44, v20;
	v62 =	vld [tilespmem:s11+$0xFFFFFEE0]  }
0x247: {  	v1 =	vadd.f32 v29, v1;
	v29 =	vmul.f32 $2.000000030e-01, v25;
	v20 =	vmax.f32 v43, v30;
	v30 =	vld [tilespmem:s11+$0xFFFFFF50];
	[tilespmem:s5+$0xFFFFFF30] =	vst v14  }
0x248: {  	s2 =	sadd.s32 $0x40, s2;
	v16 =	vmov v48;
	v8 =	vmov v40;
	v52 =	vpop (erf);
	v50 =	vmul.f32 v20, v56;
	v20 =	vld [tilespmem:s10+$0xFFFFFF60]  }
0x249: {  	v39 =	vmul.f32 v52, v39;
	[tilespmem:s2+$0x0] =	vst v52;
	v2 =	vadd.f32 v2, v53;
	v53 =	vmax.f32 v25, v29;
	v25 =	vld [tilespmem:s11+$0xFFFFFE60]  }
0x24a: {  	v37 =	vmul.f32 v52, v37;
	v36 =	vmul.f32 v52, v36;
	v48 =	vadd.f32 v55, v54;
	[tilespmem:s5+$0xFFFFFF40] =	vst v18;
	v29 =	vld [tilespmem:s10+$0xFFFFFE70]  }
0x24b: {  	v35 =	vmul.f32 v52, v35;
	v40 =	vadd.f32 v63, v24;
	v18 =	vadd.f32 v22, v51;
	v51 =	vld [tilespmem:s24+$0xFFFFFF60];
	[tilespmem:s5+$0xFFFFFF50] =	vst v21  }
0x24c: {  	v21 =	vmul.f32 v44, v28;
	v28 =	vmul.f32 v52, v38;
	[tilespmem:s5+$0xFFFFFF70] =	vst v26;
	v26 =	vld [tilespmem:s24+$0xFFFFFE70];
	v30 =	vadd.f32 v30, v48  }
0x24d: {  	v34 =	vmul.f32 v52, v34;
	v33 =	vmul.f32 v52, v33;
	[tilespmem:s24+$0x0] =	vst v39;
	v22 =	vmov v45;
	v45 =	vld [tilespmem:s24+$0xFFFFFEF0]  }
0x24e: {  	v32 =	vmul.f32 v52, v32;
	v52 =	vld [tilespmem:s24+$0xFFFFFE80];
	[tilespmem:s24+$0xFFFFFFA0] =	vst v28;
	v28 =	vadd.f32 v25, v40;
	v63 =	vmul.f32 $2.000000030e-01, v30  }
0x24f: {  	[tilespmem:s5+$0xFFFFFF60] =	vst v27;
	v27 =	vmul.f32 v53, v58;
	v53 =	vld [tilespmem:s11+$0xFFFFFEF0];
	v39 =	vadd.f32 v49, v23;
	v55 =	vmul.f32 $2.000000030e-01, v18  }
0x250: {  	v2 =	vadd.f32 v50, v2;
	v50 =	vld [tilespmem:s11+$0xFFFFFE70];
	[tilespmem:s5+$0xFFFFFF80] =	vst v21;
	v25 =	vmovc v31;
	v31 =	vmul.f32 $2.000000030e-01, v28;
	v30 =	vmax.f32 v30, v63  }
0x251: {  	v48 =	vadd.f32 v62, v39;
	v59 =	vmax.f32 v18, v55;
	v18 =	vmovc v46;
	v46 =	vld [tilespmem:s11+$0xFFFFFF60];
	v30 =	vmul.f32 v30, v58  }
0x252: {  	v0 =	vadd.f32 v27, v0;
	v27 =	vld [tilespmem:s10+$0xFFFFFEF0];
	v28 =	vmax.f32 v28, v31  }
0x253: {  	v49 =	vld [tilespmem:s24+$0xFFFFFF70];
	v28 =	vmul.f32 v28, v5;
	v2 =	vadd.f32 v30, v2;
	v30 =	vmul.f32 $2.000000030e-01, v48  }
0x254: {  	v43 =	vmul.f32 v59, v58;
	v44 =	vadd.f32 v51, v20;
	v47 =	vadd.f32 v26, v29;
	v26 =	vld [tilespmem:s10+$0xFFFFFF70]  }
0x255: {  	[tilespmem:s24+$0xFFFFFFF0] =	vst v32;
	v59 =	vld [tilespmem:s24+$0xFFFFFF00];
	v32 =	vadd.f32 v28, v0;
	v0 =	vmax.f32 v48, v30  }
0x256: {  	[tilespmem:s24+$0xFFFFFFB0] =	vst v36;
	v1 =	vadd.f32 v43, v1;
	v31 =	vld [tilespmem:s10+$0xFFFFFE80];
	v36 =	vadd.f32 v46, v44;
	v0 =	vmul.f32 v0, v5  }
0x257: {  	s9 =	sadd.s32 $0x4, s9;
	v55 =	vadd.f32 v50, v47;
	v30 =	vld [tilespmem:s10+$0xFFFFFF00]  }
0x258: {  	p1 =	slt.u32 s9, $0x24;
	[tilespmem:s24+$0xFFFFFFC0] =	vst v35;
	v51 =	vadd.f32 v45, v27;
	v28 =	vmul.f32 $2.000000030e-01, v36;
	v35 =	vadd.f32 v0, v1;
	v1 =	vld [tilespmem:s11+$0xFFFFFF70]  }
.Ltmp1:
0x259: {  	[tilespmem:s24+$0xFFFFFF90] =	vst v37;
	v37 =	vld [tilespmem:s11+$0xFFFFFE80];
	v62 =	vmul.f32 $2.000000030e-01, v55;
	(pc) =	sbr.rel @p1 .LBB2_6-.Ltmp1, $4  }
0x25a: {  	v60 =	vmovc v4;
	v10 =	vmov v41;
	[tilespmem:s24+$0xFFFFFFE0] =	vst v33;
	v41 =	vld [tilespmem:s11+$0xFFFFFF00];
	v38 =	vadd.f32 v53, v51;
	v0 =	vmax.f32 v36, v28  }
0x25b: {  	v33 =	vld [tilespmem:s24+$0xFFFFFF80];
	v21 =	vmovc v54;
	v54 =	vadd.f32 v49, v26;
	v63 =	vmax.f32 v55, v62;
	v0 =	vmul.f32 v0, v5  }
0x25c: {  	[tilespmem:s24+$0xFFFFFFD0] =	vst v34;
	v14 =	vmovc v42;
	v42 =	vld [tilespmem:s11+$0xFFFFFF80];
	v45 =	vmul.f32 $2.000000030e-01, v38;
	v34 =	vadd.f32 v52, v31;
	v43 =	vadd.f32 v59, v30  }
0x25d: {  	v61 =	vmovc v3;
	s5 =	smov.u32 s24;
	v44 =	vmul.f32 v63, v6;
	v28 =	vld [tilespmem:s10+$0xFFFFFF80];
	s10 =	sadd.s32 $0x200, s10;
	v36 =	vadd.f32 v0, v2;
	v40 =	vadd.f32 v1, v54  }
0x25e: {  	v1 =	vadd.f32 v37, v34  }
0x25f: {  	v55 =	vadd.f32 v41, v43  }
0x260: {  	v37 =	vmul.f32 $2.000000030e-01, v1  }
0x261: {  	v2 =	vmax.f32 v38, v45;
	v62 =	vmul.f32 $2.000000030e-01, v55  }
0x262: {  	v32 =	vadd.f32 v44, v32;
	v2 =	vmul.f32 v2, v6;
	v1 =	vmax.f32 v1, v37  }
0x263: {  	v0 =	vadd.f32 v33, v28;
	v1 =	vmul.f32 v1, v7;
	v33 =	vmax.f32 v55, v62  }
0x264: {  	v2 =	vadd.f32 v2, v35;
	v33 =	vmul.f32 v33, v7  }
0x265: {  	v1 =	vadd.f32 v1, v32  }
0x266: {  	v2 =	vadd.f32 v33, v2  }
0x267: {  	(xrf2) =	vadd.scan.msk.f32 $0xffff, v1  }
0x268: {  	v59 =	vmul.f32 $2.000000030e-01, v40;
	(xrf2) =	vadd.scan.msk.f32 $0xffff, v2  }
0x269: {  	v0 =	vadd.f32 v42, v0  }
0x26a: {  	v34 =	vmax.f32 v40, v59  }
0x26b: {  	v34 =	vmul.f32 v34, v6;
	v63 =	vmul.f32 $2.000000030e-01, v0;
	_ =	sdelay $0x1  }
0x26c: {  	v34 =	vadd.f32 v34, v36;
	v0 =	vmax.f32 v0, v63  }
0x26d: {  	v0 =	vmul.f32 v0, v7;
	_ =	sdelay $0x1  }
0x26e: {  	v0 =	vadd.f32 v0, v34  }
0x26f: {  	v34, _, _ =	vpop (xrf2)  }
0x270: {  	(xrf2) =	vadd.scan.msk.f32 $0xffff, v0;
	v35, _, _ =	vpop (xrf2);
	v0 =	vmul.f32 $1.442695020e+00, v34  }
0x271: {  	v1 =	vmul.f32 $1.442695020e+00, v35  }
0x272: {  	v0 =	vbroadcast v0, $0xF  }
0x273: {  	v1 =	vbroadcast v1, $0xF  }
0x274: {  	(erf) = vpow2.f32 v0  }
0x275: {  	(erf) = vpow2.f32 v1;
	_ =	sdelay $0x7  }
0x276: {  	v0 =	vpop (erf)  }
0x277: {  	[tilespmem:s2+$0xFFFFFFD0] =	vst v0;
	v1 =	vpop (erf);
	v37 =	vmul.f32 v0, v12  }
0x278: {  	v13 =	vmul.f32 v0, v13;
	[tilespmem:s2+$0xFFFFFFE0] =	vst v1  }
0x279: {  	v36, _, _ =	vpop (xrf2);
	v15 =	vmul.f32 v0, v15;
	[tilespmem:s5+$0xFFFFFE10] =	vst v37  }
0x27a: {  	v2 =	vmul.f32 $1.442695020e+00, v36;
	v39 =	vmul.f32 v0, v17;
	[tilespmem:s5+$0xFFFFFE20] =	vst v13  }
0x27b: {  	v40 =	vmul.f32 v0, v19;
	[tilespmem:s5+$0xFFFFFE30] =	vst v15  }
0x27c: {  	v2 =	vbroadcast v2, $0xF;
	v41 =	vmul.f32 v0, v24;
	[tilespmem:s5+$0xFFFFFE40] =	vst v39  }
0x27d: {  	v42 =	vmul.f32 v0, v29;
	[tilespmem:s5+$0xFFFFFE50] =	vst v40  }
0x27e: {  	(erf) = vpow2.f32 v2;
	v0 =	vmul.f32 v0, v31;
	[tilespmem:s5+$0xFFFFFE60] =	vst v41  }
0x27f: {  	v43 =	vmul.f32 v1, v9;
	[tilespmem:s5+$0xFFFFFE70] =	vst v42  }
0x280: {  	v44 =	vmul.f32 v1, v11;
	[tilespmem:s5+$0xFFFFFE80] =	vst v0  }
0x281: {  	v45 =	vmul.f32 v1, v16;
	[tilespmem:s5+$0xFFFFFE90] =	vst v43  }
0x282: {  	v46 =	vmul.f32 v1, v22;
	[tilespmem:s5+$0xFFFFFEA0] =	vst v44  }
0x283: {  	v47 =	vmul.f32 v1, v25;
	[tilespmem:s5+$0xFFFFFEB0] =	vst v45  }
0x284: {  	v48 =	vmul.f32 v1, v23;
	[tilespmem:s5+$0xFFFFFEC0] =	vst v46  }
0x285: {  	v49 =	vmul.f32 v1, v27;
	[tilespmem:s5+$0xFFFFFED0] =	vst v47  }
0x286: {  	v50 =	vmul.f32 v1, v30;
	[tilespmem:s5+$0xFFFFFEE0] =	vst v48  }
0x287: {  	[tilespmem:s5+$0xFFFFFEF0] =	vst v49;
	v38 =	vpop (erf)  }
0x288: {  	[tilespmem:s5+$0xFFFFFF00] =	vst v50;
	v51 =	vmul.f32 v38, v8  }
0x289: {  	[tilespmem:s2+$0xFFFFFFF0] =	vst v38;
	v52 =	vmul.f32 v38, v10  }
0x28a: {  	v53 =	vmul.f32 v38, v14;
	[tilespmem:s5+$0xFFFFFF10] =	vst v51  }
0x28b: {  	v54 =	vmul.f32 v38, v18;
	[tilespmem:s5+$0xFFFFFF20] =	vst v52  }
0x28c: {  	v55 =	vmul.f32 v38, v21;
	[tilespmem:s5+$0xFFFFFF30] =	vst v53  }
0x28d: {  	v59 =	vmul.f32 v38, v20;
	[tilespmem:s5+$0xFFFFFF40] =	vst v54  }
0x28e: {  	s25 =	smul.u32 $0xA0, s12;
	s29 =	sadd.s32 $0x1, s29;
	v62 =	vmul.f32 v38, v26;
	[tilespmem:s5+$0xFFFFFF50] =	vst v55  }
0x28f: {  	p1 =	sne.s32 s29, $0x19;
	v63 =	vmul.f32 v38, v28;
	[tilespmem:s5+$0xFFFFFF60] =	vst v59  }
.Ltmp2:
0x290: {  	s2 =	sshra.s32 s25, $0x2;
	[tilespmem:s5+$0xFFFFFF70] =	vst v62;
	(pc) =	sbr.rel @p1 .LBB2_3-.Ltmp2, $4  }
0x291: {  	s2 =	sadd.s32 $0x7D0, s2;
	[tilespmem:s5+$0xFFFFFF80] =	vst v63  }
0x292: {  	[spmem:s3] =	stream.indirect.scatter.add.f32 [tilespmem:s18], [sflag:$0x4], $0x80, s2, s30, $0xb8;
	[tilespmem:$0x1ECB0] =	vst v63  }
0x293: {  	_ = 	snop  }
0x294: {  	[spmem:s4] =	stream.indirect.scatter.add.f32 [tilespmem:s21], [sflag:$0x4], $0x10, s2, s30, $0xb8;
	[tilespmem:$0x1ECB0] =	vst v63  }
0x295: {  	_ =	swait.ge [sflag:s22], $0x1400  }
0x296: {  	[sflag:s22] =	ssyncset.done $0x0  }
0x297: {  	[sflag:s22] =	ssyncadd.s32 $0xFFFFEC00  }
0x298: {  	_ =	swait.ge [sflag:s22], $0x280  }
0x299: {  	[sflag:s22] =	ssyncset.done $0x0  }
0x29a: {  	s26 =	sadd.s32 $0x1, s26;
	[sflag:s22] =	ssyncadd.s32 $0xFFFFFD80  }
0x29b: {  	p1 =	sne.s32 s26, $0x5;
	_ =	swait.ge [sflag:s23], $0x1400  }
.Ltmp3:
0x29c: {  	[sflag:s23] =	ssyncset.done $0x0;
	(pc) =	sbr.rel @p1 .LBB2_2-.Ltmp3, $4  }
0x29d: {  	[sflag:s23] =	ssyncadd.s32 $0xFFFFEC00  }
0x29e: {  	_ =	swait.ge [sflag:s23], $0x280  }
0x29f: {  	[sflag:s23] =	ssyncset.done $0x0  }
0x2a0: {  	[sflag:s23] =	ssyncadd.s32 $0xFFFFFD80  }
0x2a1: {  	[bflag:$0x0] =	sbarrier.arrive $0xFFFF  }
0x2a2: {  	s2 =	rddreg [dreg:$0xa]  }
0x2a3: {  	s5 =	rddreg [dreg:$0x17]  }
0x2a4: {  	s10 =	rddreg [dreg:$0x1a]  }
0x2a5: {  	[hbm:s2], [sflag:s10] =	dma.local @!p0 [spmem:s5], $0x3E80  }
0x2a6: {  	s2 =	simm.s32 @!p0 $0x5  }
0x2a7: {  	_ =	swait.ge @!p0 [sflag:s2], $0x3E80  }
0x2a8: {  	[sflag:s2] =	ssyncset.done @!p0 $0x0;
	s5 =	rddreg [dreg:$0xb]  }
0x2a9: {  	s9 =	rddreg [dreg:$0x18];
	[sflag:s2] =	ssyncadd.s32 @!p0 $0xFFFFC180  }
0x2aa: {  	[hbm:s5], [sflag:s10] =	dma.local @!p0 [spmem:s9], $0x7D0  }
0x2ab: {  	_ =	swait.ge @!p0 [sflag:s2], $0x7D0  }
0x2ac: {  	s28 =	rddreg [dreg:$0x19]  }
0x2ad: {  	s29 =	rddreg [dreg:$0xc];
	s9 =	sadd.s32 $0x1, s28  }
0x2ae: {  	p1 =	sne.s32 s9, s29  }
.Ltmp4:
0x2af: {  	_ = 	snop;
	(pc) =	sbr.rel @p1 .LBB2_1-.Ltmp4, $3  }
0x2b0: {  	_ =	sdelay $0x1  }
0x2b1: {  	[sflag:s2] =	ssyncset.done @!p0 $0x0  }
0x2b2: {  	[sflag:s2] =	ssyncadd.s32 @!p0 $0xFFFFF830  }
0x2b3: {  	_ =	sfence.sel $0x180000  }
0x2b4: {  	[bflag:$0x0] =	sbarrier.arrive $0xFFFF  }
0x2b5: {  	_ =	strace $0x90000047  }
0x2b6: {  	s0 =	stileid.u32;
	[bflag:$0x2] =	sbarrier.arrive $0xFFFF  }
0x2b7: {  	p0 =	sne.s32 s0, $0x0;
	s0 =	rddreg [dreg:$0x5]  }
0x2b8: {  	s0 =	sadd.s32 @!p0 $0x100000, s0  }
0x2b9: {  	[sflag:s0] =	ssyncadd.tile.s32 @!p0 $0x1;
	_ =	shalt  }
.Lfunc_end2:
_tile_overlayer_lowered:
.L_overlay_start_2:
0x2ba: {  	(tag) =	ssettag $0x2  }
0x2bb: {  	s0 =	rddreg [dreg:$0x0];
	s2 =	stileid.u32  }
0x2bc: {  	s1 =	rddreg [dreg:$0x1];
	p0 =	sne.s32 s2, $0x0  }
0x2bd: {  	s3 =	rddreg [dreg:$0x2];
	[bflag:$0x3] =	sbarrier.arrive $0xFFFF;
	s2 =	simm.s32 @!p0 $0x1C05  }
0x2be: {  	[timem:s3], [sflag:s2] =	dma.local @!p0 [hbm:s0], s1  }
0x2bf: {  	s0 =	simm.s32 @!p0 $0x5  }
0x2c0: {  	_ =	swait.ge @!p0 [sflag:s0], s1  }
0x2c1: {  	s1 =	ssub.s32 @!p0 $0x0, s1;
	[sflag:s0] =	ssyncset.done @!p0 $0x0  }
0x2c2: {  	[sflag:s0] =	ssyncadd.s32 @!p0 s1  }
0x2c3: {  	[bflag:$0x3] =	sbarrier.arrive $0xFFFF  }
0x2c4: {  	_ =	shalt  }

</sc_bundles>
